<compile_context>
chip_gen: v7x
topology: tpu7x:2x2x1
jax: 0.10.2.dev20260603
libtpu: 0.0.44.dev20260713+nightly
codegen_flags: <defaults>
</compile_context>

<pallas_src>
import functools

import jax
import jax.numpy as jnp
from jax import lax
from jax.experimental import pallas as pl
from jax.experimental.pallas import tpu as pltpu
from jax.experimental.pallas import tpu_sc as plsc

N = 10000
E = 320000
D = 128
NC, NS, L = 2, 16, 16
NW = NC * NS
EPW = E // NW
CH = 80
NCH = EPW // CH
G = CH // L
DJ = D // L


def _tc_body(c_ref, p_ref, w1t_ref, b1_ref, a_out, b_out):
    wa = w1t_ref[:D, :]
    wb = w1t_ref[D:, :]
    a_out[...] = jnp.dot(c_ref[...], wa, preferred_element_type=jnp.float32) + b1_ref[...]
    b_out[...] = jnp.dot(p_ref[...], wb, preferred_element_type=jnp.float32)


def _precompute_tables(customer, product, W1t, b1):
    return pl.pallas_call(
        _tc_body,
        out_shape=(jax.ShapeDtypeStruct((N, D), jnp.float32),
                   jax.ShapeDtypeStruct((N, D), jnp.float32)),
    )(customer, product, W1t, b1)


_GATHER_DNUMS = lax.GatherDimensionNumbers(
    offset_dims=(), collapsed_slice_dims=(0,), start_index_map=(0,))


def _shuf(v, idx):
    return lax.gather(v, idx.reshape(L, 1), _GATHER_DNUMS, (1,),
                      mode=lax.GatherScatterMode.PROMISE_IN_BOUNDS)


NBUF = 4


def _sc_body(a_hbm, b_hbm, row_hbm, col_hbm, w2_hbm, out_hbm,
             ridx, cidx, w2v, bufA, bufB, outv, sems):
    wid = lax.axis_index("s") * NC + lax.axis_index("c")
    base = wid * EPW
    pltpu.sync_copy(row_hbm.at[pl.ds(base, EPW)], ridx)
    pltpu.sync_copy(col_hbm.at[pl.ds(base, EPW)], cidx)
    pltpu.sync_copy(w2_hbm, w2v)
    iota = lax.iota(jnp.int32, L)

    def fire(c, b):
        @pl.when(c < NCH)
        def _():
            pltpu.make_async_copy(a_hbm.at[ridx.at[pl.ds(c * CH, CH)]], bufA.at[b], sems.at[b]).start()
            pltpu.make_async_copy(b_hbm.at[cidx.at[pl.ds(c * CH, CH)]], bufB.at[b], sems.at[b]).start()

    def wait(b):
        pltpu.make_async_copy(a_hbm.at[ridx.at[pl.ds(0, CH)]], bufA.at[b], sems.at[b]).wait()
        pltpu.make_async_copy(b_hbm.at[cidx.at[pl.ds(0, CH)]], bufB.at[b], sems.at[b]).wait()

    def compute(c, p):
        b2v = w2v[pl.ds(D, L)]
        w2s = [w2v[pl.ds(L * j, L)] for j in range(DJ)]
        perms = [iota ^ (1 << k) for k in range(4)]
        masks = [(iota & (1 << k)) == 0 for k in range(4)]

        def group(g, carry):
            vecs = []
            for e in range(L):
                rowA = bufA.at[p, g * L + e]
                rowB = bufB.at[p, g * L + e]
                acc = None
                for j in range(DJ):
                    t = jnp.maximum(rowA[pl.ds(L * j, L)] + rowB[pl.ds(L * j, L)], 0.0) * w2s[j]
                    acc = t if acc is None else acc + t
                vecs.append(acc)
            for k in range(4):
                nxt = []
                for i in range(len(vecs) // 2):
                    u, v = vecs[2 * i], vecs[2 * i + 1]
                    lo = jnp.where(masks[k], u, _shuf(v, perms[k]))
                    hi = jnp.where(masks[k], _shuf(u, perms[k]), v)
                    nxt.append(lo + hi)
                vecs = nxt
            res = vecs[0] + b2v
            outv[pl.ds(c * CH + g * L, L)] = 1.0 / (1.0 + jnp.exp(-res))
            return carry

        lax.fori_loop(0, G, group, 0)

    for b in range(NBUF - 1):
        fire(b, b)

    def step(c, carry):
        par = c & (NBUF - 1)
        for b in range(NBUF):
            @pl.when(par == b)
            def _(b=b):
                wait(b)
                fire(c + NBUF - 1, (b + NBUF - 1) & (NBUF - 1))

        compute(c, par)
        return carry

    lax.fori_loop(0, NCH, step, 0)
    pltpu.sync_copy(outv, out_hbm.at[pl.ds(base, EPW)])


def _edge_decoder_sc(A, B, row, col, w2e):
    mesh = plsc.VectorSubcoreMesh(core_axis_name="c", subcore_axis_name="s",
                                  num_cores=NC, num_subcores=NS)
    return pl.kernel(
        _sc_body,
        out_type=jax.ShapeDtypeStruct((E,), jnp.float32),
        mesh=mesh,
        scratch_types=[
            pltpu.VMEM((EPW,), jnp.int32),
            pltpu.VMEM((EPW,), jnp.int32),
            pltpu.VMEM((L * (DJ + 1),), jnp.float32),
            pltpu.VMEM((NBUF, CH, D), jnp.float32),
            pltpu.VMEM((NBUF, CH, D), jnp.float32),
            pltpu.VMEM((EPW,), jnp.float32),
            pltpu.SemaphoreType.DMA((NBUF,)),
        ],
    )(A, B, row, col, w2e)


def kernel(customer, product, edge_index, W1, b1, W2, b2):
    W1t = W1.T
    b1r = b1.reshape(1, D)
    A, B = _precompute_tables(customer, product, W1t, b1r)
    w2e = jnp.concatenate([W2.reshape(D), jnp.full((L,), b2[0], jnp.float32)])
    return _edge_decoder_sc(A, B, edge_index[0], edge_index[1], w2e)

# --- scband reference (transcript-rebuilt; emitter-appended) ---
"""Pipeline reference for scband-gnn-78718160601379 (READ-ONLY COPY).

The authoritative reference and input builder live on the scoring server;
editing this copy changes nothing except your own understanding.
"""

import jax, jax.numpy as jnp
import numpy as np

N_NODES = 10000
N_EDGES = 320000
D = 128


def setup_inputs(seed: int = 0) -> dict:
    key = jax.random.key(seed)
    k_cust, k_prod, k_edge, k_w1, k_b1, k_w2, k_b2 = jax.random.split(key, 7)
    customer = jax.random.normal(k_cust, (N_NODES, D), dtype=jnp.float32)
    product = jax.random.normal(k_prod, (N_NODES, D), dtype=jnp.float32)
    edge_index = jax.random.randint(k_edge, (2, N_EDGES), 0, N_NODES, dtype=jnp.int32)
    # lin1: Linear(2*D, D); lin2: Linear(D, 1). PyTorch stores weight as [out, in].
    W1 = jax.random.normal(k_w1, (D, 2 * D), dtype=jnp.float32) * (1.0 / np.sqrt(2 * D))
    b1 = jax.random.normal(k_b1, (D,), dtype=jnp.float32) * 0.01
    W2 = jax.random.normal(k_w2, (1, D), dtype=jnp.float32) * (1.0 / np.sqrt(D))
    b2 = jax.random.normal(k_b2, (1,), dtype=jnp.float32) * 0.01
    return {"customer": customer, "product": product, "edge_index": edge_index,
            "W1": W1, "b1": b1, "W2": W2, "b2": b2}


def reference(customer, product, edge_index, W1, b1, W2, b2):
    # GNNDecoder.forward: gather endpoint embeddings, concat, 2-layer MLP, sigmoid
    row = edge_index[0]
    col = edge_index[1]
    z = jnp.concatenate([jnp.take(customer, row, axis=0),
                         jnp.take(product, col, axis=0)], axis=-1)  # [E, 2D]
    z = jax.nn.relu(z @ W1.T + b1)  # [E, D]
    z = z @ W2.T + b2               # [E, 1]
    return jax.nn.sigmoid(z.reshape(-1))  # [E]


if False:  # reference __main__ guard neutralized (emitter)
    inp = setup_inputs()
    out = reference(**inp)
    print(out.shape, out.dtype)

if __name__ == "__main__":
    import jax
    _d = setup_inputs()
    print(jax.jit(kernel)(*tuple(_d.values())))

</pallas_src>

<mosaic_0001>
#map = affine_map<(d0, d1) -> (0, 0)>
#map1 = affine_map<(d0, d1) -> (0)>
module attributes {stable_mosaic.version = 14 : i64} {
  func.func @_sc_body(%arg0: i32, %arg1: i32, %arg2: memref<10000x128xf32, #tpu.memory_space<hbm>>, %arg3: memref<10000x128xf32, #tpu.memory_space<hbm>>, %arg4: memref<320000xi32, #tpu.memory_space<hbm>>, %arg5: memref<320000xi32, #tpu.memory_space<hbm>>, %arg6: memref<144xf32, #tpu.memory_space<hbm>>, %arg7: memref<320000xf32, #tpu.memory_space<hbm>>, %arg8: memref<10000xi32, #tpu.memory_space<vmem>>, %arg9: memref<10000xi32, #tpu.memory_space<vmem>>, %arg10: memref<144xf32, #tpu.memory_space<vmem>>, %arg11: memref<4x80x128xf32, #tpu.memory_space<vmem>>, %arg12: memref<4x80x128xf32, #tpu.memory_space<vmem>>, %arg13: memref<10000xf32, #tpu.memory_space<vmem>>, %arg14: memref<4x!tpu.dma_semaphore, #tpu.memory_space<semaphore_mem>>) attributes {dimension_semantics = [#tpu.dimension_semantics<core_parallel>, #tpu.dimension_semantics<subcore_parallel>], iteration_bounds = array<i64: 2, 16>, scalar_prefetch = 0 : i64, scratch_operands = 7 : i64, tpu.core_type = #tpu.core_type<sc_vector_subcore>, window_params = [{transform_indices = #map}, {transform_indices = #map}, {transform_indices = #map1}, {transform_indices = #map1}, {transform_indices = #map1}, {transform_indices = #map1}]} {
    %mul3A = arith.constant 2 : i32
    %mul3A_0 = arith.muli %arg1, %mul3A : i32
    %add3A = arith.addi %mul3A_0, %arg0 : i32
    %mul3A_1 = arith.constant 10000 : i32
    %mul3A_2 = arith.muli %add3A, %mul3A_1 : i32
    "tpu.region"() ({
      %run_scoped3A = tpu.sem_alloc : memref<!tpu.dma_semaphore, #tpu.memory_space<semaphore_mem>>
      %dma_start3A_85 = tpu.memref_slice %arg4[%mul3A_2] : memref<320000xi32, #tpu.memory_space<hbm>> -> memref<10000xi32, #tpu.memory_space<hbm>>
      %dma_start3A_86 = tpu.memref_slice %arg4[%mul3A_2] : memref<320000xi32, #tpu.memory_space<hbm>> -> memref<10000xi32, #tpu.memory_space<hbm>>
      tpu.enqueue_dma source(%dma_start3A_86 : memref<10000xi32, #tpu.memory_space<hbm>>) target(%arg8 : memref<10000xi32, #tpu.memory_space<vmem>>) target_semaphore(%run_scoped3A : memref<!tpu.dma_semaphore, #tpu.memory_space<semaphore_mem>>)
      %dma_wait3A = tpu.memref_slice %arg4[%mul3A_2] : memref<320000xi32, #tpu.memory_space<hbm>> -> memref<10000xi32, #tpu.memory_space<hbm>>
      %dma_wait3A_87 = tpu.memref_slice %arg4[%mul3A_2] : memref<320000xi32, #tpu.memory_space<hbm>> -> memref<10000xi32, #tpu.memory_space<hbm>>
      tpu.wait_dma2 semaphore(%run_scoped3A : memref<!tpu.dma_semaphore, #tpu.memory_space<semaphore_mem>>) src(%dma_wait3A_87 : memref<10000xi32, #tpu.memory_space<hbm>>) dst(%arg8 : memref<10000xi32, #tpu.memory_space<vmem>>)
      tpu.yield
    }) : () -> ()
    "tpu.region"() ({
      %run_scoped3A = tpu.sem_alloc : memref<!tpu.dma_semaphore, #tpu.memory_space<semaphore_mem>>
      %dma_start3A_85 = tpu.memref_slice %arg5[%mul3A_2] : memref<320000xi32, #tpu.memory_space<hbm>> -> memref<10000xi32, #tpu.memory_space<hbm>>
      %dma_start3A_86 = tpu.memref_slice %arg5[%mul3A_2] : memref<320000xi32, #tpu.memory_space<hbm>> -> memref<10000xi32, #tpu.memory_space<hbm>>
      tpu.enqueue_dma source(%dma_start3A_86 : memref<10000xi32, #tpu.memory_space<hbm>>) target(%arg9 : memref<10000xi32, #tpu.memory_space<vmem>>) target_semaphore(%run_scoped3A : memref<!tpu.dma_semaphore, #tpu.memory_space<semaphore_mem>>)
      %dma_wait3A = tpu.memref_slice %arg5[%mul3A_2] : memref<320000xi32, #tpu.memory_space<hbm>> -> memref<10000xi32, #tpu.memory_space<hbm>>
      %dma_wait3A_87 = tpu.memref_slice %arg5[%mul3A_2] : memref<320000xi32, #tpu.memory_space<hbm>> -> memref<10000xi32, #tpu.memory_space<hbm>>
      tpu.wait_dma2 semaphore(%run_scoped3A : memref<!tpu.dma_semaphore, #tpu.memory_space<semaphore_mem>>) src(%dma_wait3A_87 : memref<10000xi32, #tpu.memory_space<hbm>>) dst(%arg9 : memref<10000xi32, #tpu.memory_space<vmem>>)
      tpu.yield
    }) : () -> ()
    "tpu.region"() ({
      %run_scoped3A = tpu.sem_alloc : memref<!tpu.dma_semaphore, #tpu.memory_space<semaphore_mem>>
      tpu.enqueue_dma source(%arg6 : memref<144xf32, #tpu.memory_space<hbm>>) target(%arg10 : memref<144xf32, #tpu.memory_space<vmem>>) target_semaphore(%run_scoped3A : memref<!tpu.dma_semaphore, #tpu.memory_space<semaphore_mem>>)
      tpu.wait_dma2 semaphore(%run_scoped3A : memref<!tpu.dma_semaphore, #tpu.memory_space<semaphore_mem>>) src(%arg6 : memref<144xf32, #tpu.memory_space<hbm>>) dst(%arg10 : memref<144xf32, #tpu.memory_space<vmem>>)
      tpu.yield
    }) : () -> ()
    %iota3A = tpu.iota {dimensions = array<i32: 0>} : vector<16xi32>
    %dma_start3A = arith.constant 0 : i32
    %dma_start3A_3 = arith.constant 0 : i32
    %dma_start3A_4 = arith.constant 0 : i32
    %dma_start3A_5 = arith.constant 0 : i32
    %dma_start3A_6 = tpu.memref_slice %arg11[%dma_start3A, %dma_start3A_4, %dma_start3A_5] : memref<4x80x128xf32, #tpu.memory_space<vmem>> -> memref<1x80x128xf32, #tpu.memory_space<vmem>>
    %dma_start3A_7 = tpu.memref_squeeze %dma_start3A_6 : memref<1x80x128xf32, #tpu.memory_space<vmem>> -> memref<80x128xf32, #tpu.memory_space<vmem>>
    %dma_start3A_8 = arith.constant 0 : i32
    %dma_start3A_9 = tpu.memref_slice %arg8[%dma_start3A_8] : memref<10000xi32, #tpu.memory_space<vmem>> -> memref<80xi32, #tpu.memory_space<vmem>>
    %dma_start3A_10 = arith.constant 0 : i32
    %dma_start3A_11 = arith.constant 0 : i32
    %dma_start3A_12 = tpu.memref_slice %arg2[%dma_start3A_10, %dma_start3A_11] : memref<10000x128xf32, #tpu.memory_space<hbm>> -> memref<10000x128xf32, #tpu.memory_space<hbm>>
    %dma_start3A_13 = tpu.memref_slice %arg14[%dma_start3A_3] : memref<4x!tpu.dma_semaphore, #tpu.memory_space<semaphore_mem>> -> memref<1x!tpu.dma_semaphore, #tpu.memory_space<semaphore_mem>>
    %dma_start3A_14 = tpu.memref_squeeze %dma_start3A_13 : memref<1x!tpu.dma_semaphore, #tpu.memory_space<semaphore_mem>> -> memref<!tpu.dma_semaphore, #tpu.memory_space<semaphore_mem>>
    tpu.enqueue_indirect_dma source(%dma_start3A_12 : memref<10000x128xf32, #tpu.memory_space<hbm>>) target(%dma_start3A_7 : memref<80x128xf32, #tpu.memory_space<vmem>>) offsets(%dma_start3A_9 : memref<80xi32, #tpu.memory_space<vmem>>) semaphore(%dma_start3A_14 : memref<!tpu.dma_semaphore, #tpu.memory_space<semaphore_mem>>)
    %dma_start3A_15 = arith.constant 0 : i32
    %dma_start3A_16 = arith.constant 0 : i32
    %dma_start3A_17 = arith.constant 0 : i32
    %dma_start3A_18 = arith.constant 0 : i32
    %dma_start3A_19 = tpu.memref_slice %arg12[%dma_start3A_15, %dma_start3A_17, %dma_start3A_18] : memref<4x80x128xf32, #tpu.memory_space<vmem>> -> memref<1x80x128xf32, #tpu.memory_space<vmem>>
    %dma_start3A_20 = tpu.memref_squeeze %dma_start3A_19 : memref<1x80x128xf32, #tpu.memory_space<vmem>> -> memref<80x128xf32, #tpu.memory_space<vmem>>
    %dma_start3A_21 = arith.constant 0 : i32
    %dma_start3A_22 = tpu.memref_slice %arg9[%dma_start3A_21] : memref<10000xi32, #tpu.memory_space<vmem>> -> memref<80xi32, #tpu.memory_space<vmem>>
    %dma_start3A_23 = arith.constant 0 : i32
    %dma_start3A_24 = arith.constant 0 : i32
    %dma_start3A_25 = tpu.memref_slice %arg3[%dma_start3A_23, %dma_start3A_24] : memref<10000x128xf32, #tpu.memory_space<hbm>> -> memref<10000x128xf32, #tpu.memory_space<hbm>>
    %dma_start3A_26 = tpu.memref_slice %arg14[%dma_start3A_16] : memref<4x!tpu.dma_semaphore, #tpu.memory_space<semaphore_mem>> -> memref<1x!tpu.dma_semaphore, #tpu.memory_space<semaphore_mem>>
    %dma_start3A_27 = tpu.memref_squeeze %dma_start3A_26 : memref<1x!tpu.dma_semaphore, #tpu.memory_space<semaphore_mem>> -> memref<!tpu.dma_semaphore, #tpu.memory_space<semaphore_mem>>
    tpu.enqueue_indirect_dma source(%dma_start3A_25 : memref<10000x128xf32, #tpu.memory_space<hbm>>) target(%dma_start3A_20 : memref<80x128xf32, #tpu.memory_space<vmem>>) offsets(%dma_start3A_22 : memref<80xi32, #tpu.memory_space<vmem>>) semaphore(%dma_start3A_27 : memref<!tpu.dma_semaphore, #tpu.memory_space<semaphore_mem>>)
    %dma_start3A_28 = arith.constant 1 : i32
    %dma_start3A_29 = arith.constant 1 : i32
    %dma_start3A_30 = arith.constant 0 : i32
    %dma_start3A_31 = arith.constant 0 : i32
    %dma_start3A_32 = tpu.memref_slice %arg11[%dma_start3A_28, %dma_start3A_30, %dma_start3A_31] : memref<4x80x128xf32, #tpu.memory_space<vmem>> -> memref<1x80x128xf32, #tpu.memory_space<vmem>>
    %dma_start3A_33 = tpu.memref_squeeze %dma_start3A_32 : memref<1x80x128xf32, #tpu.memory_space<vmem>> -> memref<80x128xf32, #tpu.memory_space<vmem>>
    %dma_start3A_34 = arith.constant 80 : i32
    %dma_start3A_35 = tpu.memref_slice %arg8[%dma_start3A_34] : memref<10000xi32, #tpu.memory_space<vmem>> -> memref<80xi32, #tpu.memory_space<vmem>>
    %dma_start3A_36 = arith.constant 0 : i32
    %dma_start3A_37 = arith.constant 0 : i32
    %dma_start3A_38 = tpu.memref_slice %arg2[%dma_start3A_36, %dma_start3A_37] : memref<10000x128xf32, #tpu.memory_space<hbm>> -> memref<10000x128xf32, #tpu.memory_space<hbm>>
    %dma_start3A_39 = tpu.memref_slice %arg14[%dma_start3A_29] : memref<4x!tpu.dma_semaphore, #tpu.memory_space<semaphore_mem>> -> memref<1x!tpu.dma_semaphore, #tpu.memory_space<semaphore_mem>>
    %dma_start3A_40 = tpu.memref_squeeze %dma_start3A_39 : memref<1x!tpu.dma_semaphore, #tpu.memory_space<semaphore_mem>> -> memref<!tpu.dma_semaphore, #tpu.memory_space<semaphore_mem>>
    tpu.enqueue_indirect_dma source(%dma_start3A_38 : memref<10000x128xf32, #tpu.memory_space<hbm>>) target(%dma_start3A_33 : memref<80x128xf32, #tpu.memory_space<vmem>>) offsets(%dma_start3A_35 : memref<80xi32, #tpu.memory_space<vmem>>) semaphore(%dma_start3A_40 : memref<!tpu.dma_semaphore, #tpu.memory_space<semaphore_mem>>)
    %dma_start3A_41 = arith.constant 1 : i32
    %dma_start3A_42 = arith.constant 1 : i32
    %dma_start3A_43 = arith.constant 0 : i32
    %dma_start3A_44 = arith.constant 0 : i32
    %dma_start3A_45 = tpu.memref_slice %arg12[%dma_start3A_41, %dma_start3A_43, %dma_start3A_44] : memref<4x80x128xf32, #tpu.memory_space<vmem>> -> memref<1x80x128xf32, #tpu.memory_space<vmem>>
    %dma_start3A_46 = tpu.memref_squeeze %dma_start3A_45 : memref<1x80x128xf32, #tpu.memory_space<vmem>> -> memref<80x128xf32, #tpu.memory_space<vmem>>
    %dma_start3A_47 = arith.constant 80 : i32
    %dma_start3A_48 = tpu.memref_slice %arg9[%dma_start3A_47] : memref<10000xi32, #tpu.memory_space<vmem>> -> memref<80xi32, #tpu.memory_space<vmem>>
    %dma_start3A_49 = arith.constant 0 : i32
    %dma_start3A_50 = arith.constant 0 : i32
    %dma_start3A_51 = tpu.memref_slice %arg3[%dma_start3A_49, %dma_start3A_50] : memref<10000x128xf32, #tpu.memory_space<hbm>> -> memref<10000x128xf32, #tpu.memory_space<hbm>>
    %dma_start3A_52 = tpu.memref_slice %arg14[%dma_start3A_42] : memref<4x!tpu.dma_semaphore, #tpu.memory_space<semaphore_mem>> -> memref<1x!tpu.dma_semaphore, #tpu.memory_space<semaphore_mem>>
    %dma_start3A_53 = tpu.memref_squeeze %dma_start3A_52 : memref<1x!tpu.dma_semaphore, #tpu.memory_space<semaphore_mem>> -> memref<!tpu.dma_semaphore, #tpu.memory_space<semaphore_mem>>
    tpu.enqueue_indirect_dma source(%dma_start3A_51 : memref<10000x128xf32, #tpu.memory_space<hbm>>) target(%dma_start3A_46 : memref<80x128xf32, #tpu.memory_space<vmem>>) offsets(%dma_start3A_48 : memref<80xi32, #tpu.memory_space<vmem>>) semaphore(%dma_start3A_53 : memref<!tpu.dma_semaphore, #tpu.memory_space<semaphore_mem>>)
    %dma_start3A_54 = arith.constant 2 : i32
    %dma_start3A_55 = arith.constant 2 : i32
    %dma_start3A_56 = arith.constant 0 : i32
    %dma_start3A_57 = arith.constant 0 : i32
    %dma_start3A_58 = tpu.memref_slice %arg11[%dma_start3A_54, %dma_start3A_56, %dma_start3A_57] : memref<4x80x128xf32, #tpu.memory_space<vmem>> -> memref<1x80x128xf32, #tpu.memory_space<vmem>>
    %dma_start3A_59 = tpu.memref_squeeze %dma_start3A_58 : memref<1x80x128xf32, #tpu.memory_space<vmem>> -> memref<80x128xf32, #tpu.memory_space<vmem>>
    %dma_start3A_60 = arith.constant 160 : i32
    %dma_start3A_61 = tpu.memref_slice %arg8[%dma_start3A_60] : memref<10000xi32, #tpu.memory_space<vmem>> -> memref<80xi32, #tpu.memory_space<vmem>>
    %dma_start3A_62 = arith.constant 0 : i32
    %dma_start3A_63 = arith.constant 0 : i32
    %dma_start3A_64 = tpu.memref_slice %arg2[%dma_start3A_62, %dma_start3A_63] : memref<10000x128xf32, #tpu.memory_space<hbm>> -> memref<10000x128xf32, #tpu.memory_space<hbm>>
    %dma_start3A_65 = tpu.memref_slice %arg14[%dma_start3A_55] : memref<4x!tpu.dma_semaphore, #tpu.memory_space<semaphore_mem>> -> memref<1x!tpu.dma_semaphore, #tpu.memory_space<semaphore_mem>>
    %dma_start3A_66 = tpu.memref_squeeze %dma_start3A_65 : memref<1x!tpu.dma_semaphore, #tpu.memory_space<semaphore_mem>> -> memref<!tpu.dma_semaphore, #tpu.memory_space<semaphore_mem>>
    tpu.enqueue_indirect_dma source(%dma_start3A_64 : memref<10000x128xf32, #tpu.memory_space<hbm>>) target(%dma_start3A_59 : memref<80x128xf32, #tpu.memory_space<vmem>>) offsets(%dma_start3A_61 : memref<80xi32, #tpu.memory_space<vmem>>) semaphore(%dma_start3A_66 : memref<!tpu.dma_semaphore, #tpu.memory_space<semaphore_mem>>)
    %dma_start3A_67 = arith.constant 2 : i32
    %dma_start3A_68 = arith.constant 2 : i32
    %dma_start3A_69 = arith.constant 0 : i32
    %dma_start3A_70 = arith.constant 0 : i32
    %dma_start3A_71 = tpu.memref_slice %arg12[%dma_start3A_67, %dma_start3A_69, %dma_start3A_70] : memref<4x80x128xf32, #tpu.memory_space<vmem>> -> memref<1x80x128xf32, #tpu.memory_space<vmem>>
    %dma_start3A_72 = tpu.memref_squeeze %dma_start3A_71 : memref<1x80x128xf32, #tpu.memory_space<vmem>> -> memref<80x128xf32, #tpu.memory_space<vmem>>
    %dma_start3A_73 = arith.constant 160 : i32
    %dma_start3A_74 = tpu.memref_slice %arg9[%dma_start3A_73] : memref<10000xi32, #tpu.memory_space<vmem>> -> memref<80xi32, #tpu.memory_space<vmem>>
    %dma_start3A_75 = arith.constant 0 : i32
    %dma_start3A_76 = arith.constant 0 : i32
    %dma_start3A_77 = tpu.memref_slice %arg3[%dma_start3A_75, %dma_start3A_76] : memref<10000x128xf32, #tpu.memory_space<hbm>> -> memref<10000x128xf32, #tpu.memory_space<hbm>>
    %dma_start3A_78 = tpu.memref_slice %arg14[%dma_start3A_68] : memref<4x!tpu.dma_semaphore, #tpu.memory_space<semaphore_mem>> -> memref<1x!tpu.dma_semaphore, #tpu.memory_space<semaphore_mem>>
    %dma_start3A_79 = tpu.memref_squeeze %dma_start3A_78 : memref<1x!tpu.dma_semaphore, #tpu.memory_space<semaphore_mem>> -> memref<!tpu.dma_semaphore, #tpu.memory_space<semaphore_mem>>
    tpu.enqueue_indirect_dma source(%dma_start3A_77 : memref<10000x128xf32, #tpu.memory_space<hbm>>) target(%dma_start3A_72 : memref<80x128xf32, #tpu.memory_space<vmem>>) offsets(%dma_start3A_74 : memref<80xi32, #tpu.memory_space<vmem>>) semaphore(%dma_start3A_79 : memref<!tpu.dma_semaphore, #tpu.memory_space<semaphore_mem>>)
    %scan3A = arith.constant 0 : i32
    %scan3A_80 = arith.constant 0 : i32
    %scan3A_81 = arith.constant 125 : i32
    %scan3A_82 = arith.addi %scan3A_80, %scan3A_81 : i32
    %scan3A_83 = arith.constant 1 : i32
    scf.for %scan3A_85 = %scan3A_80 to %scan3A_82 step %scan3A_83  : i32 {
      %and3A = arith.constant 3 : i32
      %and3A_86 = arith.andi %scan3A_85, %and3A : i32
      %eq3A = arith.constant 0 : i32
      %eq3A_87 = arith.cmpi eq, %and3A_86, %eq3A : i32
      %convert_element_type3A = arith.extui %eq3A_87 : i1 to i32
      %cond3A = arith.constant 0 : i32
      %cond3A_88 = arith.cmpi ne, %convert_element_type3A, %cond3A : i32
      scf.if %cond3A_88 {
        %dma_wait3A = arith.constant 0 : i32
        %dma_wait3A_171 = arith.constant 0 : i32
        %dma_wait3A_172 = arith.constant 0 : i32
        %dma_wait3A_173 = arith.constant 0 : i32
        %dma_wait3A_174 = tpu.memref_slice %arg11[%dma_wait3A, %dma_wait3A_172, %dma_wait3A_173] : memref<4x80x128xf32, #tpu.memory_space<vmem>> -> memref<1x80x128xf32, #tpu.memory_space<vmem>>
        %dma_wait3A_175 = tpu.memref_squeeze %dma_wait3A_174 : memref<1x80x128xf32, #tpu.memory_space<vmem>> -> memref<80x128xf32, #tpu.memory_space<vmem>>
        %dma_wait3A_176 = arith.constant 0 : i32
        %dma_wait3A_177 = tpu.memref_slice %arg8[%dma_wait3A_176] : memref<10000xi32, #tpu.memory_space<vmem>> -> memref<80xi32, #tpu.memory_space<vmem>>
        %dma_wait3A_178 = arith.constant 0 : i32
        %dma_wait3A_179 = arith.constant 0 : i32
        %dma_wait3A_180 = tpu.memref_slice %arg2[%dma_wait3A_178, %dma_wait3A_179] : memref<10000x128xf32, #tpu.memory_space<hbm>> -> memref<10000x128xf32, #tpu.memory_space<hbm>>
        %dma_wait3A_181 = tpu.memref_slice %arg14[%dma_wait3A_171] : memref<4x!tpu.dma_semaphore, #tpu.memory_space<semaphore_mem>> -> memref<1x!tpu.dma_semaphore, #tpu.memory_space<semaphore_mem>>
        %dma_wait3A_182 = tpu.memref_squeeze %dma_wait3A_181 : memref<1x!tpu.dma_semaphore, #tpu.memory_space<semaphore_mem>> -> memref<!tpu.dma_semaphore, #tpu.memory_space<semaphore_mem>>
        tpu.wait_indirect_dma semaphore(%dma_wait3A_182 : memref<!tpu.dma_semaphore, #tpu.memory_space<semaphore_mem>>) src(%dma_wait3A_180 : memref<10000x128xf32, #tpu.memory_space<hbm>>) dst(%dma_wait3A_175 : memref<80x128xf32, #tpu.memory_space<vmem>>)
        %dma_wait3A_183 = arith.constant 0 : i32
        %dma_wait3A_184 = arith.constant 0 : i32
        %dma_wait3A_185 = arith.constant 0 : i32
        %dma_wait3A_186 = arith.constant 0 : i32
        %dma_wait3A_187 = tpu.memref_slice %arg12[%dma_wait3A_183, %dma_wait3A_185, %dma_wait3A_186] : memref<4x80x128xf32, #tpu.memory_space<vmem>> -> memref<1x80x128xf32, #tpu.memory_space<vmem>>
        %dma_wait3A_188 = tpu.memref_squeeze %dma_wait3A_187 : memref<1x80x128xf32, #tpu.memory_space<vmem>> -> memref<80x128xf32, #tpu.memory_space<vmem>>
        %dma_wait3A_189 = arith.constant 0 : i32
        %dma_wait3A_190 = tpu.memref_slice %arg9[%dma_wait3A_189] : memref<10000xi32, #tpu.memory_space<vmem>> -> memref<80xi32, #tpu.memory_space<vmem>>
        %dma_wait3A_191 = arith.constant 0 : i32
        %dma_wait3A_192 = arith.constant 0 : i32
        %dma_wait3A_193 = tpu.memref_slice %arg3[%dma_wait3A_191, %dma_wait3A_192] : memref<10000x128xf32, #tpu.memory_space<hbm>> -> memref<10000x128xf32, #tpu.memory_space<hbm>>
        %dma_wait3A_194 = tpu.memref_slice %arg14[%dma_wait3A_184] : memref<4x!tpu.dma_semaphore, #tpu.memory_space<semaphore_mem>> -> memref<1x!tpu.dma_semaphore, #tpu.memory_space<semaphore_mem>>
        %dma_wait3A_195 = tpu.memref_squeeze %dma_wait3A_194 : memref<1x!tpu.dma_semaphore, #tpu.memory_space<semaphore_mem>> -> memref<!tpu.dma_semaphore, #tpu.memory_space<semaphore_mem>>
        tpu.wait_indirect_dma semaphore(%dma_wait3A_195 : memref<!tpu.dma_semaphore, #tpu.memory_space<semaphore_mem>>) src(%dma_wait3A_193 : memref<10000x128xf32, #tpu.memory_space<hbm>>) dst(%dma_wait3A_188 : memref<80x128xf32, #tpu.memory_space<vmem>>)
        %add3A_196 = arith.constant 4 : i32
        %add3A_197 = arith.addi %scan3A_85, %add3A_196 : i32
        %sub3A = arith.constant 1 : i32
        %sub3A_198 = arith.subi %add3A_197, %sub3A : i32
        %lt3A = arith.constant 125 : i32
        %lt3A_199 = arith.cmpi slt, %sub3A_198, %lt3A : i32
        %convert_element_type3A_200 = arith.extui %lt3A_199 : i1 to i32
        %cond3A_201 = arith.constant 0 : i32
        %cond3A_202 = arith.cmpi ne, %convert_element_type3A_200, %cond3A_201 : i32
        scf.if %cond3A_202 {
          %mul3A_203 = arith.constant 80 : i32
          %mul3A_204 = arith.muli %sub3A_198, %mul3A_203 : i32
          %dma_start3A_205 = arith.constant 3 : i32
          %dma_start3A_206 = arith.constant 3 : i32
          %dma_start3A_207 = arith.constant 0 : i32
          %dma_start3A_208 = arith.constant 0 : i32
          %dma_start3A_209 = tpu.memref_slice %arg11[%dma_start3A_205, %dma_start3A_207, %dma_start3A_208] : memref<4x80x128xf32, #tpu.memory_space<vmem>> -> memref<1x80x128xf32, #tpu.memory_space<vmem>>
          %dma_start3A_210 = tpu.memref_squeeze %dma_start3A_209 : memref<1x80x128xf32, #tpu.memory_space<vmem>> -> memref<80x128xf32, #tpu.memory_space<vmem>>
          %dma_start3A_211 = tpu.memref_slice %arg8[%mul3A_204] : memref<10000xi32, #tpu.memory_space<vmem>> -> memref<80xi32, #tpu.memory_space<vmem>>
          %dma_start3A_212 = arith.constant 0 : i32
          %dma_start3A_213 = arith.constant 0 : i32
          %dma_start3A_214 = tpu.memref_slice %arg2[%dma_start3A_212, %dma_start3A_213] : memref<10000x128xf32, #tpu.memory_space<hbm>> -> memref<10000x128xf32, #tpu.memory_space<hbm>>
          %dma_start3A_215 = tpu.memref_slice %arg14[%dma_start3A_206] : memref<4x!tpu.dma_semaphore, #tpu.memory_space<semaphore_mem>> -> memref<1x!tpu.dma_semaphore, #tpu.memory_space<semaphore_mem>>
          %dma_start3A_216 = tpu.memref_squeeze %dma_start3A_215 : memref<1x!tpu.dma_semaphore, #tpu.memory_space<semaphore_mem>> -> memref<!tpu.dma_semaphore, #tpu.memory_space<semaphore_mem>>
          tpu.enqueue_indirect_dma source(%dma_start3A_214 : memref<10000x128xf32, #tpu.memory_space<hbm>>) target(%dma_start3A_210 : memref<80x128xf32, #tpu.memory_space<vmem>>) offsets(%dma_start3A_211 : memref<80xi32, #tpu.memory_space<vmem>>) semaphore(%dma_start3A_216 : memref<!tpu.dma_semaphore, #tpu.memory_space<semaphore_mem>>)
          %mul3A_217 = arith.constant 80 : i32
          %mul3A_218 = arith.muli %sub3A_198, %mul3A_217 : i32
          %dma_start3A_219 = arith.constant 3 : i32
          %dma_start3A_220 = arith.constant 3 : i32
          %dma_start3A_221 = arith.constant 0 : i32
          %dma_start3A_222 = arith.constant 0 : i32
          %dma_start3A_223 = tpu.memref_slice %arg12[%dma_start3A_219, %dma_start3A_221, %dma_start3A_222] : memref<4x80x128xf32, #tpu.memory_space<vmem>> -> memref<1x80x128xf32, #tpu.memory_space<vmem>>
          %dma_start3A_224 = tpu.memref_squeeze %dma_start3A_223 : memref<1x80x128xf32, #tpu.memory_space<vmem>> -> memref<80x128xf32, #tpu.memory_space<vmem>>
          %dma_start3A_225 = tpu.memref_slice %arg9[%mul3A_218] : memref<10000xi32, #tpu.memory_space<vmem>> -> memref<80xi32, #tpu.memory_space<vmem>>
          %dma_start3A_226 = arith.constant 0 : i32
          %dma_start3A_227 = arith.constant 0 : i32
          %dma_start3A_228 = tpu.memref_slice %arg3[%dma_start3A_226, %dma_start3A_227] : memref<10000x128xf32, #tpu.memory_space<hbm>> -> memref<10000x128xf32, #tpu.memory_space<hbm>>
          %dma_start3A_229 = tpu.memref_slice %arg14[%dma_start3A_220] : memref<4x!tpu.dma_semaphore, #tpu.memory_space<semaphore_mem>> -> memref<1x!tpu.dma_semaphore, #tpu.memory_space<semaphore_mem>>
          %dma_start3A_230 = tpu.memref_squeeze %dma_start3A_229 : memref<1x!tpu.dma_semaphore, #tpu.memory_space<semaphore_mem>> -> memref<!tpu.dma_semaphore, #tpu.memory_space<semaphore_mem>>
          tpu.enqueue_indirect_dma source(%dma_start3A_228 : memref<10000x128xf32, #tpu.memory_space<hbm>>) target(%dma_start3A_224 : memref<80x128xf32, #tpu.memory_space<vmem>>) offsets(%dma_start3A_225 : memref<80xi32, #tpu.memory_space<vmem>>) semaphore(%dma_start3A_230 : memref<!tpu.dma_semaphore, #tpu.memory_space<semaphore_mem>>)
        } else {
        }
      } else {
      }
      %eq3A_89 = arith.constant 1 : i32
      %eq3A_90 = arith.cmpi eq, %and3A_86, %eq3A_89 : i32
      %convert_element_type3A_91 = arith.extui %eq3A_90 : i1 to i32
      %cond3A_92 = arith.constant 0 : i32
      %cond3A_93 = arith.cmpi ne, %convert_element_type3A_91, %cond3A_92 : i32
      scf.if %cond3A_93 {
        %dma_wait3A = arith.constant 1 : i32
        %dma_wait3A_171 = arith.constant 1 : i32
        %dma_wait3A_172 = arith.constant 0 : i32
        %dma_wait3A_173 = arith.constant 0 : i32
        %dma_wait3A_174 = tpu.memref_slice %arg11[%dma_wait3A, %dma_wait3A_172, %dma_wait3A_173] : memref<4x80x128xf32, #tpu.memory_space<vmem>> -> memref<1x80x128xf32, #tpu.memory_space<vmem>>
        %dma_wait3A_175 = tpu.memref_squeeze %dma_wait3A_174 : memref<1x80x128xf32, #tpu.memory_space<vmem>> -> memref<80x128xf32, #tpu.memory_space<vmem>>
        %dma_wait3A_176 = arith.constant 0 : i32
        %dma_wait3A_177 = tpu.memref_slice %arg8[%dma_wait3A_176] : memref<10000xi32, #tpu.memory_space<vmem>> -> memref<80xi32, #tpu.memory_space<vmem>>
        %dma_wait3A_178 = arith.constant 0 : i32
        %dma_wait3A_179 = arith.constant 0 : i32
        %dma_wait3A_180 = tpu.memref_slice %arg2[%dma_wait3A_178, %dma_wait3A_179] : memref<10000x128xf32, #tpu.memory_space<hbm>> -> memref<10000x128xf32, #tpu.memory_space<hbm>>
        %dma_wait3A_181 = tpu.memref_slice %arg14[%dma_wait3A_171] : memref<4x!tpu.dma_semaphore, #tpu.memory_space<semaphore_mem>> -> memref<1x!tpu.dma_semaphore, #tpu.memory_space<semaphore_mem>>
        %dma_wait3A_182 = tpu.memref_squeeze %dma_wait3A_181 : memref<1x!tpu.dma_semaphore, #tpu.memory_space<semaphore_mem>> -> memref<!tpu.dma_semaphore, #tpu.memory_space<semaphore_mem>>
        tpu.wait_indirect_dma semaphore(%dma_wait3A_182 : memref<!tpu.dma_semaphore, #tpu.memory_space<semaphore_mem>>) src(%dma_wait3A_180 : memref<10000x128xf32, #tpu.memory_space<hbm>>) dst(%dma_wait3A_175 : memref<80x128xf32, #tpu.memory_space<vmem>>)
        %dma_wait3A_183 = arith.constant 1 : i32
        %dma_wait3A_184 = arith.constant 1 : i32
        %dma_wait3A_185 = arith.constant 0 : i32
        %dma_wait3A_186 = arith.constant 0 : i32
        %dma_wait3A_187 = tpu.memref_slice %arg12[%dma_wait3A_183, %dma_wait3A_185, %dma_wait3A_186] : memref<4x80x128xf32, #tpu.memory_space<vmem>> -> memref<1x80x128xf32, #tpu.memory_space<vmem>>
        %dma_wait3A_188 = tpu.memref_squeeze %dma_wait3A_187 : memref<1x80x128xf32, #tpu.memory_space<vmem>> -> memref<80x128xf32, #tpu.memory_space<vmem>>
        %dma_wait3A_189 = arith.constant 0 : i32
        %dma_wait3A_190 = tpu.memref_slice %arg9[%dma_wait3A_189] : memref<10000xi32, #tpu.memory_space<vmem>> -> memref<80xi32, #tpu.memory_space<vmem>>
        %dma_wait3A_191 = arith.constant 0 : i32
        %dma_wait3A_192 = arith.constant 0 : i32
        %dma_wait3A_193 = tpu.memref_slice %arg3[%dma_wait3A_191, %dma_wait3A_192] : memref<10000x128xf32, #tpu.memory_space<hbm>> -> memref<10000x128xf32, #tpu.memory_space<hbm>>
        %dma_wait3A_194 = tpu.memref_slice %arg14[%dma_wait3A_184] : memref<4x!tpu.dma_semaphore, #tpu.memory_space<semaphore_mem>> -> memref<1x!tpu.dma_semaphore, #tpu.memory_space<semaphore_mem>>
        %dma_wait3A_195 = tpu.memref_squeeze %dma_wait3A_194 : memref<1x!tpu.dma_semaphore, #tpu.memory_space<semaphore_mem>> -> memref<!tpu.dma_semaphore, #tpu.memory_space<semaphore_mem>>
        tpu.wait_indirect_dma semaphore(%dma_wait3A_195 : memref<!tpu.dma_semaphore, #tpu.memory_space<semaphore_mem>>) src(%dma_wait3A_193 : memref<10000x128xf32, #tpu.memory_space<hbm>>) dst(%dma_wait3A_188 : memref<80x128xf32, #tpu.memory_space<vmem>>)
        %add3A_196 = arith.constant 4 : i32
        %add3A_197 = arith.addi %scan3A_85, %add3A_196 : i32
        %sub3A = arith.constant 1 : i32
        %sub3A_198 = arith.subi %add3A_197, %sub3A : i32
        %lt3A = arith.constant 125 : i32
        %lt3A_199 = arith.cmpi slt, %sub3A_198, %lt3A : i32
        %convert_element_type3A_200 = arith.extui %lt3A_199 : i1 to i32
        %cond3A_201 = arith.constant 0 : i32
        %cond3A_202 = arith.cmpi ne, %convert_element_type3A_200, %cond3A_201 : i32
        scf.if %cond3A_202 {
          %mul3A_203 = arith.constant 80 : i32
          %mul3A_204 = arith.muli %sub3A_198, %mul3A_203 : i32
          %dma_start3A_205 = arith.constant 0 : i32
          %dma_start3A_206 = arith.constant 0 : i32
          %dma_start3A_207 = arith.constant 0 : i32
          %dma_start3A_208 = arith.constant 0 : i32
          %dma_start3A_209 = tpu.memref_slice %arg11[%dma_start3A_205, %dma_start3A_207, %dma_start3A_208] : memref<4x80x128xf32, #tpu.memory_space<vmem>> -> memref<1x80x128xf32, #tpu.memory_space<vmem>>
          %dma_start3A_210 = tpu.memref_squeeze %dma_start3A_209 : memref<1x80x128xf32, #tpu.memory_space<vmem>> -> memref<80x128xf32, #tpu.memory_space<vmem>>
          %dma_start3A_211 = tpu.memref_slice %arg8[%mul3A_204] : memref<10000xi32, #tpu.memory_space<vmem>> -> memref<80xi32, #tpu.memory_space<vmem>>
          %dma_start3A_212 = arith.constant 0 : i32
          %dma_start3A_213 = arith.constant 0 : i32
          %dma_start3A_214 = tpu.memref_slice %arg2[%dma_start3A_212, %dma_start3A_213] : memref<10000x128xf32, #tpu.memory_space<hbm>> -> memref<10000x128xf32, #tpu.memory_space<hbm>>
          %dma_start3A_215 = tpu.memref_slice %arg14[%dma_start3A_206] : memref<4x!tpu.dma_semaphore, #tpu.memory_space<semaphore_mem>> -> memref<1x!tpu.dma_semaphore, #tpu.memory_space<semaphore_mem>>
          %dma_start3A_216 = tpu.memref_squeeze %dma_start3A_215 : memref<1x!tpu.dma_semaphore, #tpu.memory_space<semaphore_mem>> -> memref<!tpu.dma_semaphore, #tpu.memory_space<semaphore_mem>>
          tpu.enqueue_indirect_dma source(%dma_start3A_214 : memref<10000x128xf32, #tpu.memory_space<hbm>>) target(%dma_start3A_210 : memref<80x128xf32, #tpu.memory_space<vmem>>) offsets(%dma_start3A_211 : memref<80xi32, #tpu.memory_space<vmem>>) semaphore(%dma_start3A_216 : memref<!tpu.dma_semaphore, #tpu.memory_space<semaphore_mem>>)
          %mul3A_217 = arith.constant 80 : i32
          %mul3A_218 = arith.muli %sub3A_198, %mul3A_217 : i32
          %dma_start3A_219 = arith.constant 0 : i32
          %dma_start3A_220 = arith.constant 0 : i32
          %dma_start3A_221 = arith.constant 0 : i32
          %dma_start3A_222 = arith.constant 0 : i32
          %dma_start3A_223 = tpu.memref_slice %arg12[%dma_start3A_219, %dma_start3A_221, %dma_start3A_222] : memref<4x80x128xf32, #tpu.memory_space<vmem>> -> memref<1x80x128xf32, #tpu.memory_space<vmem>>
          %dma_start3A_224 = tpu.memref_squeeze %dma_start3A_223 : memref<1x80x128xf32, #tpu.memory_space<vmem>> -> memref<80x128xf32, #tpu.memory_space<vmem>>
          %dma_start3A_225 = tpu.memref_slice %arg9[%mul3A_218] : memref<10000xi32, #tpu.memory_space<vmem>> -> memref<80xi32, #tpu.memory_space<vmem>>
          %dma_start3A_226 = arith.constant 0 : i32
          %dma_start3A_227 = arith.constant 0 : i32
          %dma_start3A_228 = tpu.memref_slice %arg3[%dma_start3A_226, %dma_start3A_227] : memref<10000x128xf32, #tpu.memory_space<hbm>> -> memref<10000x128xf32, #tpu.memory_space<hbm>>
          %dma_start3A_229 = tpu.memref_slice %arg14[%dma_start3A_220] : memref<4x!tpu.dma_semaphore, #tpu.memory_space<semaphore_mem>> -> memref<1x!tpu.dma_semaphore, #tpu.memory_space<semaphore_mem>>
          %dma_start3A_230 = tpu.memref_squeeze %dma_start3A_229 : memref<1x!tpu.dma_semaphore, #tpu.memory_space<semaphore_mem>> -> memref<!tpu.dma_semaphore, #tpu.memory_space<semaphore_mem>>
          tpu.enqueue_indirect_dma source(%dma_start3A_228 : memref<10000x128xf32, #tpu.memory_space<hbm>>) target(%dma_start3A_224 : memref<80x128xf32, #tpu.memory_space<vmem>>) offsets(%dma_start3A_225 : memref<80xi32, #tpu.memory_space<vmem>>) semaphore(%dma_start3A_230 : memref<!tpu.dma_semaphore, #tpu.memory_space<semaphore_mem>>)
        } else {
        }
      } else {
      }
      %eq3A_94 = arith.constant 2 : i32
      %eq3A_95 = arith.cmpi eq, %and3A_86, %eq3A_94 : i32
      %convert_element_type3A_96 = arith.extui %eq3A_95 : i1 to i32
      %cond3A_97 = arith.constant 0 : i32
      %cond3A_98 = arith.cmpi ne, %convert_element_type3A_96, %cond3A_97 : i32
      scf.if %cond3A_98 {
        %dma_wait3A = arith.constant 2 : i32
        %dma_wait3A_171 = arith.constant 2 : i32
        %dma_wait3A_172 = arith.constant 0 : i32
        %dma_wait3A_173 = arith.constant 0 : i32
        %dma_wait3A_174 = tpu.memref_slice %arg11[%dma_wait3A, %dma_wait3A_172, %dma_wait3A_173] : memref<4x80x128xf32, #tpu.memory_space<vmem>> -> memref<1x80x128xf32, #tpu.memory_space<vmem>>
        %dma_wait3A_175 = tpu.memref_squeeze %dma_wait3A_174 : memref<1x80x128xf32, #tpu.memory_space<vmem>> -> memref<80x128xf32, #tpu.memory_space<vmem>>
        %dma_wait3A_176 = arith.constant 0 : i32
        %dma_wait3A_177 = tpu.memref_slice %arg8[%dma_wait3A_176] : memref<10000xi32, #tpu.memory_space<vmem>> -> memref<80xi32, #tpu.memory_space<vmem>>
        %dma_wait3A_178 = arith.constant 0 : i32
        %dma_wait3A_179 = arith.constant 0 : i32
        %dma_wait3A_180 = tpu.memref_slice %arg2[%dma_wait3A_178, %dma_wait3A_179] : memref<10000x128xf32, #tpu.memory_space<hbm>> -> memref<10000x128xf32, #tpu.memory_space<hbm>>
        %dma_wait3A_181 = tpu.memref_slice %arg14[%dma_wait3A_171] : memref<4x!tpu.dma_semaphore, #tpu.memory_space<semaphore_mem>> -> memref<1x!tpu.dma_semaphore, #tpu.memory_space<semaphore_mem>>
        %dma_wait3A_182 = tpu.memref_squeeze %dma_wait3A_181 : memref<1x!tpu.dma_semaphore, #tpu.memory_space<semaphore_mem>> -> memref<!tpu.dma_semaphore, #tpu.memory_space<semaphore_mem>>
        tpu.wait_indirect_dma semaphore(%dma_wait3A_182 : memref<!tpu.dma_semaphore, #tpu.memory_space<semaphore_mem>>) src(%dma_wait3A_180 : memref<10000x128xf32, #tpu.memory_space<hbm>>) dst(%dma_wait3A_175 : memref<80x128xf32, #tpu.memory_space<vmem>>)
        %dma_wait3A_183 = arith.constant 2 : i32
        %dma_wait3A_184 = arith.constant 2 : i32
        %dma_wait3A_185 = arith.constant 0 : i32
        %dma_wait3A_186 = arith.constant 0 : i32
        %dma_wait3A_187 = tpu.memref_slice %arg12[%dma_wait3A_183, %dma_wait3A_185, %dma_wait3A_186] : memref<4x80x128xf32, #tpu.memory_space<vmem>> -> memref<1x80x128xf32, #tpu.memory_space<vmem>>
        %dma_wait3A_188 = tpu.memref_squeeze %dma_wait3A_187 : memref<1x80x128xf32, #tpu.memory_space<vmem>> -> memref<80x128xf32, #tpu.memory_space<vmem>>
        %dma_wait3A_189 = arith.constant 0 : i32
        %dma_wait3A_190 = tpu.memref_slice %arg9[%dma_wait3A_189] : memref<10000xi32, #tpu.memory_space<vmem>> -> memref<80xi32, #tpu.memory_space<vmem>>
        %dma_wait3A_191 = arith.constant 0 : i32
        %dma_wait3A_192 = arith.constant 0 : i32
        %dma_wait3A_193 = tpu.memref_slice %arg3[%dma_wait3A_191, %dma_wait3A_192] : memref<10000x128xf32, #tpu.memory_space<hbm>> -> memref<10000x128xf32, #tpu.memory_space<hbm>>
        %dma_wait3A_194 = tpu.memref_slice %arg14[%dma_wait3A_184] : memref<4x!tpu.dma_semaphore, #tpu.memory_space<semaphore_mem>> -> memref<1x!tpu.dma_semaphore, #tpu.memory_space<semaphore_mem>>
        %dma_wait3A_195 = tpu.memref_squeeze %dma_wait3A_194 : memref<1x!tpu.dma_semaphore, #tpu.memory_space<semaphore_mem>> -> memref<!tpu.dma_semaphore, #tpu.memory_space<semaphore_mem>>
        tpu.wait_indirect_dma semaphore(%dma_wait3A_195 : memref<!tpu.dma_semaphore, #tpu.memory_space<semaphore_mem>>) src(%dma_wait3A_193 : memref<10000x128xf32, #tpu.memory_space<hbm>>) dst(%dma_wait3A_188 : memref<80x128xf32, #tpu.memory_space<vmem>>)
        %add3A_196 = arith.constant 4 : i32
        %add3A_197 = arith.addi %scan3A_85, %add3A_196 : i32
        %sub3A = arith.constant 1 : i32
        %sub3A_198 = arith.subi %add3A_197, %sub3A : i32
        %lt3A = arith.constant 125 : i32
        %lt3A_199 = arith.cmpi slt, %sub3A_198, %lt3A : i32
        %convert_element_type3A_200 = arith.extui %lt3A_199 : i1 to i32
        %cond3A_201 = arith.constant 0 : i32
        %cond3A_202 = arith.cmpi ne, %convert_element_type3A_200, %cond3A_201 : i32
        scf.if %cond3A_202 {
          %mul3A_203 = arith.constant 80 : i32
          %mul3A_204 = arith.muli %sub3A_198, %mul3A_203 : i32
          %dma_start3A_205 = arith.constant 1 : i32
          %dma_start3A_206 = arith.constant 1 : i32
          %dma_start3A_207 = arith.constant 0 : i32
          %dma_start3A_208 = arith.constant 0 : i32
          %dma_start3A_209 = tpu.memref_slice %arg11[%dma_start3A_205, %dma_start3A_207, %dma_start3A_208] : memref<4x80x128xf32, #tpu.memory_space<vmem>> -> memref<1x80x128xf32, #tpu.memory_space<vmem>>
          %dma_start3A_210 = tpu.memref_squeeze %dma_start3A_209 : memref<1x80x128xf32, #tpu.memory_space<vmem>> -> memref<80x128xf32, #tpu.memory_space<vmem>>
          %dma_start3A_211 = tpu.memref_slice %arg8[%mul3A_204] : memref<10000xi32, #tpu.memory_space<vmem>> -> memref<80xi32, #tpu.memory_space<vmem>>
          %dma_start3A_212 = arith.constant 0 : i32
          %dma_start3A_213 = arith.constant 0 : i32
          %dma_start3A_214 = tpu.memref_slice %arg2[%dma_start3A_212, %dma_start3A_213] : memref<10000x128xf32, #tpu.memory_space<hbm>> -> memref<10000x128xf32, #tpu.memory_space<hbm>>
          %dma_start3A_215 = tpu.memref_slice %arg14[%dma_start3A_206] : memref<4x!tpu.dma_semaphore, #tpu.memory_space<semaphore_mem>> -> memref<1x!tpu.dma_semaphore, #tpu.memory_space<semaphore_mem>>
          %dma_start3A_216 = tpu.memref_squeeze %dma_start3A_215 : memref<1x!tpu.dma_semaphore, #tpu.memory_space<semaphore_mem>> -> memref<!tpu.dma_semaphore, #tpu.memory_space<semaphore_mem>>
          tpu.enqueue_indirect_dma source(%dma_start3A_214 : memref<10000x128xf32, #tpu.memory_space<hbm>>) target(%dma_start3A_210 : memref<80x128xf32, #tpu.memory_space<vmem>>) offsets(%dma_start3A_211 : memref<80xi32, #tpu.memory_space<vmem>>) semaphore(%dma_start3A_216 : memref<!tpu.dma_semaphore, #tpu.memory_space<semaphore_mem>>)
          %mul3A_217 = arith.constant 80 : i32
          %mul3A_218 = arith.muli %sub3A_198, %mul3A_217 : i32
          %dma_start3A_219 = arith.constant 1 : i32
          %dma_start3A_220 = arith.constant 1 : i32
          %dma_start3A_221 = arith.constant 0 : i32
          %dma_start3A_222 = arith.constant 0 : i32
          %dma_start3A_223 = tpu.memref_slice %arg12[%dma_start3A_219, %dma_start3A_221, %dma_start3A_222] : memref<4x80x128xf32, #tpu.memory_space<vmem>> -> memref<1x80x128xf32, #tpu.memory_space<vmem>>
          %dma_start3A_224 = tpu.memref_squeeze %dma_start3A_223 : memref<1x80x128xf32, #tpu.memory_space<vmem>> -> memref<80x128xf32, #tpu.memory_space<vmem>>
          %dma_start3A_225 = tpu.memref_slice %arg9[%mul3A_218] : memref<10000xi32, #tpu.memory_space<vmem>> -> memref<80xi32, #tpu.memory_space<vmem>>
          %dma_start3A_226 = arith.constant 0 : i32
          %dma_start3A_227 = arith.constant 0 : i32
          %dma_start3A_228 = tpu.memref_slice %arg3[%dma_start3A_226, %dma_start3A_227] : memref<10000x128xf32, #tpu.memory_space<hbm>> -> memref<10000x128xf32, #tpu.memory_space<hbm>>
          %dma_start3A_229 = tpu.memref_slice %arg14[%dma_start3A_220] : memref<4x!tpu.dma_semaphore, #tpu.memory_space<semaphore_mem>> -> memref<1x!tpu.dma_semaphore, #tpu.memory_space<semaphore_mem>>
          %dma_start3A_230 = tpu.memref_squeeze %dma_start3A_229 : memref<1x!tpu.dma_semaphore, #tpu.memory_space<semaphore_mem>> -> memref<!tpu.dma_semaphore, #tpu.memory_space<semaphore_mem>>
          tpu.enqueue_indirect_dma source(%dma_start3A_228 : memref<10000x128xf32, #tpu.memory_space<hbm>>) target(%dma_start3A_224 : memref<80x128xf32, #tpu.memory_space<vmem>>) offsets(%dma_start3A_225 : memref<80xi32, #tpu.memory_space<vmem>>) semaphore(%dma_start3A_230 : memref<!tpu.dma_semaphore, #tpu.memory_space<semaphore_mem>>)
        } else {
        }
      } else {
      }
      %eq3A_99 = arith.constant 3 : i32
      %eq3A_100 = arith.cmpi eq, %and3A_86, %eq3A_99 : i32
      %convert_element_type3A_101 = arith.extui %eq3A_100 : i1 to i32
      %cond3A_102 = arith.constant 0 : i32
      %cond3A_103 = arith.cmpi ne, %convert_element_type3A_101, %cond3A_102 : i32
      scf.if %cond3A_103 {
        %dma_wait3A = arith.constant 3 : i32
        %dma_wait3A_171 = arith.constant 3 : i32
        %dma_wait3A_172 = arith.constant 0 : i32
        %dma_wait3A_173 = arith.constant 0 : i32
        %dma_wait3A_174 = tpu.memref_slice %arg11[%dma_wait3A, %dma_wait3A_172, %dma_wait3A_173] : memref<4x80x128xf32, #tpu.memory_space<vmem>> -> memref<1x80x128xf32, #tpu.memory_space<vmem>>
        %dma_wait3A_175 = tpu.memref_squeeze %dma_wait3A_174 : memref<1x80x128xf32, #tpu.memory_space<vmem>> -> memref<80x128xf32, #tpu.memory_space<vmem>>
        %dma_wait3A_176 = arith.constant 0 : i32
        %dma_wait3A_177 = tpu.memref_slice %arg8[%dma_wait3A_176] : memref<10000xi32, #tpu.memory_space<vmem>> -> memref<80xi32, #tpu.memory_space<vmem>>
        %dma_wait3A_178 = arith.constant 0 : i32
        %dma_wait3A_179 = arith.constant 0 : i32
        %dma_wait3A_180 = tpu.memref_slice %arg2[%dma_wait3A_178, %dma_wait3A_179] : memref<10000x128xf32, #tpu.memory_space<hbm>> -> memref<10000x128xf32, #tpu.memory_space<hbm>>
        %dma_wait3A_181 = tpu.memref_slice %arg14[%dma_wait3A_171] : memref<4x!tpu.dma_semaphore, #tpu.memory_space<semaphore_mem>> -> memref<1x!tpu.dma_semaphore, #tpu.memory_space<semaphore_mem>>
        %dma_wait3A_182 = tpu.memref_squeeze %dma_wait3A_181 : memref<1x!tpu.dma_semaphore, #tpu.memory_space<semaphore_mem>> -> memref<!tpu.dma_semaphore, #tpu.memory_space<semaphore_mem>>
        tpu.wait_indirect_dma semaphore(%dma_wait3A_182 : memref<!tpu.dma_semaphore, #tpu.memory_space<semaphore_mem>>) src(%dma_wait3A_180 : memref<10000x128xf32, #tpu.memory_space<hbm>>) dst(%dma_wait3A_175 : memref<80x128xf32, #tpu.memory_space<vmem>>)
        %dma_wait3A_183 = arith.constant 3 : i32
        %dma_wait3A_184 = arith.constant 3 : i32
        %dma_wait3A_185 = arith.constant 0 : i32
        %dma_wait3A_186 = arith.constant 0 : i32
        %dma_wait3A_187 = tpu.memref_slice %arg12[%dma_wait3A_183, %dma_wait3A_185, %dma_wait3A_186] : memref<4x80x128xf32, #tpu.memory_space<vmem>> -> memref<1x80x128xf32, #tpu.memory_space<vmem>>
        %dma_wait3A_188 = tpu.memref_squeeze %dma_wait3A_187 : memref<1x80x128xf32, #tpu.memory_space<vmem>> -> memref<80x128xf32, #tpu.memory_space<vmem>>
        %dma_wait3A_189 = arith.constant 0 : i32
        %dma_wait3A_190 = tpu.memref_slice %arg9[%dma_wait3A_189] : memref<10000xi32, #tpu.memory_space<vmem>> -> memref<80xi32, #tpu.memory_space<vmem>>
        %dma_wait3A_191 = arith.constant 0 : i32
        %dma_wait3A_192 = arith.constant 0 : i32
        %dma_wait3A_193 = tpu.memref_slice %arg3[%dma_wait3A_191, %dma_wait3A_192] : memref<10000x128xf32, #tpu.memory_space<hbm>> -> memref<10000x128xf32, #tpu.memory_space<hbm>>
        %dma_wait3A_194 = tpu.memref_slice %arg14[%dma_wait3A_184] : memref<4x!tpu.dma_semaphore, #tpu.memory_space<semaphore_mem>> -> memref<1x!tpu.dma_semaphore, #tpu.memory_space<semaphore_mem>>
        %dma_wait3A_195 = tpu.memref_squeeze %dma_wait3A_194 : memref<1x!tpu.dma_semaphore, #tpu.memory_space<semaphore_mem>> -> memref<!tpu.dma_semaphore, #tpu.memory_space<semaphore_mem>>
        tpu.wait_indirect_dma semaphore(%dma_wait3A_195 : memref<!tpu.dma_semaphore, #tpu.memory_space<semaphore_mem>>) src(%dma_wait3A_193 : memref<10000x128xf32, #tpu.memory_space<hbm>>) dst(%dma_wait3A_188 : memref<80x128xf32, #tpu.memory_space<vmem>>)
        %add3A_196 = arith.constant 4 : i32
        %add3A_197 = arith.addi %scan3A_85, %add3A_196 : i32
        %sub3A = arith.constant 1 : i32
        %sub3A_198 = arith.subi %add3A_197, %sub3A : i32
        %lt3A = arith.constant 125 : i32
        %lt3A_199 = arith.cmpi slt, %sub3A_198, %lt3A : i32
        %convert_element_type3A_200 = arith.extui %lt3A_199 : i1 to i32
        %cond3A_201 = arith.constant 0 : i32
        %cond3A_202 = arith.cmpi ne, %convert_element_type3A_200, %cond3A_201 : i32
        scf.if %cond3A_202 {
          %mul3A_203 = arith.constant 80 : i32
          %mul3A_204 = arith.muli %sub3A_198, %mul3A_203 : i32
          %dma_start3A_205 = arith.constant 2 : i32
          %dma_start3A_206 = arith.constant 2 : i32
          %dma_start3A_207 = arith.constant 0 : i32
          %dma_start3A_208 = arith.constant 0 : i32
          %dma_start3A_209 = tpu.memref_slice %arg11[%dma_start3A_205, %dma_start3A_207, %dma_start3A_208] : memref<4x80x128xf32, #tpu.memory_space<vmem>> -> memref<1x80x128xf32, #tpu.memory_space<vmem>>
          %dma_start3A_210 = tpu.memref_squeeze %dma_start3A_209 : memref<1x80x128xf32, #tpu.memory_space<vmem>> -> memref<80x128xf32, #tpu.memory_space<vmem>>
          %dma_start3A_211 = tpu.memref_slice %arg8[%mul3A_204] : memref<10000xi32, #tpu.memory_space<vmem>> -> memref<80xi32, #tpu.memory_space<vmem>>
          %dma_start3A_212 = arith.constant 0 : i32
          %dma_start3A_213 = arith.constant 0 : i32
          %dma_start3A_214 = tpu.memref_slice %arg2[%dma_start3A_212, %dma_start3A_213] : memref<10000x128xf32, #tpu.memory_space<hbm>> -> memref<10000x128xf32, #tpu.memory_space<hbm>>
          %dma_start3A_215 = tpu.memref_slice %arg14[%dma_start3A_206] : memref<4x!tpu.dma_semaphore, #tpu.memory_space<semaphore_mem>> -> memref<1x!tpu.dma_semaphore, #tpu.memory_space<semaphore_mem>>
          %dma_start3A_216 = tpu.memref_squeeze %dma_start3A_215 : memref<1x!tpu.dma_semaphore, #tpu.memory_space<semaphore_mem>> -> memref<!tpu.dma_semaphore, #tpu.memory_space<semaphore_mem>>
          tpu.enqueue_indirect_dma source(%dma_start3A_214 : memref<10000x128xf32, #tpu.memory_space<hbm>>) target(%dma_start3A_210 : memref<80x128xf32, #tpu.memory_space<vmem>>) offsets(%dma_start3A_211 : memref<80xi32, #tpu.memory_space<vmem>>) semaphore(%dma_start3A_216 : memref<!tpu.dma_semaphore, #tpu.memory_space<semaphore_mem>>)
          %mul3A_217 = arith.constant 80 : i32
          %mul3A_218 = arith.muli %sub3A_198, %mul3A_217 : i32
          %dma_start3A_219 = arith.constant 2 : i32
          %dma_start3A_220 = arith.constant 2 : i32
          %dma_start3A_221 = arith.constant 0 : i32
          %dma_start3A_222 = arith.constant 0 : i32
          %dma_start3A_223 = tpu.memref_slice %arg12[%dma_start3A_219, %dma_start3A_221, %dma_start3A_222] : memref<4x80x128xf32, #tpu.memory_space<vmem>> -> memref<1x80x128xf32, #tpu.memory_space<vmem>>
          %dma_start3A_224 = tpu.memref_squeeze %dma_start3A_223 : memref<1x80x128xf32, #tpu.memory_space<vmem>> -> memref<80x128xf32, #tpu.memory_space<vmem>>
          %dma_start3A_225 = tpu.memref_slice %arg9[%mul3A_218] : memref<10000xi32, #tpu.memory_space<vmem>> -> memref<80xi32, #tpu.memory_space<vmem>>
          %dma_start3A_226 = arith.constant 0 : i32
          %dma_start3A_227 = arith.constant 0 : i32
          %dma_start3A_228 = tpu.memref_slice %arg3[%dma_start3A_226, %dma_start3A_227] : memref<10000x128xf32, #tpu.memory_space<hbm>> -> memref<10000x128xf32, #tpu.memory_space<hbm>>
          %dma_start3A_229 = tpu.memref_slice %arg14[%dma_start3A_220] : memref<4x!tpu.dma_semaphore, #tpu.memory_space<semaphore_mem>> -> memref<1x!tpu.dma_semaphore, #tpu.memory_space<semaphore_mem>>
          %dma_start3A_230 = tpu.memref_squeeze %dma_start3A_229 : memref<1x!tpu.dma_semaphore, #tpu.memory_space<semaphore_mem>> -> memref<!tpu.dma_semaphore, #tpu.memory_space<semaphore_mem>>
          tpu.enqueue_indirect_dma source(%dma_start3A_228 : memref<10000x128xf32, #tpu.memory_space<hbm>>) target(%dma_start3A_224 : memref<80x128xf32, #tpu.memory_space<vmem>>) offsets(%dma_start3A_225 : memref<80xi32, #tpu.memory_space<vmem>>) semaphore(%dma_start3A_230 : memref<!tpu.dma_semaphore, #tpu.memory_space<semaphore_mem>>)
        } else {
        }
      } else {
      }
      %get3A = arith.constant 128 : index
      %get3A_104 = tpu.vector_load %arg10[%get3A] {strides = array<i32>} : memref<144xf32, #tpu.memory_space<vmem>>, vector<16xf32>,
      %get3A_105 = vector.shape_cast %get3A_104 : vector<16xf32> to vector<16xf32>
      %get3A_106 = arith.constant 0 : index
      %get3A_107 = tpu.vector_load %arg10[%get3A_106] {strides = array<i32>} : memref<144xf32, #tpu.memory_space<vmem>>, vector<16xf32>,
      %get3A_108 = vector.shape_cast %get3A_107 : vector<16xf32> to vector<16xf32>
      %get3A_109 = arith.constant 16 : index
      %get3A_110 = tpu.vector_load %arg10[%get3A_109] {strides = array<i32>} : memref<144xf32, #tpu.memory_space<vmem>>, vector<16xf32>,
      %get3A_111 = vector.shape_cast %get3A_110 : vector<16xf32> to vector<16xf32>
      %get3A_112 = arith.constant 32 : index
      %get3A_113 = tpu.vector_load %arg10[%get3A_112] {strides = array<i32>} : memref<144xf32, #tpu.memory_space<vmem>>, vector<16xf32>,
      %get3A_114 = vector.shape_cast %get3A_113 : vector<16xf32> to vector<16xf32>
      %get3A_115 = arith.constant 48 : index
      %get3A_116 = tpu.vector_load %arg10[%get3A_115] {strides = array<i32>} : memref<144xf32, #tpu.memory_space<vmem>>, vector<16xf32>,
      %get3A_117 = vector.shape_cast %get3A_116 : vector<16xf32> to vector<16xf32>
      %get3A_118 = arith.constant 64 : index
      %get3A_119 = tpu.vector_load %arg10[%get3A_118] {strides = array<i32>} : memref<144xf32, #tpu.memory_space<vmem>>, vector<16xf32>,
      %get3A_120 = vector.shape_cast %get3A_119 : vector<16xf32> to vector<16xf32>
      %get3A_121 = arith.constant 80 : index
      %get3A_122 = tpu.vector_load %arg10[%get3A_121] {strides = array<i32>} : memref<144xf32, #tpu.memory_space<vmem>>, vector<16xf32>,
      %get3A_123 = vector.shape_cast %get3A_122 : vector<16xf32> to vector<16xf32>
      %get3A_124 = arith.constant 96 : index
      %get3A_125 = tpu.vector_load %arg10[%get3A_124] {strides = array<i32>} : memref<144xf32, #tpu.memory_space<vmem>>, vector<16xf32>,
      %get3A_126 = vector.shape_cast %get3A_125 : vector<16xf32> to vector<16xf32>
      %get3A_127 = arith.constant 112 : index
      %get3A_128 = tpu.vector_load %arg10[%get3A_127] {strides = array<i32>} : memref<144xf32, #tpu.memory_space<vmem>>, vector<16xf32>,
      %get3A_129 = vector.shape_cast %get3A_128 : vector<16xf32> to vector<16xf32>
      %xor3A = arith.constant 1 : i32
      %xor3A_130 = vector.broadcast %xor3A : i32 to vector<16xi32>
      %xor3A_131 = arith.xori %iota3A, %xor3A_130 : vector<16xi32>
      %xor3A_132 = arith.constant 2 : i32
      %xor3A_133 = vector.broadcast %xor3A_132 : i32 to vector<16xi32>
      %xor3A_134 = arith.xori %iota3A, %xor3A_133 : vector<16xi32>
      %xor3A_135 = arith.constant 4 : i32
      %xor3A_136 = vector.broadcast %xor3A_135 : i32 to vector<16xi32>
      %xor3A_137 = arith.xori %iota3A, %xor3A_136 : vector<16xi32>
      %xor3A_138 = arith.constant 8 : i32
      %xor3A_139 = vector.broadcast %xor3A_138 : i32 to vector<16xi32>
      %xor3A_140 = arith.xori %iota3A, %xor3A_139 : vector<16xi32>
      %and3A_141 = arith.constant 1 : i32
      %and3A_142 = vector.broadcast %and3A_141 : i32 to vector<16xi32>
      %and3A_143 = arith.andi %iota3A, %and3A_142 : vector<16xi32>
      %eq3A_144 = arith.constant 0 : i32
      %eq3A_145 = vector.broadcast %eq3A_144 : i32 to vector<16xi32>
      %eq3A_146 = arith.cmpi eq, %and3A_143, %eq3A_145 : vector<16xi32>
      %and3A_147 = arith.constant 2 : i32
      %and3A_148 = vector.broadcast %and3A_147 : i32 to vector<16xi32>
      %and3A_149 = arith.andi %iota3A, %and3A_148 : vector<16xi32>
      %eq3A_150 = arith.constant 0 : i32
      %eq3A_151 = vector.broadcast %eq3A_150 : i32 to vector<16xi32>
      %eq3A_152 = arith.cmpi eq, %and3A_149, %eq3A_151 : vector<16xi32>
      %and3A_153 = arith.constant 4 : i32
      %and3A_154 = vector.broadcast %and3A_153 : i32 to vector<16xi32>
      %and3A_155 = arith.andi %iota3A, %and3A_154 : vector<16xi32>
      %eq3A_156 = arith.constant 0 : i32
      %eq3A_157 = vector.broadcast %eq3A_156 : i32 to vector<16xi32>
      %eq3A_158 = arith.cmpi eq, %and3A_155, %eq3A_157 : vector<16xi32>
      %and3A_159 = arith.constant 8 : i32
      %and3A_160 = vector.broadcast %and3A_159 : i32 to vector<16xi32>
      %and3A_161 = arith.andi %iota3A, %and3A_160 : vector<16xi32>
      %eq3A_162 = arith.constant 0 : i32
      %eq3A_163 = vector.broadcast %eq3A_162 : i32 to vector<16xi32>
      %eq3A_164 = arith.cmpi eq, %and3A_161, %eq3A_163 : vector<16xi32>
      %scan3A_165 = arith.constant 0 : i32
      %scan3A_166 = arith.constant 0 : i32
      %scan3A_167 = arith.constant 5 : i32
      %scan3A_168 = arith.addi %scan3A_166, %scan3A_167 : i32
      %scan3A_169 = arith.constant 1 : i32
      scf.for %scan3A_171 = %scan3A_166 to %scan3A_168 step %scan3A_169  : i32 {
        %mul3A_172 = arith.constant 16 : i32
        %mul3A_173 = arith.muli %scan3A_171, %mul3A_172 : i32
        %add3A_174 = arith.constant 0 : i32
        %add3A_175 = arith.addi %mul3A_173, %add3A_174 : i32
        %mul3A_176 = arith.constant 16 : i32
        %mul3A_177 = arith.muli %scan3A_171, %mul3A_176 : i32
        %add3A_178 = arith.constant 0 : i32
        %add3A_179 = arith.addi %mul3A_177, %add3A_178 : i32
        %get3A_180 = arith.constant 0 : i32
        %get3A_181 = tpu.memref_slice %arg11[%and3A_86, %add3A_175, %get3A_180] : memref<4x80x128xf32, #tpu.memory_space<vmem>> -> memref<1x1x128xf32, #tpu.memory_space<vmem>>
        %get3A_182 = tpu.memref_squeeze %get3A_181 : memref<1x1x128xf32, #tpu.memory_space<vmem>> -> memref<128xf32, #tpu.memory_space<vmem>>
        %get3A_183 = arith.constant 0 : index
        %get3A_184 = tpu.vector_load %get3A_182[%get3A_183] {strides = array<i32>} : memref<128xf32, #tpu.memory_space<vmem>>, vector<16xf32>,
        %get3A_185 = vector.shape_cast %get3A_184 : vector<16xf32> to vector<16xf32>
        %get3A_186 = arith.constant 0 : i32
        %get3A_187 = tpu.memref_slice %arg12[%and3A_86, %add3A_179, %get3A_186] : memref<4x80x128xf32, #tpu.memory_space<vmem>> -> memref<1x1x128xf32, #tpu.memory_space<vmem>>
        %get3A_188 = tpu.memref_squeeze %get3A_187 : memref<1x1x128xf32, #tpu.memory_space<vmem>> -> memref<128xf32, #tpu.memory_space<vmem>>
        %get3A_189 = arith.constant 0 : index
        %get3A_190 = tpu.vector_load %get3A_188[%get3A_189] {strides = array<i32>} : memref<128xf32, #tpu.memory_space<vmem>>, vector<16xf32>,
        %get3A_191 = vector.shape_cast %get3A_190 : vector<16xf32> to vector<16xf32>
        %add3A_192 = arith.addf %get3A_185, %get3A_191 : vector<16xf32>
        %max3A = arith.constant 0.000000e+00 : f32
        %max3A_193 = vector.broadcast %max3A : f32 to vector<16xf32>
        %max3A_194 = arith.maximumf %add3A_192, %max3A_193 : vector<16xf32>
        %mul3A_195 = arith.mulf %max3A_194, %get3A_108 : vector<16xf32>
        %get3A_196 = arith.constant 0 : i32
        %get3A_197 = tpu.memref_slice %arg11[%and3A_86, %add3A_175, %get3A_196] : memref<4x80x128xf32, #tpu.memory_space<vmem>> -> memref<1x1x128xf32, #tpu.memory_space<vmem>>
        %get3A_198 = tpu.memref_squeeze %get3A_197 : memref<1x1x128xf32, #tpu.memory_space<vmem>> -> memref<128xf32, #tpu.memory_space<vmem>>
        %get3A_199 = arith.constant 16 : index
        %get3A_200 = tpu.vector_load %get3A_198[%get3A_199] {strides = array<i32>} : memref<128xf32, #tpu.memory_space<vmem>>, vector<16xf32>,
        %get3A_201 = vector.shape_cast %get3A_200 : vector<16xf32> to vector<16xf32>
        %get3A_202 = arith.constant 0 : i32
        %get3A_203 = tpu.memref_slice %arg12[%and3A_86, %add3A_179, %get3A_202] : memref<4x80x128xf32, #tpu.memory_space<vmem>> -> memref<1x1x128xf32, #tpu.memory_space<vmem>>
        %get3A_204 = tpu.memref_squeeze %get3A_203 : memref<1x1x128xf32, #tpu.memory_space<vmem>> -> memref<128xf32, #tpu.memory_space<vmem>>
        %get3A_205 = arith.constant 16 : index
        %get3A_206 = tpu.vector_load %get3A_204[%get3A_205] {strides = array<i32>} : memref<128xf32, #tpu.memory_space<vmem>>, vector<16xf32>,
        %get3A_207 = vector.shape_cast %get3A_206 : vector<16xf32> to vector<16xf32>
        %add3A_208 = arith.addf %get3A_201, %get3A_207 : vector<16xf32>
        %max3A_209 = arith.constant 0.000000e+00 : f32
        %max3A_210 = vector.broadcast %max3A_209 : f32 to vector<16xf32>
        %max3A_211 = arith.maximumf %add3A_208, %max3A_210 : vector<16xf32>
        %mul3A_212 = arith.mulf %max3A_211, %get3A_111 : vector<16xf32>
        %add3A_213 = arith.addf %mul3A_195, %mul3A_212 : vector<16xf32>
        %get3A_214 = arith.constant 0 : i32
        %get3A_215 = tpu.memref_slice %arg11[%and3A_86, %add3A_175, %get3A_214] : memref<4x80x128xf32, #tpu.memory_space<vmem>> -> memref<1x1x128xf32, #tpu.memory_space<vmem>>
        %get3A_216 = tpu.memref_squeeze %get3A_215 : memref<1x1x128xf32, #tpu.memory_space<vmem>> -> memref<128xf32, #tpu.memory_space<vmem>>
        %get3A_217 = arith.constant 32 : index
        %get3A_218 = tpu.vector_load %get3A_216[%get3A_217] {strides = array<i32>} : memref<128xf32, #tpu.memory_space<vmem>>, vector<16xf32>,
        %get3A_219 = vector.shape_cast %get3A_218 : vector<16xf32> to vector<16xf32>
        %get3A_220 = arith.constant 0 : i32
        %get3A_221 = tpu.memref_slice %arg12[%and3A_86, %add3A_179, %get3A_220] : memref<4x80x128xf32, #tpu.memory_space<vmem>> -> memref<1x1x128xf32, #tpu.memory_space<vmem>>
        %get3A_222 = tpu.memref_squeeze %get3A_221 : memref<1x1x128xf32, #tpu.memory_space<vmem>> -> memref<128xf32, #tpu.memory_space<vmem>>
        %get3A_223 = arith.constant 32 : index
        %get3A_224 = tpu.vector_load %get3A_222[%get3A_223] {strides = array<i32>} : memref<128xf32, #tpu.memory_space<vmem>>, vector<16xf32>,
        %get3A_225 = vector.shape_cast %get3A_224 : vector<16xf32> to vector<16xf32>
        %add3A_226 = arith.addf %get3A_219, %get3A_225 : vector<16xf32>
        %max3A_227 = arith.constant 0.000000e+00 : f32
        %max3A_228 = vector.broadcast %max3A_227 : f32 to vector<16xf32>
        %max3A_229 = arith.maximumf %add3A_226, %max3A_228 : vector<16xf32>
        %mul3A_230 = arith.mulf %max3A_229, %get3A_114 : vector<16xf32>
        %add3A_231 = arith.addf %add3A_213, %mul3A_230 : vector<16xf32>
        %get3A_232 = arith.constant 0 : i32
        %get3A_233 = tpu.memref_slice %arg11[%and3A_86, %add3A_175, %get3A_232] : memref<4x80x128xf32, #tpu.memory_space<vmem>> -> memref<1x1x128xf32, #tpu.memory_space<vmem>>
        %get3A_234 = tpu.memref_squeeze %get3A_233 : memref<1x1x128xf32, #tpu.memory_space<vmem>> -> memref<128xf32, #tpu.memory_space<vmem>>
        %get3A_235 = arith.constant 48 : index
        %get3A_236 = tpu.vector_load %get3A_234[%get3A_235] {strides = array<i32>} : memref<128xf32, #tpu.memory_space<vmem>>, vector<16xf32>,
        %get3A_237 = vector.shape_cast %get3A_236 : vector<16xf32> to vector<16xf32>
        %get3A_238 = arith.constant 0 : i32
        %get3A_239 = tpu.memref_slice %arg12[%and3A_86, %add3A_179, %get3A_238] : memref<4x80x128xf32, #tpu.memory_space<vmem>> -> memref<1x1x128xf32, #tpu.memory_space<vmem>>
        %get3A_240 = tpu.memref_squeeze %get3A_239 : memref<1x1x128xf32, #tpu.memory_space<vmem>> -> memref<128xf32, #tpu.memory_space<vmem>>
        %get3A_241 = arith.constant 48 : index
        %get3A_242 = tpu.vector_load %get3A_240[%get3A_241] {strides = array<i32>} : memref<128xf32, #tpu.memory_space<vmem>>, vector<16xf32>,
        %get3A_243 = vector.shape_cast %get3A_242 : vector<16xf32> to vector<16xf32>
        %add3A_244 = arith.addf %get3A_237, %get3A_243 : vector<16xf32>
        %max3A_245 = arith.constant 0.000000e+00 : f32
        %max3A_246 = vector.broadcast %max3A_245 : f32 to vector<16xf32>
        %max3A_247 = arith.maximumf %add3A_244, %max3A_246 : vector<16xf32>
        %mul3A_248 = arith.mulf %max3A_247, %get3A_117 : vector<16xf32>
        %add3A_249 = arith.addf %add3A_231, %mul3A_248 : vector<16xf32>
        %get3A_250 = arith.constant 0 : i32
        %get3A_251 = tpu.memref_slice %arg11[%and3A_86, %add3A_175, %get3A_250] : memref<4x80x128xf32, #tpu.memory_space<vmem>> -> memref<1x1x128xf32, #tpu.memory_space<vmem>>
        %get3A_252 = tpu.memref_squeeze %get3A_251 : memref<1x1x128xf32, #tpu.memory_space<vmem>> -> memref<128xf32, #tpu.memory_space<vmem>>
        %get3A_253 = arith.constant 64 : index
        %get3A_254 = tpu.vector_load %get3A_252[%get3A_253] {strides = array<i32>} : memref<128xf32, #tpu.memory_space<vmem>>, vector<16xf32>,
        %get3A_255 = vector.shape_cast %get3A_254 : vector<16xf32> to vector<16xf32>
        %get3A_256 = arith.constant 0 : i32
        %get3A_257 = tpu.memref_slice %arg12[%and3A_86, %add3A_179, %get3A_256] : memref<4x80x128xf32, #tpu.memory_space<vmem>> -> memref<1x1x128xf32, #tpu.memory_space<vmem>>
        %get3A_258 = tpu.memref_squeeze %get3A_257 : memref<1x1x128xf32, #tpu.memory_space<vmem>> -> memref<128xf32, #tpu.memory_space<vmem>>
        %get3A_259 = arith.constant 64 : index
        %get3A_260 = tpu.vector_load %get3A_258[%get3A_259] {strides = array<i32>} : memref<128xf32, #tpu.memory_space<vmem>>, vector<16xf32>,
        %get3A_261 = vector.shape_cast %get3A_260 : vector<16xf32> to vector<16xf32>
        %add3A_262 = arith.addf %get3A_255, %get3A_261 : vector<16xf32>
        %max3A_263 = arith.constant 0.000000e+00 : f32
        %max3A_264 = vector.broadcast %max3A_263 : f32 to vector<16xf32>
        %max3A_265 = arith.maximumf %add3A_262, %max3A_264 : vector<16xf32>
        %mul3A_266 = arith.mulf %max3A_265, %get3A_120 : vector<16xf32>
        %add3A_267 = arith.addf %add3A_249, %mul3A_266 : vector<16xf32>
        %get3A_268 = arith.constant 0 : i32
        %get3A_269 = tpu.memref_slice %arg11[%and3A_86, %add3A_175, %get3A_268] : memref<4x80x128xf32, #tpu.memory_space<vmem>> -> memref<1x1x128xf32, #tpu.memory_space<vmem>>
        %get3A_270 = tpu.memref_squeeze %get3A_269 : memref<1x1x128xf32, #tpu.memory_space<vmem>> -> memref<128xf32, #tpu.memory_space<vmem>>
        %get3A_271 = arith.constant 80 : index
        %get3A_272 = tpu.vector_load %get3A_270[%get3A_271] {strides = array<i32>} : memref<128xf32, #tpu.memory_space<vmem>>, vector<16xf32>,
        %get3A_273 = vector.shape_cast %get3A_272 : vector<16xf32> to vector<16xf32>
        %get3A_274 = arith.constant 0 : i32
        %get3A_275 = tpu.memref_slice %arg12[%and3A_86, %add3A_179, %get3A_274] : memref<4x80x128xf32, #tpu.memory_space<vmem>> -> memref<1x1x128xf32, #tpu.memory_space<vmem>>
        %get3A_276 = tpu.memref_squeeze %get3A_275 : memref<1x1x128xf32, #tpu.memory_space<vmem>> -> memref<128xf32, #tpu.memory_space<vmem>>
        %get3A_277 = arith.constant 80 : index
        %get3A_278 = tpu.vector_load %get3A_276[%get3A_277] {strides = array<i32>} : memref<128xf32, #tpu.memory_space<vmem>>, vector<16xf32>,
        %get3A_279 = vector.shape_cast %get3A_278 : vector<16xf32> to vector<16xf32>
        %add3A_280 = arith.addf %get3A_273, %get3A_279 : vector<16xf32>
        %max3A_281 = arith.constant 0.000000e+00 : f32
        %max3A_282 = vector.broadcast %max3A_281 : f32 to vector<16xf32>
        %max3A_283 = arith.maximumf %add3A_280, %max3A_282 : vector<16xf32>
        %mul3A_284 = arith.mulf %max3A_283, %get3A_123 : vector<16xf32>
        %add3A_285 = arith.addf %add3A_267, %mul3A_284 : vector<16xf32>
        %get3A_286 = arith.constant 0 : i32
        %get3A_287 = tpu.memref_slice %arg11[%and3A_86, %add3A_175, %get3A_286] : memref<4x80x128xf32, #tpu.memory_space<vmem>> -> memref<1x1x128xf32, #tpu.memory_space<vmem>>
        %get3A_288 = tpu.memref_squeeze %get3A_287 : memref<1x1x128xf32, #tpu.memory_space<vmem>> -> memref<128xf32, #tpu.memory_space<vmem>>
        %get3A_289 = arith.constant 96 : index
        %get3A_290 = tpu.vector_load %get3A_288[%get3A_289] {strides = array<i32>} : memref<128xf32, #tpu.memory_space<vmem>>, vector<16xf32>,
        %get3A_291 = vector.shape_cast %get3A_290 : vector<16xf32> to vector<16xf32>
        %get3A_292 = arith.constant 0 : i32
        %get3A_293 = tpu.memref_slice %arg12[%and3A_86, %add3A_179, %get3A_292] : memref<4x80x128xf32, #tpu.memory_space<vmem>> -> memref<1x1x128xf32, #tpu.memory_space<vmem>>
        %get3A_294 = tpu.memref_squeeze %get3A_293 : memref<1x1x128xf32, #tpu.memory_space<vmem>> -> memref<128xf32, #tpu.memory_space<vmem>>
        %get3A_295 = arith.constant 96 : index
        %get3A_296 = tpu.vector_load %get3A_294[%get3A_295] {strides = array<i32>} : memref<128xf32, #tpu.memory_space<vmem>>, vector<16xf32>,
        %get3A_297 = vector.shape_cast %get3A_296 : vector<16xf32> to vector<16xf32>
        %add3A_298 = arith.addf %get3A_291, %get3A_297 : vector<16xf32>
        %max3A_299 = arith.constant 0.000000e+00 : f32
        %max3A_300 = vector.broadcast %max3A_299 : f32 to vector<16xf32>
        %max3A_301 = arith.maximumf %add3A_298, %max3A_300 : vector<16xf32>
        %mul3A_302 = arith.mulf %max3A_301, %get3A_126 : vector<16xf32>
        %add3A_303 = arith.addf %add3A_285, %mul3A_302 : vector<16xf32>
        %get3A_304 = arith.constant 0 : i32
        %get3A_305 = tpu.memref_slice %arg11[%and3A_86, %add3A_175, %get3A_304] : memref<4x80x128xf32, #tpu.memory_space<vmem>> -> memref<1x1x128xf32, #tpu.memory_space<vmem>>
        %get3A_306 = tpu.memref_squeeze %get3A_305 : memref<1x1x128xf32, #tpu.memory_space<vmem>> -> memref<128xf32, #tpu.memory_space<vmem>>
        %get3A_307 = arith.constant 112 : index
        %get3A_308 = tpu.vector_load %get3A_306[%get3A_307] {strides = array<i32>} : memref<128xf32, #tpu.memory_space<vmem>>, vector<16xf32>,
        %get3A_309 = vector.shape_cast %get3A_308 : vector<16xf32> to vector<16xf32>
        %get3A_310 = arith.constant 0 : i32
        %get3A_311 = tpu.memref_slice %arg12[%and3A_86, %add3A_179, %get3A_310] : memref<4x80x128xf32, #tpu.memory_space<vmem>> -> memref<1x1x128xf32, #tpu.memory_space<vmem>>
        %get3A_312 = tpu.memref_squeeze %get3A_311 : memref<1x1x128xf32, #tpu.memory_space<vmem>> -> memref<128xf32, #tpu.memory_space<vmem>>
        %get3A_313 = arith.constant 112 : index
        %get3A_314 = tpu.vector_load %get3A_312[%get3A_313] {strides = array<i32>} : memref<128xf32, #tpu.memory_space<vmem>>, vector<16xf32>,
        %get3A_315 = vector.shape_cast %get3A_314 : vector<16xf32> to vector<16xf32>
        %add3A_316 = arith.addf %get3A_309, %get3A_315 : vector<16xf32>
        %max3A_317 = arith.constant 0.000000e+00 : f32
        %max3A_318 = vector.broadcast %max3A_317 : f32 to vector<16xf32>
        %max3A_319 = arith.maximumf %add3A_316, %max3A_318 : vector<16xf32>
        %mul3A_320 = arith.mulf %max3A_319, %get3A_129 : vector<16xf32>
        %add3A_321 = arith.addf %add3A_303, %mul3A_320 : vector<16xf32>
        %mul3A_322 = arith.constant 16 : i32
        %mul3A_323 = arith.muli %scan3A_171, %mul3A_322 : i32
        %add3A_324 = arith.constant 1 : i32
        %add3A_325 = arith.addi %mul3A_323, %add3A_324 : i32
        %mul3A_326 = arith.constant 16 : i32
        %mul3A_327 = arith.muli %scan3A_171, %mul3A_326 : i32
        %add3A_328 = arith.constant 1 : i32
        %add3A_329 = arith.addi %mul3A_327, %add3A_328 : i32
        %get3A_330 = arith.constant 0 : i32
        %get3A_331 = tpu.memref_slice %arg11[%and3A_86, %add3A_325, %get3A_330] : memref<4x80x128xf32, #tpu.memory_space<vmem>> -> memref<1x1x128xf32, #tpu.memory_space<vmem>>
        %get3A_332 = tpu.memref_squeeze %get3A_331 : memref<1x1x128xf32, #tpu.memory_space<vmem>> -> memref<128xf32, #tpu.memory_space<vmem>>
        %get3A_333 = arith.constant 0 : index
        %get3A_334 = tpu.vector_load %get3A_332[%get3A_333] {strides = array<i32>} : memref<128xf32, #tpu.memory_space<vmem>>, vector<16xf32>,
        %get3A_335 = vector.shape_cast %get3A_334 : vector<16xf32> to vector<16xf32>
        %get3A_336 = arith.constant 0 : i32
        %get3A_337 = tpu.memref_slice %arg12[%and3A_86, %add3A_329, %get3A_336] : memref<4x80x128xf32, #tpu.memory_space<vmem>> -> memref<1x1x128xf32, #tpu.memory_space<vmem>>
        %get3A_338 = tpu.memref_squeeze %get3A_337 : memref<1x1x128xf32, #tpu.memory_space<vmem>> -> memref<128xf32, #tpu.memory_space<vmem>>
        %get3A_339 = arith.constant 0 : index
        %get3A_340 = tpu.vector_load %get3A_338[%get3A_339] {strides = array<i32>} : memref<128xf32, #tpu.memory_space<vmem>>, vector<16xf32>,
        %get3A_341 = vector.shape_cast %get3A_340 : vector<16xf32> to vector<16xf32>
        %add3A_342 = arith.addf %get3A_335, %get3A_341 : vector<16xf32>
        %max3A_343 = arith.constant 0.000000e+00 : f32
        %max3A_344 = vector.broadcast %max3A_343 : f32 to vector<16xf32>
        %max3A_345 = arith.maximumf %add3A_342, %max3A_344 : vector<16xf32>
        %mul3A_346 = arith.mulf %max3A_345, %get3A_108 : vector<16xf32>
        %get3A_347 = arith.constant 0 : i32
        %get3A_348 = tpu.memref_slice %arg11[%and3A_86, %add3A_325, %get3A_347] : memref<4x80x128xf32, #tpu.memory_space<vmem>> -> memref<1x1x128xf32, #tpu.memory_space<vmem>>
        %get3A_349 = tpu.memref_squeeze %get3A_348 : memref<1x1x128xf32, #tpu.memory_space<vmem>> -> memref<128xf32, #tpu.memory_space<vmem>>
        %get3A_350 = arith.constant 16 : index
        %get3A_351 = tpu.vector_load %get3A_349[%get3A_350] {strides = array<i32>} : memref<128xf32, #tpu.memory_space<vmem>>, vector<16xf32>,
        %get3A_352 = vector.shape_cast %get3A_351 : vector<16xf32> to vector<16xf32>
        %get3A_353 = arith.constant 0 : i32
        %get3A_354 = tpu.memref_slice %arg12[%and3A_86, %add3A_329, %get3A_353] : memref<4x80x128xf32, #tpu.memory_space<vmem>> -> memref<1x1x128xf32, #tpu.memory_space<vmem>>
        %get3A_355 = tpu.memref_squeeze %get3A_354 : memref<1x1x128xf32, #tpu.memory_space<vmem>> -> memref<128xf32, #tpu.memory_space<vmem>>
        %get3A_356 = arith.constant 16 : index
        %get3A_357 = tpu.vector_load %get3A_355[%get3A_356] {strides = array<i32>} : memref<128xf32, #tpu.memory_space<vmem>>, vector<16xf32>,
        %get3A_358 = vector.shape_cast %get3A_357 : vector<16xf32> to vector<16xf32>
        %add3A_359 = arith.addf %get3A_352, %get3A_358 : vector<16xf32>
        %max3A_360 = arith.constant 0.000000e+00 : f32
        %max3A_361 = vector.broadcast %max3A_360 : f32 to vector<16xf32>
        %max3A_362 = arith.maximumf %add3A_359, %max3A_361 : vector<16xf32>
        %mul3A_363 = arith.mulf %max3A_362, %get3A_111 : vector<16xf32>
        %add3A_364 = arith.addf %mul3A_346, %mul3A_363 : vector<16xf32>
        %get3A_365 = arith.constant 0 : i32
        %get3A_366 = tpu.memref_slice %arg11[%and3A_86, %add3A_325, %get3A_365] : memref<4x80x128xf32, #tpu.memory_space<vmem>> -> memref<1x1x128xf32, #tpu.memory_space<vmem>>
        %get3A_367 = tpu.memref_squeeze %get3A_366 : memref<1x1x128xf32, #tpu.memory_space<vmem>> -> memref<128xf32, #tpu.memory_space<vmem>>
        %get3A_368 = arith.constant 32 : index
        %get3A_369 = tpu.vector_load %get3A_367[%get3A_368] {strides = array<i32>} : memref<128xf32, #tpu.memory_space<vmem>>, vector<16xf32>,
        %get3A_370 = vector.shape_cast %get3A_369 : vector<16xf32> to vector<16xf32>
        %get3A_371 = arith.constant 0 : i32
        %get3A_372 = tpu.memref_slice %arg12[%and3A_86, %add3A_329, %get3A_371] : memref<4x80x128xf32, #tpu.memory_space<vmem>> -> memref<1x1x128xf32, #tpu.memory_space<vmem>>
        %get3A_373 = tpu.memref_squeeze %get3A_372 : memref<1x1x128xf32, #tpu.memory_space<vmem>> -> memref<128xf32, #tpu.memory_space<vmem>>
        %get3A_374 = arith.constant 32 : index
        %get3A_375 = tpu.vector_load %get3A_373[%get3A_374] {strides = array<i32>} : memref<128xf32, #tpu.memory_space<vmem>>, vector<16xf32>,
        %get3A_376 = vector.shape_cast %get3A_375 : vector<16xf32> to vector<16xf32>
        %add3A_377 = arith.addf %get3A_370, %get3A_376 : vector<16xf32>
        %max3A_378 = arith.constant 0.000000e+00 : f32
        %max3A_379 = vector.broadcast %max3A_378 : f32 to vector<16xf32>
        %max3A_380 = arith.maximumf %add3A_377, %max3A_379 : vector<16xf32>
        %mul3A_381 = arith.mulf %max3A_380, %get3A_114 : vector<16xf32>
        %add3A_382 = arith.addf %add3A_364, %mul3A_381 : vector<16xf32>
        %get3A_383 = arith.constant 0 : i32
        %get3A_384 = tpu.memref_slice %arg11[%and3A_86, %add3A_325, %get3A_383] : memref<4x80x128xf32, #tpu.memory_space<vmem>> -> memref<1x1x128xf32, #tpu.memory_space<vmem>>
        %get3A_385 = tpu.memref_squeeze %get3A_384 : memref<1x1x128xf32, #tpu.memory_space<vmem>> -> memref<128xf32, #tpu.memory_space<vmem>>
        %get3A_386 = arith.constant 48 : index
        %get3A_387 = tpu.vector_load %get3A_385[%get3A_386] {strides = array<i32>} : memref<128xf32, #tpu.memory_space<vmem>>, vector<16xf32>,
        %get3A_388 = vector.shape_cast %get3A_387 : vector<16xf32> to vector<16xf32>
        %get3A_389 = arith.constant 0 : i32
        %get3A_390 = tpu.memref_slice %arg12[%and3A_86, %add3A_329, %get3A_389] : memref<4x80x128xf32, #tpu.memory_space<vmem>> -> memref<1x1x128xf32, #tpu.memory_space<vmem>>
        %get3A_391 = tpu.memref_squeeze %get3A_390 : memref<1x1x128xf32, #tpu.memory_space<vmem>> -> memref<128xf32, #tpu.memory_space<vmem>>
        %get3A_392 = arith.constant 48 : index
        %get3A_393 = tpu.vector_load %get3A_391[%get3A_392] {strides = array<i32>} : memref<128xf32, #tpu.memory_space<vmem>>, vector<16xf32>,
        %get3A_394 = vector.shape_cast %get3A_393 : vector<16xf32> to vector<16xf32>
        %add3A_395 = arith.addf %get3A_388, %get3A_394 : vector<16xf32>
        %max3A_396 = arith.constant 0.000000e+00 : f32
        %max3A_397 = vector.broadcast %max3A_396 : f32 to vector<16xf32>
        %max3A_398 = arith.maximumf %add3A_395, %max3A_397 : vector<16xf32>
        %mul3A_399 = arith.mulf %max3A_398, %get3A_117 : vector<16xf32>
        %add3A_400 = arith.addf %add3A_382, %mul3A_399 : vector<16xf32>
        %get3A_401 = arith.constant 0 : i32
        %get3A_402 = tpu.memref_slice %arg11[%and3A_86, %add3A_325, %get3A_401] : memref<4x80x128xf32, #tpu.memory_space<vmem>> -> memref<1x1x128xf32, #tpu.memory_space<vmem>>
        %get3A_403 = tpu.memref_squeeze %get3A_402 : memref<1x1x128xf32, #tpu.memory_space<vmem>> -> memref<128xf32, #tpu.memory_space<vmem>>
        %get3A_404 = arith.constant 64 : index
        %get3A_405 = tpu.vector_load %get3A_403[%get3A_404] {strides = array<i32>} : memref<128xf32, #tpu.memory_space<vmem>>, vector<16xf32>,
        %get3A_406 = vector.shape_cast %get3A_405 : vector<16xf32> to vector<16xf32>
        %get3A_407 = arith.constant 0 : i32
        %get3A_408 = tpu.memref_slice %arg12[%and3A_86, %add3A_329, %get3A_407] : memref<4x80x128xf32, #tpu.memory_space<vmem>> -> memref<1x1x128xf32, #tpu.memory_space<vmem>>
        %get3A_409 = tpu.memref_squeeze %get3A_408 : memref<1x1x128xf32, #tpu.memory_space<vmem>> -> memref<128xf32, #tpu.memory_space<vmem>>
        %get3A_410 = arith.constant 64 : index
        %get3A_411 = tpu.vector_load %get3A_409[%get3A_410] {strides = array<i32>} : memref<128xf32, #tpu.memory_space<vmem>>, vector<16xf32>,
        %get3A_412 = vector.shape_cast %get3A_411 : vector<16xf32> to vector<16xf32>
        %add3A_413 = arith.addf %get3A_406, %get3A_412 : vector<16xf32>
        %max3A_414 = arith.constant 0.000000e+00 : f32
        %max3A_415 = vector.broadcast %max3A_414 : f32 to vector<16xf32>
        %max3A_416 = arith.maximumf %add3A_413, %max3A_415 : vector<16xf32>
        %mul3A_417 = arith.mulf %max3A_416, %get3A_120 : vector<16xf32>
        %add3A_418 = arith.addf %add3A_400, %mul3A_417 : vector<16xf32>
        %get3A_419 = arith.constant 0 : i32
        %get3A_420 = tpu.memref_slice %arg11[%and3A_86, %add3A_325, %get3A_419] : memref<4x80x128xf32, #tpu.memory_space<vmem>> -> memref<1x1x128xf32, #tpu.memory_space<vmem>>
        %get3A_421 = tpu.memref_squeeze %get3A_420 : memref<1x1x128xf32, #tpu.memory_space<vmem>> -> memref<128xf32, #tpu.memory_space<vmem>>
        %get3A_422 = arith.constant 80 : index
        %get3A_423 = tpu.vector_load %get3A_421[%get3A_422] {strides = array<i32>} : memref<128xf32, #tpu.memory_space<vmem>>, vector<16xf32>,
        %get3A_424 = vector.shape_cast %get3A_423 : vector<16xf32> to vector<16xf32>
        %get3A_425 = arith.constant 0 : i32
        %get3A_426 = tpu.memref_slice %arg12[%and3A_86, %add3A_329, %get3A_425] : memref<4x80x128xf32, #tpu.memory_space<vmem>> -> memref<1x1x128xf32, #tpu.memory_space<vmem>>
        %get3A_427 = tpu.memref_squeeze %get3A_426 : memref<1x1x128xf32, #tpu.memory_space<vmem>> -> memref<128xf32, #tpu.memory_space<vmem>>
        %get3A_428 = arith.constant 80 : index
        %get3A_429 = tpu.vector_load %get3A_427[%get3A_428] {strides = array<i32>} : memref<128xf32, #tpu.memory_space<vmem>>, vector<16xf32>,
        %get3A_430 = vector.shape_cast %get3A_429 : vector<16xf32> to vector<16xf32>
        %add3A_431 = arith.addf %get3A_424, %get3A_430 : vector<16xf32>
        %max3A_432 = arith.constant 0.000000e+00 : f32
        %max3A_433 = vector.broadcast %max3A_432 : f32 to vector<16xf32>
        %max3A_434 = arith.maximumf %add3A_431, %max3A_433 : vector<16xf32>
        %mul3A_435 = arith.mulf %max3A_434, %get3A_123 : vector<16xf32>
        %add3A_436 = arith.addf %add3A_418, %mul3A_435 : vector<16xf32>
        %get3A_437 = arith.constant 0 : i32
        %get3A_438 = tpu.memref_slice %arg11[%and3A_86, %add3A_325, %get3A_437] : memref<4x80x128xf32, #tpu.memory_space<vmem>> -> memref<1x1x128xf32, #tpu.memory_space<vmem>>
        %get3A_439 = tpu.memref_squeeze %get3A_438 : memref<1x1x128xf32, #tpu.memory_space<vmem>> -> memref<128xf32, #tpu.memory_space<vmem>>
        %get3A_440 = arith.constant 96 : index
        %get3A_441 = tpu.vector_load %get3A_439[%get3A_440] {strides = array<i32>} : memref<128xf32, #tpu.memory_space<vmem>>, vector<16xf32>,
        %get3A_442 = vector.shape_cast %get3A_441 : vector<16xf32> to vector<16xf32>
        %get3A_443 = arith.constant 0 : i32
        %get3A_444 = tpu.memref_slice %arg12[%and3A_86, %add3A_329, %get3A_443] : memref<4x80x128xf32, #tpu.memory_space<vmem>> -> memref<1x1x128xf32, #tpu.memory_space<vmem>>
        %get3A_445 = tpu.memref_squeeze %get3A_444 : memref<1x1x128xf32, #tpu.memory_space<vmem>> -> memref<128xf32, #tpu.memory_space<vmem>>
        %get3A_446 = arith.constant 96 : index
        %get3A_447 = tpu.vector_load %get3A_445[%get3A_446] {strides = array<i32>} : memref<128xf32, #tpu.memory_space<vmem>>, vector<16xf32>,
        %get3A_448 = vector.shape_cast %get3A_447 : vector<16xf32> to vector<16xf32>
        %add3A_449 = arith.addf %get3A_442, %get3A_448 : vector<16xf32>
        %max3A_450 = arith.constant 0.000000e+00 : f32
        %max3A_451 = vector.broadcast %max3A_450 : f32 to vector<16xf32>
        %max3A_452 = arith.maximumf %add3A_449, %max3A_451 : vector<16xf32>
        %mul3A_453 = arith.mulf %max3A_452, %get3A_126 : vector<16xf32>
        %add3A_454 = arith.addf %add3A_436, %mul3A_453 : vector<16xf32>
        %get3A_455 = arith.constant 0 : i32
        %get3A_456 = tpu.memref_slice %arg11[%and3A_86, %add3A_325, %get3A_455] : memref<4x80x128xf32, #tpu.memory_space<vmem>> -> memref<1x1x128xf32, #tpu.memory_space<vmem>>
        %get3A_457 = tpu.memref_squeeze %get3A_456 : memref<1x1x128xf32, #tpu.memory_space<vmem>> -> memref<128xf32, #tpu.memory_space<vmem>>
        %get3A_458 = arith.constant 112 : index
        %get3A_459 = tpu.vector_load %get3A_457[%get3A_458] {strides = array<i32>} : memref<128xf32, #tpu.memory_space<vmem>>, vector<16xf32>,
        %get3A_460 = vector.shape_cast %get3A_459 : vector<16xf32> to vector<16xf32>
        %get3A_461 = arith.constant 0 : i32
        %get3A_462 = tpu.memref_slice %arg12[%and3A_86, %add3A_329, %get3A_461] : memref<4x80x128xf32, #tpu.memory_space<vmem>> -> memref<1x1x128xf32, #tpu.memory_space<vmem>>
        %get3A_463 = tpu.memref_squeeze %get3A_462 : memref<1x1x128xf32, #tpu.memory_space<vmem>> -> memref<128xf32, #tpu.memory_space<vmem>>
        %get3A_464 = arith.constant 112 : index
        %get3A_465 = tpu.vector_load %get3A_463[%get3A_464] {strides = array<i32>} : memref<128xf32, #tpu.memory_space<vmem>>, vector<16xf32>,
        %get3A_466 = vector.shape_cast %get3A_465 : vector<16xf32> to vector<16xf32>
        %add3A_467 = arith.addf %get3A_460, %get3A_466 : vector<16xf32>
        %max3A_468 = arith.constant 0.000000e+00 : f32
        %max3A_469 = vector.broadcast %max3A_468 : f32 to vector<16xf32>
        %max3A_470 = arith.maximumf %add3A_467, %max3A_469 : vector<16xf32>
        %mul3A_471 = arith.mulf %max3A_470, %get3A_129 : vector<16xf32>
        %add3A_472 = arith.addf %add3A_454, %mul3A_471 : vector<16xf32>
        %mul3A_473 = arith.constant 16 : i32
        %mul3A_474 = arith.muli %scan3A_171, %mul3A_473 : i32
        %add3A_475 = arith.constant 2 : i32
        %add3A_476 = arith.addi %mul3A_474, %add3A_475 : i32
        %mul3A_477 = arith.constant 16 : i32
        %mul3A_478 = arith.muli %scan3A_171, %mul3A_477 : i32
        %add3A_479 = arith.constant 2 : i32
        %add3A_480 = arith.addi %mul3A_478, %add3A_479 : i32
        %get3A_481 = arith.constant 0 : i32
        %get3A_482 = tpu.memref_slice %arg11[%and3A_86, %add3A_476, %get3A_481] : memref<4x80x128xf32, #tpu.memory_space<vmem>> -> memref<1x1x128xf32, #tpu.memory_space<vmem>>
        %get3A_483 = tpu.memref_squeeze %get3A_482 : memref<1x1x128xf32, #tpu.memory_space<vmem>> -> memref<128xf32, #tpu.memory_space<vmem>>
        %get3A_484 = arith.constant 0 : index
        %get3A_485 = tpu.vector_load %get3A_483[%get3A_484] {strides = array<i32>} : memref<128xf32, #tpu.memory_space<vmem>>, vector<16xf32>,
        %get3A_486 = vector.shape_cast %get3A_485 : vector<16xf32> to vector<16xf32>
        %get3A_487 = arith.constant 0 : i32
        %get3A_488 = tpu.memref_slice %arg12[%and3A_86, %add3A_480, %get3A_487] : memref<4x80x128xf32, #tpu.memory_space<vmem>> -> memref<1x1x128xf32, #tpu.memory_space<vmem>>
        %get3A_489 = tpu.memref_squeeze %get3A_488 : memref<1x1x128xf32, #tpu.memory_space<vmem>> -> memref<128xf32, #tpu.memory_space<vmem>>
        %get3A_490 = arith.constant 0 : index
        %get3A_491 = tpu.vector_load %get3A_489[%get3A_490] {strides = array<i32>} : memref<128xf32, #tpu.memory_space<vmem>>, vector<16xf32>,
        %get3A_492 = vector.shape_cast %get3A_491 : vector<16xf32> to vector<16xf32>
        %add3A_493 = arith.addf %get3A_486, %get3A_492 : vector<16xf32>
        %max3A_494 = arith.constant 0.000000e+00 : f32
        %max3A_495 = vector.broadcast %max3A_494 : f32 to vector<16xf32>
        %max3A_496 = arith.maximumf %add3A_493, %max3A_495 : vector<16xf32>
        %mul3A_497 = arith.mulf %max3A_496, %get3A_108 : vector<16xf32>
        %get3A_498 = arith.constant 0 : i32
        %get3A_499 = tpu.memref_slice %arg11[%and3A_86, %add3A_476, %get3A_498] : memref<4x80x128xf32, #tpu.memory_space<vmem>> -> memref<1x1x128xf32, #tpu.memory_space<vmem>>
        %get3A_500 = tpu.memref_squeeze %get3A_499 : memref<1x1x128xf32, #tpu.memory_space<vmem>> -> memref<128xf32, #tpu.memory_space<vmem>>
        %get3A_501 = arith.constant 16 : index
        %get3A_502 = tpu.vector_load %get3A_500[%get3A_501] {strides = array<i32>} : memref<128xf32, #tpu.memory_space<vmem>>, vector<16xf32>,
        %get3A_503 = vector.shape_cast %get3A_502 : vector<16xf32> to vector<16xf32>
        %get3A_504 = arith.constant 0 : i32
        %get3A_505 = tpu.memref_slice %arg12[%and3A_86, %add3A_480, %get3A_504] : memref<4x80x128xf32, #tpu.memory_space<vmem>> -> memref<1x1x128xf32, #tpu.memory_space<vmem>>
        %get3A_506 = tpu.memref_squeeze %get3A_505 : memref<1x1x128xf32, #tpu.memory_space<vmem>> -> memref<128xf32, #tpu.memory_space<vmem>>
        %get3A_507 = arith.constant 16 : index
        %get3A_508 = tpu.vector_load %get3A_506[%get3A_507] {strides = array<i32>} : memref<128xf32, #tpu.memory_space<vmem>>, vector<16xf32>,
        %get3A_509 = vector.shape_cast %get3A_508 : vector<16xf32> to vector<16xf32>
        %add3A_510 = arith.addf %get3A_503, %get3A_509 : vector<16xf32>
        %max3A_511 = arith.constant 0.000000e+00 : f32
        %max3A_512 = vector.broadcast %max3A_511 : f32 to vector<16xf32>
        %max3A_513 = arith.maximumf %add3A_510, %max3A_512 : vector<16xf32>
        %mul3A_514 = arith.mulf %max3A_513, %get3A_111 : vector<16xf32>
        %add3A_515 = arith.addf %mul3A_497, %mul3A_514 : vector<16xf32>
        %get3A_516 = arith.constant 0 : i32
        %get3A_517 = tpu.memref_slice %arg11[%and3A_86, %add3A_476, %get3A_516] : memref<4x80x128xf32, #tpu.memory_space<vmem>> -> memref<1x1x128xf32, #tpu.memory_space<vmem>>
        %get3A_518 = tpu.memref_squeeze %get3A_517 : memref<1x1x128xf32, #tpu.memory_space<vmem>> -> memref<128xf32, #tpu.memory_space<vmem>>
        %get3A_519 = arith.constant 32 : index
        %get3A_520 = tpu.vector_load %get3A_518[%get3A_519] {strides = array<i32>} : memref<128xf32, #tpu.memory_space<vmem>>, vector<16xf32>,
        %get3A_521 = vector.shape_cast %get3A_520 : vector<16xf32> to vector<16xf32>
        %get3A_522 = arith.constant 0 : i32
        %get3A_523 = tpu.memref_slice %arg12[%and3A_86, %add3A_480, %get3A_522] : memref<4x80x128xf32, #tpu.memory_space<vmem>> -> memref<1x1x128xf32, #tpu.memory_space<vmem>>
        %get3A_524 = tpu.memref_squeeze %get3A_523 : memref<1x1x128xf32, #tpu.memory_space<vmem>> -> memref<128xf32, #tpu.memory_space<vmem>>
        %get3A_525 = arith.constant 32 : index
        %get3A_526 = tpu.vector_load %get3A_524[%get3A_525] {strides = array<i32>} : memref<128xf32, #tpu.memory_space<vmem>>, vector<16xf32>,
        %get3A_527 = vector.shape_cast %get3A_526 : vector<16xf32> to vector<16xf32>
        %add3A_528 = arith.addf %get3A_521, %get3A_527 : vector<16xf32>
        %max3A_529 = arith.constant 0.000000e+00 : f32
        %max3A_530 = vector.broadcast %max3A_529 : f32 to vector<16xf32>
        %max3A_531 = arith.maximumf %add3A_528, %max3A_530 : vector<16xf32>
        %mul3A_532 = arith.mulf %max3A_531, %get3A_114 : vector<16xf32>
        %add3A_533 = arith.addf %add3A_515, %mul3A_532 : vector<16xf32>
        %get3A_534 = arith.constant 0 : i32
        %get3A_535 = tpu.memref_slice %arg11[%and3A_86, %add3A_476, %get3A_534] : memref<4x80x128xf32, #tpu.memory_space<vmem>> -> memref<1x1x128xf32, #tpu.memory_space<vmem>>
        %get3A_536 = tpu.memref_squeeze %get3A_535 : memref<1x1x128xf32, #tpu.memory_space<vmem>> -> memref<128xf32, #tpu.memory_space<vmem>>
        %get3A_537 = arith.constant 48 : index
        %get3A_538 = tpu.vector_load %get3A_536[%get3A_537] {strides = array<i32>} : memref<128xf32, #tpu.memory_space<vmem>>, vector<16xf32>,
        %get3A_539 = vector.shape_cast %get3A_538 : vector<16xf32> to vector<16xf32>
        %get3A_540 = arith.constant 0 : i32
        %get3A_541 = tpu.memref_slice %arg12[%and3A_86, %add3A_480, %get3A_540] : memref<4x80x128xf32, #tpu.memory_space<vmem>> -> memref<1x1x128xf32, #tpu.memory_space<vmem>>
        %get3A_542 = tpu.memref_squeeze %get3A_541 : memref<1x1x128xf32, #tpu.memory_space<vmem>> -> memref<128xf32, #tpu.memory_space<vmem>>
        %get3A_543 = arith.constant 48 : index
        %get3A_544 = tpu.vector_load %get3A_542[%get3A_543] {strides = array<i32>} : memref<128xf32, #tpu.memory_space<vmem>>, vector<16xf32>,
        %get3A_545 = vector.shape_cast %get3A_544 : vector<16xf32> to vector<16xf32>
        %add3A_546 = arith.addf %get3A_539, %get3A_545 : vector<16xf32>
        %max3A_547 = arith.constant 0.000000e+00 : f32
        %max3A_548 = vector.broadcast %max3A_547 : f32 to vector<16xf32>
        %max3A_549 = arith.maximumf %add3A_546, %max3A_548 : vector<16xf32>
        %mul3A_550 = arith.mulf %max3A_549, %get3A_117 : vector<16xf32>
        %add3A_551 = arith.addf %add3A_533, %mul3A_550 : vector<16xf32>
        %get3A_552 = arith.constant 0 : i32
        %get3A_553 = tpu.memref_slice %arg11[%and3A_86, %add3A_476, %get3A_552] : memref<4x80x128xf32, #tpu.memory_space<vmem>> -> memref<1x1x128xf32, #tpu.memory_space<vmem>>
        %get3A_554 = tpu.memref_squeeze %get3A_553 : memref<1x1x128xf32, #tpu.memory_space<vmem>> -> memref<128xf32, #tpu.memory_space<vmem>>
        %get3A_555 = arith.constant 64 : index
        %get3A_556 = tpu.vector_load %get3A_554[%get3A_555] {strides = array<i32>} : memref<128xf32, #tpu.memory_space<vmem>>, vector<16xf32>,
        %get3A_557 = vector.shape_cast %get3A_556 : vector<16xf32> to vector<16xf32>
        %get3A_558 = arith.constant 0 : i32
        %get3A_559 = tpu.memref_slice %arg12[%and3A_86, %add3A_480, %get3A_558] : memref<4x80x128xf32, #tpu.memory_space<vmem>> -> memref<1x1x128xf32, #tpu.memory_space<vmem>>
        %get3A_560 = tpu.memref_squeeze %get3A_559 : memref<1x1x128xf32, #tpu.memory_space<vmem>> -> memref<128xf32, #tpu.memory_space<vmem>>
        %get3A_561 = arith.constant 64 : index
        %get3A_562 = tpu.vector_load %get3A_560[%get3A_561] {strides = array<i32>} : memref<128xf32, #tpu.memory_space<vmem>>, vector<16xf32>,
        %get3A_563 = vector.shape_cast %get3A_562 : vector<16xf32> to vector<16xf32>
        %add3A_564 = arith.addf %get3A_557, %get3A_563 : vector<16xf32>
        %max3A_565 = arith.constant 0.000000e+00 : f32
        %max3A_566 = vector.broadcast %max3A_565 : f32 to vector<16xf32>
        %max3A_567 = arith.maximumf %add3A_564, %max3A_566 : vector<16xf32>
        %mul3A_568 = arith.mulf %max3A_567, %get3A_120 : vector<16xf32>
        %add3A_569 = arith.addf %add3A_551, %mul3A_568 : vector<16xf32>
        %get3A_570 = arith.constant 0 : i32
        %get3A_571 = tpu.memref_slice %arg11[%and3A_86, %add3A_476, %get3A_570] : memref<4x80x128xf32, #tpu.memory_space<vmem>> -> memref<1x1x128xf32, #tpu.memory_space<vmem>>
        %get3A_572 = tpu.memref_squeeze %get3A_571 : memref<1x1x128xf32, #tpu.memory_space<vmem>> -> memref<128xf32, #tpu.memory_space<vmem>>
        %get3A_573 = arith.constant 80 : index
        %get3A_574 = tpu.vector_load %get3A_572[%get3A_573] {strides = array<i32>} : memref<128xf32, #tpu.memory_space<vmem>>, vector<16xf32>,
        %get3A_575 = vector.shape_cast %get3A_574 : vector<16xf32> to vector<16xf32>
        %get3A_576 = arith.constant 0 : i32
        %get3A_577 = tpu.memref_slice %arg12[%and3A_86, %add3A_480, %get3A_576] : memref<4x80x128xf32, #tpu.memory_space<vmem>> -> memref<1x1x128xf32, #tpu.memory_space<vmem>>
        %get3A_578 = tpu.memref_squeeze %get3A_577 : memref<1x1x128xf32, #tpu.memory_space<vmem>> -> memref<128xf32, #tpu.memory_space<vmem>>
        %get3A_579 = arith.constant 80 : index
        %get3A_580 = tpu.vector_load %get3A_578[%get3A_579] {strides = array<i32>} : memref<128xf32, #tpu.memory_space<vmem>>, vector<16xf32>,
        %get3A_581 = vector.shape_cast %get3A_580 : vector<16xf32> to vector<16xf32>
        %add3A_582 = arith.addf %get3A_575, %get3A_581 : vector<16xf32>
        %max3A_583 = arith.constant 0.000000e+00 : f32
        %max3A_584 = vector.broadcast %max3A_583 : f32 to vector<16xf32>
        %max3A_585 = arith.maximumf %add3A_582, %max3A_584 : vector<16xf32>
        %mul3A_586 = arith.mulf %max3A_585, %get3A_123 : vector<16xf32>
        %add3A_587 = arith.addf %add3A_569, %mul3A_586 : vector<16xf32>
        %get3A_588 = arith.constant 0 : i32
        %get3A_589 = tpu.memref_slice %arg11[%and3A_86, %add3A_476, %get3A_588] : memref<4x80x128xf32, #tpu.memory_space<vmem>> -> memref<1x1x128xf32, #tpu.memory_space<vmem>>
        %get3A_590 = tpu.memref_squeeze %get3A_589 : memref<1x1x128xf32, #tpu.memory_space<vmem>> -> memref<128xf32, #tpu.memory_space<vmem>>
        %get3A_591 = arith.constant 96 : index
        %get3A_592 = tpu.vector_load %get3A_590[%get3A_591] {strides = array<i32>} : memref<128xf32, #tpu.memory_space<vmem>>, vector<16xf32>,
        %get3A_593 = vector.shape_cast %get3A_592 : vector<16xf32> to vector<16xf32>
        %get3A_594 = arith.constant 0 : i32
        %get3A_595 = tpu.memref_slice %arg12[%and3A_86, %add3A_480, %get3A_594] : memref<4x80x128xf32, #tpu.memory_space<vmem>> -> memref<1x1x128xf32, #tpu.memory_space<vmem>>
        %get3A_596 = tpu.memref_squeeze %get3A_595 : memref<1x1x128xf32, #tpu.memory_space<vmem>> -> memref<128xf32, #tpu.memory_space<vmem>>
        %get3A_597 = arith.constant 96 : index
        %get3A_598 = tpu.vector_load %get3A_596[%get3A_597] {strides = array<i32>} : memref<128xf32, #tpu.memory_space<vmem>>, vector<16xf32>,
        %get3A_599 = vector.shape_cast %get3A_598 : vector<16xf32> to vector<16xf32>
        %add3A_600 = arith.addf %get3A_593, %get3A_599 : vector<16xf32>
        %max3A_601 = arith.constant 0.000000e+00 : f32
        %max3A_602 = vector.broadcast %max3A_601 : f32 to vector<16xf32>
        %max3A_603 = arith.maximumf %add3A_600, %max3A_602 : vector<16xf32>
        %mul3A_604 = arith.mulf %max3A_603, %get3A_126 : vector<16xf32>
        %add3A_605 = arith.addf %add3A_587, %mul3A_604 : vector<16xf32>
        %get3A_606 = arith.constant 0 : i32
        %get3A_607 = tpu.memref_slice %arg11[%and3A_86, %add3A_476, %get3A_606] : memref<4x80x128xf32, #tpu.memory_space<vmem>> -> memref<1x1x128xf32, #tpu.memory_space<vmem>>
        %get3A_608 = tpu.memref_squeeze %get3A_607 : memref<1x1x128xf32, #tpu.memory_space<vmem>> -> memref<128xf32, #tpu.memory_space<vmem>>
        %get3A_609 = arith.constant 112 : index
        %get3A_610 = tpu.vector_load %get3A_608[%get3A_609] {strides = array<i32>} : memref<128xf32, #tpu.memory_space<vmem>>, vector<16xf32>,
        %get3A_611 = vector.shape_cast %get3A_610 : vector<16xf32> to vector<16xf32>
        %get3A_612 = arith.constant 0 : i32
        %get3A_613 = tpu.memref_slice %arg12[%and3A_86, %add3A_480, %get3A_612] : memref<4x80x128xf32, #tpu.memory_space<vmem>> -> memref<1x1x128xf32, #tpu.memory_space<vmem>>
        %get3A_614 = tpu.memref_squeeze %get3A_613 : memref<1x1x128xf32, #tpu.memory_space<vmem>> -> memref<128xf32, #tpu.memory_space<vmem>>
        %get3A_615 = arith.constant 112 : index
        %get3A_616 = tpu.vector_load %get3A_614[%get3A_615] {strides = array<i32>} : memref<128xf32, #tpu.memory_space<vmem>>, vector<16xf32>,
        %get3A_617 = vector.shape_cast %get3A_616 : vector<16xf32> to vector<16xf32>
        %add3A_618 = arith.addf %get3A_611, %get3A_617 : vector<16xf32>
        %max3A_619 = arith.constant 0.000000e+00 : f32
        %max3A_620 = vector.broadcast %max3A_619 : f32 to vector<16xf32>
        %max3A_621 = arith.maximumf %add3A_618, %max3A_620 : vector<16xf32>
        %mul3A_622 = arith.mulf %max3A_621, %get3A_129 : vector<16xf32>
        %add3A_623 = arith.addf %add3A_605, %mul3A_622 : vector<16xf32>
        %mul3A_624 = arith.constant 16 : i32
        %mul3A_625 = arith.muli %scan3A_171, %mul3A_624 : i32
        %add3A_626 = arith.constant 3 : i32
        %add3A_627 = arith.addi %mul3A_625, %add3A_626 : i32
        %mul3A_628 = arith.constant 16 : i32
        %mul3A_629 = arith.muli %scan3A_171, %mul3A_628 : i32
        %add3A_630 = arith.constant 3 : i32
        %add3A_631 = arith.addi %mul3A_629, %add3A_630 : i32
        %get3A_632 = arith.constant 0 : i32
        %get3A_633 = tpu.memref_slice %arg11[%and3A_86, %add3A_627, %get3A_632] : memref<4x80x128xf32, #tpu.memory_space<vmem>> -> memref<1x1x128xf32, #tpu.memory_space<vmem>>
        %get3A_634 = tpu.memref_squeeze %get3A_633 : memref<1x1x128xf32, #tpu.memory_space<vmem>> -> memref<128xf32, #tpu.memory_space<vmem>>
        %get3A_635 = arith.constant 0 : index
        %get3A_636 = tpu.vector_load %get3A_634[%get3A_635] {strides = array<i32>} : memref<128xf32, #tpu.memory_space<vmem>>, vector<16xf32>,
        %get3A_637 = vector.shape_cast %get3A_636 : vector<16xf32> to vector<16xf32>
        %get3A_638 = arith.constant 0 : i32
        %get3A_639 = tpu.memref_slice %arg12[%and3A_86, %add3A_631, %get3A_638] : memref<4x80x128xf32, #tpu.memory_space<vmem>> -> memref<1x1x128xf32, #tpu.memory_space<vmem>>
        %get3A_640 = tpu.memref_squeeze %get3A_639 : memref<1x1x128xf32, #tpu.memory_space<vmem>> -> memref<128xf32, #tpu.memory_space<vmem>>
        %get3A_641 = arith.constant 0 : index
        %get3A_642 = tpu.vector_load %get3A_640[%get3A_641] {strides = array<i32>} : memref<128xf32, #tpu.memory_space<vmem>>, vector<16xf32>,
        %get3A_643 = vector.shape_cast %get3A_642 : vector<16xf32> to vector<16xf32>
        %add3A_644 = arith.addf %get3A_637, %get3A_643 : vector<16xf32>
        %max3A_645 = arith.constant 0.000000e+00 : f32
        %max3A_646 = vector.broadcast %max3A_645 : f32 to vector<16xf32>
        %max3A_647 = arith.maximumf %add3A_644, %max3A_646 : vector<16xf32>
        %mul3A_648 = arith.mulf %max3A_647, %get3A_108 : vector<16xf32>
        %get3A_649 = arith.constant 0 : i32
        %get3A_650 = tpu.memref_slice %arg11[%and3A_86, %add3A_627, %get3A_649] : memref<4x80x128xf32, #tpu.memory_space<vmem>> -> memref<1x1x128xf32, #tpu.memory_space<vmem>>
        %get3A_651 = tpu.memref_squeeze %get3A_650 : memref<1x1x128xf32, #tpu.memory_space<vmem>> -> memref<128xf32, #tpu.memory_space<vmem>>
        %get3A_652 = arith.constant 16 : index
        %get3A_653 = tpu.vector_load %get3A_651[%get3A_652] {strides = array<i32>} : memref<128xf32, #tpu.memory_space<vmem>>, vector<16xf32>,
        %get3A_654 = vector.shape_cast %get3A_653 : vector<16xf32> to vector<16xf32>
        %get3A_655 = arith.constant 0 : i32
        %get3A_656 = tpu.memref_slice %arg12[%and3A_86, %add3A_631, %get3A_655] : memref<4x80x128xf32, #tpu.memory_space<vmem>> -> memref<1x1x128xf32, #tpu.memory_space<vmem>>
        %get3A_657 = tpu.memref_squeeze %get3A_656 : memref<1x1x128xf32, #tpu.memory_space<vmem>> -> memref<128xf32, #tpu.memory_space<vmem>>
        %get3A_658 = arith.constant 16 : index
        %get3A_659 = tpu.vector_load %get3A_657[%get3A_658] {strides = array<i32>} : memref<128xf32, #tpu.memory_space<vmem>>, vector<16xf32>,
        %get3A_660 = vector.shape_cast %get3A_659 : vector<16xf32> to vector<16xf32>
        %add3A_661 = arith.addf %get3A_654, %get3A_660 : vector<16xf32>
        %max3A_662 = arith.constant 0.000000e+00 : f32
        %max3A_663 = vector.broadcast %max3A_662 : f32 to vector<16xf32>
        %max3A_664 = arith.maximumf %add3A_661, %max3A_663 : vector<16xf32>
        %mul3A_665 = arith.mulf %max3A_664, %get3A_111 : vector<16xf32>
        %add3A_666 = arith.addf %mul3A_648, %mul3A_665 : vector<16xf32>
        %get3A_667 = arith.constant 0 : i32
        %get3A_668 = tpu.memref_slice %arg11[%and3A_86, %add3A_627, %get3A_667] : memref<4x80x128xf32, #tpu.memory_space<vmem>> -> memref<1x1x128xf32, #tpu.memory_space<vmem>>
        %get3A_669 = tpu.memref_squeeze %get3A_668 : memref<1x1x128xf32, #tpu.memory_space<vmem>> -> memref<128xf32, #tpu.memory_space<vmem>>
        %get3A_670 = arith.constant 32 : index
        %get3A_671 = tpu.vector_load %get3A_669[%get3A_670] {strides = array<i32>} : memref<128xf32, #tpu.memory_space<vmem>>, vector<16xf32>,
        %get3A_672 = vector.shape_cast %get3A_671 : vector<16xf32> to vector<16xf32>
        %get3A_673 = arith.constant 0 : i32
        %get3A_674 = tpu.memref_slice %arg12[%and3A_86, %add3A_631, %get3A_673] : memref<4x80x128xf32, #tpu.memory_space<vmem>> -> memref<1x1x128xf32, #tpu.memory_space<vmem>>
        %get3A_675 = tpu.memref_squeeze %get3A_674 : memref<1x1x128xf32, #tpu.memory_space<vmem>> -> memref<128xf32, #tpu.memory_space<vmem>>
        %get3A_676 = arith.constant 32 : index
        %get3A_677 = tpu.vector_load %get3A_675[%get3A_676] {strides = array<i32>} : memref<128xf32, #tpu.memory_space<vmem>>, vector<16xf32>,
        %get3A_678 = vector.shape_cast %get3A_677 : vector<16xf32> to vector<16xf32>
        %add3A_679 = arith.addf %get3A_672, %get3A_678 : vector<16xf32>
        %max3A_680 = arith.constant 0.000000e+00 : f32
        %max3A_681 = vector.broadcast %max3A_680 : f32 to vector<16xf32>
        %max3A_682 = arith.maximumf %add3A_679, %max3A_681 : vector<16xf32>
        %mul3A_683 = arith.mulf %max3A_682, %get3A_114 : vector<16xf32>
        %add3A_684 = arith.addf %add3A_666, %mul3A_683 : vector<16xf32>
        %get3A_685 = arith.constant 0 : i32
        %get3A_686 = tpu.memref_slice %arg11[%and3A_86, %add3A_627, %get3A_685] : memref<4x80x128xf32, #tpu.memory_space<vmem>> -> memref<1x1x128xf32, #tpu.memory_space<vmem>>
        %get3A_687 = tpu.memref_squeeze %get3A_686 : memref<1x1x128xf32, #tpu.memory_space<vmem>> -> memref<128xf32, #tpu.memory_space<vmem>>
        %get3A_688 = arith.constant 48 : index
        %get3A_689 = tpu.vector_load %get3A_687[%get3A_688] {strides = array<i32>} : memref<128xf32, #tpu.memory_space<vmem>>, vector<16xf32>,
        %get3A_690 = vector.shape_cast %get3A_689 : vector<16xf32> to vector<16xf32>
        %get3A_691 = arith.constant 0 : i32
        %get3A_692 = tpu.memref_slice %arg12[%and3A_86, %add3A_631, %get3A_691] : memref<4x80x128xf32, #tpu.memory_space<vmem>> -> memref<1x1x128xf32, #tpu.memory_space<vmem>>
        %get3A_693 = tpu.memref_squeeze %get3A_692 : memref<1x1x128xf32, #tpu.memory_space<vmem>> -> memref<128xf32, #tpu.memory_space<vmem>>
        %get3A_694 = arith.constant 48 : index
        %get3A_695 = tpu.vector_load %get3A_693[%get3A_694] {strides = array<i32>} : memref<128xf32, #tpu.memory_space<vmem>>, vector<16xf32>,
        %get3A_696 = vector.shape_cast %get3A_695 : vector<16xf32> to vector<16xf32>
        %add3A_697 = arith.addf %get3A_690, %get3A_696 : vector<16xf32>
        %max3A_698 = arith.constant 0.000000e+00 : f32
        %max3A_699 = vector.broadcast %max3A_698 : f32 to vector<16xf32>
        %max3A_700 = arith.maximumf %add3A_697, %max3A_699 : vector<16xf32>
        %mul3A_701 = arith.mulf %max3A_700, %get3A_117 : vector<16xf32>
        %add3A_702 = arith.addf %add3A_684, %mul3A_701 : vector<16xf32>
        %get3A_703 = arith.constant 0 : i32
        %get3A_704 = tpu.memref_slice %arg11[%and3A_86, %add3A_627, %get3A_703] : memref<4x80x128xf32, #tpu.memory_space<vmem>> -> memref<1x1x128xf32, #tpu.memory_space<vmem>>
        %get3A_705 = tpu.memref_squeeze %get3A_704 : memref<1x1x128xf32, #tpu.memory_space<vmem>> -> memref<128xf32, #tpu.memory_space<vmem>>
        %get3A_706 = arith.constant 64 : index
        %get3A_707 = tpu.vector_load %get3A_705[%get3A_706] {strides = array<i32>} : memref<128xf32, #tpu.memory_space<vmem>>, vector<16xf32>,
        %get3A_708 = vector.shape_cast %get3A_707 : vector<16xf32> to vector<16xf32>
        %get3A_709 = arith.constant 0 : i32
        %get3A_710 = tpu.memref_slice %arg12[%and3A_86, %add3A_631, %get3A_709] : memref<4x80x128xf32, #tpu.memory_space<vmem>> -> memref<1x1x128xf32, #tpu.memory_space<vmem>>
        %get3A_711 = tpu.memref_squeeze %get3A_710 : memref<1x1x128xf32, #tpu.memory_space<vmem>> -> memref<128xf32, #tpu.memory_space<vmem>>
        %get3A_712 = arith.constant 64 : index
        %get3A_713 = tpu.vector_load %get3A_711[%get3A_712] {strides = array<i32>} : memref<128xf32, #tpu.memory_space<vmem>>, vector<16xf32>,
        %get3A_714 = vector.shape_cast %get3A_713 : vector<16xf32> to vector<16xf32>
        %add3A_715 = arith.addf %get3A_708, %get3A_714 : vector<16xf32>
        %max3A_716 = arith.constant 0.000000e+00 : f32
        %max3A_717 = vector.broadcast %max3A_716 : f32 to vector<16xf32>
        %max3A_718 = arith.maximumf %add3A_715, %max3A_717 : vector<16xf32>
        %mul3A_719 = arith.mulf %max3A_718, %get3A_120 : vector<16xf32>
        %add3A_720 = arith.addf %add3A_702, %mul3A_719 : vector<16xf32>
        %get3A_721 = arith.constant 0 : i32
        %get3A_722 = tpu.memref_slice %arg11[%and3A_86, %add3A_627, %get3A_721] : memref<4x80x128xf32, #tpu.memory_space<vmem>> -> memref<1x1x128xf32, #tpu.memory_space<vmem>>
        %get3A_723 = tpu.memref_squeeze %get3A_722 : memref<1x1x128xf32, #tpu.memory_space<vmem>> -> memref<128xf32, #tpu.memory_space<vmem>>
        %get3A_724 = arith.constant 80 : index
        %get3A_725 = tpu.vector_load %get3A_723[%get3A_724] {strides = array<i32>} : memref<128xf32, #tpu.memory_space<vmem>>, vector<16xf32>,
        %get3A_726 = vector.shape_cast %get3A_725 : vector<16xf32> to vector<16xf32>
        %get3A_727 = arith.constant 0 : i32
        %get3A_728 = tpu.memref_slice %arg12[%and3A_86, %add3A_631, %get3A_727] : memref<4x80x128xf32, #tpu.memory_space<vmem>> -> memref<1x1x128xf32, #tpu.memory_space<vmem>>
        %get3A_729 = tpu.memref_squeeze %get3A_728 : memref<1x1x128xf32, #tpu.memory_space<vmem>> -> memref<128xf32, #tpu.memory_space<vmem>>
        %get3A_730 = arith.constant 80 : index
        %get3A_731 = tpu.vector_load %get3A_729[%get3A_730] {strides = array<i32>} : memref<128xf32, #tpu.memory_space<vmem>>, vector<16xf32>,
        %get3A_732 = vector.shape_cast %get3A_731 : vector<16xf32> to vector<16xf32>
        %add3A_733 = arith.addf %get3A_726, %get3A_732 : vector<16xf32>
        %max3A_734 = arith.constant 0.000000e+00 : f32
        %max3A_735 = vector.broadcast %max3A_734 : f32 to vector<16xf32>
        %max3A_736 = arith.maximumf %add3A_733, %max3A_735 : vector<16xf32>
        %mul3A_737 = arith.mulf %max3A_736, %get3A_123 : vector<16xf32>
        %add3A_738 = arith.addf %add3A_720, %mul3A_737 : vector<16xf32>
        %get3A_739 = arith.constant 0 : i32
        %get3A_740 = tpu.memref_slice %arg11[%and3A_86, %add3A_627, %get3A_739] : memref<4x80x128xf32, #tpu.memory_space<vmem>> -> memref<1x1x128xf32, #tpu.memory_space<vmem>>
        %get3A_741 = tpu.memref_squeeze %get3A_740 : memref<1x1x128xf32, #tpu.memory_space<vmem>> -> memref<128xf32, #tpu.memory_space<vmem>>
        %get3A_742 = arith.constant 96 : index
        %get3A_743 = tpu.vector_load %get3A_741[%get3A_742] {strides = array<i32>} : memref<128xf32, #tpu.memory_space<vmem>>, vector<16xf32>,
        %get3A_744 = vector.shape_cast %get3A_743 : vector<16xf32> to vector<16xf32>
        %get3A_745 = arith.constant 0 : i32
        %get3A_746 = tpu.memref_slice %arg12[%and3A_86, %add3A_631, %get3A_745] : memref<4x80x128xf32, #tpu.memory_space<vmem>> -> memref<1x1x128xf32, #tpu.memory_space<vmem>>
        %get3A_747 = tpu.memref_squeeze %get3A_746 : memref<1x1x128xf32, #tpu.memory_space<vmem>> -> memref<128xf32, #tpu.memory_space<vmem>>
        %get3A_748 = arith.constant 96 : index
        %get3A_749 = tpu.vector_load %get3A_747[%get3A_748] {strides = array<i32>} : memref<128xf32, #tpu.memory_space<vmem>>, vector<16xf32>,
        %get3A_750 = vector.shape_cast %get3A_749 : vector<16xf32> to vector<16xf32>
        %add3A_751 = arith.addf %get3A_744, %get3A_750 : vector<16xf32>
        %max3A_752 = arith.constant 0.000000e+00 : f32
        %max3A_753 = vector.broadcast %max3A_752 : f32 to vector<16xf32>
        %max3A_754 = arith.maximumf %add3A_751, %max3A_753 : vector<16xf32>
        %mul3A_755 = arith.mulf %max3A_754, %get3A_126 : vector<16xf32>
        %add3A_756 = arith.addf %add3A_738, %mul3A_755 : vector<16xf32>
        %get3A_757 = arith.constant 0 : i32
        %get3A_758 = tpu.memref_slice %arg11[%and3A_86, %add3A_627, %get3A_757] : memref<4x80x128xf32, #tpu.memory_space<vmem>> -> memref<1x1x128xf32, #tpu.memory_space<vmem>>
        %get3A_759 = tpu.memref_squeeze %get3A_758 : memref<1x1x128xf32, #tpu.memory_space<vmem>> -> memref<128xf32, #tpu.memory_space<vmem>>
        %get3A_760 = arith.constant 112 : index
        %get3A_761 = tpu.vector_load %get3A_759[%get3A_760] {strides = array<i32>} : memref<128xf32, #tpu.memory_space<vmem>>, vector<16xf32>,
        %get3A_762 = vector.shape_cast %get3A_761 : vector<16xf32> to vector<16xf32>
        %get3A_763 = arith.constant 0 : i32
        %get3A_764 = tpu.memref_slice %arg12[%and3A_86, %add3A_631, %get3A_763] : memref<4x80x128xf32, #tpu.memory_space<vmem>> -> memref<1x1x128xf32, #tpu.memory_space<vmem>>
        %get3A_765 = tpu.memref_squeeze %get3A_764 : memref<1x1x128xf32, #tpu.memory_space<vmem>> -> memref<128xf32, #tpu.memory_space<vmem>>
        %get3A_766 = arith.constant 112 : index
        %get3A_767 = tpu.vector_load %get3A_765[%get3A_766] {strides = array<i32>} : memref<128xf32, #tpu.memory_space<vmem>>, vector<16xf32>,
        %get3A_768 = vector.shape_cast %get3A_767 : vector<16xf32> to vector<16xf32>
        %add3A_769 = arith.addf %get3A_762, %get3A_768 : vector<16xf32>
        %max3A_770 = arith.constant 0.000000e+00 : f32
        %max3A_771 = vector.broadcast %max3A_770 : f32 to vector<16xf32>
        %max3A_772 = arith.maximumf %add3A_769, %max3A_771 : vector<16xf32>
        %mul3A_773 = arith.mulf %max3A_772, %get3A_129 : vector<16xf32>
        %add3A_774 = arith.addf %add3A_756, %mul3A_773 : vector<16xf32>
        %mul3A_775 = arith.constant 16 : i32
        %mul3A_776 = arith.muli %scan3A_171, %mul3A_775 : i32
        %add3A_777 = arith.constant 4 : i32
        %add3A_778 = arith.addi %mul3A_776, %add3A_777 : i32
        %mul3A_779 = arith.constant 16 : i32
        %mul3A_780 = arith.muli %scan3A_171, %mul3A_779 : i32
        %add3A_781 = arith.constant 4 : i32
        %add3A_782 = arith.addi %mul3A_780, %add3A_781 : i32
        %get3A_783 = arith.constant 0 : i32
        %get3A_784 = tpu.memref_slice %arg11[%and3A_86, %add3A_778, %get3A_783] : memref<4x80x128xf32, #tpu.memory_space<vmem>> -> memref<1x1x128xf32, #tpu.memory_space<vmem>>
        %get3A_785 = tpu.memref_squeeze %get3A_784 : memref<1x1x128xf32, #tpu.memory_space<vmem>> -> memref<128xf32, #tpu.memory_space<vmem>>
        %get3A_786 = arith.constant 0 : index
        %get3A_787 = tpu.vector_load %get3A_785[%get3A_786] {strides = array<i32>} : memref<128xf32, #tpu.memory_space<vmem>>, vector<16xf32>,
        %get3A_788 = vector.shape_cast %get3A_787 : vector<16xf32> to vector<16xf32>
        %get3A_789 = arith.constant 0 : i32
        %get3A_790 = tpu.memref_slice %arg12[%and3A_86, %add3A_782, %get3A_789] : memref<4x80x128xf32, #tpu.memory_space<vmem>> -> memref<1x1x128xf32, #tpu.memory_space<vmem>>
        %get3A_791 = tpu.memref_squeeze %get3A_790 : memref<1x1x128xf32, #tpu.memory_space<vmem>> -> memref<128xf32, #tpu.memory_space<vmem>>
        %get3A_792 = arith.constant 0 : index
        %get3A_793 = tpu.vector_load %get3A_791[%get3A_792] {strides = array<i32>} : memref<128xf32, #tpu.memory_space<vmem>>, vector<16xf32>,
        %get3A_794 = vector.shape_cast %get3A_793 : vector<16xf32> to vector<16xf32>
        %add3A_795 = arith.addf %get3A_788, %get3A_794 : vector<16xf32>
        %max3A_796 = arith.constant 0.000000e+00 : f32
        %max3A_797 = vector.broadcast %max3A_796 : f32 to vector<16xf32>
        %max3A_798 = arith.maximumf %add3A_795, %max3A_797 : vector<16xf32>
        %mul3A_799 = arith.mulf %max3A_798, %get3A_108 : vector<16xf32>
        %get3A_800 = arith.constant 0 : i32
        %get3A_801 = tpu.memref_slice %arg11[%and3A_86, %add3A_778, %get3A_800] : memref<4x80x128xf32, #tpu.memory_space<vmem>> -> memref<1x1x128xf32, #tpu.memory_space<vmem>>
        %get3A_802 = tpu.memref_squeeze %get3A_801 : memref<1x1x128xf32, #tpu.memory_space<vmem>> -> memref<128xf32, #tpu.memory_space<vmem>>
        %get3A_803 = arith.constant 16 : index
        %get3A_804 = tpu.vector_load %get3A_802[%get3A_803] {strides = array<i32>} : memref<128xf32, #tpu.memory_space<vmem>>, vector<16xf32>,
        %get3A_805 = vector.shape_cast %get3A_804 : vector<16xf32> to vector<16xf32>
        %get3A_806 = arith.constant 0 : i32
        %get3A_807 = tpu.memref_slice %arg12[%and3A_86, %add3A_782, %get3A_806] : memref<4x80x128xf32, #tpu.memory_space<vmem>> -> memref<1x1x128xf32, #tpu.memory_space<vmem>>
        %get3A_808 = tpu.memref_squeeze %get3A_807 : memref<1x1x128xf32, #tpu.memory_space<vmem>> -> memref<128xf32, #tpu.memory_space<vmem>>
        %get3A_809 = arith.constant 16 : index
        %get3A_810 = tpu.vector_load %get3A_808[%get3A_809] {strides = array<i32>} : memref<128xf32, #tpu.memory_space<vmem>>, vector<16xf32>,
        %get3A_811 = vector.shape_cast %get3A_810 : vector<16xf32> to vector<16xf32>
        %add3A_812 = arith.addf %get3A_805, %get3A_811 : vector<16xf32>
        %max3A_813 = arith.constant 0.000000e+00 : f32
        %max3A_814 = vector.broadcast %max3A_813 : f32 to vector<16xf32>
        %max3A_815 = arith.maximumf %add3A_812, %max3A_814 : vector<16xf32>
        %mul3A_816 = arith.mulf %max3A_815, %get3A_111 : vector<16xf32>
        %add3A_817 = arith.addf %mul3A_799, %mul3A_816 : vector<16xf32>
        %get3A_818 = arith.constant 0 : i32
        %get3A_819 = tpu.memref_slice %arg11[%and3A_86, %add3A_778, %get3A_818] : memref<4x80x128xf32, #tpu.memory_space<vmem>> -> memref<1x1x128xf32, #tpu.memory_space<vmem>>
        %get3A_820 = tpu.memref_squeeze %get3A_819 : memref<1x1x128xf32, #tpu.memory_space<vmem>> -> memref<128xf32, #tpu.memory_space<vmem>>
        %get3A_821 = arith.constant 32 : index
        %get3A_822 = tpu.vector_load %get3A_820[%get3A_821] {strides = array<i32>} : memref<128xf32, #tpu.memory_space<vmem>>, vector<16xf32>,
        %get3A_823 = vector.shape_cast %get3A_822 : vector<16xf32> to vector<16xf32>
        %get3A_824 = arith.constant 0 : i32
        %get3A_825 = tpu.memref_slice %arg12[%and3A_86, %add3A_782, %get3A_824] : memref<4x80x128xf32, #tpu.memory_space<vmem>> -> memref<1x1x128xf32, #tpu.memory_space<vmem>>
        %get3A_826 = tpu.memref_squeeze %get3A_825 : memref<1x1x128xf32, #tpu.memory_space<vmem>> -> memref<128xf32, #tpu.memory_space<vmem>>
        %get3A_827 = arith.constant 32 : index
        %get3A_828 = tpu.vector_load %get3A_826[%get3A_827] {strides = array<i32>} : memref<128xf32, #tpu.memory_space<vmem>>, vector<16xf32>,
        %get3A_829 = vector.shape_cast %get3A_828 : vector<16xf32> to vector<16xf32>
        %add3A_830 = arith.addf %get3A_823, %get3A_829 : vector<16xf32>
        %max3A_831 = arith.constant 0.000000e+00 : f32
        %max3A_832 = vector.broadcast %max3A_831 : f32 to vector<16xf32>
        %max3A_833 = arith.maximumf %add3A_830, %max3A_832 : vector<16xf32>
        %mul3A_834 = arith.mulf %max3A_833, %get3A_114 : vector<16xf32>
        %add3A_835 = arith.addf %add3A_817, %mul3A_834 : vector<16xf32>
        %get3A_836 = arith.constant 0 : i32
        %get3A_837 = tpu.memref_slice %arg11[%and3A_86, %add3A_778, %get3A_836] : memref<4x80x128xf32, #tpu.memory_space<vmem>> -> memref<1x1x128xf32, #tpu.memory_space<vmem>>
        %get3A_838 = tpu.memref_squeeze %get3A_837 : memref<1x1x128xf32, #tpu.memory_space<vmem>> -> memref<128xf32, #tpu.memory_space<vmem>>
        %get3A_839 = arith.constant 48 : index
        %get3A_840 = tpu.vector_load %get3A_838[%get3A_839] {strides = array<i32>} : memref<128xf32, #tpu.memory_space<vmem>>, vector<16xf32>,
        %get3A_841 = vector.shape_cast %get3A_840 : vector<16xf32> to vector<16xf32>
        %get3A_842 = arith.constant 0 : i32
        %get3A_843 = tpu.memref_slice %arg12[%and3A_86, %add3A_782, %get3A_842] : memref<4x80x128xf32, #tpu.memory_space<vmem>> -> memref<1x1x128xf32, #tpu.memory_space<vmem>>
        %get3A_844 = tpu.memref_squeeze %get3A_843 : memref<1x1x128xf32, #tpu.memory_space<vmem>> -> memref<128xf32, #tpu.memory_space<vmem>>
        %get3A_845 = arith.constant 48 : index
        %get3A_846 = tpu.vector_load %get3A_844[%get3A_845] {strides = array<i32>} : memref<128xf32, #tpu.memory_space<vmem>>, vector<16xf32>,
        %get3A_847 = vector.shape_cast %get3A_846 : vector<16xf32> to vector<16xf32>
        %add3A_848 = arith.addf %get3A_841, %get3A_847 : vector<16xf32>
        %max3A_849 = arith.constant 0.000000e+00 : f32
        %max3A_850 = vector.broadcast %max3A_849 : f32 to vector<16xf32>
        %max3A_851 = arith.maximumf %add3A_848, %max3A_850 : vector<16xf32>
        %mul3A_852 = arith.mulf %max3A_851, %get3A_117 : vector<16xf32>
        %add3A_853 = arith.addf %add3A_835, %mul3A_852 : vector<16xf32>
        %get3A_854 = arith.constant 0 : i32
        %get3A_855 = tpu.memref_slice %arg11[%and3A_86, %add3A_778, %get3A_854] : memref<4x80x128xf32, #tpu.memory_space<vmem>> -> memref<1x1x128xf32, #tpu.memory_space<vmem>>
        %get3A_856 = tpu.memref_squeeze %get3A_855 : memref<1x1x128xf32, #tpu.memory_space<vmem>> -> memref<128xf32, #tpu.memory_space<vmem>>
        %get3A_857 = arith.constant 64 : index
        %get3A_858 = tpu.vector_load %get3A_856[%get3A_857] {strides = array<i32>} : memref<128xf32, #tpu.memory_space<vmem>>, vector<16xf32>,
        %get3A_859 = vector.shape_cast %get3A_858 : vector<16xf32> to vector<16xf32>
        %get3A_860 = arith.constant 0 : i32
        %get3A_861 = tpu.memref_slice %arg12[%and3A_86, %add3A_782, %get3A_860] : memref<4x80x128xf32, #tpu.memory_space<vmem>> -> memref<1x1x128xf32, #tpu.memory_space<vmem>>
        %get3A_862 = tpu.memref_squeeze %get3A_861 : memref<1x1x128xf32, #tpu.memory_space<vmem>> -> memref<128xf32, #tpu.memory_space<vmem>>
        %get3A_863 = arith.constant 64 : index
        %get3A_864 = tpu.vector_load %get3A_862[%get3A_863] {strides = array<i32>} : memref<128xf32, #tpu.memory_space<vmem>>, vector<16xf32>,
        %get3A_865 = vector.shape_cast %get3A_864 : vector<16xf32> to vector<16xf32>
        %add3A_866 = arith.addf %get3A_859, %get3A_865 : vector<16xf32>
        %max3A_867 = arith.constant 0.000000e+00 : f32
        %max3A_868 = vector.broadcast %max3A_867 : f32 to vector<16xf32>
        %max3A_869 = arith.maximumf %add3A_866, %max3A_868 : vector<16xf32>
        %mul3A_870 = arith.mulf %max3A_869, %get3A_120 : vector<16xf32>
        %add3A_871 = arith.addf %add3A_853, %mul3A_870 : vector<16xf32>
        %get3A_872 = arith.constant 0 : i32
        %get3A_873 = tpu.memref_slice %arg11[%and3A_86, %add3A_778, %get3A_872] : memref<4x80x128xf32, #tpu.memory_space<vmem>> -> memref<1x1x128xf32, #tpu.memory_space<vmem>>
        %get3A_874 = tpu.memref_squeeze %get3A_873 : memref<1x1x128xf32, #tpu.memory_space<vmem>> -> memref<128xf32, #tpu.memory_space<vmem>>
        %get3A_875 = arith.constant 80 : index
        %get3A_876 = tpu.vector_load %get3A_874[%get3A_875] {strides = array<i32>} : memref<128xf32, #tpu.memory_space<vmem>>, vector<16xf32>,
        %get3A_877 = vector.shape_cast %get3A_876 : vector<16xf32> to vector<16xf32>
        %get3A_878 = arith.constant 0 : i32
        %get3A_879 = tpu.memref_slice %arg12[%and3A_86, %add3A_782, %get3A_878] : memref<4x80x128xf32, #tpu.memory_space<vmem>> -> memref<1x1x128xf32, #tpu.memory_space<vmem>>
        %get3A_880 = tpu.memref_squeeze %get3A_879 : memref<1x1x128xf32, #tpu.memory_space<vmem>> -> memref<128xf32, #tpu.memory_space<vmem>>
        %get3A_881 = arith.constant 80 : index
        %get3A_882 = tpu.vector_load %get3A_880[%get3A_881] {strides = array<i32>} : memref<128xf32, #tpu.memory_space<vmem>>, vector<16xf32>,
        %get3A_883 = vector.shape_cast %get3A_882 : vector<16xf32> to vector<16xf32>
        %add3A_884 = arith.addf %get3A_877, %get3A_883 : vector<16xf32>
        %max3A_885 = arith.constant 0.000000e+00 : f32
        %max3A_886 = vector.broadcast %max3A_885 : f32 to vector<16xf32>
        %max3A_887 = arith.maximumf %add3A_884, %max3A_886 : vector<16xf32>
        %mul3A_888 = arith.mulf %max3A_887, %get3A_123 : vector<16xf32>
        %add3A_889 = arith.addf %add3A_871, %mul3A_888 : vector<16xf32>
        %get3A_890 = arith.constant 0 : i32
        %get3A_891 = tpu.memref_slice %arg11[%and3A_86, %add3A_778, %get3A_890] : memref<4x80x128xf32, #tpu.memory_space<vmem>> -> memref<1x1x128xf32, #tpu.memory_space<vmem>>
        %get3A_892 = tpu.memref_squeeze %get3A_891 : memref<1x1x128xf32, #tpu.memory_space<vmem>> -> memref<128xf32, #tpu.memory_space<vmem>>
        %get3A_893 = arith.constant 96 : index
        %get3A_894 = tpu.vector_load %get3A_892[%get3A_893] {strides = array<i32>} : memref<128xf32, #tpu.memory_space<vmem>>, vector<16xf32>,
        %get3A_895 = vector.shape_cast %get3A_894 : vector<16xf32> to vector<16xf32>
        %get3A_896 = arith.constant 0 : i32
        %get3A_897 = tpu.memref_slice %arg12[%and3A_86, %add3A_782, %get3A_896] : memref<4x80x128xf32, #tpu.memory_space<vmem>> -> memref<1x1x128xf32, #tpu.memory_space<vmem>>
        %get3A_898 = tpu.memref_squeeze %get3A_897 : memref<1x1x128xf32, #tpu.memory_space<vmem>> -> memref<128xf32, #tpu.memory_space<vmem>>
        %get3A_899 = arith.constant 96 : index
        %get3A_900 = tpu.vector_load %get3A_898[%get3A_899] {strides = array<i32>} : memref<128xf32, #tpu.memory_space<vmem>>, vector<16xf32>,
        %get3A_901 = vector.shape_cast %get3A_900 : vector<16xf32> to vector<16xf32>
        %add3A_902 = arith.addf %get3A_895, %get3A_901 : vector<16xf32>
        %max3A_903 = arith.constant 0.000000e+00 : f32
        %max3A_904 = vector.broadcast %max3A_903 : f32 to vector<16xf32>
        %max3A_905 = arith.maximumf %add3A_902, %max3A_904 : vector<16xf32>
        %mul3A_906 = arith.mulf %max3A_905, %get3A_126 : vector<16xf32>
        %add3A_907 = arith.addf %add3A_889, %mul3A_906 : vector<16xf32>
        %get3A_908 = arith.constant 0 : i32
        %get3A_909 = tpu.memref_slice %arg11[%and3A_86, %add3A_778, %get3A_908] : memref<4x80x128xf32, #tpu.memory_space<vmem>> -> memref<1x1x128xf32, #tpu.memory_space<vmem>>
        %get3A_910 = tpu.memref_squeeze %get3A_909 : memref<1x1x128xf32, #tpu.memory_space<vmem>> -> memref<128xf32, #tpu.memory_space<vmem>>
        %get3A_911 = arith.constant 112 : index
        %get3A_912 = tpu.vector_load %get3A_910[%get3A_911] {strides = array<i32>} : memref<128xf32, #tpu.memory_space<vmem>>, vector<16xf32>,
        %get3A_913 = vector.shape_cast %get3A_912 : vector<16xf32> to vector<16xf32>
        %get3A_914 = arith.constant 0 : i32
        %get3A_915 = tpu.memref_slice %arg12[%and3A_86, %add3A_782, %get3A_914] : memref<4x80x128xf32, #tpu.memory_space<vmem>> -> memref<1x1x128xf32, #tpu.memory_space<vmem>>
        %get3A_916 = tpu.memref_squeeze %get3A_915 : memref<1x1x128xf32, #tpu.memory_space<vmem>> -> memref<128xf32, #tpu.memory_space<vmem>>
        %get3A_917 = arith.constant 112 : index
        %get3A_918 = tpu.vector_load %get3A_916[%get3A_917] {strides = array<i32>} : memref<128xf32, #tpu.memory_space<vmem>>, vector<16xf32>,
        %get3A_919 = vector.shape_cast %get3A_918 : vector<16xf32> to vector<16xf32>
        %add3A_920 = arith.addf %get3A_913, %get3A_919 : vector<16xf32>
        %max3A_921 = arith.constant 0.000000e+00 : f32
        %max3A_922 = vector.broadcast %max3A_921 : f32 to vector<16xf32>
        %max3A_923 = arith.maximumf %add3A_920, %max3A_922 : vector<16xf32>
        %mul3A_924 = arith.mulf %max3A_923, %get3A_129 : vector<16xf32>
        %add3A_925 = arith.addf %add3A_907, %mul3A_924 : vector<16xf32>
        %mul3A_926 = arith.constant 16 : i32
        %mul3A_927 = arith.muli %scan3A_171, %mul3A_926 : i32
        %add3A_928 = arith.constant 5 : i32
        %add3A_929 = arith.addi %mul3A_927, %add3A_928 : i32
        %mul3A_930 = arith.constant 16 : i32
        %mul3A_931 = arith.muli %scan3A_171, %mul3A_930 : i32
        %add3A_932 = arith.constant 5 : i32
        %add3A_933 = arith.addi %mul3A_931, %add3A_932 : i32
        %get3A_934 = arith.constant 0 : i32
        %get3A_935 = tpu.memref_slice %arg11[%and3A_86, %add3A_929, %get3A_934] : memref<4x80x128xf32, #tpu.memory_space<vmem>> -> memref<1x1x128xf32, #tpu.memory_space<vmem>>
        %get3A_936 = tpu.memref_squeeze %get3A_935 : memref<1x1x128xf32, #tpu.memory_space<vmem>> -> memref<128xf32, #tpu.memory_space<vmem>>
        %get3A_937 = arith.constant 0 : index
        %get3A_938 = tpu.vector_load %get3A_936[%get3A_937] {strides = array<i32>} : memref<128xf32, #tpu.memory_space<vmem>>, vector<16xf32>,
        %get3A_939 = vector.shape_cast %get3A_938 : vector<16xf32> to vector<16xf32>
        %get3A_940 = arith.constant 0 : i32
        %get3A_941 = tpu.memref_slice %arg12[%and3A_86, %add3A_933, %get3A_940] : memref<4x80x128xf32, #tpu.memory_space<vmem>> -> memref<1x1x128xf32, #tpu.memory_space<vmem>>
        %get3A_942 = tpu.memref_squeeze %get3A_941 : memref<1x1x128xf32, #tpu.memory_space<vmem>> -> memref<128xf32, #tpu.memory_space<vmem>>
        %get3A_943 = arith.constant 0 : index
        %get3A_944 = tpu.vector_load %get3A_942[%get3A_943] {strides = array<i32>} : memref<128xf32, #tpu.memory_space<vmem>>, vector<16xf32>,
        %get3A_945 = vector.shape_cast %get3A_944 : vector<16xf32> to vector<16xf32>
        %add3A_946 = arith.addf %get3A_939, %get3A_945 : vector<16xf32>
        %max3A_947 = arith.constant 0.000000e+00 : f32
        %max3A_948 = vector.broadcast %max3A_947 : f32 to vector<16xf32>
        %max3A_949 = arith.maximumf %add3A_946, %max3A_948 : vector<16xf32>
        %mul3A_950 = arith.mulf %max3A_949, %get3A_108 : vector<16xf32>
        %get3A_951 = arith.constant 0 : i32
        %get3A_952 = tpu.memref_slice %arg11[%and3A_86, %add3A_929, %get3A_951] : memref<4x80x128xf32, #tpu.memory_space<vmem>> -> memref<1x1x128xf32, #tpu.memory_space<vmem>>
        %get3A_953 = tpu.memref_squeeze %get3A_952 : memref<1x1x128xf32, #tpu.memory_space<vmem>> -> memref<128xf32, #tpu.memory_space<vmem>>
        %get3A_954 = arith.constant 16 : index
        %get3A_955 = tpu.vector_load %get3A_953[%get3A_954] {strides = array<i32>} : memref<128xf32, #tpu.memory_space<vmem>>, vector<16xf32>,
        %get3A_956 = vector.shape_cast %get3A_955 : vector<16xf32> to vector<16xf32>
        %get3A_957 = arith.constant 0 : i32
        %get3A_958 = tpu.memref_slice %arg12[%and3A_86, %add3A_933, %get3A_957] : memref<4x80x128xf32, #tpu.memory_space<vmem>> -> memref<1x1x128xf32, #tpu.memory_space<vmem>>
        %get3A_959 = tpu.memref_squeeze %get3A_958 : memref<1x1x128xf32, #tpu.memory_space<vmem>> -> memref<128xf32, #tpu.memory_space<vmem>>
        %get3A_960 = arith.constant 16 : index
        %get3A_961 = tpu.vector_load %get3A_959[%get3A_960] {strides = array<i32>} : memref<128xf32, #tpu.memory_space<vmem>>, vector<16xf32>,
        %get3A_962 = vector.shape_cast %get3A_961 : vector<16xf32> to vector<16xf32>
        %add3A_963 = arith.addf %get3A_956, %get3A_962 : vector<16xf32>
        %max3A_964 = arith.constant 0.000000e+00 : f32
        %max3A_965 = vector.broadcast %max3A_964 : f32 to vector<16xf32>
        %max3A_966 = arith.maximumf %add3A_963, %max3A_965 : vector<16xf32>
        %mul3A_967 = arith.mulf %max3A_966, %get3A_111 : vector<16xf32>
        %add3A_968 = arith.addf %mul3A_950, %mul3A_967 : vector<16xf32>
        %get3A_969 = arith.constant 0 : i32
        %get3A_970 = tpu.memref_slice %arg11[%and3A_86, %add3A_929, %get3A_969] : memref<4x80x128xf32, #tpu.memory_space<vmem>> -> memref<1x1x128xf32, #tpu.memory_space<vmem>>
        %get3A_971 = tpu.memref_squeeze %get3A_970 : memref<1x1x128xf32, #tpu.memory_space<vmem>> -> memref<128xf32, #tpu.memory_space<vmem>>
        %get3A_972 = arith.constant 32 : index
        %get3A_973 = tpu.vector_load %get3A_971[%get3A_972] {strides = array<i32>} : memref<128xf32, #tpu.memory_space<vmem>>, vector<16xf32>,
        %get3A_974 = vector.shape_cast %get3A_973 : vector<16xf32> to vector<16xf32>
        %get3A_975 = arith.constant 0 : i32
        %get3A_976 = tpu.memref_slice %arg12[%and3A_86, %add3A_933, %get3A_975] : memref<4x80x128xf32, #tpu.memory_space<vmem>> -> memref<1x1x128xf32, #tpu.memory_space<vmem>>
        %get3A_977 = tpu.memref_squeeze %get3A_976 : memref<1x1x128xf32, #tpu.memory_space<vmem>> -> memref<128xf32, #tpu.memory_space<vmem>>
        %get3A_978 = arith.constant 32 : index
        %get3A_979 = tpu.vector_load %get3A_977[%get3A_978] {strides = array<i32>} : memref<128xf32, #tpu.memory_space<vmem>>, vector<16xf32>,
        %get3A_980 = vector.shape_cast %get3A_979 : vector<16xf32> to vector<16xf32>
        %add3A_981 = arith.addf %get3A_974, %get3A_980 : vector<16xf32>
        %max3A_982 = arith.constant 0.000000e+00 : f32
        %max3A_983 = vector.broadcast %max3A_982 : f32 to vector<16xf32>
        %max3A_984 = arith.maximumf %add3A_981, %max3A_983 : vector<16xf32>
        %mul3A_985 = arith.mulf %max3A_984, %get3A_114 : vector<16xf32>
        %add3A_986 = arith.addf %add3A_968, %mul3A_985 : vector<16xf32>
        %get3A_987 = arith.constant 0 : i32
        %get3A_988 = tpu.memref_slice %arg11[%and3A_86, %add3A_929, %get3A_987] : memref<4x80x128xf32, #tpu.memory_space<vmem>> -> memref<1x1x128xf32, #tpu.memory_space<vmem>>
        %get3A_989 = tpu.memref_squeeze %get3A_988 : memref<1x1x128xf32, #tpu.memory_space<vmem>> -> memref<128xf32, #tpu.memory_space<vmem>>
        %get3A_990 = arith.constant 48 : index
        %get3A_991 = tpu.vector_load %get3A_989[%get3A_990] {strides = array<i32>} : memref<128xf32, #tpu.memory_space<vmem>>, vector<16xf32>,
        %get3A_992 = vector.shape_cast %get3A_991 : vector<16xf32> to vector<16xf32>
        %get3A_993 = arith.constant 0 : i32
        %get3A_994 = tpu.memref_slice %arg12[%and3A_86, %add3A_933, %get3A_993] : memref<4x80x128xf32, #tpu.memory_space<vmem>> -> memref<1x1x128xf32, #tpu.memory_space<vmem>>
        %get3A_995 = tpu.memref_squeeze %get3A_994 : memref<1x1x128xf32, #tpu.memory_space<vmem>> -> memref<128xf32, #tpu.memory_space<vmem>>
        %get3A_996 = arith.constant 48 : index
        %get3A_997 = tpu.vector_load %get3A_995[%get3A_996] {strides = array<i32>} : memref<128xf32, #tpu.memory_space<vmem>>, vector<16xf32>,
        %get3A_998 = vector.shape_cast %get3A_997 : vector<16xf32> to vector<16xf32>
        %add3A_999 = arith.addf %get3A_992, %get3A_998 : vector<16xf32>
        %max3A_1000 = arith.constant 0.000000e+00 : f32
        %max3A_1001 = vector.broadcast %max3A_1000 : f32 to vector<16xf32>
        %max3A_1002 = arith.maximumf %add3A_999, %max3A_1001 : vector<16xf32>
        %mul3A_1003 = arith.mulf %max3A_1002, %get3A_117 : vector<16xf32>
        %add3A_1004 = arith.addf %add3A_986, %mul3A_1003 : vector<16xf32>
        %get3A_1005 = arith.constant 0 : i32
        %get3A_1006 = tpu.memref_slice %arg11[%and3A_86, %add3A_929, %get3A_1005] : memref<4x80x128xf32, #tpu.memory_space<vmem>> -> memref<1x1x128xf32, #tpu.memory_space<vmem>>
        %get3A_1007 = tpu.memref_squeeze %get3A_1006 : memref<1x1x128xf32, #tpu.memory_space<vmem>> -> memref<128xf32, #tpu.memory_space<vmem>>
        %get3A_1008 = arith.constant 64 : index
        %get3A_1009 = tpu.vector_load %get3A_1007[%get3A_1008] {strides = array<i32>} : memref<128xf32, #tpu.memory_space<vmem>>, vector<16xf32>,
        %get3A_1010 = vector.shape_cast %get3A_1009 : vector<16xf32> to vector<16xf32>
        %get3A_1011 = arith.constant 0 : i32
        %get3A_1012 = tpu.memref_slice %arg12[%and3A_86, %add3A_933, %get3A_1011] : memref<4x80x128xf32, #tpu.memory_space<vmem>> -> memref<1x1x128xf32, #tpu.memory_space<vmem>>
        %get3A_1013 = tpu.memref_squeeze %get3A_1012 : memref<1x1x128xf32, #tpu.memory_space<vmem>> -> memref<128xf32, #tpu.memory_space<vmem>>
        %get3A_1014 = arith.constant 64 : index
        %get3A_1015 = tpu.vector_load %get3A_1013[%get3A_1014] {strides = array<i32>} : memref<128xf32, #tpu.memory_space<vmem>>, vector<16xf32>,
        %get3A_1016 = vector.shape_cast %get3A_1015 : vector<16xf32> to vector<16xf32>
        %add3A_1017 = arith.addf %get3A_1010, %get3A_1016 : vector<16xf32>
        %max3A_1018 = arith.constant 0.000000e+00 : f32
        %max3A_1019 = vector.broadcast %max3A_1018 : f32 to vector<16xf32>
        %max3A_1020 = arith.maximumf %add3A_1017, %max3A_1019 : vector<16xf32>
        %mul3A_1021 = arith.mulf %max3A_1020, %get3A_120 : vector<16xf32>
        %add3A_1022 = arith.addf %add3A_1004, %mul3A_1021 : vector<16xf32>
        %get3A_1023 = arith.constant 0 : i32
        %get3A_1024 = tpu.memref_slice %arg11[%and3A_86, %add3A_929, %get3A_1023] : memref<4x80x128xf32, #tpu.memory_space<vmem>> -> memref<1x1x128xf32, #tpu.memory_space<vmem>>
        %get3A_1025 = tpu.memref_squeeze %get3A_1024 : memref<1x1x128xf32, #tpu.memory_space<vmem>> -> memref<128xf32, #tpu.memory_space<vmem>>
        %get3A_1026 = arith.constant 80 : index
        %get3A_1027 = tpu.vector_load %get3A_1025[%get3A_1026] {strides = array<i32>} : memref<128xf32, #tpu.memory_space<vmem>>, vector<16xf32>,
        %get3A_1028 = vector.shape_cast %get3A_1027 : vector<16xf32> to vector<16xf32>
        %get3A_1029 = arith.constant 0 : i32
        %get3A_1030 = tpu.memref_slice %arg12[%and3A_86, %add3A_933, %get3A_1029] : memref<4x80x128xf32, #tpu.memory_space<vmem>> -> memref<1x1x128xf32, #tpu.memory_space<vmem>>
        %get3A_1031 = tpu.memref_squeeze %get3A_1030 : memref<1x1x128xf32, #tpu.memory_space<vmem>> -> memref<128xf32, #tpu.memory_space<vmem>>
        %get3A_1032 = arith.constant 80 : index
        %get3A_1033 = tpu.vector_load %get3A_1031[%get3A_1032] {strides = array<i32>} : memref<128xf32, #tpu.memory_space<vmem>>, vector<16xf32>,
        %get3A_1034 = vector.shape_cast %get3A_1033 : vector<16xf32> to vector<16xf32>
        %add3A_1035 = arith.addf %get3A_1028, %get3A_1034 : vector<16xf32>
        %max3A_1036 = arith.constant 0.000000e+00 : f32
        %max3A_1037 = vector.broadcast %max3A_1036 : f32 to vector<16xf32>
        %max3A_1038 = arith.maximumf %add3A_1035, %max3A_1037 : vector<16xf32>
        %mul3A_1039 = arith.mulf %max3A_1038, %get3A_123 : vector<16xf32>
        %add3A_1040 = arith.addf %add3A_1022, %mul3A_1039 : vector<16xf32>
        %get3A_1041 = arith.constant 0 : i32
        %get3A_1042 = tpu.memref_slice %arg11[%and3A_86, %add3A_929, %get3A_1041] : memref<4x80x128xf32, #tpu.memory_space<vmem>> -> memref<1x1x128xf32, #tpu.memory_space<vmem>>
        %get3A_1043 = tpu.memref_squeeze %get3A_1042 : memref<1x1x128xf32, #tpu.memory_space<vmem>> -> memref<128xf32, #tpu.memory_space<vmem>>
        %get3A_1044 = arith.constant 96 : index
        %get3A_1045 = tpu.vector_load %get3A_1043[%get3A_1044] {strides = array<i32>} : memref<128xf32, #tpu.memory_space<vmem>>, vector<16xf32>,
        %get3A_1046 = vector.shape_cast %get3A_1045 : vector<16xf32> to vector<16xf32>
        %get3A_1047 = arith.constant 0 : i32
        %get3A_1048 = tpu.memref_slice %arg12[%and3A_86, %add3A_933, %get3A_1047] : memref<4x80x128xf32, #tpu.memory_space<vmem>> -> memref<1x1x128xf32, #tpu.memory_space<vmem>>
        %get3A_1049 = tpu.memref_squeeze %get3A_1048 : memref<1x1x128xf32, #tpu.memory_space<vmem>> -> memref<128xf32, #tpu.memory_space<vmem>>
        %get3A_1050 = arith.constant 96 : index
        %get3A_1051 = tpu.vector_load %get3A_1049[%get3A_1050] {strides = array<i32>} : memref<128xf32, #tpu.memory_space<vmem>>, vector<16xf32>,
        %get3A_1052 = vector.shape_cast %get3A_1051 : vector<16xf32> to vector<16xf32>
        %add3A_1053 = arith.addf %get3A_1046, %get3A_1052 : vector<16xf32>
        %max3A_1054 = arith.constant 0.000000e+00 : f32
        %max3A_1055 = vector.broadcast %max3A_1054 : f32 to vector<16xf32>
        %max3A_1056 = arith.maximumf %add3A_1053, %max3A_1055 : vector<16xf32>
        %mul3A_1057 = arith.mulf %max3A_1056, %get3A_126 : vector<16xf32>
        %add3A_1058 = arith.addf %add3A_1040, %mul3A_1057 : vector<16xf32>
        %get3A_1059 = arith.constant 0 : i32
        %get3A_1060 = tpu.memref_slice %arg11[%and3A_86, %add3A_929, %get3A_1059] : memref<4x80x128xf32, #tpu.memory_space<vmem>> -> memref<1x1x128xf32, #tpu.memory_space<vmem>>
        %get3A_1061 = tpu.memref_squeeze %get3A_1060 : memref<1x1x128xf32, #tpu.memory_space<vmem>> -> memref<128xf32, #tpu.memory_space<vmem>>
        %get3A_1062 = arith.constant 112 : index
        %get3A_1063 = tpu.vector_load %get3A_1061[%get3A_1062] {strides = array<i32>} : memref<128xf32, #tpu.memory_space<vmem>>, vector<16xf32>,
        %get3A_1064 = vector.shape_cast %get3A_1063 : vector<16xf32> to vector<16xf32>
        %get3A_1065 = arith.constant 0 : i32
        %get3A_1066 = tpu.memref_slice %arg12[%and3A_86, %add3A_933, %get3A_1065] : memref<4x80x128xf32, #tpu.memory_space<vmem>> -> memref<1x1x128xf32, #tpu.memory_space<vmem>>
        %get3A_1067 = tpu.memref_squeeze %get3A_1066 : memref<1x1x128xf32, #tpu.memory_space<vmem>> -> memref<128xf32, #tpu.memory_space<vmem>>
        %get3A_1068 = arith.constant 112 : index
        %get3A_1069 = tpu.vector_load %get3A_1067[%get3A_1068] {strides = array<i32>} : memref<128xf32, #tpu.memory_space<vmem>>, vector<16xf32>,
        %get3A_1070 = vector.shape_cast %get3A_1069 : vector<16xf32> to vector<16xf32>
        %add3A_1071 = arith.addf %get3A_1064, %get3A_1070 : vector<16xf32>
        %max3A_1072 = arith.constant 0.000000e+00 : f32
        %max3A_1073 = vector.broadcast %max3A_1072 : f32 to vector<16xf32>
        %max3A_1074 = arith.maximumf %add3A_1071, %max3A_1073 : vector<16xf32>
        %mul3A_1075 = arith.mulf %max3A_1074, %get3A_129 : vector<16xf32>
        %add3A_1076 = arith.addf %add3A_1058, %mul3A_1075 : vector<16xf32>
        %mul3A_1077 = arith.constant 16 : i32
        %mul3A_1078 = arith.muli %scan3A_171, %mul3A_1077 : i32
        %add3A_1079 = arith.constant 6 : i32
        %add3A_1080 = arith.addi %mul3A_1078, %add3A_1079 : i32
        %mul3A_1081 = arith.constant 16 : i32
        %mul3A_1082 = arith.muli %scan3A_171, %mul3A_1081 : i32
        %add3A_1083 = arith.constant 6 : i32
        %add3A_1084 = arith.addi %mul3A_1082, %add3A_1083 : i32
        %get3A_1085 = arith.constant 0 : i32
        %get3A_1086 = tpu.memref_slice %arg11[%and3A_86, %add3A_1080, %get3A_1085] : memref<4x80x128xf32, #tpu.memory_space<vmem>> -> memref<1x1x128xf32, #tpu.memory_space<vmem>>
        %get3A_1087 = tpu.memref_squeeze %get3A_1086 : memref<1x1x128xf32, #tpu.memory_space<vmem>> -> memref<128xf32, #tpu.memory_space<vmem>>
        %get3A_1088 = arith.constant 0 : index
        %get3A_1089 = tpu.vector_load %get3A_1087[%get3A_1088] {strides = array<i32>} : memref<128xf32, #tpu.memory_space<vmem>>, vector<16xf32>,
        %get3A_1090 = vector.shape_cast %get3A_1089 : vector<16xf32> to vector<16xf32>
        %get3A_1091 = arith.constant 0 : i32
        %get3A_1092 = tpu.memref_slice %arg12[%and3A_86, %add3A_1084, %get3A_1091] : memref<4x80x128xf32, #tpu.memory_space<vmem>> -> memref<1x1x128xf32, #tpu.memory_space<vmem>>
        %get3A_1093 = tpu.memref_squeeze %get3A_1092 : memref<1x1x128xf32, #tpu.memory_space<vmem>> -> memref<128xf32, #tpu.memory_space<vmem>>
        %get3A_1094 = arith.constant 0 : index
        %get3A_1095 = tpu.vector_load %get3A_1093[%get3A_1094] {strides = array<i32>} : memref<128xf32, #tpu.memory_space<vmem>>, vector<16xf32>,
        %get3A_1096 = vector.shape_cast %get3A_1095 : vector<16xf32> to vector<16xf32>
        %add3A_1097 = arith.addf %get3A_1090, %get3A_1096 : vector<16xf32>
        %max3A_1098 = arith.constant 0.000000e+00 : f32
        %max3A_1099 = vector.broadcast %max3A_1098 : f32 to vector<16xf32>
        %max3A_1100 = arith.maximumf %add3A_1097, %max3A_1099 : vector<16xf32>
        %mul3A_1101 = arith.mulf %max3A_1100, %get3A_108 : vector<16xf32>
        %get3A_1102 = arith.constant 0 : i32
        %get3A_1103 = tpu.memref_slice %arg11[%and3A_86, %add3A_1080, %get3A_1102] : memref<4x80x128xf32, #tpu.memory_space<vmem>> -> memref<1x1x128xf32, #tpu.memory_space<vmem>>
        %get3A_1104 = tpu.memref_squeeze %get3A_1103 : memref<1x1x128xf32, #tpu.memory_space<vmem>> -> memref<128xf32, #tpu.memory_space<vmem>>
        %get3A_1105 = arith.constant 16 : index
        %get3A_1106 = tpu.vector_load %get3A_1104[%get3A_1105] {strides = array<i32>} : memref<128xf32, #tpu.memory_space<vmem>>, vector<16xf32>,
        %get3A_1107 = vector.shape_cast %get3A_1106 : vector<16xf32> to vector<16xf32>
        %get3A_1108 = arith.constant 0 : i32
        %get3A_1109 = tpu.memref_slice %arg12[%and3A_86, %add3A_1084, %get3A_1108] : memref<4x80x128xf32, #tpu.memory_space<vmem>> -> memref<1x1x128xf32, #tpu.memory_space<vmem>>
        %get3A_1110 = tpu.memref_squeeze %get3A_1109 : memref<1x1x128xf32, #tpu.memory_space<vmem>> -> memref<128xf32, #tpu.memory_space<vmem>>
        %get3A_1111 = arith.constant 16 : index
        %get3A_1112 = tpu.vector_load %get3A_1110[%get3A_1111] {strides = array<i32>} : memref<128xf32, #tpu.memory_space<vmem>>, vector<16xf32>,
        %get3A_1113 = vector.shape_cast %get3A_1112 : vector<16xf32> to vector<16xf32>
        %add3A_1114 = arith.addf %get3A_1107, %get3A_1113 : vector<16xf32>
        %max3A_1115 = arith.constant 0.000000e+00 : f32
        %max3A_1116 = vector.broadcast %max3A_1115 : f32 to vector<16xf32>
        %max3A_1117 = arith.maximumf %add3A_1114, %max3A_1116 : vector<16xf32>
        %mul3A_1118 = arith.mulf %max3A_1117, %get3A_111 : vector<16xf32>
        %add3A_1119 = arith.addf %mul3A_1101, %mul3A_1118 : vector<16xf32>
        %get3A_1120 = arith.constant 0 : i32
        %get3A_1121 = tpu.memref_slice %arg11[%and3A_86, %add3A_1080, %get3A_1120] : memref<4x80x128xf32, #tpu.memory_space<vmem>> -> memref<1x1x128xf32, #tpu.memory_space<vmem>>
        %get3A_1122 = tpu.memref_squeeze %get3A_1121 : memref<1x1x128xf32, #tpu.memory_space<vmem>> -> memref<128xf32, #tpu.memory_space<vmem>>
        %get3A_1123 = arith.constant 32 : index
        %get3A_1124 = tpu.vector_load %get3A_1122[%get3A_1123] {strides = array<i32>} : memref<128xf32, #tpu.memory_space<vmem>>, vector<16xf32>,
        %get3A_1125 = vector.shape_cast %get3A_1124 : vector<16xf32> to vector<16xf32>
        %get3A_1126 = arith.constant 0 : i32
        %get3A_1127 = tpu.memref_slice %arg12[%and3A_86, %add3A_1084, %get3A_1126] : memref<4x80x128xf32, #tpu.memory_space<vmem>> -> memref<1x1x128xf32, #tpu.memory_space<vmem>>
        %get3A_1128 = tpu.memref_squeeze %get3A_1127 : memref<1x1x128xf32, #tpu.memory_space<vmem>> -> memref<128xf32, #tpu.memory_space<vmem>>
        %get3A_1129 = arith.constant 32 : index
        %get3A_1130 = tpu.vector_load %get3A_1128[%get3A_1129] {strides = array<i32>} : memref<128xf32, #tpu.memory_space<vmem>>, vector<16xf32>,
        %get3A_1131 = vector.shape_cast %get3A_1130 : vector<16xf32> to vector<16xf32>
        %add3A_1132 = arith.addf %get3A_1125, %get3A_1131 : vector<16xf32>
        %max3A_1133 = arith.constant 0.000000e+00 : f32
        %max3A_1134 = vector.broadcast %max3A_1133 : f32 to vector<16xf32>
        %max3A_1135 = arith.maximumf %add3A_1132, %max3A_1134 : vector<16xf32>
        %mul3A_1136 = arith.mulf %max3A_1135, %get3A_114 : vector<16xf32>
        %add3A_1137 = arith.addf %add3A_1119, %mul3A_1136 : vector<16xf32>
        %get3A_1138 = arith.constant 0 : i32
        %get3A_1139 = tpu.memref_slice %arg11[%and3A_86, %add3A_1080, %get3A_1138] : memref<4x80x128xf32, #tpu.memory_space<vmem>> -> memref<1x1x128xf32, #tpu.memory_space<vmem>>
        %get3A_1140 = tpu.memref_squeeze %get3A_1139 : memref<1x1x128xf32, #tpu.memory_space<vmem>> -> memref<128xf32, #tpu.memory_space<vmem>>
        %get3A_1141 = arith.constant 48 : index
        %get3A_1142 = tpu.vector_load %get3A_1140[%get3A_1141] {strides = array<i32>} : memref<128xf32, #tpu.memory_space<vmem>>, vector<16xf32>,
        %get3A_1143 = vector.shape_cast %get3A_1142 : vector<16xf32> to vector<16xf32>
        %get3A_1144 = arith.constant 0 : i32
        %get3A_1145 = tpu.memref_slice %arg12[%and3A_86, %add3A_1084, %get3A_1144] : memref<4x80x128xf32, #tpu.memory_space<vmem>> -> memref<1x1x128xf32, #tpu.memory_space<vmem>>
        %get3A_1146 = tpu.memref_squeeze %get3A_1145 : memref<1x1x128xf32, #tpu.memory_space<vmem>> -> memref<128xf32, #tpu.memory_space<vmem>>
        %get3A_1147 = arith.constant 48 : index
        %get3A_1148 = tpu.vector_load %get3A_1146[%get3A_1147] {strides = array<i32>} : memref<128xf32, #tpu.memory_space<vmem>>, vector<16xf32>,
        %get3A_1149 = vector.shape_cast %get3A_1148 : vector<16xf32> to vector<16xf32>
        %add3A_1150 = arith.addf %get3A_1143, %get3A_1149 : vector<16xf32>
        %max3A_1151 = arith.constant 0.000000e+00 : f32
        %max3A_1152 = vector.broadcast %max3A_1151 : f32 to vector<16xf32>
        %max3A_1153 = arith.maximumf %add3A_1150, %max3A_1152 : vector<16xf32>
        %mul3A_1154 = arith.mulf %max3A_1153, %get3A_117 : vector<16xf32>
        %add3A_1155 = arith.addf %add3A_1137, %mul3A_1154 : vector<16xf32>
        %get3A_1156 = arith.constant 0 : i32
        %get3A_1157 = tpu.memref_slice %arg11[%and3A_86, %add3A_1080, %get3A_1156] : memref<4x80x128xf32, #tpu.memory_space<vmem>> -> memref<1x1x128xf32, #tpu.memory_space<vmem>>
        %get3A_1158 = tpu.memref_squeeze %get3A_1157 : memref<1x1x128xf32, #tpu.memory_space<vmem>> -> memref<128xf32, #tpu.memory_space<vmem>>
        %get3A_1159 = arith.constant 64 : index
        %get3A_1160 = tpu.vector_load %get3A_1158[%get3A_1159] {strides = array<i32>} : memref<128xf32, #tpu.memory_space<vmem>>, vector<16xf32>,
        %get3A_1161 = vector.shape_cast %get3A_1160 : vector<16xf32> to vector<16xf32>
        %get3A_1162 = arith.constant 0 : i32
        %get3A_1163 = tpu.memref_slice %arg12[%and3A_86, %add3A_1084, %get3A_1162] : memref<4x80x128xf32, #tpu.memory_space<vmem>> -> memref<1x1x128xf32, #tpu.memory_space<vmem>>
        %get3A_1164 = tpu.memref_squeeze %get3A_1163 : memref<1x1x128xf32, #tpu.memory_space<vmem>> -> memref<128xf32, #tpu.memory_space<vmem>>
        %get3A_1165 = arith.constant 64 : index
        %get3A_1166 = tpu.vector_load %get3A_1164[%get3A_1165] {strides = array<i32>} : memref<128xf32, #tpu.memory_space<vmem>>, vector<16xf32>,
        %get3A_1167 = vector.shape_cast %get3A_1166 : vector<16xf32> to vector<16xf32>
        %add3A_1168 = arith.addf %get3A_1161, %get3A_1167 : vector<16xf32>
        %max3A_1169 = arith.constant 0.000000e+00 : f32
        %max3A_1170 = vector.broadcast %max3A_1169 : f32 to vector<16xf32>
        %max3A_1171 = arith.maximumf %add3A_1168, %max3A_1170 : vector<16xf32>
        %mul3A_1172 = arith.mulf %max3A_1171, %get3A_120 : vector<16xf32>
        %add3A_1173 = arith.addf %add3A_1155, %mul3A_1172 : vector<16xf32>
        %get3A_1174 = arith.constant 0 : i32
        %get3A_1175 = tpu.memref_slice %arg11[%and3A_86, %add3A_1080, %get3A_1174] : memref<4x80x128xf32, #tpu.memory_space<vmem>> -> memref<1x1x128xf32, #tpu.memory_space<vmem>>
        %get3A_1176 = tpu.memref_squeeze %get3A_1175 : memref<1x1x128xf32, #tpu.memory_space<vmem>> -> memref<128xf32, #tpu.memory_space<vmem>>
        %get3A_1177 = arith.constant 80 : index
        %get3A_1178 = tpu.vector_load %get3A_1176[%get3A_1177] {strides = array<i32>} : memref<128xf32, #tpu.memory_space<vmem>>, vector<16xf32>,
        %get3A_1179 = vector.shape_cast %get3A_1178 : vector<16xf32> to vector<16xf32>
        %get3A_1180 = arith.constant 0 : i32
        %get3A_1181 = tpu.memref_slice %arg12[%and3A_86, %add3A_1084, %get3A_1180] : memref<4x80x128xf32, #tpu.memory_space<vmem>> -> memref<1x1x128xf32, #tpu.memory_space<vmem>>
        %get3A_1182 = tpu.memref_squeeze %get3A_1181 : memref<1x1x128xf32, #tpu.memory_space<vmem>> -> memref<128xf32, #tpu.memory_space<vmem>>
        %get3A_1183 = arith.constant 80 : index
        %get3A_1184 = tpu.vector_load %get3A_1182[%get3A_1183] {strides = array<i32>} : memref<128xf32, #tpu.memory_space<vmem>>, vector<16xf32>,
        %get3A_1185 = vector.shape_cast %get3A_1184 : vector<16xf32> to vector<16xf32>
        %add3A_1186 = arith.addf %get3A_1179, %get3A_1185 : vector<16xf32>
        %max3A_1187 = arith.constant 0.000000e+00 : f32
        %max3A_1188 = vector.broadcast %max3A_1187 : f32 to vector<16xf32>
        %max3A_1189 = arith.maximumf %add3A_1186, %max3A_1188 : vector<16xf32>
        %mul3A_1190 = arith.mulf %max3A_1189, %get3A_123 : vector<16xf32>
        %add3A_1191 = arith.addf %add3A_1173, %mul3A_1190 : vector<16xf32>
        %get3A_1192 = arith.constant 0 : i32
        %get3A_1193 = tpu.memref_slice %arg11[%and3A_86, %add3A_1080, %get3A_1192] : memref<4x80x128xf32, #tpu.memory_space<vmem>> -> memref<1x1x128xf32, #tpu.memory_space<vmem>>
        %get3A_1194 = tpu.memref_squeeze %get3A_1193 : memref<1x1x128xf32, #tpu.memory_space<vmem>> -> memref<128xf32, #tpu.memory_space<vmem>>
        %get3A_1195 = arith.constant 96 : index
        %get3A_1196 = tpu.vector_load %get3A_1194[%get3A_1195] {strides = array<i32>} : memref<128xf32, #tpu.memory_space<vmem>>, vector<16xf32>,
        %get3A_1197 = vector.shape_cast %get3A_1196 : vector<16xf32> to vector<16xf32>
        %get3A_1198 = arith.constant 0 : i32
        %get3A_1199 = tpu.memref_slice %arg12[%and3A_86, %add3A_1084, %get3A_1198] : memref<4x80x128xf32, #tpu.memory_space<vmem>> -> memref<1x1x128xf32, #tpu.memory_space<vmem>>
        %get3A_1200 = tpu.memref_squeeze %get3A_1199 : memref<1x1x128xf32, #tpu.memory_space<vmem>> -> memref<128xf32, #tpu.memory_space<vmem>>
        %get3A_1201 = arith.constant 96 : index
        %get3A_1202 = tpu.vector_load %get3A_1200[%get3A_1201] {strides = array<i32>} : memref<128xf32, #tpu.memory_space<vmem>>, vector<16xf32>,
        %get3A_1203 = vector.shape_cast %get3A_1202 : vector<16xf32> to vector<16xf32>
        %add3A_1204 = arith.addf %get3A_1197, %get3A_1203 : vector<16xf32>
        %max3A_1205 = arith.constant 0.000000e+00 : f32
        %max3A_1206 = vector.broadcast %max3A_1205 : f32 to vector<16xf32>
        %max3A_1207 = arith.maximumf %add3A_1204, %max3A_1206 : vector<16xf32>
        %mul3A_1208 = arith.mulf %max3A_1207, %get3A_126 : vector<16xf32>
        %add3A_1209 = arith.addf %add3A_1191, %mul3A_1208 : vector<16xf32>
        %get3A_1210 = arith.constant 0 : i32
        %get3A_1211 = tpu.memref_slice %arg11[%and3A_86, %add3A_1080, %get3A_1210] : memref<4x80x128xf32, #tpu.memory_space<vmem>> -> memref<1x1x128xf32, #tpu.memory_space<vmem>>
        %get3A_1212 = tpu.memref_squeeze %get3A_1211 : memref<1x1x128xf32, #tpu.memory_space<vmem>> -> memref<128xf32, #tpu.memory_space<vmem>>
        %get3A_1213 = arith.constant 112 : index
        %get3A_1214 = tpu.vector_load %get3A_1212[%get3A_1213] {strides = array<i32>} : memref<128xf32, #tpu.memory_space<vmem>>, vector<16xf32>,
        %get3A_1215 = vector.shape_cast %get3A_1214 : vector<16xf32> to vector<16xf32>
        %get3A_1216 = arith.constant 0 : i32
        %get3A_1217 = tpu.memref_slice %arg12[%and3A_86, %add3A_1084, %get3A_1216] : memref<4x80x128xf32, #tpu.memory_space<vmem>> -> memref<1x1x128xf32, #tpu.memory_space<vmem>>
        %get3A_1218 = tpu.memref_squeeze %get3A_1217 : memref<1x1x128xf32, #tpu.memory_space<vmem>> -> memref<128xf32, #tpu.memory_space<vmem>>
        %get3A_1219 = arith.constant 112 : index
        %get3A_1220 = tpu.vector_load %get3A_1218[%get3A_1219] {strides = array<i32>} : memref<128xf32, #tpu.memory_space<vmem>>, vector<16xf32>,
        %get3A_1221 = vector.shape_cast %get3A_1220 : vector<16xf32> to vector<16xf32>
        %add3A_1222 = arith.addf %get3A_1215, %get3A_1221 : vector<16xf32>
        %max3A_1223 = arith.constant 0.000000e+00 : f32
        %max3A_1224 = vector.broadcast %max3A_1223 : f32 to vector<16xf32>
        %max3A_1225 = arith.maximumf %add3A_1222, %max3A_1224 : vector<16xf32>
        %mul3A_1226 = arith.mulf %max3A_1225, %get3A_129 : vector<16xf32>
        %add3A_1227 = arith.addf %add3A_1209, %mul3A_1226 : vector<16xf32>
        %mul3A_1228 = arith.constant 16 : i32
        %mul3A_1229 = arith.muli %scan3A_171, %mul3A_1228 : i32
        %add3A_1230 = arith.constant 7 : i32
        %add3A_1231 = arith.addi %mul3A_1229, %add3A_1230 : i32
        %mul3A_1232 = arith.constant 16 : i32
        %mul3A_1233 = arith.muli %scan3A_171, %mul3A_1232 : i32
        %add3A_1234 = arith.constant 7 : i32
        %add3A_1235 = arith.addi %mul3A_1233, %add3A_1234 : i32
        %get3A_1236 = arith.constant 0 : i32
        %get3A_1237 = tpu.memref_slice %arg11[%and3A_86, %add3A_1231, %get3A_1236] : memref<4x80x128xf32, #tpu.memory_space<vmem>> -> memref<1x1x128xf32, #tpu.memory_space<vmem>>
        %get3A_1238 = tpu.memref_squeeze %get3A_1237 : memref<1x1x128xf32, #tpu.memory_space<vmem>> -> memref<128xf32, #tpu.memory_space<vmem>>
        %get3A_1239 = arith.constant 0 : index
        %get3A_1240 = tpu.vector_load %get3A_1238[%get3A_1239] {strides = array<i32>} : memref<128xf32, #tpu.memory_space<vmem>>, vector<16xf32>,
        %get3A_1241 = vector.shape_cast %get3A_1240 : vector<16xf32> to vector<16xf32>
        %get3A_1242 = arith.constant 0 : i32
        %get3A_1243 = tpu.memref_slice %arg12[%and3A_86, %add3A_1235, %get3A_1242] : memref<4x80x128xf32, #tpu.memory_space<vmem>> -> memref<1x1x128xf32, #tpu.memory_space<vmem>>
        %get3A_1244 = tpu.memref_squeeze %get3A_1243 : memref<1x1x128xf32, #tpu.memory_space<vmem>> -> memref<128xf32, #tpu.memory_space<vmem>>
        %get3A_1245 = arith.constant 0 : index
        %get3A_1246 = tpu.vector_load %get3A_1244[%get3A_1245] {strides = array<i32>} : memref<128xf32, #tpu.memory_space<vmem>>, vector<16xf32>,
        %get3A_1247 = vector.shape_cast %get3A_1246 : vector<16xf32> to vector<16xf32>
        %add3A_1248 = arith.addf %get3A_1241, %get3A_1247 : vector<16xf32>
        %max3A_1249 = arith.constant 0.000000e+00 : f32
        %max3A_1250 = vector.broadcast %max3A_1249 : f32 to vector<16xf32>
        %max3A_1251 = arith.maximumf %add3A_1248, %max3A_1250 : vector<16xf32>
        %mul3A_1252 = arith.mulf %max3A_1251, %get3A_108 : vector<16xf32>
        %get3A_1253 = arith.constant 0 : i32
        %get3A_1254 = tpu.memref_slice %arg11[%and3A_86, %add3A_1231, %get3A_1253] : memref<4x80x128xf32, #tpu.memory_space<vmem>> -> memref<1x1x128xf32, #tpu.memory_space<vmem>>
        %get3A_1255 = tpu.memref_squeeze %get3A_1254 : memref<1x1x128xf32, #tpu.memory_space<vmem>> -> memref<128xf32, #tpu.memory_space<vmem>>
        %get3A_1256 = arith.constant 16 : index
        %get3A_1257 = tpu.vector_load %get3A_1255[%get3A_1256] {strides = array<i32>} : memref<128xf32, #tpu.memory_space<vmem>>, vector<16xf32>,
        %get3A_1258 = vector.shape_cast %get3A_1257 : vector<16xf32> to vector<16xf32>
        %get3A_1259 = arith.constant 0 : i32
        %get3A_1260 = tpu.memref_slice %arg12[%and3A_86, %add3A_1235, %get3A_1259] : memref<4x80x128xf32, #tpu.memory_space<vmem>> -> memref<1x1x128xf32, #tpu.memory_space<vmem>>
        %get3A_1261 = tpu.memref_squeeze %get3A_1260 : memref<1x1x128xf32, #tpu.memory_space<vmem>> -> memref<128xf32, #tpu.memory_space<vmem>>
        %get3A_1262 = arith.constant 16 : index
        %get3A_1263 = tpu.vector_load %get3A_1261[%get3A_1262] {strides = array<i32>} : memref<128xf32, #tpu.memory_space<vmem>>, vector<16xf32>,
        %get3A_1264 = vector.shape_cast %get3A_1263 : vector<16xf32> to vector<16xf32>
        %add3A_1265 = arith.addf %get3A_1258, %get3A_1264 : vector<16xf32>
        %max3A_1266 = arith.constant 0.000000e+00 : f32
        %max3A_1267 = vector.broadcast %max3A_1266 : f32 to vector<16xf32>
        %max3A_1268 = arith.maximumf %add3A_1265, %max3A_1267 : vector<16xf32>
        %mul3A_1269 = arith.mulf %max3A_1268, %get3A_111 : vector<16xf32>
        %add3A_1270 = arith.addf %mul3A_1252, %mul3A_1269 : vector<16xf32>
        %get3A_1271 = arith.constant 0 : i32
        %get3A_1272 = tpu.memref_slice %arg11[%and3A_86, %add3A_1231, %get3A_1271] : memref<4x80x128xf32, #tpu.memory_space<vmem>> -> memref<1x1x128xf32, #tpu.memory_space<vmem>>
        %get3A_1273 = tpu.memref_squeeze %get3A_1272 : memref<1x1x128xf32, #tpu.memory_space<vmem>> -> memref<128xf32, #tpu.memory_space<vmem>>
        %get3A_1274 = arith.constant 32 : index
        %get3A_1275 = tpu.vector_load %get3A_1273[%get3A_1274] {strides = array<i32>} : memref<128xf32, #tpu.memory_space<vmem>>, vector<16xf32>,
        %get3A_1276 = vector.shape_cast %get3A_1275 : vector<16xf32> to vector<16xf32>
        %get3A_1277 = arith.constant 0 : i32
        %get3A_1278 = tpu.memref_slice %arg12[%and3A_86, %add3A_1235, %get3A_1277] : memref<4x80x128xf32, #tpu.memory_space<vmem>> -> memref<1x1x128xf32, #tpu.memory_space<vmem>>
        %get3A_1279 = tpu.memref_squeeze %get3A_1278 : memref<1x1x128xf32, #tpu.memory_space<vmem>> -> memref<128xf32, #tpu.memory_space<vmem>>
        %get3A_1280 = arith.constant 32 : index
        %get3A_1281 = tpu.vector_load %get3A_1279[%get3A_1280] {strides = array<i32>} : memref<128xf32, #tpu.memory_space<vmem>>, vector<16xf32>,
        %get3A_1282 = vector.shape_cast %get3A_1281 : vector<16xf32> to vector<16xf32>
        %add3A_1283 = arith.addf %get3A_1276, %get3A_1282 : vector<16xf32>
        %max3A_1284 = arith.constant 0.000000e+00 : f32
        %max3A_1285 = vector.broadcast %max3A_1284 : f32 to vector<16xf32>
        %max3A_1286 = arith.maximumf %add3A_1283, %max3A_1285 : vector<16xf32>
        %mul3A_1287 = arith.mulf %max3A_1286, %get3A_114 : vector<16xf32>
        %add3A_1288 = arith.addf %add3A_1270, %mul3A_1287 : vector<16xf32>
        %get3A_1289 = arith.constant 0 : i32
        %get3A_1290 = tpu.memref_slice %arg11[%and3A_86, %add3A_1231, %get3A_1289] : memref<4x80x128xf32, #tpu.memory_space<vmem>> -> memref<1x1x128xf32, #tpu.memory_space<vmem>>
        %get3A_1291 = tpu.memref_squeeze %get3A_1290 : memref<1x1x128xf32, #tpu.memory_space<vmem>> -> memref<128xf32, #tpu.memory_space<vmem>>
        %get3A_1292 = arith.constant 48 : index
        %get3A_1293 = tpu.vector_load %get3A_1291[%get3A_1292] {strides = array<i32>} : memref<128xf32, #tpu.memory_space<vmem>>, vector<16xf32>,
        %get3A_1294 = vector.shape_cast %get3A_1293 : vector<16xf32> to vector<16xf32>
        %get3A_1295 = arith.constant 0 : i32
        %get3A_1296 = tpu.memref_slice %arg12[%and3A_86, %add3A_1235, %get3A_1295] : memref<4x80x128xf32, #tpu.memory_space<vmem>> -> memref<1x1x128xf32, #tpu.memory_space<vmem>>
        %get3A_1297 = tpu.memref_squeeze %get3A_1296 : memref<1x1x128xf32, #tpu.memory_space<vmem>> -> memref<128xf32, #tpu.memory_space<vmem>>
        %get3A_1298 = arith.constant 48 : index
        %get3A_1299 = tpu.vector_load %get3A_1297[%get3A_1298] {strides = array<i32>} : memref<128xf32, #tpu.memory_space<vmem>>, vector<16xf32>,
        %get3A_1300 = vector.shape_cast %get3A_1299 : vector<16xf32> to vector<16xf32>
        %add3A_1301 = arith.addf %get3A_1294, %get3A_1300 : vector<16xf32>
        %max3A_1302 = arith.constant 0.000000e+00 : f32
        %max3A_1303 = vector.broadcast %max3A_1302 : f32 to vector<16xf32>
        %max3A_1304 = arith.maximumf %add3A_1301, %max3A_1303 : vector<16xf32>
        %mul3A_1305 = arith.mulf %max3A_1304, %get3A_117 : vector<16xf32>
        %add3A_1306 = arith.addf %add3A_1288, %mul3A_1305 : vector<16xf32>
        %get3A_1307 = arith.constant 0 : i32
        %get3A_1308 = tpu.memref_slice %arg11[%and3A_86, %add3A_1231, %get3A_1307] : memref<4x80x128xf32, #tpu.memory_space<vmem>> -> memref<1x1x128xf32, #tpu.memory_space<vmem>>
        %get3A_1309 = tpu.memref_squeeze %get3A_1308 : memref<1x1x128xf32, #tpu.memory_space<vmem>> -> memref<128xf32, #tpu.memory_space<vmem>>
        %get3A_1310 = arith.constant 64 : index
        %get3A_1311 = tpu.vector_load %get3A_1309[%get3A_1310] {strides = array<i32>} : memref<128xf32, #tpu.memory_space<vmem>>, vector<16xf32>,
        %get3A_1312 = vector.shape_cast %get3A_1311 : vector<16xf32> to vector<16xf32>
        %get3A_1313 = arith.constant 0 : i32
        %get3A_1314 = tpu.memref_slice %arg12[%and3A_86, %add3A_1235, %get3A_1313] : memref<4x80x128xf32, #tpu.memory_space<vmem>> -> memref<1x1x128xf32, #tpu.memory_space<vmem>>
        %get3A_1315 = tpu.memref_squeeze %get3A_1314 : memref<1x1x128xf32, #tpu.memory_space<vmem>> -> memref<128xf32, #tpu.memory_space<vmem>>
        %get3A_1316 = arith.constant 64 : index
        %get3A_1317 = tpu.vector_load %get3A_1315[%get3A_1316] {strides = array<i32>} : memref<128xf32, #tpu.memory_space<vmem>>, vector<16xf32>,
        %get3A_1318 = vector.shape_cast %get3A_1317 : vector<16xf32> to vector<16xf32>
        %add3A_1319 = arith.addf %get3A_1312, %get3A_1318 : vector<16xf32>
        %max3A_1320 = arith.constant 0.000000e+00 : f32
        %max3A_1321 = vector.broadcast %max3A_1320 : f32 to vector<16xf32>
        %max3A_1322 = arith.maximumf %add3A_1319, %max3A_1321 : vector<16xf32>
        %mul3A_1323 = arith.mulf %max3A_1322, %get3A_120 : vector<16xf32>
        %add3A_1324 = arith.addf %add3A_1306, %mul3A_1323 : vector<16xf32>
        %get3A_1325 = arith.constant 0 : i32
        %get3A_1326 = tpu.memref_slice %arg11[%and3A_86, %add3A_1231, %get3A_1325] : memref<4x80x128xf32, #tpu.memory_space<vmem>> -> memref<1x1x128xf32, #tpu.memory_space<vmem>>
        %get3A_1327 = tpu.memref_squeeze %get3A_1326 : memref<1x1x128xf32, #tpu.memory_space<vmem>> -> memref<128xf32, #tpu.memory_space<vmem>>
        %get3A_1328 = arith.constant 80 : index
        %get3A_1329 = tpu.vector_load %get3A_1327[%get3A_1328] {strides = array<i32>} : memref<128xf32, #tpu.memory_space<vmem>>, vector<16xf32>,
        %get3A_1330 = vector.shape_cast %get3A_1329 : vector<16xf32> to vector<16xf32>
        %get3A_1331 = arith.constant 0 : i32
        %get3A_1332 = tpu.memref_slice %arg12[%and3A_86, %add3A_1235, %get3A_1331] : memref<4x80x128xf32, #tpu.memory_space<vmem>> -> memref<1x1x128xf32, #tpu.memory_space<vmem>>
        %get3A_1333 = tpu.memref_squeeze %get3A_1332 : memref<1x1x128xf32, #tpu.memory_space<vmem>> -> memref<128xf32, #tpu.memory_space<vmem>>
        %get3A_1334 = arith.constant 80 : index
        %get3A_1335 = tpu.vector_load %get3A_1333[%get3A_1334] {strides = array<i32>} : memref<128xf32, #tpu.memory_space<vmem>>, vector<16xf32>,
        %get3A_1336 = vector.shape_cast %get3A_1335 : vector<16xf32> to vector<16xf32>
        %add3A_1337 = arith.addf %get3A_1330, %get3A_1336 : vector<16xf32>
        %max3A_1338 = arith.constant 0.000000e+00 : f32
        %max3A_1339 = vector.broadcast %max3A_1338 : f32 to vector<16xf32>
        %max3A_1340 = arith.maximumf %add3A_1337, %max3A_1339 : vector<16xf32>
        %mul3A_1341 = arith.mulf %max3A_1340, %get3A_123 : vector<16xf32>
        %add3A_1342 = arith.addf %add3A_1324, %mul3A_1341 : vector<16xf32>
        %get3A_1343 = arith.constant 0 : i32
        %get3A_1344 = tpu.memref_slice %arg11[%and3A_86, %add3A_1231, %get3A_1343] : memref<4x80x128xf32, #tpu.memory_space<vmem>> -> memref<1x1x128xf32, #tpu.memory_space<vmem>>
        %get3A_1345 = tpu.memref_squeeze %get3A_1344 : memref<1x1x128xf32, #tpu.memory_space<vmem>> -> memref<128xf32, #tpu.memory_space<vmem>>
        %get3A_1346 = arith.constant 96 : index
        %get3A_1347 = tpu.vector_load %get3A_1345[%get3A_1346] {strides = array<i32>} : memref<128xf32, #tpu.memory_space<vmem>>, vector<16xf32>,
        %get3A_1348 = vector.shape_cast %get3A_1347 : vector<16xf32> to vector<16xf32>
        %get3A_1349 = arith.constant 0 : i32
        %get3A_1350 = tpu.memref_slice %arg12[%and3A_86, %add3A_1235, %get3A_1349] : memref<4x80x128xf32, #tpu.memory_space<vmem>> -> memref<1x1x128xf32, #tpu.memory_space<vmem>>
        %get3A_1351 = tpu.memref_squeeze %get3A_1350 : memref<1x1x128xf32, #tpu.memory_space<vmem>> -> memref<128xf32, #tpu.memory_space<vmem>>
        %get3A_1352 = arith.constant 96 : index
        %get3A_1353 = tpu.vector_load %get3A_1351[%get3A_1352] {strides = array<i32>} : memref<128xf32, #tpu.memory_space<vmem>>, vector<16xf32>,
        %get3A_1354 = vector.shape_cast %get3A_1353 : vector<16xf32> to vector<16xf32>
        %add3A_1355 = arith.addf %get3A_1348, %get3A_1354 : vector<16xf32>
        %max3A_1356 = arith.constant 0.000000e+00 : f32
        %max3A_1357 = vector.broadcast %max3A_1356 : f32 to vector<16xf32>
        %max3A_1358 = arith.maximumf %add3A_1355, %max3A_1357 : vector<16xf32>
        %mul3A_1359 = arith.mulf %max3A_1358, %get3A_126 : vector<16xf32>
        %add3A_1360 = arith.addf %add3A_1342, %mul3A_1359 : vector<16xf32>
        %get3A_1361 = arith.constant 0 : i32
        %get3A_1362 = tpu.memref_slice %arg11[%and3A_86, %add3A_1231, %get3A_1361] : memref<4x80x128xf32, #tpu.memory_space<vmem>> -> memref<1x1x128xf32, #tpu.memory_space<vmem>>
        %get3A_1363 = tpu.memref_squeeze %get3A_1362 : memref<1x1x128xf32, #tpu.memory_space<vmem>> -> memref<128xf32, #tpu.memory_space<vmem>>
        %get3A_1364 = arith.constant 112 : index
        %get3A_1365 = tpu.vector_load %get3A_1363[%get3A_1364] {strides = array<i32>} : memref<128xf32, #tpu.memory_space<vmem>>, vector<16xf32>,
        %get3A_1366 = vector.shape_cast %get3A_1365 : vector<16xf32> to vector<16xf32>
        %get3A_1367 = arith.constant 0 : i32
        %get3A_1368 = tpu.memref_slice %arg12[%and3A_86, %add3A_1235, %get3A_1367] : memref<4x80x128xf32, #tpu.memory_space<vmem>> -> memref<1x1x128xf32, #tpu.memory_space<vmem>>
        %get3A_1369 = tpu.memref_squeeze %get3A_1368 : memref<1x1x128xf32, #tpu.memory_space<vmem>> -> memref<128xf32, #tpu.memory_space<vmem>>
        %get3A_1370 = arith.constant 112 : index
        %get3A_1371 = tpu.vector_load %get3A_1369[%get3A_1370] {strides = array<i32>} : memref<128xf32, #tpu.memory_space<vmem>>, vector<16xf32>,
        %get3A_1372 = vector.shape_cast %get3A_1371 : vector<16xf32> to vector<16xf32>
        %add3A_1373 = arith.addf %get3A_1366, %get3A_1372 : vector<16xf32>
        %max3A_1374 = arith.constant 0.000000e+00 : f32
        %max3A_1375 = vector.broadcast %max3A_1374 : f32 to vector<16xf32>
        %max3A_1376 = arith.maximumf %add3A_1373, %max3A_1375 : vector<16xf32>
        %mul3A_1377 = arith.mulf %max3A_1376, %get3A_129 : vector<16xf32>
        %add3A_1378 = arith.addf %add3A_1360, %mul3A_1377 : vector<16xf32>
        %mul3A_1379 = arith.constant 16 : i32
        %mul3A_1380 = arith.muli %scan3A_171, %mul3A_1379 : i32
        %add3A_1381 = arith.constant 8 : i32
        %add3A_1382 = arith.addi %mul3A_1380, %add3A_1381 : i32
        %mul3A_1383 = arith.constant 16 : i32
        %mul3A_1384 = arith.muli %scan3A_171, %mul3A_1383 : i32
        %add3A_1385 = arith.constant 8 : i32
        %add3A_1386 = arith.addi %mul3A_1384, %add3A_1385 : i32
        %get3A_1387 = arith.constant 0 : i32
        %get3A_1388 = tpu.memref_slice %arg11[%and3A_86, %add3A_1382, %get3A_1387] : memref<4x80x128xf32, #tpu.memory_space<vmem>> -> memref<1x1x128xf32, #tpu.memory_space<vmem>>
        %get3A_1389 = tpu.memref_squeeze %get3A_1388 : memref<1x1x128xf32, #tpu.memory_space<vmem>> -> memref<128xf32, #tpu.memory_space<vmem>>
        %get3A_1390 = arith.constant 0 : index
        %get3A_1391 = tpu.vector_load %get3A_1389[%get3A_1390] {strides = array<i32>} : memref<128xf32, #tpu.memory_space<vmem>>, vector<16xf32>,
        %get3A_1392 = vector.shape_cast %get3A_1391 : vector<16xf32> to vector<16xf32>
        %get3A_1393 = arith.constant 0 : i32
        %get3A_1394 = tpu.memref_slice %arg12[%and3A_86, %add3A_1386, %get3A_1393] : memref<4x80x128xf32, #tpu.memory_space<vmem>> -> memref<1x1x128xf32, #tpu.memory_space<vmem>>
        %get3A_1395 = tpu.memref_squeeze %get3A_1394 : memref<1x1x128xf32, #tpu.memory_space<vmem>> -> memref<128xf32, #tpu.memory_space<vmem>>
        %get3A_1396 = arith.constant 0 : index
        %get3A_1397 = tpu.vector_load %get3A_1395[%get3A_1396] {strides = array<i32>} : memref<128xf32, #tpu.memory_space<vmem>>, vector<16xf32>,
        %get3A_1398 = vector.shape_cast %get3A_1397 : vector<16xf32> to vector<16xf32>
        %add3A_1399 = arith.addf %get3A_1392, %get3A_1398 : vector<16xf32>
        %max3A_1400 = arith.constant 0.000000e+00 : f32
        %max3A_1401 = vector.broadcast %max3A_1400 : f32 to vector<16xf32>
        %max3A_1402 = arith.maximumf %add3A_1399, %max3A_1401 : vector<16xf32>
        %mul3A_1403 = arith.mulf %max3A_1402, %get3A_108 : vector<16xf32>
        %get3A_1404 = arith.constant 0 : i32
        %get3A_1405 = tpu.memref_slice %arg11[%and3A_86, %add3A_1382, %get3A_1404] : memref<4x80x128xf32, #tpu.memory_space<vmem>> -> memref<1x1x128xf32, #tpu.memory_space<vmem>>
        %get3A_1406 = tpu.memref_squeeze %get3A_1405 : memref<1x1x128xf32, #tpu.memory_space<vmem>> -> memref<128xf32, #tpu.memory_space<vmem>>
        %get3A_1407 = arith.constant 16 : index
        %get3A_1408 = tpu.vector_load %get3A_1406[%get3A_1407] {strides = array<i32>} : memref<128xf32, #tpu.memory_space<vmem>>, vector<16xf32>,
        %get3A_1409 = vector.shape_cast %get3A_1408 : vector<16xf32> to vector<16xf32>
        %get3A_1410 = arith.constant 0 : i32
        %get3A_1411 = tpu.memref_slice %arg12[%and3A_86, %add3A_1386, %get3A_1410] : memref<4x80x128xf32, #tpu.memory_space<vmem>> -> memref<1x1x128xf32, #tpu.memory_space<vmem>>
        %get3A_1412 = tpu.memref_squeeze %get3A_1411 : memref<1x1x128xf32, #tpu.memory_space<vmem>> -> memref<128xf32, #tpu.memory_space<vmem>>
        %get3A_1413 = arith.constant 16 : index
        %get3A_1414 = tpu.vector_load %get3A_1412[%get3A_1413] {strides = array<i32>} : memref<128xf32, #tpu.memory_space<vmem>>, vector<16xf32>,
        %get3A_1415 = vector.shape_cast %get3A_1414 : vector<16xf32> to vector<16xf32>
        %add3A_1416 = arith.addf %get3A_1409, %get3A_1415 : vector<16xf32>
        %max3A_1417 = arith.constant 0.000000e+00 : f32
        %max3A_1418 = vector.broadcast %max3A_1417 : f32 to vector<16xf32>
        %max3A_1419 = arith.maximumf %add3A_1416, %max3A_1418 : vector<16xf32>
        %mul3A_1420 = arith.mulf %max3A_1419, %get3A_111 : vector<16xf32>
        %add3A_1421 = arith.addf %mul3A_1403, %mul3A_1420 : vector<16xf32>
        %get3A_1422 = arith.constant 0 : i32
        %get3A_1423 = tpu.memref_slice %arg11[%and3A_86, %add3A_1382, %get3A_1422] : memref<4x80x128xf32, #tpu.memory_space<vmem>> -> memref<1x1x128xf32, #tpu.memory_space<vmem>>
        %get3A_1424 = tpu.memref_squeeze %get3A_1423 : memref<1x1x128xf32, #tpu.memory_space<vmem>> -> memref<128xf32, #tpu.memory_space<vmem>>
        %get3A_1425 = arith.constant 32 : index
        %get3A_1426 = tpu.vector_load %get3A_1424[%get3A_1425] {strides = array<i32>} : memref<128xf32, #tpu.memory_space<vmem>>, vector<16xf32>,
        %get3A_1427 = vector.shape_cast %get3A_1426 : vector<16xf32> to vector<16xf32>
        %get3A_1428 = arith.constant 0 : i32
        %get3A_1429 = tpu.memref_slice %arg12[%and3A_86, %add3A_1386, %get3A_1428] : memref<4x80x128xf32, #tpu.memory_space<vmem>> -> memref<1x1x128xf32, #tpu.memory_space<vmem>>
        %get3A_1430 = tpu.memref_squeeze %get3A_1429 : memref<1x1x128xf32, #tpu.memory_space<vmem>> -> memref<128xf32, #tpu.memory_space<vmem>>
        %get3A_1431 = arith.constant 32 : index
        %get3A_1432 = tpu.vector_load %get3A_1430[%get3A_1431] {strides = array<i32>} : memref<128xf32, #tpu.memory_space<vmem>>, vector<16xf32>,
        %get3A_1433 = vector.shape_cast %get3A_1432 : vector<16xf32> to vector<16xf32>
        %add3A_1434 = arith.addf %get3A_1427, %get3A_1433 : vector<16xf32>
        %max3A_1435 = arith.constant 0.000000e+00 : f32
        %max3A_1436 = vector.broadcast %max3A_1435 : f32 to vector<16xf32>
        %max3A_1437 = arith.maximumf %add3A_1434, %max3A_1436 : vector<16xf32>
        %mul3A_1438 = arith.mulf %max3A_1437, %get3A_114 : vector<16xf32>
        %add3A_1439 = arith.addf %add3A_1421, %mul3A_1438 : vector<16xf32>
        %get3A_1440 = arith.constant 0 : i32
        %get3A_1441 = tpu.memref_slice %arg11[%and3A_86, %add3A_1382, %get3A_1440] : memref<4x80x128xf32, #tpu.memory_space<vmem>> -> memref<1x1x128xf32, #tpu.memory_space<vmem>>
        %get3A_1442 = tpu.memref_squeeze %get3A_1441 : memref<1x1x128xf32, #tpu.memory_space<vmem>> -> memref<128xf32, #tpu.memory_space<vmem>>
        %get3A_1443 = arith.constant 48 : index
        %get3A_1444 = tpu.vector_load %get3A_1442[%get3A_1443] {strides = array<i32>} : memref<128xf32, #tpu.memory_space<vmem>>, vector<16xf32>,
        %get3A_1445 = vector.shape_cast %get3A_1444 : vector<16xf32> to vector<16xf32>
        %get3A_1446 = arith.constant 0 : i32
        %get3A_1447 = tpu.memref_slice %arg12[%and3A_86, %add3A_1386, %get3A_1446] : memref<4x80x128xf32, #tpu.memory_space<vmem>> -> memref<1x1x128xf32, #tpu.memory_space<vmem>>
        %get3A_1448 = tpu.memref_squeeze %get3A_1447 : memref<1x1x128xf32, #tpu.memory_space<vmem>> -> memref<128xf32, #tpu.memory_space<vmem>>
        %get3A_1449 = arith.constant 48 : index
        %get3A_1450 = tpu.vector_load %get3A_1448[%get3A_1449] {strides = array<i32>} : memref<128xf32, #tpu.memory_space<vmem>>, vector<16xf32>,
        %get3A_1451 = vector.shape_cast %get3A_1450 : vector<16xf32> to vector<16xf32>
        %add3A_1452 = arith.addf %get3A_1445, %get3A_1451 : vector<16xf32>
        %max3A_1453 = arith.constant 0.000000e+00 : f32
        %max3A_1454 = vector.broadcast %max3A_1453 : f32 to vector<16xf32>
        %max3A_1455 = arith.maximumf %add3A_1452, %max3A_1454 : vector<16xf32>
        %mul3A_1456 = arith.mulf %max3A_1455, %get3A_117 : vector<16xf32>
        %add3A_1457 = arith.addf %add3A_1439, %mul3A_1456 : vector<16xf32>
        %get3A_1458 = arith.constant 0 : i32
        %get3A_1459 = tpu.memref_slice %arg11[%and3A_86, %add3A_1382, %get3A_1458] : memref<4x80x128xf32, #tpu.memory_space<vmem>> -> memref<1x1x128xf32, #tpu.memory_space<vmem>>
        %get3A_1460 = tpu.memref_squeeze %get3A_1459 : memref<1x1x128xf32, #tpu.memory_space<vmem>> -> memref<128xf32, #tpu.memory_space<vmem>>
        %get3A_1461 = arith.constant 64 : index
        %get3A_1462 = tpu.vector_load %get3A_1460[%get3A_1461] {strides = array<i32>} : memref<128xf32, #tpu.memory_space<vmem>>, vector<16xf32>,
        %get3A_1463 = vector.shape_cast %get3A_1462 : vector<16xf32> to vector<16xf32>
        %get3A_1464 = arith.constant 0 : i32
        %get3A_1465 = tpu.memref_slice %arg12[%and3A_86, %add3A_1386, %get3A_1464] : memref<4x80x128xf32, #tpu.memory_space<vmem>> -> memref<1x1x128xf32, #tpu.memory_space<vmem>>
        %get3A_1466 = tpu.memref_squeeze %get3A_1465 : memref<1x1x128xf32, #tpu.memory_space<vmem>> -> memref<128xf32, #tpu.memory_space<vmem>>
        %get3A_1467 = arith.constant 64 : index
        %get3A_1468 = tpu.vector_load %get3A_1466[%get3A_1467] {strides = array<i32>} : memref<128xf32, #tpu.memory_space<vmem>>, vector<16xf32>,
        %get3A_1469 = vector.shape_cast %get3A_1468 : vector<16xf32> to vector<16xf32>
        %add3A_1470 = arith.addf %get3A_1463, %get3A_1469 : vector<16xf32>
        %max3A_1471 = arith.constant 0.000000e+00 : f32
        %max3A_1472 = vector.broadcast %max3A_1471 : f32 to vector<16xf32>
        %max3A_1473 = arith.maximumf %add3A_1470, %max3A_1472 : vector<16xf32>
        %mul3A_1474 = arith.mulf %max3A_1473, %get3A_120 : vector<16xf32>
        %add3A_1475 = arith.addf %add3A_1457, %mul3A_1474 : vector<16xf32>
        %get3A_1476 = arith.constant 0 : i32
        %get3A_1477 = tpu.memref_slice %arg11[%and3A_86, %add3A_1382, %get3A_1476] : memref<4x80x128xf32, #tpu.memory_space<vmem>> -> memref<1x1x128xf32, #tpu.memory_space<vmem>>
        %get3A_1478 = tpu.memref_squeeze %get3A_1477 : memref<1x1x128xf32, #tpu.memory_space<vmem>> -> memref<128xf32, #tpu.memory_space<vmem>>
        %get3A_1479 = arith.constant 80 : index
        %get3A_1480 = tpu.vector_load %get3A_1478[%get3A_1479] {strides = array<i32>} : memref<128xf32, #tpu.memory_space<vmem>>, vector<16xf32>,
        %get3A_1481 = vector.shape_cast %get3A_1480 : vector<16xf32> to vector<16xf32>
        %get3A_1482 = arith.constant 0 : i32
        %get3A_1483 = tpu.memref_slice %arg12[%and3A_86, %add3A_1386, %get3A_1482] : memref<4x80x128xf32, #tpu.memory_space<vmem>> -> memref<1x1x128xf32, #tpu.memory_space<vmem>>
        %get3A_1484 = tpu.memref_squeeze %get3A_1483 : memref<1x1x128xf32, #tpu.memory_space<vmem>> -> memref<128xf32, #tpu.memory_space<vmem>>
        %get3A_1485 = arith.constant 80 : index
        %get3A_1486 = tpu.vector_load %get3A_1484[%get3A_1485] {strides = array<i32>} : memref<128xf32, #tpu.memory_space<vmem>>, vector<16xf32>,
        %get3A_1487 = vector.shape_cast %get3A_1486 : vector<16xf32> to vector<16xf32>
        %add3A_1488 = arith.addf %get3A_1481, %get3A_1487 : vector<16xf32>
        %max3A_1489 = arith.constant 0.000000e+00 : f32
        %max3A_1490 = vector.broadcast %max3A_1489 : f32 to vector<16xf32>
        %max3A_1491 = arith.maximumf %add3A_1488, %max3A_1490 : vector<16xf32>
        %mul3A_1492 = arith.mulf %max3A_1491, %get3A_123 : vector<16xf32>
        %add3A_1493 = arith.addf %add3A_1475, %mul3A_1492 : vector<16xf32>
        %get3A_1494 = arith.constant 0 : i32
        %get3A_1495 = tpu.memref_slice %arg11[%and3A_86, %add3A_1382, %get3A_1494] : memref<4x80x128xf32, #tpu.memory_space<vmem>> -> memref<1x1x128xf32, #tpu.memory_space<vmem>>
        %get3A_1496 = tpu.memref_squeeze %get3A_1495 : memref<1x1x128xf32, #tpu.memory_space<vmem>> -> memref<128xf32, #tpu.memory_space<vmem>>
        %get3A_1497 = arith.constant 96 : index
        %get3A_1498 = tpu.vector_load %get3A_1496[%get3A_1497] {strides = array<i32>} : memref<128xf32, #tpu.memory_space<vmem>>, vector<16xf32>,
        %get3A_1499 = vector.shape_cast %get3A_1498 : vector<16xf32> to vector<16xf32>
        %get3A_1500 = arith.constant 0 : i32
        %get3A_1501 = tpu.memref_slice %arg12[%and3A_86, %add3A_1386, %get3A_1500] : memref<4x80x128xf32, #tpu.memory_space<vmem>> -> memref<1x1x128xf32, #tpu.memory_space<vmem>>
        %get3A_1502 = tpu.memref_squeeze %get3A_1501 : memref<1x1x128xf32, #tpu.memory_space<vmem>> -> memref<128xf32, #tpu.memory_space<vmem>>
        %get3A_1503 = arith.constant 96 : index
        %get3A_1504 = tpu.vector_load %get3A_1502[%get3A_1503] {strides = array<i32>} : memref<128xf32, #tpu.memory_space<vmem>>, vector<16xf32>,
        %get3A_1505 = vector.shape_cast %get3A_1504 : vector<16xf32> to vector<16xf32>
        %add3A_1506 = arith.addf %get3A_1499, %get3A_1505 : vector<16xf32>
        %max3A_1507 = arith.constant 0.000000e+00 : f32
        %max3A_1508 = vector.broadcast %max3A_1507 : f32 to vector<16xf32>
        %max3A_1509 = arith.maximumf %add3A_1506, %max3A_1508 : vector<16xf32>
        %mul3A_1510 = arith.mulf %max3A_1509, %get3A_126 : vector<16xf32>
        %add3A_1511 = arith.addf %add3A_1493, %mul3A_1510 : vector<16xf32>
        %get3A_1512 = arith.constant 0 : i32
        %get3A_1513 = tpu.memref_slice %arg11[%and3A_86, %add3A_1382, %get3A_1512] : memref<4x80x128xf32, #tpu.memory_space<vmem>> -> memref<1x1x128xf32, #tpu.memory_space<vmem>>
        %get3A_1514 = tpu.memref_squeeze %get3A_1513 : memref<1x1x128xf32, #tpu.memory_space<vmem>> -> memref<128xf32, #tpu.memory_space<vmem>>
        %get3A_1515 = arith.constant 112 : index
        %get3A_1516 = tpu.vector_load %get3A_1514[%get3A_1515] {strides = array<i32>} : memref<128xf32, #tpu.memory_space<vmem>>, vector<16xf32>,
        %get3A_1517 = vector.shape_cast %get3A_1516 : vector<16xf32> to vector<16xf32>
        %get3A_1518 = arith.constant 0 : i32
        %get3A_1519 = tpu.memref_slice %arg12[%and3A_86, %add3A_1386, %get3A_1518] : memref<4x80x128xf32, #tpu.memory_space<vmem>> -> memref<1x1x128xf32, #tpu.memory_space<vmem>>
        %get3A_1520 = tpu.memref_squeeze %get3A_1519 : memref<1x1x128xf32, #tpu.memory_space<vmem>> -> memref<128xf32, #tpu.memory_space<vmem>>
        %get3A_1521 = arith.constant 112 : index
        %get3A_1522 = tpu.vector_load %get3A_1520[%get3A_1521] {strides = array<i32>} : memref<128xf32, #tpu.memory_space<vmem>>, vector<16xf32>,
        %get3A_1523 = vector.shape_cast %get3A_1522 : vector<16xf32> to vector<16xf32>
        %add3A_1524 = arith.addf %get3A_1517, %get3A_1523 : vector<16xf32>
        %max3A_1525 = arith.constant 0.000000e+00 : f32
        %max3A_1526 = vector.broadcast %max3A_1525 : f32 to vector<16xf32>
        %max3A_1527 = arith.maximumf %add3A_1524, %max3A_1526 : vector<16xf32>
        %mul3A_1528 = arith.mulf %max3A_1527, %get3A_129 : vector<16xf32>
        %add3A_1529 = arith.addf %add3A_1511, %mul3A_1528 : vector<16xf32>
        %mul3A_1530 = arith.constant 16 : i32
        %mul3A_1531 = arith.muli %scan3A_171, %mul3A_1530 : i32
        %add3A_1532 = arith.constant 9 : i32
        %add3A_1533 = arith.addi %mul3A_1531, %add3A_1532 : i32
        %mul3A_1534 = arith.constant 16 : i32
        %mul3A_1535 = arith.muli %scan3A_171, %mul3A_1534 : i32
        %add3A_1536 = arith.constant 9 : i32
        %add3A_1537 = arith.addi %mul3A_1535, %add3A_1536 : i32
        %get3A_1538 = arith.constant 0 : i32
        %get3A_1539 = tpu.memref_slice %arg11[%and3A_86, %add3A_1533, %get3A_1538] : memref<4x80x128xf32, #tpu.memory_space<vmem>> -> memref<1x1x128xf32, #tpu.memory_space<vmem>>
        %get3A_1540 = tpu.memref_squeeze %get3A_1539 : memref<1x1x128xf32, #tpu.memory_space<vmem>> -> memref<128xf32, #tpu.memory_space<vmem>>
        %get3A_1541 = arith.constant 0 : index
        %get3A_1542 = tpu.vector_load %get3A_1540[%get3A_1541] {strides = array<i32>} : memref<128xf32, #tpu.memory_space<vmem>>, vector<16xf32>,
        %get3A_1543 = vector.shape_cast %get3A_1542 : vector<16xf32> to vector<16xf32>
        %get3A_1544 = arith.constant 0 : i32
        %get3A_1545 = tpu.memref_slice %arg12[%and3A_86, %add3A_1537, %get3A_1544] : memref<4x80x128xf32, #tpu.memory_space<vmem>> -> memref<1x1x128xf32, #tpu.memory_space<vmem>>
        %get3A_1546 = tpu.memref_squeeze %get3A_1545 : memref<1x1x128xf32, #tpu.memory_space<vmem>> -> memref<128xf32, #tpu.memory_space<vmem>>
        %get3A_1547 = arith.constant 0 : index
        %get3A_1548 = tpu.vector_load %get3A_1546[%get3A_1547] {strides = array<i32>} : memref<128xf32, #tpu.memory_space<vmem>>, vector<16xf32>,
        %get3A_1549 = vector.shape_cast %get3A_1548 : vector<16xf32> to vector<16xf32>
        %add3A_1550 = arith.addf %get3A_1543, %get3A_1549 : vector<16xf32>
        %max3A_1551 = arith.constant 0.000000e+00 : f32
        %max3A_1552 = vector.broadcast %max3A_1551 : f32 to vector<16xf32>
        %max3A_1553 = arith.maximumf %add3A_1550, %max3A_1552 : vector<16xf32>
        %mul3A_1554 = arith.mulf %max3A_1553, %get3A_108 : vector<16xf32>
        %get3A_1555 = arith.constant 0 : i32
        %get3A_1556 = tpu.memref_slice %arg11[%and3A_86, %add3A_1533, %get3A_1555] : memref<4x80x128xf32, #tpu.memory_space<vmem>> -> memref<1x1x128xf32, #tpu.memory_space<vmem>>
        %get3A_1557 = tpu.memref_squeeze %get3A_1556 : memref<1x1x128xf32, #tpu.memory_space<vmem>> -> memref<128xf32, #tpu.memory_space<vmem>>
        %get3A_1558 = arith.constant 16 : index
        %get3A_1559 = tpu.vector_load %get3A_1557[%get3A_1558] {strides = array<i32>} : memref<128xf32, #tpu.memory_space<vmem>>, vector<16xf32>,
        %get3A_1560 = vector.shape_cast %get3A_1559 : vector<16xf32> to vector<16xf32>
        %get3A_1561 = arith.constant 0 : i32
        %get3A_1562 = tpu.memref_slice %arg12[%and3A_86, %add3A_1537, %get3A_1561] : memref<4x80x128xf32, #tpu.memory_space<vmem>> -> memref<1x1x128xf32, #tpu.memory_space<vmem>>
        %get3A_1563 = tpu.memref_squeeze %get3A_1562 : memref<1x1x128xf32, #tpu.memory_space<vmem>> -> memref<128xf32, #tpu.memory_space<vmem>>
        %get3A_1564 = arith.constant 16 : index
        %get3A_1565 = tpu.vector_load %get3A_1563[%get3A_1564] {strides = array<i32>} : memref<128xf32, #tpu.memory_space<vmem>>, vector<16xf32>,
        %get3A_1566 = vector.shape_cast %get3A_1565 : vector<16xf32> to vector<16xf32>
        %add3A_1567 = arith.addf %get3A_1560, %get3A_1566 : vector<16xf32>
        %max3A_1568 = arith.constant 0.000000e+00 : f32
        %max3A_1569 = vector.broadcast %max3A_1568 : f32 to vector<16xf32>
        %max3A_1570 = arith.maximumf %add3A_1567, %max3A_1569 : vector<16xf32>
        %mul3A_1571 = arith.mulf %max3A_1570, %get3A_111 : vector<16xf32>
        %add3A_1572 = arith.addf %mul3A_1554, %mul3A_1571 : vector<16xf32>
        %get3A_1573 = arith.constant 0 : i32
        %get3A_1574 = tpu.memref_slice %arg11[%and3A_86, %add3A_1533, %get3A_1573] : memref<4x80x128xf32, #tpu.memory_space<vmem>> -> memref<1x1x128xf32, #tpu.memory_space<vmem>>
        %get3A_1575 = tpu.memref_squeeze %get3A_1574 : memref<1x1x128xf32, #tpu.memory_space<vmem>> -> memref<128xf32, #tpu.memory_space<vmem>>
        %get3A_1576 = arith.constant 32 : index
        %get3A_1577 = tpu.vector_load %get3A_1575[%get3A_1576] {strides = array<i32>} : memref<128xf32, #tpu.memory_space<vmem>>, vector<16xf32>,
        %get3A_1578 = vector.shape_cast %get3A_1577 : vector<16xf32> to vector<16xf32>
        %get3A_1579 = arith.constant 0 : i32
        %get3A_1580 = tpu.memref_slice %arg12[%and3A_86, %add3A_1537, %get3A_1579] : memref<4x80x128xf32, #tpu.memory_space<vmem>> -> memref<1x1x128xf32, #tpu.memory_space<vmem>>
        %get3A_1581 = tpu.memref_squeeze %get3A_1580 : memref<1x1x128xf32, #tpu.memory_space<vmem>> -> memref<128xf32, #tpu.memory_space<vmem>>
        %get3A_1582 = arith.constant 32 : index
        %get3A_1583 = tpu.vector_load %get3A_1581[%get3A_1582] {strides = array<i32>} : memref<128xf32, #tpu.memory_space<vmem>>, vector<16xf32>,
        %get3A_1584 = vector.shape_cast %get3A_1583 : vector<16xf32> to vector<16xf32>
        %add3A_1585 = arith.addf %get3A_1578, %get3A_1584 : vector<16xf32>
        %max3A_1586 = arith.constant 0.000000e+00 : f32
        %max3A_1587 = vector.broadcast %max3A_1586 : f32 to vector<16xf32>
        %max3A_1588 = arith.maximumf %add3A_1585, %max3A_1587 : vector<16xf32>
        %mul3A_1589 = arith.mulf %max3A_1588, %get3A_114 : vector<16xf32>
        %add3A_1590 = arith.addf %add3A_1572, %mul3A_1589 : vector<16xf32>
        %get3A_1591 = arith.constant 0 : i32
        %get3A_1592 = tpu.memref_slice %arg11[%and3A_86, %add3A_1533, %get3A_1591] : memref<4x80x128xf32, #tpu.memory_space<vmem>> -> memref<1x1x128xf32, #tpu.memory_space<vmem>>
        %get3A_1593 = tpu.memref_squeeze %get3A_1592 : memref<1x1x128xf32, #tpu.memory_space<vmem>> -> memref<128xf32, #tpu.memory_space<vmem>>
        %get3A_1594 = arith.constant 48 : index
        %get3A_1595 = tpu.vector_load %get3A_1593[%get3A_1594] {strides = array<i32>} : memref<128xf32, #tpu.memory_space<vmem>>, vector<16xf32>,
        %get3A_1596 = vector.shape_cast %get3A_1595 : vector<16xf32> to vector<16xf32>
        %get3A_1597 = arith.constant 0 : i32
        %get3A_1598 = tpu.memref_slice %arg12[%and3A_86, %add3A_1537, %get3A_1597] : memref<4x80x128xf32, #tpu.memory_space<vmem>> -> memref<1x1x128xf32, #tpu.memory_space<vmem>>
        %get3A_1599 = tpu.memref_squeeze %get3A_1598 : memref<1x1x128xf32, #tpu.memory_space<vmem>> -> memref<128xf32, #tpu.memory_space<vmem>>
        %get3A_1600 = arith.constant 48 : index
        %get3A_1601 = tpu.vector_load %get3A_1599[%get3A_1600] {strides = array<i32>} : memref<128xf32, #tpu.memory_space<vmem>>, vector<16xf32>,
        %get3A_1602 = vector.shape_cast %get3A_1601 : vector<16xf32> to vector<16xf32>
        %add3A_1603 = arith.addf %get3A_1596, %get3A_1602 : vector<16xf32>
        %max3A_1604 = arith.constant 0.000000e+00 : f32
        %max3A_1605 = vector.broadcast %max3A_1604 : f32 to vector<16xf32>
        %max3A_1606 = arith.maximumf %add3A_1603, %max3A_1605 : vector<16xf32>
        %mul3A_1607 = arith.mulf %max3A_1606, %get3A_117 : vector<16xf32>
        %add3A_1608 = arith.addf %add3A_1590, %mul3A_1607 : vector<16xf32>
        %get3A_1609 = arith.constant 0 : i32
        %get3A_1610 = tpu.memref_slice %arg11[%and3A_86, %add3A_1533, %get3A_1609] : memref<4x80x128xf32, #tpu.memory_space<vmem>> -> memref<1x1x128xf32, #tpu.memory_space<vmem>>
        %get3A_1611 = tpu.memref_squeeze %get3A_1610 : memref<1x1x128xf32, #tpu.memory_space<vmem>> -> memref<128xf32, #tpu.memory_space<vmem>>
        %get3A_1612 = arith.constant 64 : index
        %get3A_1613 = tpu.vector_load %get3A_1611[%get3A_1612] {strides = array<i32>} : memref<128xf32, #tpu.memory_space<vmem>>, vector<16xf32>,
        %get3A_1614 = vector.shape_cast %get3A_1613 : vector<16xf32> to vector<16xf32>
        %get3A_1615 = arith.constant 0 : i32
        %get3A_1616 = tpu.memref_slice %arg12[%and3A_86, %add3A_1537, %get3A_1615] : memref<4x80x128xf32, #tpu.memory_space<vmem>> -> memref<1x1x128xf32, #tpu.memory_space<vmem>>
        %get3A_1617 = tpu.memref_squeeze %get3A_1616 : memref<1x1x128xf32, #tpu.memory_space<vmem>> -> memref<128xf32, #tpu.memory_space<vmem>>
        %get3A_1618 = arith.constant 64 : index
        %get3A_1619 = tpu.vector_load %get3A_1617[%get3A_1618] {strides = array<i32>} : memref<128xf32, #tpu.memory_space<vmem>>, vector<16xf32>,
        %get3A_1620 = vector.shape_cast %get3A_1619 : vector<16xf32> to vector<16xf32>
        %add3A_1621 = arith.addf %get3A_1614, %get3A_1620 : vector<16xf32>
        %max3A_1622 = arith.constant 0.000000e+00 : f32
        %max3A_1623 = vector.broadcast %max3A_1622 : f32 to vector<16xf32>
        %max3A_1624 = arith.maximumf %add3A_1621, %max3A_1623 : vector<16xf32>
        %mul3A_1625 = arith.mulf %max3A_1624, %get3A_120 : vector<16xf32>
        %add3A_1626 = arith.addf %add3A_1608, %mul3A_1625 : vector<16xf32>
        %get3A_1627 = arith.constant 0 : i32
        %get3A_1628 = tpu.memref_slice %arg11[%and3A_86, %add3A_1533, %get3A_1627] : memref<4x80x128xf32, #tpu.memory_space<vmem>> -> memref<1x1x128xf32, #tpu.memory_space<vmem>>
        %get3A_1629 = tpu.memref_squeeze %get3A_1628 : memref<1x1x128xf32, #tpu.memory_space<vmem>> -> memref<128xf32, #tpu.memory_space<vmem>>
        %get3A_1630 = arith.constant 80 : index
        %get3A_1631 = tpu.vector_load %get3A_1629[%get3A_1630] {strides = array<i32>} : memref<128xf32, #tpu.memory_space<vmem>>, vector<16xf32>,
        %get3A_1632 = vector.shape_cast %get3A_1631 : vector<16xf32> to vector<16xf32>
        %get3A_1633 = arith.constant 0 : i32
        %get3A_1634 = tpu.memref_slice %arg12[%and3A_86, %add3A_1537, %get3A_1633] : memref<4x80x128xf32, #tpu.memory_space<vmem>> -> memref<1x1x128xf32, #tpu.memory_space<vmem>>
        %get3A_1635 = tpu.memref_squeeze %get3A_1634 : memref<1x1x128xf32, #tpu.memory_space<vmem>> -> memref<128xf32, #tpu.memory_space<vmem>>
        %get3A_1636 = arith.constant 80 : index
        %get3A_1637 = tpu.vector_load %get3A_1635[%get3A_1636] {strides = array<i32>} : memref<128xf32, #tpu.memory_space<vmem>>, vector<16xf32>,
        %get3A_1638 = vector.shape_cast %get3A_1637 : vector<16xf32> to vector<16xf32>
        %add3A_1639 = arith.addf %get3A_1632, %get3A_1638 : vector<16xf32>
        %max3A_1640 = arith.constant 0.000000e+00 : f32
        %max3A_1641 = vector.broadcast %max3A_1640 : f32 to vector<16xf32>
        %max3A_1642 = arith.maximumf %add3A_1639, %max3A_1641 : vector<16xf32>
        %mul3A_1643 = arith.mulf %max3A_1642, %get3A_123 : vector<16xf32>
        %add3A_1644 = arith.addf %add3A_1626, %mul3A_1643 : vector<16xf32>
        %get3A_1645 = arith.constant 0 : i32
        %get3A_1646 = tpu.memref_slice %arg11[%and3A_86, %add3A_1533, %get3A_1645] : memref<4x80x128xf32, #tpu.memory_space<vmem>> -> memref<1x1x128xf32, #tpu.memory_space<vmem>>
        %get3A_1647 = tpu.memref_squeeze %get3A_1646 : memref<1x1x128xf32, #tpu.memory_space<vmem>> -> memref<128xf32, #tpu.memory_space<vmem>>
        %get3A_1648 = arith.constant 96 : index
        %get3A_1649 = tpu.vector_load %get3A_1647[%get3A_1648] {strides = array<i32>} : memref<128xf32, #tpu.memory_space<vmem>>, vector<16xf32>,
        %get3A_1650 = vector.shape_cast %get3A_1649 : vector<16xf32> to vector<16xf32>
        %get3A_1651 = arith.constant 0 : i32
        %get3A_1652 = tpu.memref_slice %arg12[%and3A_86, %add3A_1537, %get3A_1651] : memref<4x80x128xf32, #tpu.memory_space<vmem>> -> memref<1x1x128xf32, #tpu.memory_space<vmem>>
        %get3A_1653 = tpu.memref_squeeze %get3A_1652 : memref<1x1x128xf32, #tpu.memory_space<vmem>> -> memref<128xf32, #tpu.memory_space<vmem>>
        %get3A_1654 = arith.constant 96 : index
        %get3A_1655 = tpu.vector_load %get3A_1653[%get3A_1654] {strides = array<i32>} : memref<128xf32, #tpu.memory_space<vmem>>, vector<16xf32>,
        %get3A_1656 = vector.shape_cast %get3A_1655 : vector<16xf32> to vector<16xf32>
        %add3A_1657 = arith.addf %get3A_1650, %get3A_1656 : vector<16xf32>
        %max3A_1658 = arith.constant 0.000000e+00 : f32
        %max3A_1659 = vector.broadcast %max3A_1658 : f32 to vector<16xf32>
        %max3A_1660 = arith.maximumf %add3A_1657, %max3A_1659 : vector<16xf32>
        %mul3A_1661 = arith.mulf %max3A_1660, %get3A_126 : vector<16xf32>
        %add3A_1662 = arith.addf %add3A_1644, %mul3A_1661 : vector<16xf32>
        %get3A_1663 = arith.constant 0 : i32
        %get3A_1664 = tpu.memref_slice %arg11[%and3A_86, %add3A_1533, %get3A_1663] : memref<4x80x128xf32, #tpu.memory_space<vmem>> -> memref<1x1x128xf32, #tpu.memory_space<vmem>>
        %get3A_1665 = tpu.memref_squeeze %get3A_1664 : memref<1x1x128xf32, #tpu.memory_space<vmem>> -> memref<128xf32, #tpu.memory_space<vmem>>
        %get3A_1666 = arith.constant 112 : index
        %get3A_1667 = tpu.vector_load %get3A_1665[%get3A_1666] {strides = array<i32>} : memref<128xf32, #tpu.memory_space<vmem>>, vector<16xf32>,
        %get3A_1668 = vector.shape_cast %get3A_1667 : vector<16xf32> to vector<16xf32>
        %get3A_1669 = arith.constant 0 : i32
        %get3A_1670 = tpu.memref_slice %arg12[%and3A_86, %add3A_1537, %get3A_1669] : memref<4x80x128xf32, #tpu.memory_space<vmem>> -> memref<1x1x128xf32, #tpu.memory_space<vmem>>
        %get3A_1671 = tpu.memref_squeeze %get3A_1670 : memref<1x1x128xf32, #tpu.memory_space<vmem>> -> memref<128xf32, #tpu.memory_space<vmem>>
        %get3A_1672 = arith.constant 112 : index
        %get3A_1673 = tpu.vector_load %get3A_1671[%get3A_1672] {strides = array<i32>} : memref<128xf32, #tpu.memory_space<vmem>>, vector<16xf32>,
        %get3A_1674 = vector.shape_cast %get3A_1673 : vector<16xf32> to vector<16xf32>
        %add3A_1675 = arith.addf %get3A_1668, %get3A_1674 : vector<16xf32>
        %max3A_1676 = arith.constant 0.000000e+00 : f32
        %max3A_1677 = vector.broadcast %max3A_1676 : f32 to vector<16xf32>
        %max3A_1678 = arith.maximumf %add3A_1675, %max3A_1677 : vector<16xf32>
        %mul3A_1679 = arith.mulf %max3A_1678, %get3A_129 : vector<16xf32>
        %add3A_1680 = arith.addf %add3A_1662, %mul3A_1679 : vector<16xf32>
        %mul3A_1681 = arith.constant 16 : i32
        %mul3A_1682 = arith.muli %scan3A_171, %mul3A_1681 : i32
        %add3A_1683 = arith.constant 10 : i32
        %add3A_1684 = arith.addi %mul3A_1682, %add3A_1683 : i32
        %mul3A_1685 = arith.constant 16 : i32
        %mul3A_1686 = arith.muli %scan3A_171, %mul3A_1685 : i32
        %add3A_1687 = arith.constant 10 : i32
        %add3A_1688 = arith.addi %mul3A_1686, %add3A_1687 : i32
        %get3A_1689 = arith.constant 0 : i32
        %get3A_1690 = tpu.memref_slice %arg11[%and3A_86, %add3A_1684, %get3A_1689] : memref<4x80x128xf32, #tpu.memory_space<vmem>> -> memref<1x1x128xf32, #tpu.memory_space<vmem>>
        %get3A_1691 = tpu.memref_squeeze %get3A_1690 : memref<1x1x128xf32, #tpu.memory_space<vmem>> -> memref<128xf32, #tpu.memory_space<vmem>>
        %get3A_1692 = arith.constant 0 : index
        %get3A_1693 = tpu.vector_load %get3A_1691[%get3A_1692] {strides = array<i32>} : memref<128xf32, #tpu.memory_space<vmem>>, vector<16xf32>,
        %get3A_1694 = vector.shape_cast %get3A_1693 : vector<16xf32> to vector<16xf32>
        %get3A_1695 = arith.constant 0 : i32
        %get3A_1696 = tpu.memref_slice %arg12[%and3A_86, %add3A_1688, %get3A_1695] : memref<4x80x128xf32, #tpu.memory_space<vmem>> -> memref<1x1x128xf32, #tpu.memory_space<vmem>>
        %get3A_1697 = tpu.memref_squeeze %get3A_1696 : memref<1x1x128xf32, #tpu.memory_space<vmem>> -> memref<128xf32, #tpu.memory_space<vmem>>
        %get3A_1698 = arith.constant 0 : index
        %get3A_1699 = tpu.vector_load %get3A_1697[%get3A_1698] {strides = array<i32>} : memref<128xf32, #tpu.memory_space<vmem>>, vector<16xf32>,
        %get3A_1700 = vector.shape_cast %get3A_1699 : vector<16xf32> to vector<16xf32>
        %add3A_1701 = arith.addf %get3A_1694, %get3A_1700 : vector<16xf32>
        %max3A_1702 = arith.constant 0.000000e+00 : f32
        %max3A_1703 = vector.broadcast %max3A_1702 : f32 to vector<16xf32>
        %max3A_1704 = arith.maximumf %add3A_1701, %max3A_1703 : vector<16xf32>
        %mul3A_1705 = arith.mulf %max3A_1704, %get3A_108 : vector<16xf32>
        %get3A_1706 = arith.constant 0 : i32
        %get3A_1707 = tpu.memref_slice %arg11[%and3A_86, %add3A_1684, %get3A_1706] : memref<4x80x128xf32, #tpu.memory_space<vmem>> -> memref<1x1x128xf32, #tpu.memory_space<vmem>>
        %get3A_1708 = tpu.memref_squeeze %get3A_1707 : memref<1x1x128xf32, #tpu.memory_space<vmem>> -> memref<128xf32, #tpu.memory_space<vmem>>
        %get3A_1709 = arith.constant 16 : index
        %get3A_1710 = tpu.vector_load %get3A_1708[%get3A_1709] {strides = array<i32>} : memref<128xf32, #tpu.memory_space<vmem>>, vector<16xf32>,
        %get3A_1711 = vector.shape_cast %get3A_1710 : vector<16xf32> to vector<16xf32>
        %get3A_1712 = arith.constant 0 : i32
        %get3A_1713 = tpu.memref_slice %arg12[%and3A_86, %add3A_1688, %get3A_1712] : memref<4x80x128xf32, #tpu.memory_space<vmem>> -> memref<1x1x128xf32, #tpu.memory_space<vmem>>
        %get3A_1714 = tpu.memref_squeeze %get3A_1713 : memref<1x1x128xf32, #tpu.memory_space<vmem>> -> memref<128xf32, #tpu.memory_space<vmem>>
        %get3A_1715 = arith.constant 16 : index
        %get3A_1716 = tpu.vector_load %get3A_1714[%get3A_1715] {strides = array<i32>} : memref<128xf32, #tpu.memory_space<vmem>>, vector<16xf32>,
        %get3A_1717 = vector.shape_cast %get3A_1716 : vector<16xf32> to vector<16xf32>
        %add3A_1718 = arith.addf %get3A_1711, %get3A_1717 : vector<16xf32>
        %max3A_1719 = arith.constant 0.000000e+00 : f32
        %max3A_1720 = vector.broadcast %max3A_1719 : f32 to vector<16xf32>
        %max3A_1721 = arith.maximumf %add3A_1718, %max3A_1720 : vector<16xf32>
        %mul3A_1722 = arith.mulf %max3A_1721, %get3A_111 : vector<16xf32>
        %add3A_1723 = arith.addf %mul3A_1705, %mul3A_1722 : vector<16xf32>
        %get3A_1724 = arith.constant 0 : i32
        %get3A_1725 = tpu.memref_slice %arg11[%and3A_86, %add3A_1684, %get3A_1724] : memref<4x80x128xf32, #tpu.memory_space<vmem>> -> memref<1x1x128xf32, #tpu.memory_space<vmem>>
        %get3A_1726 = tpu.memref_squeeze %get3A_1725 : memref<1x1x128xf32, #tpu.memory_space<vmem>> -> memref<128xf32, #tpu.memory_space<vmem>>
        %get3A_1727 = arith.constant 32 : index
        %get3A_1728 = tpu.vector_load %get3A_1726[%get3A_1727] {strides = array<i32>} : memref<128xf32, #tpu.memory_space<vmem>>, vector<16xf32>,
        %get3A_1729 = vector.shape_cast %get3A_1728 : vector<16xf32> to vector<16xf32>
        %get3A_1730 = arith.constant 0 : i32
        %get3A_1731 = tpu.memref_slice %arg12[%and3A_86, %add3A_1688, %get3A_1730] : memref<4x80x128xf32, #tpu.memory_space<vmem>> -> memref<1x1x128xf32, #tpu.memory_space<vmem>>
        %get3A_1732 = tpu.memref_squeeze %get3A_1731 : memref<1x1x128xf32, #tpu.memory_space<vmem>> -> memref<128xf32, #tpu.memory_space<vmem>>
        %get3A_1733 = arith.constant 32 : index
        %get3A_1734 = tpu.vector_load %get3A_1732[%get3A_1733] {strides = array<i32>} : memref<128xf32, #tpu.memory_space<vmem>>, vector<16xf32>,
        %get3A_1735 = vector.shape_cast %get3A_1734 : vector<16xf32> to vector<16xf32>
        %add3A_1736 = arith.addf %get3A_1729, %get3A_1735 : vector<16xf32>
        %max3A_1737 = arith.constant 0.000000e+00 : f32
        %max3A_1738 = vector.broadcast %max3A_1737 : f32 to vector<16xf32>
        %max3A_1739 = arith.maximumf %add3A_1736, %max3A_1738 : vector<16xf32>
        %mul3A_1740 = arith.mulf %max3A_1739, %get3A_114 : vector<16xf32>
        %add3A_1741 = arith.addf %add3A_1723, %mul3A_1740 : vector<16xf32>
        %get3A_1742 = arith.constant 0 : i32
        %get3A_1743 = tpu.memref_slice %arg11[%and3A_86, %add3A_1684, %get3A_1742] : memref<4x80x128xf32, #tpu.memory_space<vmem>> -> memref<1x1x128xf32, #tpu.memory_space<vmem>>
        %get3A_1744 = tpu.memref_squeeze %get3A_1743 : memref<1x1x128xf32, #tpu.memory_space<vmem>> -> memref<128xf32, #tpu.memory_space<vmem>>
        %get3A_1745 = arith.constant 48 : index
        %get3A_1746 = tpu.vector_load %get3A_1744[%get3A_1745] {strides = array<i32>} : memref<128xf32, #tpu.memory_space<vmem>>, vector<16xf32>,
        %get3A_1747 = vector.shape_cast %get3A_1746 : vector<16xf32> to vector<16xf32>
        %get3A_1748 = arith.constant 0 : i32
        %get3A_1749 = tpu.memref_slice %arg12[%and3A_86, %add3A_1688, %get3A_1748] : memref<4x80x128xf32, #tpu.memory_space<vmem>> -> memref<1x1x128xf32, #tpu.memory_space<vmem>>
        %get3A_1750 = tpu.memref_squeeze %get3A_1749 : memref<1x1x128xf32, #tpu.memory_space<vmem>> -> memref<128xf32, #tpu.memory_space<vmem>>
        %get3A_1751 = arith.constant 48 : index
        %get3A_1752 = tpu.vector_load %get3A_1750[%get3A_1751] {strides = array<i32>} : memref<128xf32, #tpu.memory_space<vmem>>, vector<16xf32>,
        %get3A_1753 = vector.shape_cast %get3A_1752 : vector<16xf32> to vector<16xf32>
        %add3A_1754 = arith.addf %get3A_1747, %get3A_1753 : vector<16xf32>
        %max3A_1755 = arith.constant 0.000000e+00 : f32
        %max3A_1756 = vector.broadcast %max3A_1755 : f32 to vector<16xf32>
        %max3A_1757 = arith.maximumf %add3A_1754, %max3A_1756 : vector<16xf32>
        %mul3A_1758 = arith.mulf %max3A_1757, %get3A_117 : vector<16xf32>
        %add3A_1759 = arith.addf %add3A_1741, %mul3A_1758 : vector<16xf32>
        %get3A_1760 = arith.constant 0 : i32
        %get3A_1761 = tpu.memref_slice %arg11[%and3A_86, %add3A_1684, %get3A_1760] : memref<4x80x128xf32, #tpu.memory_space<vmem>> -> memref<1x1x128xf32, #tpu.memory_space<vmem>>
        %get3A_1762 = tpu.memref_squeeze %get3A_1761 : memref<1x1x128xf32, #tpu.memory_space<vmem>> -> memref<128xf32, #tpu.memory_space<vmem>>
        %get3A_1763 = arith.constant 64 : index
        %get3A_1764 = tpu.vector_load %get3A_1762[%get3A_1763] {strides = array<i32>} : memref<128xf32, #tpu.memory_space<vmem>>, vector<16xf32>,
        %get3A_1765 = vector.shape_cast %get3A_1764 : vector<16xf32> to vector<16xf32>
        %get3A_1766 = arith.constant 0 : i32
        %get3A_1767 = tpu.memref_slice %arg12[%and3A_86, %add3A_1688, %get3A_1766] : memref<4x80x128xf32, #tpu.memory_space<vmem>> -> memref<1x1x128xf32, #tpu.memory_space<vmem>>
        %get3A_1768 = tpu.memref_squeeze %get3A_1767 : memref<1x1x128xf32, #tpu.memory_space<vmem>> -> memref<128xf32, #tpu.memory_space<vmem>>
        %get3A_1769 = arith.constant 64 : index
        %get3A_1770 = tpu.vector_load %get3A_1768[%get3A_1769] {strides = array<i32>} : memref<128xf32, #tpu.memory_space<vmem>>, vector<16xf32>,
        %get3A_1771 = vector.shape_cast %get3A_1770 : vector<16xf32> to vector<16xf32>
        %add3A_1772 = arith.addf %get3A_1765, %get3A_1771 : vector<16xf32>
        %max3A_1773 = arith.constant 0.000000e+00 : f32
        %max3A_1774 = vector.broadcast %max3A_1773 : f32 to vector<16xf32>
        %max3A_1775 = arith.maximumf %add3A_1772, %max3A_1774 : vector<16xf32>
        %mul3A_1776 = arith.mulf %max3A_1775, %get3A_120 : vector<16xf32>
        %add3A_1777 = arith.addf %add3A_1759, %mul3A_1776 : vector<16xf32>
        %get3A_1778 = arith.constant 0 : i32
        %get3A_1779 = tpu.memref_slice %arg11[%and3A_86, %add3A_1684, %get3A_1778] : memref<4x80x128xf32, #tpu.memory_space<vmem>> -> memref<1x1x128xf32, #tpu.memory_space<vmem>>
        %get3A_1780 = tpu.memref_squeeze %get3A_1779 : memref<1x1x128xf32, #tpu.memory_space<vmem>> -> memref<128xf32, #tpu.memory_space<vmem>>
        %get3A_1781 = arith.constant 80 : index
        %get3A_1782 = tpu.vector_load %get3A_1780[%get3A_1781] {strides = array<i32>} : memref<128xf32, #tpu.memory_space<vmem>>, vector<16xf32>,
        %get3A_1783 = vector.shape_cast %get3A_1782 : vector<16xf32> to vector<16xf32>
        %get3A_1784 = arith.constant 0 : i32
        %get3A_1785 = tpu.memref_slice %arg12[%and3A_86, %add3A_1688, %get3A_1784] : memref<4x80x128xf32, #tpu.memory_space<vmem>> -> memref<1x1x128xf32, #tpu.memory_space<vmem>>
        %get3A_1786 = tpu.memref_squeeze %get3A_1785 : memref<1x1x128xf32, #tpu.memory_space<vmem>> -> memref<128xf32, #tpu.memory_space<vmem>>
        %get3A_1787 = arith.constant 80 : index
        %get3A_1788 = tpu.vector_load %get3A_1786[%get3A_1787] {strides = array<i32>} : memref<128xf32, #tpu.memory_space<vmem>>, vector<16xf32>,
        %get3A_1789 = vector.shape_cast %get3A_1788 : vector<16xf32> to vector<16xf32>
        %add3A_1790 = arith.addf %get3A_1783, %get3A_1789 : vector<16xf32>
        %max3A_1791 = arith.constant 0.000000e+00 : f32
        %max3A_1792 = vector.broadcast %max3A_1791 : f32 to vector<16xf32>
        %max3A_1793 = arith.maximumf %add3A_1790, %max3A_1792 : vector<16xf32>
        %mul3A_1794 = arith.mulf %max3A_1793, %get3A_123 : vector<16xf32>
        %add3A_1795 = arith.addf %add3A_1777, %mul3A_1794 : vector<16xf32>
        %get3A_1796 = arith.constant 0 : i32
        %get3A_1797 = tpu.memref_slice %arg11[%and3A_86, %add3A_1684, %get3A_1796] : memref<4x80x128xf32, #tpu.memory_space<vmem>> -> memref<1x1x128xf32, #tpu.memory_space<vmem>>
        %get3A_1798 = tpu.memref_squeeze %get3A_1797 : memref<1x1x128xf32, #tpu.memory_space<vmem>> -> memref<128xf32, #tpu.memory_space<vmem>>
        %get3A_1799 = arith.constant 96 : index
        %get3A_1800 = tpu.vector_load %get3A_1798[%get3A_1799] {strides = array<i32>} : memref<128xf32, #tpu.memory_space<vmem>>, vector<16xf32>,
        %get3A_1801 = vector.shape_cast %get3A_1800 : vector<16xf32> to vector<16xf32>
        %get3A_1802 = arith.constant 0 : i32
        %get3A_1803 = tpu.memref_slice %arg12[%and3A_86, %add3A_1688, %get3A_1802] : memref<4x80x128xf32, #tpu.memory_space<vmem>> -> memref<1x1x128xf32, #tpu.memory_space<vmem>>
        %get3A_1804 = tpu.memref_squeeze %get3A_1803 : memref<1x1x128xf32, #tpu.memory_space<vmem>> -> memref<128xf32, #tpu.memory_space<vmem>>
        %get3A_1805 = arith.constant 96 : index
        %get3A_1806 = tpu.vector_load %get3A_1804[%get3A_1805] {strides = array<i32>} : memref<128xf32, #tpu.memory_space<vmem>>, vector<16xf32>,
        %get3A_1807 = vector.shape_cast %get3A_1806 : vector<16xf32> to vector<16xf32>
        %add3A_1808 = arith.addf %get3A_1801, %get3A_1807 : vector<16xf32>
        %max3A_1809 = arith.constant 0.000000e+00 : f32
        %max3A_1810 = vector.broadcast %max3A_1809 : f32 to vector<16xf32>
        %max3A_1811 = arith.maximumf %add3A_1808, %max3A_1810 : vector<16xf32>
        %mul3A_1812 = arith.mulf %max3A_1811, %get3A_126 : vector<16xf32>
        %add3A_1813 = arith.addf %add3A_1795, %mul3A_1812 : vector<16xf32>
        %get3A_1814 = arith.constant 0 : i32
        %get3A_1815 = tpu.memref_slice %arg11[%and3A_86, %add3A_1684, %get3A_1814] : memref<4x80x128xf32, #tpu.memory_space<vmem>> -> memref<1x1x128xf32, #tpu.memory_space<vmem>>
        %get3A_1816 = tpu.memref_squeeze %get3A_1815 : memref<1x1x128xf32, #tpu.memory_space<vmem>> -> memref<128xf32, #tpu.memory_space<vmem>>
        %get3A_1817 = arith.constant 112 : index
        %get3A_1818 = tpu.vector_load %get3A_1816[%get3A_1817] {strides = array<i32>} : memref<128xf32, #tpu.memory_space<vmem>>, vector<16xf32>,
        %get3A_1819 = vector.shape_cast %get3A_1818 : vector<16xf32> to vector<16xf32>
        %get3A_1820 = arith.constant 0 : i32
        %get3A_1821 = tpu.memref_slice %arg12[%and3A_86, %add3A_1688, %get3A_1820] : memref<4x80x128xf32, #tpu.memory_space<vmem>> -> memref<1x1x128xf32, #tpu.memory_space<vmem>>
        %get3A_1822 = tpu.memref_squeeze %get3A_1821 : memref<1x1x128xf32, #tpu.memory_space<vmem>> -> memref<128xf32, #tpu.memory_space<vmem>>
        %get3A_1823 = arith.constant 112 : index
        %get3A_1824 = tpu.vector_load %get3A_1822[%get3A_1823] {strides = array<i32>} : memref<128xf32, #tpu.memory_space<vmem>>, vector<16xf32>,
        %get3A_1825 = vector.shape_cast %get3A_1824 : vector<16xf32> to vector<16xf32>
        %add3A_1826 = arith.addf %get3A_1819, %get3A_1825 : vector<16xf32>
        %max3A_1827 = arith.constant 0.000000e+00 : f32
        %max3A_1828 = vector.broadcast %max3A_1827 : f32 to vector<16xf32>
        %max3A_1829 = arith.maximumf %add3A_1826, %max3A_1828 : vector<16xf32>
        %mul3A_1830 = arith.mulf %max3A_1829, %get3A_129 : vector<16xf32>
        %add3A_1831 = arith.addf %add3A_1813, %mul3A_1830 : vector<16xf32>
        %mul3A_1832 = arith.constant 16 : i32
        %mul3A_1833 = arith.muli %scan3A_171, %mul3A_1832 : i32
        %add3A_1834 = arith.constant 11 : i32
        %add3A_1835 = arith.addi %mul3A_1833, %add3A_1834 : i32
        %mul3A_1836 = arith.constant 16 : i32
        %mul3A_1837 = arith.muli %scan3A_171, %mul3A_1836 : i32
        %add3A_1838 = arith.constant 11 : i32
        %add3A_1839 = arith.addi %mul3A_1837, %add3A_1838 : i32
        %get3A_1840 = arith.constant 0 : i32
        %get3A_1841 = tpu.memref_slice %arg11[%and3A_86, %add3A_1835, %get3A_1840] : memref<4x80x128xf32, #tpu.memory_space<vmem>> -> memref<1x1x128xf32, #tpu.memory_space<vmem>>
        %get3A_1842 = tpu.memref_squeeze %get3A_1841 : memref<1x1x128xf32, #tpu.memory_space<vmem>> -> memref<128xf32, #tpu.memory_space<vmem>>
        %get3A_1843 = arith.constant 0 : index
        %get3A_1844 = tpu.vector_load %get3A_1842[%get3A_1843] {strides = array<i32>} : memref<128xf32, #tpu.memory_space<vmem>>, vector<16xf32>,
        %get3A_1845 = vector.shape_cast %get3A_1844 : vector<16xf32> to vector<16xf32>
        %get3A_1846 = arith.constant 0 : i32
        %get3A_1847 = tpu.memref_slice %arg12[%and3A_86, %add3A_1839, %get3A_1846] : memref<4x80x128xf32, #tpu.memory_space<vmem>> -> memref<1x1x128xf32, #tpu.memory_space<vmem>>
        %get3A_1848 = tpu.memref_squeeze %get3A_1847 : memref<1x1x128xf32, #tpu.memory_space<vmem>> -> memref<128xf32, #tpu.memory_space<vmem>>
        %get3A_1849 = arith.constant 0 : index
        %get3A_1850 = tpu.vector_load %get3A_1848[%get3A_1849] {strides = array<i32>} : memref<128xf32, #tpu.memory_space<vmem>>, vector<16xf32>,
        %get3A_1851 = vector.shape_cast %get3A_1850 : vector<16xf32> to vector<16xf32>
        %add3A_1852 = arith.addf %get3A_1845, %get3A_1851 : vector<16xf32>
        %max3A_1853 = arith.constant 0.000000e+00 : f32
        %max3A_1854 = vector.broadcast %max3A_1853 : f32 to vector<16xf32>
        %max3A_1855 = arith.maximumf %add3A_1852, %max3A_1854 : vector<16xf32>
        %mul3A_1856 = arith.mulf %max3A_1855, %get3A_108 : vector<16xf32>
        %get3A_1857 = arith.constant 0 : i32
        %get3A_1858 = tpu.memref_slice %arg11[%and3A_86, %add3A_1835, %get3A_1857] : memref<4x80x128xf32, #tpu.memory_space<vmem>> -> memref<1x1x128xf32, #tpu.memory_space<vmem>>
        %get3A_1859 = tpu.memref_squeeze %get3A_1858 : memref<1x1x128xf32, #tpu.memory_space<vmem>> -> memref<128xf32, #tpu.memory_space<vmem>>
        %get3A_1860 = arith.constant 16 : index
        %get3A_1861 = tpu.vector_load %get3A_1859[%get3A_1860] {strides = array<i32>} : memref<128xf32, #tpu.memory_space<vmem>>, vector<16xf32>,
        %get3A_1862 = vector.shape_cast %get3A_1861 : vector<16xf32> to vector<16xf32>
        %get3A_1863 = arith.constant 0 : i32
        %get3A_1864 = tpu.memref_slice %arg12[%and3A_86, %add3A_1839, %get3A_1863] : memref<4x80x128xf32, #tpu.memory_space<vmem>> -> memref<1x1x128xf32, #tpu.memory_space<vmem>>
        %get3A_1865 = tpu.memref_squeeze %get3A_1864 : memref<1x1x128xf32, #tpu.memory_space<vmem>> -> memref<128xf32, #tpu.memory_space<vmem>>
        %get3A_1866 = arith.constant 16 : index
        %get3A_1867 = tpu.vector_load %get3A_1865[%get3A_1866] {strides = array<i32>} : memref<128xf32, #tpu.memory_space<vmem>>, vector<16xf32>,
        %get3A_1868 = vector.shape_cast %get3A_1867 : vector<16xf32> to vector<16xf32>
        %add3A_1869 = arith.addf %get3A_1862, %get3A_1868 : vector<16xf32>
        %max3A_1870 = arith.constant 0.000000e+00 : f32
        %max3A_1871 = vector.broadcast %max3A_1870 : f32 to vector<16xf32>
        %max3A_1872 = arith.maximumf %add3A_1869, %max3A_1871 : vector<16xf32>
        %mul3A_1873 = arith.mulf %max3A_1872, %get3A_111 : vector<16xf32>
        %add3A_1874 = arith.addf %mul3A_1856, %mul3A_1873 : vector<16xf32>
        %get3A_1875 = arith.constant 0 : i32
        %get3A_1876 = tpu.memref_slice %arg11[%and3A_86, %add3A_1835, %get3A_1875] : memref<4x80x128xf32, #tpu.memory_space<vmem>> -> memref<1x1x128xf32, #tpu.memory_space<vmem>>
        %get3A_1877 = tpu.memref_squeeze %get3A_1876 : memref<1x1x128xf32, #tpu.memory_space<vmem>> -> memref<128xf32, #tpu.memory_space<vmem>>
        %get3A_1878 = arith.constant 32 : index
        %get3A_1879 = tpu.vector_load %get3A_1877[%get3A_1878] {strides = array<i32>} : memref<128xf32, #tpu.memory_space<vmem>>, vector<16xf32>,
        %get3A_1880 = vector.shape_cast %get3A_1879 : vector<16xf32> to vector<16xf32>
        %get3A_1881 = arith.constant 0 : i32
        %get3A_1882 = tpu.memref_slice %arg12[%and3A_86, %add3A_1839, %get3A_1881] : memref<4x80x128xf32, #tpu.memory_space<vmem>> -> memref<1x1x128xf32, #tpu.memory_space<vmem>>
        %get3A_1883 = tpu.memref_squeeze %get3A_1882 : memref<1x1x128xf32, #tpu.memory_space<vmem>> -> memref<128xf32, #tpu.memory_space<vmem>>
        %get3A_1884 = arith.constant 32 : index
        %get3A_1885 = tpu.vector_load %get3A_1883[%get3A_1884] {strides = array<i32>} : memref<128xf32, #tpu.memory_space<vmem>>, vector<16xf32>,
        %get3A_1886 = vector.shape_cast %get3A_1885 : vector<16xf32> to vector<16xf32>
        %add3A_1887 = arith.addf %get3A_1880, %get3A_1886 : vector<16xf32>
        %max3A_1888 = arith.constant 0.000000e+00 : f32
        %max3A_1889 = vector.broadcast %max3A_1888 : f32 to vector<16xf32>
        %max3A_1890 = arith.maximumf %add3A_1887, %max3A_1889 : vector<16xf32>
        %mul3A_1891 = arith.mulf %max3A_1890, %get3A_114 : vector<16xf32>
        %add3A_1892 = arith.addf %add3A_1874, %mul3A_1891 : vector<16xf32>
        %get3A_1893 = arith.constant 0 : i32
        %get3A_1894 = tpu.memref_slice %arg11[%and3A_86, %add3A_1835, %get3A_1893] : memref<4x80x128xf32, #tpu.memory_space<vmem>> -> memref<1x1x128xf32, #tpu.memory_space<vmem>>
        %get3A_1895 = tpu.memref_squeeze %get3A_1894 : memref<1x1x128xf32, #tpu.memory_space<vmem>> -> memref<128xf32, #tpu.memory_space<vmem>>
        %get3A_1896 = arith.constant 48 : index
        %get3A_1897 = tpu.vector_load %get3A_1895[%get3A_1896] {strides = array<i32>} : memref<128xf32, #tpu.memory_space<vmem>>, vector<16xf32>,
        %get3A_1898 = vector.shape_cast %get3A_1897 : vector<16xf32> to vector<16xf32>
        %get3A_1899 = arith.constant 0 : i32
        %get3A_1900 = tpu.memref_slice %arg12[%and3A_86, %add3A_1839, %get3A_1899] : memref<4x80x128xf32, #tpu.memory_space<vmem>> -> memref<1x1x128xf32, #tpu.memory_space<vmem>>
        %get3A_1901 = tpu.memref_squeeze %get3A_1900 : memref<1x1x128xf32, #tpu.memory_space<vmem>> -> memref<128xf32, #tpu.memory_space<vmem>>
        %get3A_1902 = arith.constant 48 : index
        %get3A_1903 = tpu.vector_load %get3A_1901[%get3A_1902] {strides = array<i32>} : memref<128xf32, #tpu.memory_space<vmem>>, vector<16xf32>,
        %get3A_1904 = vector.shape_cast %get3A_1903 : vector<16xf32> to vector<16xf32>
        %add3A_1905 = arith.addf %get3A_1898, %get3A_1904 : vector<16xf32>
        %max3A_1906 = arith.constant 0.000000e+00 : f32
        %max3A_1907 = vector.broadcast %max3A_1906 : f32 to vector<16xf32>
        %max3A_1908 = arith.maximumf %add3A_1905, %max3A_1907 : vector<16xf32>
        %mul3A_1909 = arith.mulf %max3A_1908, %get3A_117 : vector<16xf32>
        %add3A_1910 = arith.addf %add3A_1892, %mul3A_1909 : vector<16xf32>
        %get3A_1911 = arith.constant 0 : i32
        %get3A_1912 = tpu.memref_slice %arg11[%and3A_86, %add3A_1835, %get3A_1911] : memref<4x80x128xf32, #tpu.memory_space<vmem>> -> memref<1x1x128xf32, #tpu.memory_space<vmem>>
        %get3A_1913 = tpu.memref_squeeze %get3A_1912 : memref<1x1x128xf32, #tpu.memory_space<vmem>> -> memref<128xf32, #tpu.memory_space<vmem>>
        %get3A_1914 = arith.constant 64 : index
        %get3A_1915 = tpu.vector_load %get3A_1913[%get3A_1914] {strides = array<i32>} : memref<128xf32, #tpu.memory_space<vmem>>, vector<16xf32>,
        %get3A_1916 = vector.shape_cast %get3A_1915 : vector<16xf32> to vector<16xf32>
        %get3A_1917 = arith.constant 0 : i32
        %get3A_1918 = tpu.memref_slice %arg12[%and3A_86, %add3A_1839, %get3A_1917] : memref<4x80x128xf32, #tpu.memory_space<vmem>> -> memref<1x1x128xf32, #tpu.memory_space<vmem>>
        %get3A_1919 = tpu.memref_squeeze %get3A_1918 : memref<1x1x128xf32, #tpu.memory_space<vmem>> -> memref<128xf32, #tpu.memory_space<vmem>>
        %get3A_1920 = arith.constant 64 : index
        %get3A_1921 = tpu.vector_load %get3A_1919[%get3A_1920] {strides = array<i32>} : memref<128xf32, #tpu.memory_space<vmem>>, vector<16xf32>,
        %get3A_1922 = vector.shape_cast %get3A_1921 : vector<16xf32> to vector<16xf32>
        %add3A_1923 = arith.addf %get3A_1916, %get3A_1922 : vector<16xf32>
        %max3A_1924 = arith.constant 0.000000e+00 : f32
        %max3A_1925 = vector.broadcast %max3A_1924 : f32 to vector<16xf32>
        %max3A_1926 = arith.maximumf %add3A_1923, %max3A_1925 : vector<16xf32>
        %mul3A_1927 = arith.mulf %max3A_1926, %get3A_120 : vector<16xf32>
        %add3A_1928 = arith.addf %add3A_1910, %mul3A_1927 : vector<16xf32>
        %get3A_1929 = arith.constant 0 : i32
        %get3A_1930 = tpu.memref_slice %arg11[%and3A_86, %add3A_1835, %get3A_1929] : memref<4x80x128xf32, #tpu.memory_space<vmem>> -> memref<1x1x128xf32, #tpu.memory_space<vmem>>
        %get3A_1931 = tpu.memref_squeeze %get3A_1930 : memref<1x1x128xf32, #tpu.memory_space<vmem>> -> memref<128xf32, #tpu.memory_space<vmem>>
        %get3A_1932 = arith.constant 80 : index
        %get3A_1933 = tpu.vector_load %get3A_1931[%get3A_1932] {strides = array<i32>} : memref<128xf32, #tpu.memory_space<vmem>>, vector<16xf32>,
        %get3A_1934 = vector.shape_cast %get3A_1933 : vector<16xf32> to vector<16xf32>
        %get3A_1935 = arith.constant 0 : i32
        %get3A_1936 = tpu.memref_slice %arg12[%and3A_86, %add3A_1839, %get3A_1935] : memref<4x80x128xf32, #tpu.memory_space<vmem>> -> memref<1x1x128xf32, #tpu.memory_space<vmem>>
        %get3A_1937 = tpu.memref_squeeze %get3A_1936 : memref<1x1x128xf32, #tpu.memory_space<vmem>> -> memref<128xf32, #tpu.memory_space<vmem>>
        %get3A_1938 = arith.constant 80 : index
        %get3A_1939 = tpu.vector_load %get3A_1937[%get3A_1938] {strides = array<i32>} : memref<128xf32, #tpu.memory_space<vmem>>, vector<16xf32>,
        %get3A_1940 = vector.shape_cast %get3A_1939 : vector<16xf32> to vector<16xf32>
        %add3A_1941 = arith.addf %get3A_1934, %get3A_1940 : vector<16xf32>
        %max3A_1942 = arith.constant 0.000000e+00 : f32
        %max3A_1943 = vector.broadcast %max3A_1942 : f32 to vector<16xf32>
        %max3A_1944 = arith.maximumf %add3A_1941, %max3A_1943 : vector<16xf32>
        %mul3A_1945 = arith.mulf %max3A_1944, %get3A_123 : vector<16xf32>
        %add3A_1946 = arith.addf %add3A_1928, %mul3A_1945 : vector<16xf32>
        %get3A_1947 = arith.constant 0 : i32
        %get3A_1948 = tpu.memref_slice %arg11[%and3A_86, %add3A_1835, %get3A_1947] : memref<4x80x128xf32, #tpu.memory_space<vmem>> -> memref<1x1x128xf32, #tpu.memory_space<vmem>>
        %get3A_1949 = tpu.memref_squeeze %get3A_1948 : memref<1x1x128xf32, #tpu.memory_space<vmem>> -> memref<128xf32, #tpu.memory_space<vmem>>
        %get3A_1950 = arith.constant 96 : index
        %get3A_1951 = tpu.vector_load %get3A_1949[%get3A_1950] {strides = array<i32>} : memref<128xf32, #tpu.memory_space<vmem>>, vector<16xf32>,
        %get3A_1952 = vector.shape_cast %get3A_1951 : vector<16xf32> to vector<16xf32>
        %get3A_1953 = arith.constant 0 : i32
        %get3A_1954 = tpu.memref_slice %arg12[%and3A_86, %add3A_1839, %get3A_1953] : memref<4x80x128xf32, #tpu.memory_space<vmem>> -> memref<1x1x128xf32, #tpu.memory_space<vmem>>
        %get3A_1955 = tpu.memref_squeeze %get3A_1954 : memref<1x1x128xf32, #tpu.memory_space<vmem>> -> memref<128xf32, #tpu.memory_space<vmem>>
        %get3A_1956 = arith.constant 96 : index
        %get3A_1957 = tpu.vector_load %get3A_1955[%get3A_1956] {strides = array<i32>} : memref<128xf32, #tpu.memory_space<vmem>>, vector<16xf32>,
        %get3A_1958 = vector.shape_cast %get3A_1957 : vector<16xf32> to vector<16xf32>
        %add3A_1959 = arith.addf %get3A_1952, %get3A_1958 : vector<16xf32>
        %max3A_1960 = arith.constant 0.000000e+00 : f32
        %max3A_1961 = vector.broadcast %max3A_1960 : f32 to vector<16xf32>
        %max3A_1962 = arith.maximumf %add3A_1959, %max3A_1961 : vector<16xf32>
        %mul3A_1963 = arith.mulf %max3A_1962, %get3A_126 : vector<16xf32>
        %add3A_1964 = arith.addf %add3A_1946, %mul3A_1963 : vector<16xf32>
        %get3A_1965 = arith.constant 0 : i32
        %get3A_1966 = tpu.memref_slice %arg11[%and3A_86, %add3A_1835, %get3A_1965] : memref<4x80x128xf32, #tpu.memory_space<vmem>> -> memref<1x1x128xf32, #tpu.memory_space<vmem>>
        %get3A_1967 = tpu.memref_squeeze %get3A_1966 : memref<1x1x128xf32, #tpu.memory_space<vmem>> -> memref<128xf32, #tpu.memory_space<vmem>>
        %get3A_1968 = arith.constant 112 : index
        %get3A_1969 = tpu.vector_load %get3A_1967[%get3A_1968] {strides = array<i32>} : memref<128xf32, #tpu.memory_space<vmem>>, vector<16xf32>,
        %get3A_1970 = vector.shape_cast %get3A_1969 : vector<16xf32> to vector<16xf32>
        %get3A_1971 = arith.constant 0 : i32
        %get3A_1972 = tpu.memref_slice %arg12[%and3A_86, %add3A_1839, %get3A_1971] : memref<4x80x128xf32, #tpu.memory_space<vmem>> -> memref<1x1x128xf32, #tpu.memory_space<vmem>>
        %get3A_1973 = tpu.memref_squeeze %get3A_1972 : memref<1x1x128xf32, #tpu.memory_space<vmem>> -> memref<128xf32, #tpu.memory_space<vmem>>
        %get3A_1974 = arith.constant 112 : index
        %get3A_1975 = tpu.vector_load %get3A_1973[%get3A_1974] {strides = array<i32>} : memref<128xf32, #tpu.memory_space<vmem>>, vector<16xf32>,
        %get3A_1976 = vector.shape_cast %get3A_1975 : vector<16xf32> to vector<16xf32>
        %add3A_1977 = arith.addf %get3A_1970, %get3A_1976 : vector<16xf32>
        %max3A_1978 = arith.constant 0.000000e+00 : f32
        %max3A_1979 = vector.broadcast %max3A_1978 : f32 to vector<16xf32>
        %max3A_1980 = arith.maximumf %add3A_1977, %max3A_1979 : vector<16xf32>
        %mul3A_1981 = arith.mulf %max3A_1980, %get3A_129 : vector<16xf32>
        %add3A_1982 = arith.addf %add3A_1964, %mul3A_1981 : vector<16xf32>
        %mul3A_1983 = arith.constant 16 : i32
        %mul3A_1984 = arith.muli %scan3A_171, %mul3A_1983 : i32
        %add3A_1985 = arith.constant 12 : i32
        %add3A_1986 = arith.addi %mul3A_1984, %add3A_1985 : i32
        %mul3A_1987 = arith.constant 16 : i32
        %mul3A_1988 = arith.muli %scan3A_171, %mul3A_1987 : i32
        %add3A_1989 = arith.constant 12 : i32
        %add3A_1990 = arith.addi %mul3A_1988, %add3A_1989 : i32
        %get3A_1991 = arith.constant 0 : i32
        %get3A_1992 = tpu.memref_slice %arg11[%and3A_86, %add3A_1986, %get3A_1991] : memref<4x80x128xf32, #tpu.memory_space<vmem>> -> memref<1x1x128xf32, #tpu.memory_space<vmem>>
        %get3A_1993 = tpu.memref_squeeze %get3A_1992 : memref<1x1x128xf32, #tpu.memory_space<vmem>> -> memref<128xf32, #tpu.memory_space<vmem>>
        %get3A_1994 = arith.constant 0 : index
        %get3A_1995 = tpu.vector_load %get3A_1993[%get3A_1994] {strides = array<i32>} : memref<128xf32, #tpu.memory_space<vmem>>, vector<16xf32>,
        %get3A_1996 = vector.shape_cast %get3A_1995 : vector<16xf32> to vector<16xf32>
        %get3A_1997 = arith.constant 0 : i32
        %get3A_1998 = tpu.memref_slice %arg12[%and3A_86, %add3A_1990, %get3A_1997] : memref<4x80x128xf32, #tpu.memory_space<vmem>> -> memref<1x1x128xf32, #tpu.memory_space<vmem>>
        %get3A_1999 = tpu.memref_squeeze %get3A_1998 : memref<1x1x128xf32, #tpu.memory_space<vmem>> -> memref<128xf32, #tpu.memory_space<vmem>>
        %get3A_2000 = arith.constant 0 : index
        %get3A_2001 = tpu.vector_load %get3A_1999[%get3A_2000] {strides = array<i32>} : memref<128xf32, #tpu.memory_space<vmem>>, vector<16xf32>,
        %get3A_2002 = vector.shape_cast %get3A_2001 : vector<16xf32> to vector<16xf32>
        %add3A_2003 = arith.addf %get3A_1996, %get3A_2002 : vector<16xf32>
        %max3A_2004 = arith.constant 0.000000e+00 : f32
        %max3A_2005 = vector.broadcast %max3A_2004 : f32 to vector<16xf32>
        %max3A_2006 = arith.maximumf %add3A_2003, %max3A_2005 : vector<16xf32>
        %mul3A_2007 = arith.mulf %max3A_2006, %get3A_108 : vector<16xf32>
        %get3A_2008 = arith.constant 0 : i32
        %get3A_2009 = tpu.memref_slice %arg11[%and3A_86, %add3A_1986, %get3A_2008] : memref<4x80x128xf32, #tpu.memory_space<vmem>> -> memref<1x1x128xf32, #tpu.memory_space<vmem>>
        %get3A_2010 = tpu.memref_squeeze %get3A_2009 : memref<1x1x128xf32, #tpu.memory_space<vmem>> -> memref<128xf32, #tpu.memory_space<vmem>>
        %get3A_2011 = arith.constant 16 : index
        %get3A_2012 = tpu.vector_load %get3A_2010[%get3A_2011] {strides = array<i32>} : memref<128xf32, #tpu.memory_space<vmem>>, vector<16xf32>,
        %get3A_2013 = vector.shape_cast %get3A_2012 : vector<16xf32> to vector<16xf32>
        %get3A_2014 = arith.constant 0 : i32
        %get3A_2015 = tpu.memref_slice %arg12[%and3A_86, %add3A_1990, %get3A_2014] : memref<4x80x128xf32, #tpu.memory_space<vmem>> -> memref<1x1x128xf32, #tpu.memory_space<vmem>>
        %get3A_2016 = tpu.memref_squeeze %get3A_2015 : memref<1x1x128xf32, #tpu.memory_space<vmem>> -> memref<128xf32, #tpu.memory_space<vmem>>
        %get3A_2017 = arith.constant 16 : index
        %get3A_2018 = tpu.vector_load %get3A_2016[%get3A_2017] {strides = array<i32>} : memref<128xf32, #tpu.memory_space<vmem>>, vector<16xf32>,
        %get3A_2019 = vector.shape_cast %get3A_2018 : vector<16xf32> to vector<16xf32>
        %add3A_2020 = arith.addf %get3A_2013, %get3A_2019 : vector<16xf32>
        %max3A_2021 = arith.constant 0.000000e+00 : f32
        %max3A_2022 = vector.broadcast %max3A_2021 : f32 to vector<16xf32>
        %max3A_2023 = arith.maximumf %add3A_2020, %max3A_2022 : vector<16xf32>
        %mul3A_2024 = arith.mulf %max3A_2023, %get3A_111 : vector<16xf32>
        %add3A_2025 = arith.addf %mul3A_2007, %mul3A_2024 : vector<16xf32>
        %get3A_2026 = arith.constant 0 : i32
        %get3A_2027 = tpu.memref_slice %arg11[%and3A_86, %add3A_1986, %get3A_2026] : memref<4x80x128xf32, #tpu.memory_space<vmem>> -> memref<1x1x128xf32, #tpu.memory_space<vmem>>
        %get3A_2028 = tpu.memref_squeeze %get3A_2027 : memref<1x1x128xf32, #tpu.memory_space<vmem>> -> memref<128xf32, #tpu.memory_space<vmem>>
        %get3A_2029 = arith.constant 32 : index
        %get3A_2030 = tpu.vector_load %get3A_2028[%get3A_2029] {strides = array<i32>} : memref<128xf32, #tpu.memory_space<vmem>>, vector<16xf32>,
        %get3A_2031 = vector.shape_cast %get3A_2030 : vector<16xf32> to vector<16xf32>
        %get3A_2032 = arith.constant 0 : i32
        %get3A_2033 = tpu.memref_slice %arg12[%and3A_86, %add3A_1990, %get3A_2032] : memref<4x80x128xf32, #tpu.memory_space<vmem>> -> memref<1x1x128xf32, #tpu.memory_space<vmem>>
        %get3A_2034 = tpu.memref_squeeze %get3A_2033 : memref<1x1x128xf32, #tpu.memory_space<vmem>> -> memref<128xf32, #tpu.memory_space<vmem>>
        %get3A_2035 = arith.constant 32 : index
        %get3A_2036 = tpu.vector_load %get3A_2034[%get3A_2035] {strides = array<i32>} : memref<128xf32, #tpu.memory_space<vmem>>, vector<16xf32>,
        %get3A_2037 = vector.shape_cast %get3A_2036 : vector<16xf32> to vector<16xf32>
        %add3A_2038 = arith.addf %get3A_2031, %get3A_2037 : vector<16xf32>
        %max3A_2039 = arith.constant 0.000000e+00 : f32
        %max3A_2040 = vector.broadcast %max3A_2039 : f32 to vector<16xf32>
        %max3A_2041 = arith.maximumf %add3A_2038, %max3A_2040 : vector<16xf32>
        %mul3A_2042 = arith.mulf %max3A_2041, %get3A_114 : vector<16xf32>
        %add3A_2043 = arith.addf %add3A_2025, %mul3A_2042 : vector<16xf32>
        %get3A_2044 = arith.constant 0 : i32
        %get3A_2045 = tpu.memref_slice %arg11[%and3A_86, %add3A_1986, %get3A_2044] : memref<4x80x128xf32, #tpu.memory_space<vmem>> -> memref<1x1x128xf32, #tpu.memory_space<vmem>>
        %get3A_2046 = tpu.memref_squeeze %get3A_2045 : memref<1x1x128xf32, #tpu.memory_space<vmem>> -> memref<128xf32, #tpu.memory_space<vmem>>
        %get3A_2047 = arith.constant 48 : index
        %get3A_2048 = tpu.vector_load %get3A_2046[%get3A_2047] {strides = array<i32>} : memref<128xf32, #tpu.memory_space<vmem>>, vector<16xf32>,
        %get3A_2049 = vector.shape_cast %get3A_2048 : vector<16xf32> to vector<16xf32>
        %get3A_2050 = arith.constant 0 : i32
        %get3A_2051 = tpu.memref_slice %arg12[%and3A_86, %add3A_1990, %get3A_2050] : memref<4x80x128xf32, #tpu.memory_space<vmem>> -> memref<1x1x128xf32, #tpu.memory_space<vmem>>
        %get3A_2052 = tpu.memref_squeeze %get3A_2051 : memref<1x1x128xf32, #tpu.memory_space<vmem>> -> memref<128xf32, #tpu.memory_space<vmem>>
        %get3A_2053 = arith.constant 48 : index
        %get3A_2054 = tpu.vector_load %get3A_2052[%get3A_2053] {strides = array<i32>} : memref<128xf32, #tpu.memory_space<vmem>>, vector<16xf32>,
        %get3A_2055 = vector.shape_cast %get3A_2054 : vector<16xf32> to vector<16xf32>
        %add3A_2056 = arith.addf %get3A_2049, %get3A_2055 : vector<16xf32>
        %max3A_2057 = arith.constant 0.000000e+00 : f32
        %max3A_2058 = vector.broadcast %max3A_2057 : f32 to vector<16xf32>
        %max3A_2059 = arith.maximumf %add3A_2056, %max3A_2058 : vector<16xf32>
        %mul3A_2060 = arith.mulf %max3A_2059, %get3A_117 : vector<16xf32>
        %add3A_2061 = arith.addf %add3A_2043, %mul3A_2060 : vector<16xf32>
        %get3A_2062 = arith.constant 0 : i32
        %get3A_2063 = tpu.memref_slice %arg11[%and3A_86, %add3A_1986, %get3A_2062] : memref<4x80x128xf32, #tpu.memory_space<vmem>> -> memref<1x1x128xf32, #tpu.memory_space<vmem>>
        %get3A_2064 = tpu.memref_squeeze %get3A_2063 : memref<1x1x128xf32, #tpu.memory_space<vmem>> -> memref<128xf32, #tpu.memory_space<vmem>>
        %get3A_2065 = arith.constant 64 : index
        %get3A_2066 = tpu.vector_load %get3A_2064[%get3A_2065] {strides = array<i32>} : memref<128xf32, #tpu.memory_space<vmem>>, vector<16xf32>,
        %get3A_2067 = vector.shape_cast %get3A_2066 : vector<16xf32> to vector<16xf32>
        %get3A_2068 = arith.constant 0 : i32
        %get3A_2069 = tpu.memref_slice %arg12[%and3A_86, %add3A_1990, %get3A_2068] : memref<4x80x128xf32, #tpu.memory_space<vmem>> -> memref<1x1x128xf32, #tpu.memory_space<vmem>>
        %get3A_2070 = tpu.memref_squeeze %get3A_2069 : memref<1x1x128xf32, #tpu.memory_space<vmem>> -> memref<128xf32, #tpu.memory_space<vmem>>
        %get3A_2071 = arith.constant 64 : index
        %get3A_2072 = tpu.vector_load %get3A_2070[%get3A_2071] {strides = array<i32>} : memref<128xf32, #tpu.memory_space<vmem>>, vector<16xf32>,
        %get3A_2073 = vector.shape_cast %get3A_2072 : vector<16xf32> to vector<16xf32>
        %add3A_2074 = arith.addf %get3A_2067, %get3A_2073 : vector<16xf32>
        %max3A_2075 = arith.constant 0.000000e+00 : f32
        %max3A_2076 = vector.broadcast %max3A_2075 : f32 to vector<16xf32>
        %max3A_2077 = arith.maximumf %add3A_2074, %max3A_2076 : vector<16xf32>
        %mul3A_2078 = arith.mulf %max3A_2077, %get3A_120 : vector<16xf32>
        %add3A_2079 = arith.addf %add3A_2061, %mul3A_2078 : vector<16xf32>
        %get3A_2080 = arith.constant 0 : i32
        %get3A_2081 = tpu.memref_slice %arg11[%and3A_86, %add3A_1986, %get3A_2080] : memref<4x80x128xf32, #tpu.memory_space<vmem>> -> memref<1x1x128xf32, #tpu.memory_space<vmem>>
        %get3A_2082 = tpu.memref_squeeze %get3A_2081 : memref<1x1x128xf32, #tpu.memory_space<vmem>> -> memref<128xf32, #tpu.memory_space<vmem>>
        %get3A_2083 = arith.constant 80 : index
        %get3A_2084 = tpu.vector_load %get3A_2082[%get3A_2083] {strides = array<i32>} : memref<128xf32, #tpu.memory_space<vmem>>, vector<16xf32>,
        %get3A_2085 = vector.shape_cast %get3A_2084 : vector<16xf32> to vector<16xf32>
        %get3A_2086 = arith.constant 0 : i32
        %get3A_2087 = tpu.memref_slice %arg12[%and3A_86, %add3A_1990, %get3A_2086] : memref<4x80x128xf32, #tpu.memory_space<vmem>> -> memref<1x1x128xf32, #tpu.memory_space<vmem>>
        %get3A_2088 = tpu.memref_squeeze %get3A_2087 : memref<1x1x128xf32, #tpu.memory_space<vmem>> -> memref<128xf32, #tpu.memory_space<vmem>>
        %get3A_2089 = arith.constant 80 : index
        %get3A_2090 = tpu.vector_load %get3A_2088[%get3A_2089] {strides = array<i32>} : memref<128xf32, #tpu.memory_space<vmem>>, vector<16xf32>,
        %get3A_2091 = vector.shape_cast %get3A_2090 : vector<16xf32> to vector<16xf32>
        %add3A_2092 = arith.addf %get3A_2085, %get3A_2091 : vector<16xf32>
        %max3A_2093 = arith.constant 0.000000e+00 : f32
        %max3A_2094 = vector.broadcast %max3A_2093 : f32 to vector<16xf32>
        %max3A_2095 = arith.maximumf %add3A_2092, %max3A_2094 : vector<16xf32>
        %mul3A_2096 = arith.mulf %max3A_2095, %get3A_123 : vector<16xf32>
        %add3A_2097 = arith.addf %add3A_2079, %mul3A_2096 : vector<16xf32>
        %get3A_2098 = arith.constant 0 : i32
        %get3A_2099 = tpu.memref_slice %arg11[%and3A_86, %add3A_1986, %get3A_2098] : memref<4x80x128xf32, #tpu.memory_space<vmem>> -> memref<1x1x128xf32, #tpu.memory_space<vmem>>
        %get3A_2100 = tpu.memref_squeeze %get3A_2099 : memref<1x1x128xf32, #tpu.memory_space<vmem>> -> memref<128xf32, #tpu.memory_space<vmem>>
        %get3A_2101 = arith.constant 96 : index
        %get3A_2102 = tpu.vector_load %get3A_2100[%get3A_2101] {strides = array<i32>} : memref<128xf32, #tpu.memory_space<vmem>>, vector<16xf32>,
        %get3A_2103 = vector.shape_cast %get3A_2102 : vector<16xf32> to vector<16xf32>
        %get3A_2104 = arith.constant 0 : i32
        %get3A_2105 = tpu.memref_slice %arg12[%and3A_86, %add3A_1990, %get3A_2104] : memref<4x80x128xf32, #tpu.memory_space<vmem>> -> memref<1x1x128xf32, #tpu.memory_space<vmem>>
        %get3A_2106 = tpu.memref_squeeze %get3A_2105 : memref<1x1x128xf32, #tpu.memory_space<vmem>> -> memref<128xf32, #tpu.memory_space<vmem>>
        %get3A_2107 = arith.constant 96 : index
        %get3A_2108 = tpu.vector_load %get3A_2106[%get3A_2107] {strides = array<i32>} : memref<128xf32, #tpu.memory_space<vmem>>, vector<16xf32>,
        %get3A_2109 = vector.shape_cast %get3A_2108 : vector<16xf32> to vector<16xf32>
        %add3A_2110 = arith.addf %get3A_2103, %get3A_2109 : vector<16xf32>
        %max3A_2111 = arith.constant 0.000000e+00 : f32
        %max3A_2112 = vector.broadcast %max3A_2111 : f32 to vector<16xf32>
        %max3A_2113 = arith.maximumf %add3A_2110, %max3A_2112 : vector<16xf32>
        %mul3A_2114 = arith.mulf %max3A_2113, %get3A_126 : vector<16xf32>
        %add3A_2115 = arith.addf %add3A_2097, %mul3A_2114 : vector<16xf32>
        %get3A_2116 = arith.constant 0 : i32
        %get3A_2117 = tpu.memref_slice %arg11[%and3A_86, %add3A_1986, %get3A_2116] : memref<4x80x128xf32, #tpu.memory_space<vmem>> -> memref<1x1x128xf32, #tpu.memory_space<vmem>>
        %get3A_2118 = tpu.memref_squeeze %get3A_2117 : memref<1x1x128xf32, #tpu.memory_space<vmem>> -> memref<128xf32, #tpu.memory_space<vmem>>
        %get3A_2119 = arith.constant 112 : index
        %get3A_2120 = tpu.vector_load %get3A_2118[%get3A_2119] {strides = array<i32>} : memref<128xf32, #tpu.memory_space<vmem>>, vector<16xf32>,
        %get3A_2121 = vector.shape_cast %get3A_2120 : vector<16xf32> to vector<16xf32>
        %get3A_2122 = arith.constant 0 : i32
        %get3A_2123 = tpu.memref_slice %arg12[%and3A_86, %add3A_1990, %get3A_2122] : memref<4x80x128xf32, #tpu.memory_space<vmem>> -> memref<1x1x128xf32, #tpu.memory_space<vmem>>
        %get3A_2124 = tpu.memref_squeeze %get3A_2123 : memref<1x1x128xf32, #tpu.memory_space<vmem>> -> memref<128xf32, #tpu.memory_space<vmem>>
        %get3A_2125 = arith.constant 112 : index
        %get3A_2126 = tpu.vector_load %get3A_2124[%get3A_2125] {strides = array<i32>} : memref<128xf32, #tpu.memory_space<vmem>>, vector<16xf32>,
        %get3A_2127 = vector.shape_cast %get3A_2126 : vector<16xf32> to vector<16xf32>
        %add3A_2128 = arith.addf %get3A_2121, %get3A_2127 : vector<16xf32>
        %max3A_2129 = arith.constant 0.000000e+00 : f32
        %max3A_2130 = vector.broadcast %max3A_2129 : f32 to vector<16xf32>
        %max3A_2131 = arith.maximumf %add3A_2128, %max3A_2130 : vector<16xf32>
        %mul3A_2132 = arith.mulf %max3A_2131, %get3A_129 : vector<16xf32>
        %add3A_2133 = arith.addf %add3A_2115, %mul3A_2132 : vector<16xf32>
        %mul3A_2134 = arith.constant 16 : i32
        %mul3A_2135 = arith.muli %scan3A_171, %mul3A_2134 : i32
        %add3A_2136 = arith.constant 13 : i32
        %add3A_2137 = arith.addi %mul3A_2135, %add3A_2136 : i32
        %mul3A_2138 = arith.constant 16 : i32
        %mul3A_2139 = arith.muli %scan3A_171, %mul3A_2138 : i32
        %add3A_2140 = arith.constant 13 : i32
        %add3A_2141 = arith.addi %mul3A_2139, %add3A_2140 : i32
        %get3A_2142 = arith.constant 0 : i32
        %get3A_2143 = tpu.memref_slice %arg11[%and3A_86, %add3A_2137, %get3A_2142] : memref<4x80x128xf32, #tpu.memory_space<vmem>> -> memref<1x1x128xf32, #tpu.memory_space<vmem>>
        %get3A_2144 = tpu.memref_squeeze %get3A_2143 : memref<1x1x128xf32, #tpu.memory_space<vmem>> -> memref<128xf32, #tpu.memory_space<vmem>>
        %get3A_2145 = arith.constant 0 : index
        %get3A_2146 = tpu.vector_load %get3A_2144[%get3A_2145] {strides = array<i32>} : memref<128xf32, #tpu.memory_space<vmem>>, vector<16xf32>,
        %get3A_2147 = vector.shape_cast %get3A_2146 : vector<16xf32> to vector<16xf32>
        %get3A_2148 = arith.constant 0 : i32
        %get3A_2149 = tpu.memref_slice %arg12[%and3A_86, %add3A_2141, %get3A_2148] : memref<4x80x128xf32, #tpu.memory_space<vmem>> -> memref<1x1x128xf32, #tpu.memory_space<vmem>>
        %get3A_2150 = tpu.memref_squeeze %get3A_2149 : memref<1x1x128xf32, #tpu.memory_space<vmem>> -> memref<128xf32, #tpu.memory_space<vmem>>
        %get3A_2151 = arith.constant 0 : index
        %get3A_2152 = tpu.vector_load %get3A_2150[%get3A_2151] {strides = array<i32>} : memref<128xf32, #tpu.memory_space<vmem>>, vector<16xf32>,
        %get3A_2153 = vector.shape_cast %get3A_2152 : vector<16xf32> to vector<16xf32>
        %add3A_2154 = arith.addf %get3A_2147, %get3A_2153 : vector<16xf32>
        %max3A_2155 = arith.constant 0.000000e+00 : f32
        %max3A_2156 = vector.broadcast %max3A_2155 : f32 to vector<16xf32>
        %max3A_2157 = arith.maximumf %add3A_2154, %max3A_2156 : vector<16xf32>
        %mul3A_2158 = arith.mulf %max3A_2157, %get3A_108 : vector<16xf32>
        %get3A_2159 = arith.constant 0 : i32
        %get3A_2160 = tpu.memref_slice %arg11[%and3A_86, %add3A_2137, %get3A_2159] : memref<4x80x128xf32, #tpu.memory_space<vmem>> -> memref<1x1x128xf32, #tpu.memory_space<vmem>>
        %get3A_2161 = tpu.memref_squeeze %get3A_2160 : memref<1x1x128xf32, #tpu.memory_space<vmem>> -> memref<128xf32, #tpu.memory_space<vmem>>
        %get3A_2162 = arith.constant 16 : index
        %get3A_2163 = tpu.vector_load %get3A_2161[%get3A_2162] {strides = array<i32>} : memref<128xf32, #tpu.memory_space<vmem>>, vector<16xf32>,
        %get3A_2164 = vector.shape_cast %get3A_2163 : vector<16xf32> to vector<16xf32>
        %get3A_2165 = arith.constant 0 : i32
        %get3A_2166 = tpu.memref_slice %arg12[%and3A_86, %add3A_2141, %get3A_2165] : memref<4x80x128xf32, #tpu.memory_space<vmem>> -> memref<1x1x128xf32, #tpu.memory_space<vmem>>
        %get3A_2167 = tpu.memref_squeeze %get3A_2166 : memref<1x1x128xf32, #tpu.memory_space<vmem>> -> memref<128xf32, #tpu.memory_space<vmem>>
        %get3A_2168 = arith.constant 16 : index
        %get3A_2169 = tpu.vector_load %get3A_2167[%get3A_2168] {strides = array<i32>} : memref<128xf32, #tpu.memory_space<vmem>>, vector<16xf32>,
        %get3A_2170 = vector.shape_cast %get3A_2169 : vector<16xf32> to vector<16xf32>
        %add3A_2171 = arith.addf %get3A_2164, %get3A_2170 : vector<16xf32>
        %max3A_2172 = arith.constant 0.000000e+00 : f32
        %max3A_2173 = vector.broadcast %max3A_2172 : f32 to vector<16xf32>
        %max3A_2174 = arith.maximumf %add3A_2171, %max3A_2173 : vector<16xf32>
        %mul3A_2175 = arith.mulf %max3A_2174, %get3A_111 : vector<16xf32>
        %add3A_2176 = arith.addf %mul3A_2158, %mul3A_2175 : vector<16xf32>
        %get3A_2177 = arith.constant 0 : i32
        %get3A_2178 = tpu.memref_slice %arg11[%and3A_86, %add3A_2137, %get3A_2177] : memref<4x80x128xf32, #tpu.memory_space<vmem>> -> memref<1x1x128xf32, #tpu.memory_space<vmem>>
        %get3A_2179 = tpu.memref_squeeze %get3A_2178 : memref<1x1x128xf32, #tpu.memory_space<vmem>> -> memref<128xf32, #tpu.memory_space<vmem>>
        %get3A_2180 = arith.constant 32 : index
        %get3A_2181 = tpu.vector_load %get3A_2179[%get3A_2180] {strides = array<i32>} : memref<128xf32, #tpu.memory_space<vmem>>, vector<16xf32>,
        %get3A_2182 = vector.shape_cast %get3A_2181 : vector<16xf32> to vector<16xf32>
        %get3A_2183 = arith.constant 0 : i32
        %get3A_2184 = tpu.memref_slice %arg12[%and3A_86, %add3A_2141, %get3A_2183] : memref<4x80x128xf32, #tpu.memory_space<vmem>> -> memref<1x1x128xf32, #tpu.memory_space<vmem>>
        %get3A_2185 = tpu.memref_squeeze %get3A_2184 : memref<1x1x128xf32, #tpu.memory_space<vmem>> -> memref<128xf32, #tpu.memory_space<vmem>>
        %get3A_2186 = arith.constant 32 : index
        %get3A_2187 = tpu.vector_load %get3A_2185[%get3A_2186] {strides = array<i32>} : memref<128xf32, #tpu.memory_space<vmem>>, vector<16xf32>,
        %get3A_2188 = vector.shape_cast %get3A_2187 : vector<16xf32> to vector<16xf32>
        %add3A_2189 = arith.addf %get3A_2182, %get3A_2188 : vector<16xf32>
        %max3A_2190 = arith.constant 0.000000e+00 : f32
        %max3A_2191 = vector.broadcast %max3A_2190 : f32 to vector<16xf32>
        %max3A_2192 = arith.maximumf %add3A_2189, %max3A_2191 : vector<16xf32>
        %mul3A_2193 = arith.mulf %max3A_2192, %get3A_114 : vector<16xf32>
        %add3A_2194 = arith.addf %add3A_2176, %mul3A_2193 : vector<16xf32>
        %get3A_2195 = arith.constant 0 : i32
        %get3A_2196 = tpu.memref_slice %arg11[%and3A_86, %add3A_2137, %get3A_2195] : memref<4x80x128xf32, #tpu.memory_space<vmem>> -> memref<1x1x128xf32, #tpu.memory_space<vmem>>
        %get3A_2197 = tpu.memref_squeeze %get3A_2196 : memref<1x1x128xf32, #tpu.memory_space<vmem>> -> memref<128xf32, #tpu.memory_space<vmem>>
        %get3A_2198 = arith.constant 48 : index
        %get3A_2199 = tpu.vector_load %get3A_2197[%get3A_2198] {strides = array<i32>} : memref<128xf32, #tpu.memory_space<vmem>>, vector<16xf32>,
        %get3A_2200 = vector.shape_cast %get3A_2199 : vector<16xf32> to vector<16xf32>
        %get3A_2201 = arith.constant 0 : i32
        %get3A_2202 = tpu.memref_slice %arg12[%and3A_86, %add3A_2141, %get3A_2201] : memref<4x80x128xf32, #tpu.memory_space<vmem>> -> memref<1x1x128xf32, #tpu.memory_space<vmem>>
        %get3A_2203 = tpu.memref_squeeze %get3A_2202 : memref<1x1x128xf32, #tpu.memory_space<vmem>> -> memref<128xf32, #tpu.memory_space<vmem>>
        %get3A_2204 = arith.constant 48 : index
        %get3A_2205 = tpu.vector_load %get3A_2203[%get3A_2204] {strides = array<i32>} : memref<128xf32, #tpu.memory_space<vmem>>, vector<16xf32>,
        %get3A_2206 = vector.shape_cast %get3A_2205 : vector<16xf32> to vector<16xf32>
        %add3A_2207 = arith.addf %get3A_2200, %get3A_2206 : vector<16xf32>
        %max3A_2208 = arith.constant 0.000000e+00 : f32
        %max3A_2209 = vector.broadcast %max3A_2208 : f32 to vector<16xf32>
        %max3A_2210 = arith.maximumf %add3A_2207, %max3A_2209 : vector<16xf32>
        %mul3A_2211 = arith.mulf %max3A_2210, %get3A_117 : vector<16xf32>
        %add3A_2212 = arith.addf %add3A_2194, %mul3A_2211 : vector<16xf32>
        %get3A_2213 = arith.constant 0 : i32
        %get3A_2214 = tpu.memref_slice %arg11[%and3A_86, %add3A_2137, %get3A_2213] : memref<4x80x128xf32, #tpu.memory_space<vmem>> -> memref<1x1x128xf32, #tpu.memory_space<vmem>>
        %get3A_2215 = tpu.memref_squeeze %get3A_2214 : memref<1x1x128xf32, #tpu.memory_space<vmem>> -> memref<128xf32, #tpu.memory_space<vmem>>
        %get3A_2216 = arith.constant 64 : index
        %get3A_2217 = tpu.vector_load %get3A_2215[%get3A_2216] {strides = array<i32>} : memref<128xf32, #tpu.memory_space<vmem>>, vector<16xf32>,
        %get3A_2218 = vector.shape_cast %get3A_2217 : vector<16xf32> to vector<16xf32>
        %get3A_2219 = arith.constant 0 : i32
        %get3A_2220 = tpu.memref_slice %arg12[%and3A_86, %add3A_2141, %get3A_2219] : memref<4x80x128xf32, #tpu.memory_space<vmem>> -> memref<1x1x128xf32, #tpu.memory_space<vmem>>
        %get3A_2221 = tpu.memref_squeeze %get3A_2220 : memref<1x1x128xf32, #tpu.memory_space<vmem>> -> memref<128xf32, #tpu.memory_space<vmem>>
        %get3A_2222 = arith.constant 64 : index
        %get3A_2223 = tpu.vector_load %get3A_2221[%get3A_2222] {strides = array<i32>} : memref<128xf32, #tpu.memory_space<vmem>>, vector<16xf32>,
        %get3A_2224 = vector.shape_cast %get3A_2223 : vector<16xf32> to vector<16xf32>
        %add3A_2225 = arith.addf %get3A_2218, %get3A_2224 : vector<16xf32>
        %max3A_2226 = arith.constant 0.000000e+00 : f32
        %max3A_2227 = vector.broadcast %max3A_2226 : f32 to vector<16xf32>
        %max3A_2228 = arith.maximumf %add3A_2225, %max3A_2227 : vector<16xf32>
        %mul3A_2229 = arith.mulf %max3A_2228, %get3A_120 : vector<16xf32>
        %add3A_2230 = arith.addf %add3A_2212, %mul3A_2229 : vector<16xf32>
        %get3A_2231 = arith.constant 0 : i32
        %get3A_2232 = tpu.memref_slice %arg11[%and3A_86, %add3A_2137, %get3A_2231] : memref<4x80x128xf32, #tpu.memory_space<vmem>> -> memref<1x1x128xf32, #tpu.memory_space<vmem>>
        %get3A_2233 = tpu.memref_squeeze %get3A_2232 : memref<1x1x128xf32, #tpu.memory_space<vmem>> -> memref<128xf32, #tpu.memory_space<vmem>>
        %get3A_2234 = arith.constant 80 : index
        %get3A_2235 = tpu.vector_load %get3A_2233[%get3A_2234] {strides = array<i32>} : memref<128xf32, #tpu.memory_space<vmem>>, vector<16xf32>,
        %get3A_2236 = vector.shape_cast %get3A_2235 : vector<16xf32> to vector<16xf32>
        %get3A_2237 = arith.constant 0 : i32
        %get3A_2238 = tpu.memref_slice %arg12[%and3A_86, %add3A_2141, %get3A_2237] : memref<4x80x128xf32, #tpu.memory_space<vmem>> -> memref<1x1x128xf32, #tpu.memory_space<vmem>>
        %get3A_2239 = tpu.memref_squeeze %get3A_2238 : memref<1x1x128xf32, #tpu.memory_space<vmem>> -> memref<128xf32, #tpu.memory_space<vmem>>
        %get3A_2240 = arith.constant 80 : index
        %get3A_2241 = tpu.vector_load %get3A_2239[%get3A_2240] {strides = array<i32>} : memref<128xf32, #tpu.memory_space<vmem>>, vector<16xf32>,
        %get3A_2242 = vector.shape_cast %get3A_2241 : vector<16xf32> to vector<16xf32>
        %add3A_2243 = arith.addf %get3A_2236, %get3A_2242 : vector<16xf32>
        %max3A_2244 = arith.constant 0.000000e+00 : f32
        %max3A_2245 = vector.broadcast %max3A_2244 : f32 to vector<16xf32>
        %max3A_2246 = arith.maximumf %add3A_2243, %max3A_2245 : vector<16xf32>
        %mul3A_2247 = arith.mulf %max3A_2246, %get3A_123 : vector<16xf32>
        %add3A_2248 = arith.addf %add3A_2230, %mul3A_2247 : vector<16xf32>
        %get3A_2249 = arith.constant 0 : i32
        %get3A_2250 = tpu.memref_slice %arg11[%and3A_86, %add3A_2137, %get3A_2249] : memref<4x80x128xf32, #tpu.memory_space<vmem>> -> memref<1x1x128xf32, #tpu.memory_space<vmem>>
        %get3A_2251 = tpu.memref_squeeze %get3A_2250 : memref<1x1x128xf32, #tpu.memory_space<vmem>> -> memref<128xf32, #tpu.memory_space<vmem>>
        %get3A_2252 = arith.constant 96 : index
        %get3A_2253 = tpu.vector_load %get3A_2251[%get3A_2252] {strides = array<i32>} : memref<128xf32, #tpu.memory_space<vmem>>, vector<16xf32>,
        %get3A_2254 = vector.shape_cast %get3A_2253 : vector<16xf32> to vector<16xf32>
        %get3A_2255 = arith.constant 0 : i32
        %get3A_2256 = tpu.memref_slice %arg12[%and3A_86, %add3A_2141, %get3A_2255] : memref<4x80x128xf32, #tpu.memory_space<vmem>> -> memref<1x1x128xf32, #tpu.memory_space<vmem>>
        %get3A_2257 = tpu.memref_squeeze %get3A_2256 : memref<1x1x128xf32, #tpu.memory_space<vmem>> -> memref<128xf32, #tpu.memory_space<vmem>>
        %get3A_2258 = arith.constant 96 : index
        %get3A_2259 = tpu.vector_load %get3A_2257[%get3A_2258] {strides = array<i32>} : memref<128xf32, #tpu.memory_space<vmem>>, vector<16xf32>,
        %get3A_2260 = vector.shape_cast %get3A_2259 : vector<16xf32> to vector<16xf32>
        %add3A_2261 = arith.addf %get3A_2254, %get3A_2260 : vector<16xf32>
        %max3A_2262 = arith.constant 0.000000e+00 : f32
        %max3A_2263 = vector.broadcast %max3A_2262 : f32 to vector<16xf32>
        %max3A_2264 = arith.maximumf %add3A_2261, %max3A_2263 : vector<16xf32>
        %mul3A_2265 = arith.mulf %max3A_2264, %get3A_126 : vector<16xf32>
        %add3A_2266 = arith.addf %add3A_2248, %mul3A_2265 : vector<16xf32>
        %get3A_2267 = arith.constant 0 : i32
        %get3A_2268 = tpu.memref_slice %arg11[%and3A_86, %add3A_2137, %get3A_2267] : memref<4x80x128xf32, #tpu.memory_space<vmem>> -> memref<1x1x128xf32, #tpu.memory_space<vmem>>
        %get3A_2269 = tpu.memref_squeeze %get3A_2268 : memref<1x1x128xf32, #tpu.memory_space<vmem>> -> memref<128xf32, #tpu.memory_space<vmem>>
        %get3A_2270 = arith.constant 112 : index
        %get3A_2271 = tpu.vector_load %get3A_2269[%get3A_2270] {strides = array<i32>} : memref<128xf32, #tpu.memory_space<vmem>>, vector<16xf32>,
        %get3A_2272 = vector.shape_cast %get3A_2271 : vector<16xf32> to vector<16xf32>
        %get3A_2273 = arith.constant 0 : i32
        %get3A_2274 = tpu.memref_slice %arg12[%and3A_86, %add3A_2141, %get3A_2273] : memref<4x80x128xf32, #tpu.memory_space<vmem>> -> memref<1x1x128xf32, #tpu.memory_space<vmem>>
        %get3A_2275 = tpu.memref_squeeze %get3A_2274 : memref<1x1x128xf32, #tpu.memory_space<vmem>> -> memref<128xf32, #tpu.memory_space<vmem>>
        %get3A_2276 = arith.constant 112 : index
        %get3A_2277 = tpu.vector_load %get3A_2275[%get3A_2276] {strides = array<i32>} : memref<128xf32, #tpu.memory_space<vmem>>, vector<16xf32>,
        %get3A_2278 = vector.shape_cast %get3A_2277 : vector<16xf32> to vector<16xf32>
        %add3A_2279 = arith.addf %get3A_2272, %get3A_2278 : vector<16xf32>
        %max3A_2280 = arith.constant 0.000000e+00 : f32
        %max3A_2281 = vector.broadcast %max3A_2280 : f32 to vector<16xf32>
        %max3A_2282 = arith.maximumf %add3A_2279, %max3A_2281 : vector<16xf32>
        %mul3A_2283 = arith.mulf %max3A_2282, %get3A_129 : vector<16xf32>
        %add3A_2284 = arith.addf %add3A_2266, %mul3A_2283 : vector<16xf32>
        %mul3A_2285 = arith.constant 16 : i32
        %mul3A_2286 = arith.muli %scan3A_171, %mul3A_2285 : i32
        %add3A_2287 = arith.constant 14 : i32
        %add3A_2288 = arith.addi %mul3A_2286, %add3A_2287 : i32
        %mul3A_2289 = arith.constant 16 : i32
        %mul3A_2290 = arith.muli %scan3A_171, %mul3A_2289 : i32
        %add3A_2291 = arith.constant 14 : i32
        %add3A_2292 = arith.addi %mul3A_2290, %add3A_2291 : i32
        %get3A_2293 = arith.constant 0 : i32
        %get3A_2294 = tpu.memref_slice %arg11[%and3A_86, %add3A_2288, %get3A_2293] : memref<4x80x128xf32, #tpu.memory_space<vmem>> -> memref<1x1x128xf32, #tpu.memory_space<vmem>>
        %get3A_2295 = tpu.memref_squeeze %get3A_2294 : memref<1x1x128xf32, #tpu.memory_space<vmem>> -> memref<128xf32, #tpu.memory_space<vmem>>
        %get3A_2296 = arith.constant 0 : index
        %get3A_2297 = tpu.vector_load %get3A_2295[%get3A_2296] {strides = array<i32>} : memref<128xf32, #tpu.memory_space<vmem>>, vector<16xf32>,
        %get3A_2298 = vector.shape_cast %get3A_2297 : vector<16xf32> to vector<16xf32>
        %get3A_2299 = arith.constant 0 : i32
        %get3A_2300 = tpu.memref_slice %arg12[%and3A_86, %add3A_2292, %get3A_2299] : memref<4x80x128xf32, #tpu.memory_space<vmem>> -> memref<1x1x128xf32, #tpu.memory_space<vmem>>
        %get3A_2301 = tpu.memref_squeeze %get3A_2300 : memref<1x1x128xf32, #tpu.memory_space<vmem>> -> memref<128xf32, #tpu.memory_space<vmem>>
        %get3A_2302 = arith.constant 0 : index
        %get3A_2303 = tpu.vector_load %get3A_2301[%get3A_2302] {strides = array<i32>} : memref<128xf32, #tpu.memory_space<vmem>>, vector<16xf32>,
        %get3A_2304 = vector.shape_cast %get3A_2303 : vector<16xf32> to vector<16xf32>
        %add3A_2305 = arith.addf %get3A_2298, %get3A_2304 : vector<16xf32>
        %max3A_2306 = arith.constant 0.000000e+00 : f32
        %max3A_2307 = vector.broadcast %max3A_2306 : f32 to vector<16xf32>
        %max3A_2308 = arith.maximumf %add3A_2305, %max3A_2307 : vector<16xf32>
        %mul3A_2309 = arith.mulf %max3A_2308, %get3A_108 : vector<16xf32>
        %get3A_2310 = arith.constant 0 : i32
        %get3A_2311 = tpu.memref_slice %arg11[%and3A_86, %add3A_2288, %get3A_2310] : memref<4x80x128xf32, #tpu.memory_space<vmem>> -> memref<1x1x128xf32, #tpu.memory_space<vmem>>
        %get3A_2312 = tpu.memref_squeeze %get3A_2311 : memref<1x1x128xf32, #tpu.memory_space<vmem>> -> memref<128xf32, #tpu.memory_space<vmem>>
        %get3A_2313 = arith.constant 16 : index
        %get3A_2314 = tpu.vector_load %get3A_2312[%get3A_2313] {strides = array<i32>} : memref<128xf32, #tpu.memory_space<vmem>>, vector<16xf32>,
        %get3A_2315 = vector.shape_cast %get3A_2314 : vector<16xf32> to vector<16xf32>
        %get3A_2316 = arith.constant 0 : i32
        %get3A_2317 = tpu.memref_slice %arg12[%and3A_86, %add3A_2292, %get3A_2316] : memref<4x80x128xf32, #tpu.memory_space<vmem>> -> memref<1x1x128xf32, #tpu.memory_space<vmem>>
        %get3A_2318 = tpu.memref_squeeze %get3A_2317 : memref<1x1x128xf32, #tpu.memory_space<vmem>> -> memref<128xf32, #tpu.memory_space<vmem>>
        %get3A_2319 = arith.constant 16 : index
        %get3A_2320 = tpu.vector_load %get3A_2318[%get3A_2319] {strides = array<i32>} : memref<128xf32, #tpu.memory_space<vmem>>, vector<16xf32>,
        %get3A_2321 = vector.shape_cast %get3A_2320 : vector<16xf32> to vector<16xf32>
        %add3A_2322 = arith.addf %get3A_2315, %get3A_2321 : vector<16xf32>
        %max3A_2323 = arith.constant 0.000000e+00 : f32
        %max3A_2324 = vector.broadcast %max3A_2323 : f32 to vector<16xf32>
        %max3A_2325 = arith.maximumf %add3A_2322, %max3A_2324 : vector<16xf32>
        %mul3A_2326 = arith.mulf %max3A_2325, %get3A_111 : vector<16xf32>
        %add3A_2327 = arith.addf %mul3A_2309, %mul3A_2326 : vector<16xf32>
        %get3A_2328 = arith.constant 0 : i32
        %get3A_2329 = tpu.memref_slice %arg11[%and3A_86, %add3A_2288, %get3A_2328] : memref<4x80x128xf32, #tpu.memory_space<vmem>> -> memref<1x1x128xf32, #tpu.memory_space<vmem>>
        %get3A_2330 = tpu.memref_squeeze %get3A_2329 : memref<1x1x128xf32, #tpu.memory_space<vmem>> -> memref<128xf32, #tpu.memory_space<vmem>>
        %get3A_2331 = arith.constant 32 : index
        %get3A_2332 = tpu.vector_load %get3A_2330[%get3A_2331] {strides = array<i32>} : memref<128xf32, #tpu.memory_space<vmem>>, vector<16xf32>,
        %get3A_2333 = vector.shape_cast %get3A_2332 : vector<16xf32> to vector<16xf32>
        %get3A_2334 = arith.constant 0 : i32
        %get3A_2335 = tpu.memref_slice %arg12[%and3A_86, %add3A_2292, %get3A_2334] : memref<4x80x128xf32, #tpu.memory_space<vmem>> -> memref<1x1x128xf32, #tpu.memory_space<vmem>>
        %get3A_2336 = tpu.memref_squeeze %get3A_2335 : memref<1x1x128xf32, #tpu.memory_space<vmem>> -> memref<128xf32, #tpu.memory_space<vmem>>
        %get3A_2337 = arith.constant 32 : index
        %get3A_2338 = tpu.vector_load %get3A_2336[%get3A_2337] {strides = array<i32>} : memref<128xf32, #tpu.memory_space<vmem>>, vector<16xf32>,
        %get3A_2339 = vector.shape_cast %get3A_2338 : vector<16xf32> to vector<16xf32>
        %add3A_2340 = arith.addf %get3A_2333, %get3A_2339 : vector<16xf32>
        %max3A_2341 = arith.constant 0.000000e+00 : f32
        %max3A_2342 = vector.broadcast %max3A_2341 : f32 to vector<16xf32>
        %max3A_2343 = arith.maximumf %add3A_2340, %max3A_2342 : vector<16xf32>
        %mul3A_2344 = arith.mulf %max3A_2343, %get3A_114 : vector<16xf32>
        %add3A_2345 = arith.addf %add3A_2327, %mul3A_2344 : vector<16xf32>
        %get3A_2346 = arith.constant 0 : i32
        %get3A_2347 = tpu.memref_slice %arg11[%and3A_86, %add3A_2288, %get3A_2346] : memref<4x80x128xf32, #tpu.memory_space<vmem>> -> memref<1x1x128xf32, #tpu.memory_space<vmem>>
        %get3A_2348 = tpu.memref_squeeze %get3A_2347 : memref<1x1x128xf32, #tpu.memory_space<vmem>> -> memref<128xf32, #tpu.memory_space<vmem>>
        %get3A_2349 = arith.constant 48 : index
        %get3A_2350 = tpu.vector_load %get3A_2348[%get3A_2349] {strides = array<i32>} : memref<128xf32, #tpu.memory_space<vmem>>, vector<16xf32>,
        %get3A_2351 = vector.shape_cast %get3A_2350 : vector<16xf32> to vector<16xf32>
        %get3A_2352 = arith.constant 0 : i32
        %get3A_2353 = tpu.memref_slice %arg12[%and3A_86, %add3A_2292, %get3A_2352] : memref<4x80x128xf32, #tpu.memory_space<vmem>> -> memref<1x1x128xf32, #tpu.memory_space<vmem>>
        %get3A_2354 = tpu.memref_squeeze %get3A_2353 : memref<1x1x128xf32, #tpu.memory_space<vmem>> -> memref<128xf32, #tpu.memory_space<vmem>>
        %get3A_2355 = arith.constant 48 : index
        %get3A_2356 = tpu.vector_load %get3A_2354[%get3A_2355] {strides = array<i32>} : memref<128xf32, #tpu.memory_space<vmem>>, vector<16xf32>,
        %get3A_2357 = vector.shape_cast %get3A_2356 : vector<16xf32> to vector<16xf32>
        %add3A_2358 = arith.addf %get3A_2351, %get3A_2357 : vector<16xf32>
        %max3A_2359 = arith.constant 0.000000e+00 : f32
        %max3A_2360 = vector.broadcast %max3A_2359 : f32 to vector<16xf32>
        %max3A_2361 = arith.maximumf %add3A_2358, %max3A_2360 : vector<16xf32>
        %mul3A_2362 = arith.mulf %max3A_2361, %get3A_117 : vector<16xf32>
        %add3A_2363 = arith.addf %add3A_2345, %mul3A_2362 : vector<16xf32>
        %get3A_2364 = arith.constant 0 : i32
        %get3A_2365 = tpu.memref_slice %arg11[%and3A_86, %add3A_2288, %get3A_2364] : memref<4x80x128xf32, #tpu.memory_space<vmem>> -> memref<1x1x128xf32, #tpu.memory_space<vmem>>
        %get3A_2366 = tpu.memref_squeeze %get3A_2365 : memref<1x1x128xf32, #tpu.memory_space<vmem>> -> memref<128xf32, #tpu.memory_space<vmem>>
        %get3A_2367 = arith.constant 64 : index
        %get3A_2368 = tpu.vector_load %get3A_2366[%get3A_2367] {strides = array<i32>} : memref<128xf32, #tpu.memory_space<vmem>>, vector<16xf32>,
        %get3A_2369 = vector.shape_cast %get3A_2368 : vector<16xf32> to vector<16xf32>
        %get3A_2370 = arith.constant 0 : i32
        %get3A_2371 = tpu.memref_slice %arg12[%and3A_86, %add3A_2292, %get3A_2370] : memref<4x80x128xf32, #tpu.memory_space<vmem>> -> memref<1x1x128xf32, #tpu.memory_space<vmem>>
        %get3A_2372 = tpu.memref_squeeze %get3A_2371 : memref<1x1x128xf32, #tpu.memory_space<vmem>> -> memref<128xf32, #tpu.memory_space<vmem>>
        %get3A_2373 = arith.constant 64 : index
        %get3A_2374 = tpu.vector_load %get3A_2372[%get3A_2373] {strides = array<i32>} : memref<128xf32, #tpu.memory_space<vmem>>, vector<16xf32>,
        %get3A_2375 = vector.shape_cast %get3A_2374 : vector<16xf32> to vector<16xf32>
        %add3A_2376 = arith.addf %get3A_2369, %get3A_2375 : vector<16xf32>
        %max3A_2377 = arith.constant 0.000000e+00 : f32
        %max3A_2378 = vector.broadcast %max3A_2377 : f32 to vector<16xf32>
        %max3A_2379 = arith.maximumf %add3A_2376, %max3A_2378 : vector<16xf32>
        %mul3A_2380 = arith.mulf %max3A_2379, %get3A_120 : vector<16xf32>
        %add3A_2381 = arith.addf %add3A_2363, %mul3A_2380 : vector<16xf32>
        %get3A_2382 = arith.constant 0 : i32
        %get3A_2383 = tpu.memref_slice %arg11[%and3A_86, %add3A_2288, %get3A_2382] : memref<4x80x128xf32, #tpu.memory_space<vmem>> -> memref<1x1x128xf32, #tpu.memory_space<vmem>>
        %get3A_2384 = tpu.memref_squeeze %get3A_2383 : memref<1x1x128xf32, #tpu.memory_space<vmem>> -> memref<128xf32, #tpu.memory_space<vmem>>
        %get3A_2385 = arith.constant 80 : index
        %get3A_2386 = tpu.vector_load %get3A_2384[%get3A_2385] {strides = array<i32>} : memref<128xf32, #tpu.memory_space<vmem>>, vector<16xf32>,
        %get3A_2387 = vector.shape_cast %get3A_2386 : vector<16xf32> to vector<16xf32>
        %get3A_2388 = arith.constant 0 : i32
        %get3A_2389 = tpu.memref_slice %arg12[%and3A_86, %add3A_2292, %get3A_2388] : memref<4x80x128xf32, #tpu.memory_space<vmem>> -> memref<1x1x128xf32, #tpu.memory_space<vmem>>
        %get3A_2390 = tpu.memref_squeeze %get3A_2389 : memref<1x1x128xf32, #tpu.memory_space<vmem>> -> memref<128xf32, #tpu.memory_space<vmem>>
        %get3A_2391 = arith.constant 80 : index
        %get3A_2392 = tpu.vector_load %get3A_2390[%get3A_2391] {strides = array<i32>} : memref<128xf32, #tpu.memory_space<vmem>>, vector<16xf32>,
        %get3A_2393 = vector.shape_cast %get3A_2392 : vector<16xf32> to vector<16xf32>
        %add3A_2394 = arith.addf %get3A_2387, %get3A_2393 : vector<16xf32>
        %max3A_2395 = arith.constant 0.000000e+00 : f32
        %max3A_2396 = vector.broadcast %max3A_2395 : f32 to vector<16xf32>
        %max3A_2397 = arith.maximumf %add3A_2394, %max3A_2396 : vector<16xf32>
        %mul3A_2398 = arith.mulf %max3A_2397, %get3A_123 : vector<16xf32>
        %add3A_2399 = arith.addf %add3A_2381, %mul3A_2398 : vector<16xf32>
        %get3A_2400 = arith.constant 0 : i32
        %get3A_2401 = tpu.memref_slice %arg11[%and3A_86, %add3A_2288, %get3A_2400] : memref<4x80x128xf32, #tpu.memory_space<vmem>> -> memref<1x1x128xf32, #tpu.memory_space<vmem>>
        %get3A_2402 = tpu.memref_squeeze %get3A_2401 : memref<1x1x128xf32, #tpu.memory_space<vmem>> -> memref<128xf32, #tpu.memory_space<vmem>>
        %get3A_2403 = arith.constant 96 : index
        %get3A_2404 = tpu.vector_load %get3A_2402[%get3A_2403] {strides = array<i32>} : memref<128xf32, #tpu.memory_space<vmem>>, vector<16xf32>,
        %get3A_2405 = vector.shape_cast %get3A_2404 : vector<16xf32> to vector<16xf32>
        %get3A_2406 = arith.constant 0 : i32
        %get3A_2407 = tpu.memref_slice %arg12[%and3A_86, %add3A_2292, %get3A_2406] : memref<4x80x128xf32, #tpu.memory_space<vmem>> -> memref<1x1x128xf32, #tpu.memory_space<vmem>>
        %get3A_2408 = tpu.memref_squeeze %get3A_2407 : memref<1x1x128xf32, #tpu.memory_space<vmem>> -> memref<128xf32, #tpu.memory_space<vmem>>
        %get3A_2409 = arith.constant 96 : index
        %get3A_2410 = tpu.vector_load %get3A_2408[%get3A_2409] {strides = array<i32>} : memref<128xf32, #tpu.memory_space<vmem>>, vector<16xf32>,
        %get3A_2411 = vector.shape_cast %get3A_2410 : vector<16xf32> to vector<16xf32>
        %add3A_2412 = arith.addf %get3A_2405, %get3A_2411 : vector<16xf32>
        %max3A_2413 = arith.constant 0.000000e+00 : f32
        %max3A_2414 = vector.broadcast %max3A_2413 : f32 to vector<16xf32>
        %max3A_2415 = arith.maximumf %add3A_2412, %max3A_2414 : vector<16xf32>
        %mul3A_2416 = arith.mulf %max3A_2415, %get3A_126 : vector<16xf32>
        %add3A_2417 = arith.addf %add3A_2399, %mul3A_2416 : vector<16xf32>
        %get3A_2418 = arith.constant 0 : i32
        %get3A_2419 = tpu.memref_slice %arg11[%and3A_86, %add3A_2288, %get3A_2418] : memref<4x80x128xf32, #tpu.memory_space<vmem>> -> memref<1x1x128xf32, #tpu.memory_space<vmem>>
        %get3A_2420 = tpu.memref_squeeze %get3A_2419 : memref<1x1x128xf32, #tpu.memory_space<vmem>> -> memref<128xf32, #tpu.memory_space<vmem>>
        %get3A_2421 = arith.constant 112 : index
        %get3A_2422 = tpu.vector_load %get3A_2420[%get3A_2421] {strides = array<i32>} : memref<128xf32, #tpu.memory_space<vmem>>, vector<16xf32>,
        %get3A_2423 = vector.shape_cast %get3A_2422 : vector<16xf32> to vector<16xf32>
        %get3A_2424 = arith.constant 0 : i32
        %get3A_2425 = tpu.memref_slice %arg12[%and3A_86, %add3A_2292, %get3A_2424] : memref<4x80x128xf32, #tpu.memory_space<vmem>> -> memref<1x1x128xf32, #tpu.memory_space<vmem>>
        %get3A_2426 = tpu.memref_squeeze %get3A_2425 : memref<1x1x128xf32, #tpu.memory_space<vmem>> -> memref<128xf32, #tpu.memory_space<vmem>>
        %get3A_2427 = arith.constant 112 : index
        %get3A_2428 = tpu.vector_load %get3A_2426[%get3A_2427] {strides = array<i32>} : memref<128xf32, #tpu.memory_space<vmem>>, vector<16xf32>,
        %get3A_2429 = vector.shape_cast %get3A_2428 : vector<16xf32> to vector<16xf32>
        %add3A_2430 = arith.addf %get3A_2423, %get3A_2429 : vector<16xf32>
        %max3A_2431 = arith.constant 0.000000e+00 : f32
        %max3A_2432 = vector.broadcast %max3A_2431 : f32 to vector<16xf32>
        %max3A_2433 = arith.maximumf %add3A_2430, %max3A_2432 : vector<16xf32>
        %mul3A_2434 = arith.mulf %max3A_2433, %get3A_129 : vector<16xf32>
        %add3A_2435 = arith.addf %add3A_2417, %mul3A_2434 : vector<16xf32>
        %mul3A_2436 = arith.constant 16 : i32
        %mul3A_2437 = arith.muli %scan3A_171, %mul3A_2436 : i32
        %add3A_2438 = arith.constant 15 : i32
        %add3A_2439 = arith.addi %mul3A_2437, %add3A_2438 : i32
        %mul3A_2440 = arith.constant 16 : i32
        %mul3A_2441 = arith.muli %scan3A_171, %mul3A_2440 : i32
        %add3A_2442 = arith.constant 15 : i32
        %add3A_2443 = arith.addi %mul3A_2441, %add3A_2442 : i32
        %get3A_2444 = arith.constant 0 : i32
        %get3A_2445 = tpu.memref_slice %arg11[%and3A_86, %add3A_2439, %get3A_2444] : memref<4x80x128xf32, #tpu.memory_space<vmem>> -> memref<1x1x128xf32, #tpu.memory_space<vmem>>
        %get3A_2446 = tpu.memref_squeeze %get3A_2445 : memref<1x1x128xf32, #tpu.memory_space<vmem>> -> memref<128xf32, #tpu.memory_space<vmem>>
        %get3A_2447 = arith.constant 0 : index
        %get3A_2448 = tpu.vector_load %get3A_2446[%get3A_2447] {strides = array<i32>} : memref<128xf32, #tpu.memory_space<vmem>>, vector<16xf32>,
        %get3A_2449 = vector.shape_cast %get3A_2448 : vector<16xf32> to vector<16xf32>
        %get3A_2450 = arith.constant 0 : i32
        %get3A_2451 = tpu.memref_slice %arg12[%and3A_86, %add3A_2443, %get3A_2450] : memref<4x80x128xf32, #tpu.memory_space<vmem>> -> memref<1x1x128xf32, #tpu.memory_space<vmem>>
        %get3A_2452 = tpu.memref_squeeze %get3A_2451 : memref<1x1x128xf32, #tpu.memory_space<vmem>> -> memref<128xf32, #tpu.memory_space<vmem>>
        %get3A_2453 = arith.constant 0 : index
        %get3A_2454 = tpu.vector_load %get3A_2452[%get3A_2453] {strides = array<i32>} : memref<128xf32, #tpu.memory_space<vmem>>, vector<16xf32>,
        %get3A_2455 = vector.shape_cast %get3A_2454 : vector<16xf32> to vector<16xf32>
        %add3A_2456 = arith.addf %get3A_2449, %get3A_2455 : vector<16xf32>
        %max3A_2457 = arith.constant 0.000000e+00 : f32
        %max3A_2458 = vector.broadcast %max3A_2457 : f32 to vector<16xf32>
        %max3A_2459 = arith.maximumf %add3A_2456, %max3A_2458 : vector<16xf32>
        %mul3A_2460 = arith.mulf %max3A_2459, %get3A_108 : vector<16xf32>
        %get3A_2461 = arith.constant 0 : i32
        %get3A_2462 = tpu.memref_slice %arg11[%and3A_86, %add3A_2439, %get3A_2461] : memref<4x80x128xf32, #tpu.memory_space<vmem>> -> memref<1x1x128xf32, #tpu.memory_space<vmem>>
        %get3A_2463 = tpu.memref_squeeze %get3A_2462 : memref<1x1x128xf32, #tpu.memory_space<vmem>> -> memref<128xf32, #tpu.memory_space<vmem>>
        %get3A_2464 = arith.constant 16 : index
        %get3A_2465 = tpu.vector_load %get3A_2463[%get3A_2464] {strides = array<i32>} : memref<128xf32, #tpu.memory_space<vmem>>, vector<16xf32>,
        %get3A_2466 = vector.shape_cast %get3A_2465 : vector<16xf32> to vector<16xf32>
        %get3A_2467 = arith.constant 0 : i32
        %get3A_2468 = tpu.memref_slice %arg12[%and3A_86, %add3A_2443, %get3A_2467] : memref<4x80x128xf32, #tpu.memory_space<vmem>> -> memref<1x1x128xf32, #tpu.memory_space<vmem>>
        %get3A_2469 = tpu.memref_squeeze %get3A_2468 : memref<1x1x128xf32, #tpu.memory_space<vmem>> -> memref<128xf32, #tpu.memory_space<vmem>>
        %get3A_2470 = arith.constant 16 : index
        %get3A_2471 = tpu.vector_load %get3A_2469[%get3A_2470] {strides = array<i32>} : memref<128xf32, #tpu.memory_space<vmem>>, vector<16xf32>,
        %get3A_2472 = vector.shape_cast %get3A_2471 : vector<16xf32> to vector<16xf32>
        %add3A_2473 = arith.addf %get3A_2466, %get3A_2472 : vector<16xf32>
        %max3A_2474 = arith.constant 0.000000e+00 : f32
        %max3A_2475 = vector.broadcast %max3A_2474 : f32 to vector<16xf32>
        %max3A_2476 = arith.maximumf %add3A_2473, %max3A_2475 : vector<16xf32>
        %mul3A_2477 = arith.mulf %max3A_2476, %get3A_111 : vector<16xf32>
        %add3A_2478 = arith.addf %mul3A_2460, %mul3A_2477 : vector<16xf32>
        %get3A_2479 = arith.constant 0 : i32
        %get3A_2480 = tpu.memref_slice %arg11[%and3A_86, %add3A_2439, %get3A_2479] : memref<4x80x128xf32, #tpu.memory_space<vmem>> -> memref<1x1x128xf32, #tpu.memory_space<vmem>>
        %get3A_2481 = tpu.memref_squeeze %get3A_2480 : memref<1x1x128xf32, #tpu.memory_space<vmem>> -> memref<128xf32, #tpu.memory_space<vmem>>
        %get3A_2482 = arith.constant 32 : index
        %get3A_2483 = tpu.vector_load %get3A_2481[%get3A_2482] {strides = array<i32>} : memref<128xf32, #tpu.memory_space<vmem>>, vector<16xf32>,
        %get3A_2484 = vector.shape_cast %get3A_2483 : vector<16xf32> to vector<16xf32>
        %get3A_2485 = arith.constant 0 : i32
        %get3A_2486 = tpu.memref_slice %arg12[%and3A_86, %add3A_2443, %get3A_2485] : memref<4x80x128xf32, #tpu.memory_space<vmem>> -> memref<1x1x128xf32, #tpu.memory_space<vmem>>
        %get3A_2487 = tpu.memref_squeeze %get3A_2486 : memref<1x1x128xf32, #tpu.memory_space<vmem>> -> memref<128xf32, #tpu.memory_space<vmem>>
        %get3A_2488 = arith.constant 32 : index
        %get3A_2489 = tpu.vector_load %get3A_2487[%get3A_2488] {strides = array<i32>} : memref<128xf32, #tpu.memory_space<vmem>>, vector<16xf32>,
        %get3A_2490 = vector.shape_cast %get3A_2489 : vector<16xf32> to vector<16xf32>
        %add3A_2491 = arith.addf %get3A_2484, %get3A_2490 : vector<16xf32>
        %max3A_2492 = arith.constant 0.000000e+00 : f32
        %max3A_2493 = vector.broadcast %max3A_2492 : f32 to vector<16xf32>
        %max3A_2494 = arith.maximumf %add3A_2491, %max3A_2493 : vector<16xf32>
        %mul3A_2495 = arith.mulf %max3A_2494, %get3A_114 : vector<16xf32>
        %add3A_2496 = arith.addf %add3A_2478, %mul3A_2495 : vector<16xf32>
        %get3A_2497 = arith.constant 0 : i32
        %get3A_2498 = tpu.memref_slice %arg11[%and3A_86, %add3A_2439, %get3A_2497] : memref<4x80x128xf32, #tpu.memory_space<vmem>> -> memref<1x1x128xf32, #tpu.memory_space<vmem>>
        %get3A_2499 = tpu.memref_squeeze %get3A_2498 : memref<1x1x128xf32, #tpu.memory_space<vmem>> -> memref<128xf32, #tpu.memory_space<vmem>>
        %get3A_2500 = arith.constant 48 : index
        %get3A_2501 = tpu.vector_load %get3A_2499[%get3A_2500] {strides = array<i32>} : memref<128xf32, #tpu.memory_space<vmem>>, vector<16xf32>,
        %get3A_2502 = vector.shape_cast %get3A_2501 : vector<16xf32> to vector<16xf32>
        %get3A_2503 = arith.constant 0 : i32
        %get3A_2504 = tpu.memref_slice %arg12[%and3A_86, %add3A_2443, %get3A_2503] : memref<4x80x128xf32, #tpu.memory_space<vmem>> -> memref<1x1x128xf32, #tpu.memory_space<vmem>>
        %get3A_2505 = tpu.memref_squeeze %get3A_2504 : memref<1x1x128xf32, #tpu.memory_space<vmem>> -> memref<128xf32, #tpu.memory_space<vmem>>
        %get3A_2506 = arith.constant 48 : index
        %get3A_2507 = tpu.vector_load %get3A_2505[%get3A_2506] {strides = array<i32>} : memref<128xf32, #tpu.memory_space<vmem>>, vector<16xf32>,
        %get3A_2508 = vector.shape_cast %get3A_2507 : vector<16xf32> to vector<16xf32>
        %add3A_2509 = arith.addf %get3A_2502, %get3A_2508 : vector<16xf32>
        %max3A_2510 = arith.constant 0.000000e+00 : f32
        %max3A_2511 = vector.broadcast %max3A_2510 : f32 to vector<16xf32>
        %max3A_2512 = arith.maximumf %add3A_2509, %max3A_2511 : vector<16xf32>
        %mul3A_2513 = arith.mulf %max3A_2512, %get3A_117 : vector<16xf32>
        %add3A_2514 = arith.addf %add3A_2496, %mul3A_2513 : vector<16xf32>
        %get3A_2515 = arith.constant 0 : i32
        %get3A_2516 = tpu.memref_slice %arg11[%and3A_86, %add3A_2439, %get3A_2515] : memref<4x80x128xf32, #tpu.memory_space<vmem>> -> memref<1x1x128xf32, #tpu.memory_space<vmem>>
        %get3A_2517 = tpu.memref_squeeze %get3A_2516 : memref<1x1x128xf32, #tpu.memory_space<vmem>> -> memref<128xf32, #tpu.memory_space<vmem>>
        %get3A_2518 = arith.constant 64 : index
        %get3A_2519 = tpu.vector_load %get3A_2517[%get3A_2518] {strides = array<i32>} : memref<128xf32, #tpu.memory_space<vmem>>, vector<16xf32>,
        %get3A_2520 = vector.shape_cast %get3A_2519 : vector<16xf32> to vector<16xf32>
        %get3A_2521 = arith.constant 0 : i32
        %get3A_2522 = tpu.memref_slice %arg12[%and3A_86, %add3A_2443, %get3A_2521] : memref<4x80x128xf32, #tpu.memory_space<vmem>> -> memref<1x1x128xf32, #tpu.memory_space<vmem>>
        %get3A_2523 = tpu.memref_squeeze %get3A_2522 : memref<1x1x128xf32, #tpu.memory_space<vmem>> -> memref<128xf32, #tpu.memory_space<vmem>>
        %get3A_2524 = arith.constant 64 : index
        %get3A_2525 = tpu.vector_load %get3A_2523[%get3A_2524] {strides = array<i32>} : memref<128xf32, #tpu.memory_space<vmem>>, vector<16xf32>,
        %get3A_2526 = vector.shape_cast %get3A_2525 : vector<16xf32> to vector<16xf32>
        %add3A_2527 = arith.addf %get3A_2520, %get3A_2526 : vector<16xf32>
        %max3A_2528 = arith.constant 0.000000e+00 : f32
        %max3A_2529 = vector.broadcast %max3A_2528 : f32 to vector<16xf32>
        %max3A_2530 = arith.maximumf %add3A_2527, %max3A_2529 : vector<16xf32>
        %mul3A_2531 = arith.mulf %max3A_2530, %get3A_120 : vector<16xf32>
        %add3A_2532 = arith.addf %add3A_2514, %mul3A_2531 : vector<16xf32>
        %get3A_2533 = arith.constant 0 : i32
        %get3A_2534 = tpu.memref_slice %arg11[%and3A_86, %add3A_2439, %get3A_2533] : memref<4x80x128xf32, #tpu.memory_space<vmem>> -> memref<1x1x128xf32, #tpu.memory_space<vmem>>
        %get3A_2535 = tpu.memref_squeeze %get3A_2534 : memref<1x1x128xf32, #tpu.memory_space<vmem>> -> memref<128xf32, #tpu.memory_space<vmem>>
        %get3A_2536 = arith.constant 80 : index
        %get3A_2537 = tpu.vector_load %get3A_2535[%get3A_2536] {strides = array<i32>} : memref<128xf32, #tpu.memory_space<vmem>>, vector<16xf32>,
        %get3A_2538 = vector.shape_cast %get3A_2537 : vector<16xf32> to vector<16xf32>
        %get3A_2539 = arith.constant 0 : i32
        %get3A_2540 = tpu.memref_slice %arg12[%and3A_86, %add3A_2443, %get3A_2539] : memref<4x80x128xf32, #tpu.memory_space<vmem>> -> memref<1x1x128xf32, #tpu.memory_space<vmem>>
        %get3A_2541 = tpu.memref_squeeze %get3A_2540 : memref<1x1x128xf32, #tpu.memory_space<vmem>> -> memref<128xf32, #tpu.memory_space<vmem>>
        %get3A_2542 = arith.constant 80 : index
        %get3A_2543 = tpu.vector_load %get3A_2541[%get3A_2542] {strides = array<i32>} : memref<128xf32, #tpu.memory_space<vmem>>, vector<16xf32>,
        %get3A_2544 = vector.shape_cast %get3A_2543 : vector<16xf32> to vector<16xf32>
        %add3A_2545 = arith.addf %get3A_2538, %get3A_2544 : vector<16xf32>
        %max3A_2546 = arith.constant 0.000000e+00 : f32
        %max3A_2547 = vector.broadcast %max3A_2546 : f32 to vector<16xf32>
        %max3A_2548 = arith.maximumf %add3A_2545, %max3A_2547 : vector<16xf32>
        %mul3A_2549 = arith.mulf %max3A_2548, %get3A_123 : vector<16xf32>
        %add3A_2550 = arith.addf %add3A_2532, %mul3A_2549 : vector<16xf32>
        %get3A_2551 = arith.constant 0 : i32
        %get3A_2552 = tpu.memref_slice %arg11[%and3A_86, %add3A_2439, %get3A_2551] : memref<4x80x128xf32, #tpu.memory_space<vmem>> -> memref<1x1x128xf32, #tpu.memory_space<vmem>>
        %get3A_2553 = tpu.memref_squeeze %get3A_2552 : memref<1x1x128xf32, #tpu.memory_space<vmem>> -> memref<128xf32, #tpu.memory_space<vmem>>
        %get3A_2554 = arith.constant 96 : index
        %get3A_2555 = tpu.vector_load %get3A_2553[%get3A_2554] {strides = array<i32>} : memref<128xf32, #tpu.memory_space<vmem>>, vector<16xf32>,
        %get3A_2556 = vector.shape_cast %get3A_2555 : vector<16xf32> to vector<16xf32>
        %get3A_2557 = arith.constant 0 : i32
        %get3A_2558 = tpu.memref_slice %arg12[%and3A_86, %add3A_2443, %get3A_2557] : memref<4x80x128xf32, #tpu.memory_space<vmem>> -> memref<1x1x128xf32, #tpu.memory_space<vmem>>
        %get3A_2559 = tpu.memref_squeeze %get3A_2558 : memref<1x1x128xf32, #tpu.memory_space<vmem>> -> memref<128xf32, #tpu.memory_space<vmem>>
        %get3A_2560 = arith.constant 96 : index
        %get3A_2561 = tpu.vector_load %get3A_2559[%get3A_2560] {strides = array<i32>} : memref<128xf32, #tpu.memory_space<vmem>>, vector<16xf32>,
        %get3A_2562 = vector.shape_cast %get3A_2561 : vector<16xf32> to vector<16xf32>
        %add3A_2563 = arith.addf %get3A_2556, %get3A_2562 : vector<16xf32>
        %max3A_2564 = arith.constant 0.000000e+00 : f32
        %max3A_2565 = vector.broadcast %max3A_2564 : f32 to vector<16xf32>
        %max3A_2566 = arith.maximumf %add3A_2563, %max3A_2565 : vector<16xf32>
        %mul3A_2567 = arith.mulf %max3A_2566, %get3A_126 : vector<16xf32>
        %add3A_2568 = arith.addf %add3A_2550, %mul3A_2567 : vector<16xf32>
        %get3A_2569 = arith.constant 0 : i32
        %get3A_2570 = tpu.memref_slice %arg11[%and3A_86, %add3A_2439, %get3A_2569] : memref<4x80x128xf32, #tpu.memory_space<vmem>> -> memref<1x1x128xf32, #tpu.memory_space<vmem>>
        %get3A_2571 = tpu.memref_squeeze %get3A_2570 : memref<1x1x128xf32, #tpu.memory_space<vmem>> -> memref<128xf32, #tpu.memory_space<vmem>>
        %get3A_2572 = arith.constant 112 : index
        %get3A_2573 = tpu.vector_load %get3A_2571[%get3A_2572] {strides = array<i32>} : memref<128xf32, #tpu.memory_space<vmem>>, vector<16xf32>,
        %get3A_2574 = vector.shape_cast %get3A_2573 : vector<16xf32> to vector<16xf32>
        %get3A_2575 = arith.constant 0 : i32
        %get3A_2576 = tpu.memref_slice %arg12[%and3A_86, %add3A_2443, %get3A_2575] : memref<4x80x128xf32, #tpu.memory_space<vmem>> -> memref<1x1x128xf32, #tpu.memory_space<vmem>>
        %get3A_2577 = tpu.memref_squeeze %get3A_2576 : memref<1x1x128xf32, #tpu.memory_space<vmem>> -> memref<128xf32, #tpu.memory_space<vmem>>
        %get3A_2578 = arith.constant 112 : index
        %get3A_2579 = tpu.vector_load %get3A_2577[%get3A_2578] {strides = array<i32>} : memref<128xf32, #tpu.memory_space<vmem>>, vector<16xf32>,
        %get3A_2580 = vector.shape_cast %get3A_2579 : vector<16xf32> to vector<16xf32>
        %add3A_2581 = arith.addf %get3A_2574, %get3A_2580 : vector<16xf32>
        %max3A_2582 = arith.constant 0.000000e+00 : f32
        %max3A_2583 = vector.broadcast %max3A_2582 : f32 to vector<16xf32>
        %max3A_2584 = arith.maximumf %add3A_2581, %max3A_2583 : vector<16xf32>
        %mul3A_2585 = arith.mulf %max3A_2584, %get3A_129 : vector<16xf32>
        %add3A_2586 = arith.addf %add3A_2568, %mul3A_2585 : vector<16xf32>
        %reshape3A = vector.shape_cast %xor3A_131 : vector<16xi32> to vector<16x1xi32>
        %gather3A = vector.shape_cast %reshape3A : vector<16x1xi32> to vector<16xi32>
        %gather3A_2587 = tpu.dynamic_gather %add3A_472[%gather3A] in [0] : vector<16xf32>, vector<16xi32> -> vector<16xf32>
        %select_n3A = arith.select %eq3A_146, %add3A_321, %gather3A_2587 : vector<16xi1>, vector<16xf32>
        %reshape3A_2588 = vector.shape_cast %xor3A_131 : vector<16xi32> to vector<16x1xi32>
        %gather3A_2589 = vector.shape_cast %reshape3A_2588 : vector<16x1xi32> to vector<16xi32>
        %gather3A_2590 = tpu.dynamic_gather %add3A_321[%gather3A_2589] in [0] : vector<16xf32>, vector<16xi32> -> vector<16xf32>
        %select_n3A_2591 = arith.select %eq3A_146, %gather3A_2590, %add3A_472 : vector<16xi1>, vector<16xf32>
        %add3A_2592 = arith.addf %select_n3A, %select_n3A_2591 : vector<16xf32>
        %reshape3A_2593 = vector.shape_cast %xor3A_131 : vector<16xi32> to vector<16x1xi32>
        %gather3A_2594 = vector.shape_cast %reshape3A_2593 : vector<16x1xi32> to vector<16xi32>
        %gather3A_2595 = tpu.dynamic_gather %add3A_774[%gather3A_2594] in [0] : vector<16xf32>, vector<16xi32> -> vector<16xf32>
        %select_n3A_2596 = arith.select %eq3A_146, %add3A_623, %gather3A_2595 : vector<16xi1>, vector<16xf32>
        %reshape3A_2597 = vector.shape_cast %xor3A_131 : vector<16xi32> to vector<16x1xi32>
        %gather3A_2598 = vector.shape_cast %reshape3A_2597 : vector<16x1xi32> to vector<16xi32>
        %gather3A_2599 = tpu.dynamic_gather %add3A_623[%gather3A_2598] in [0] : vector<16xf32>, vector<16xi32> -> vector<16xf32>
        %select_n3A_2600 = arith.select %eq3A_146, %gather3A_2599, %add3A_774 : vector<16xi1>, vector<16xf32>
        %add3A_2601 = arith.addf %select_n3A_2596, %select_n3A_2600 : vector<16xf32>
        %reshape3A_2602 = vector.shape_cast %xor3A_131 : vector<16xi32> to vector<16x1xi32>
        %gather3A_2603 = vector.shape_cast %reshape3A_2602 : vector<16x1xi32> to vector<16xi32>
        %gather3A_2604 = tpu.dynamic_gather %add3A_1076[%gather3A_2603] in [0] : vector<16xf32>, vector<16xi32> -> vector<16xf32>
        %select_n3A_2605 = arith.select %eq3A_146, %add3A_925, %gather3A_2604 : vector<16xi1>, vector<16xf32>
        %reshape3A_2606 = vector.shape_cast %xor3A_131 : vector<16xi32> to vector<16x1xi32>
        %gather3A_2607 = vector.shape_cast %reshape3A_2606 : vector<16x1xi32> to vector<16xi32>
        %gather3A_2608 = tpu.dynamic_gather %add3A_925[%gather3A_2607] in [0] : vector<16xf32>, vector<16xi32> -> vector<16xf32>
        %select_n3A_2609 = arith.select %eq3A_146, %gather3A_2608, %add3A_1076 : vector<16xi1>, vector<16xf32>
        %add3A_2610 = arith.addf %select_n3A_2605, %select_n3A_2609 : vector<16xf32>
        %reshape3A_2611 = vector.shape_cast %xor3A_131 : vector<16xi32> to vector<16x1xi32>
        %gather3A_2612 = vector.shape_cast %reshape3A_2611 : vector<16x1xi32> to vector<16xi32>
        %gather3A_2613 = tpu.dynamic_gather %add3A_1378[%gather3A_2612] in [0] : vector<16xf32>, vector<16xi32> -> vector<16xf32>
        %select_n3A_2614 = arith.select %eq3A_146, %add3A_1227, %gather3A_2613 : vector<16xi1>, vector<16xf32>
        %reshape3A_2615 = vector.shape_cast %xor3A_131 : vector<16xi32> to vector<16x1xi32>
        %gather3A_2616 = vector.shape_cast %reshape3A_2615 : vector<16x1xi32> to vector<16xi32>
        %gather3A_2617 = tpu.dynamic_gather %add3A_1227[%gather3A_2616] in [0] : vector<16xf32>, vector<16xi32> -> vector<16xf32>
        %select_n3A_2618 = arith.select %eq3A_146, %gather3A_2617, %add3A_1378 : vector<16xi1>, vector<16xf32>
        %add3A_2619 = arith.addf %select_n3A_2614, %select_n3A_2618 : vector<16xf32>
        %reshape3A_2620 = vector.shape_cast %xor3A_131 : vector<16xi32> to vector<16x1xi32>
        %gather3A_2621 = vector.shape_cast %reshape3A_2620 : vector<16x1xi32> to vector<16xi32>
        %gather3A_2622 = tpu.dynamic_gather %add3A_1680[%gather3A_2621] in [0] : vector<16xf32>, vector<16xi32> -> vector<16xf32>
        %select_n3A_2623 = arith.select %eq3A_146, %add3A_1529, %gather3A_2622 : vector<16xi1>, vector<16xf32>
        %reshape3A_2624 = vector.shape_cast %xor3A_131 : vector<16xi32> to vector<16x1xi32>
        %gather3A_2625 = vector.shape_cast %reshape3A_2624 : vector<16x1xi32> to vector<16xi32>
        %gather3A_2626 = tpu.dynamic_gather %add3A_1529[%gather3A_2625] in [0] : vector<16xf32>, vector<16xi32> -> vector<16xf32>
        %select_n3A_2627 = arith.select %eq3A_146, %gather3A_2626, %add3A_1680 : vector<16xi1>, vector<16xf32>
        %add3A_2628 = arith.addf %select_n3A_2623, %select_n3A_2627 : vector<16xf32>
        %reshape3A_2629 = vector.shape_cast %xor3A_131 : vector<16xi32> to vector<16x1xi32>
        %gather3A_2630 = vector.shape_cast %reshape3A_2629 : vector<16x1xi32> to vector<16xi32>
        %gather3A_2631 = tpu.dynamic_gather %add3A_1982[%gather3A_2630] in [0] : vector<16xf32>, vector<16xi32> -> vector<16xf32>
        %select_n3A_2632 = arith.select %eq3A_146, %add3A_1831, %gather3A_2631 : vector<16xi1>, vector<16xf32>
        %reshape3A_2633 = vector.shape_cast %xor3A_131 : vector<16xi32> to vector<16x1xi32>
        %gather3A_2634 = vector.shape_cast %reshape3A_2633 : vector<16x1xi32> to vector<16xi32>
        %gather3A_2635 = tpu.dynamic_gather %add3A_1831[%gather3A_2634] in [0] : vector<16xf32>, vector<16xi32> -> vector<16xf32>
        %select_n3A_2636 = arith.select %eq3A_146, %gather3A_2635, %add3A_1982 : vector<16xi1>, vector<16xf32>
        %add3A_2637 = arith.addf %select_n3A_2632, %select_n3A_2636 : vector<16xf32>
        %reshape3A_2638 = vector.shape_cast %xor3A_131 : vector<16xi32> to vector<16x1xi32>
        %gather3A_2639 = vector.shape_cast %reshape3A_2638 : vector<16x1xi32> to vector<16xi32>
        %gather3A_2640 = tpu.dynamic_gather %add3A_2284[%gather3A_2639] in [0] : vector<16xf32>, vector<16xi32> -> vector<16xf32>
        %select_n3A_2641 = arith.select %eq3A_146, %add3A_2133, %gather3A_2640 : vector<16xi1>, vector<16xf32>
        %reshape3A_2642 = vector.shape_cast %xor3A_131 : vector<16xi32> to vector<16x1xi32>
        %gather3A_2643 = vector.shape_cast %reshape3A_2642 : vector<16x1xi32> to vector<16xi32>
        %gather3A_2644 = tpu.dynamic_gather %add3A_2133[%gather3A_2643] in [0] : vector<16xf32>, vector<16xi32> -> vector<16xf32>
        %select_n3A_2645 = arith.select %eq3A_146, %gather3A_2644, %add3A_2284 : vector<16xi1>, vector<16xf32>
        %add3A_2646 = arith.addf %select_n3A_2641, %select_n3A_2645 : vector<16xf32>
        %reshape3A_2647 = vector.shape_cast %xor3A_131 : vector<16xi32> to vector<16x1xi32>
        %gather3A_2648 = vector.shape_cast %reshape3A_2647 : vector<16x1xi32> to vector<16xi32>
        %gather3A_2649 = tpu.dynamic_gather %add3A_2586[%gather3A_2648] in [0] : vector<16xf32>, vector<16xi32> -> vector<16xf32>
        %select_n3A_2650 = arith.select %eq3A_146, %add3A_2435, %gather3A_2649 : vector<16xi1>, vector<16xf32>
        %reshape3A_2651 = vector.shape_cast %xor3A_131 : vector<16xi32> to vector<16x1xi32>
        %gather3A_2652 = vector.shape_cast %reshape3A_2651 : vector<16x1xi32> to vector<16xi32>
        %gather3A_2653 = tpu.dynamic_gather %add3A_2435[%gather3A_2652] in [0] : vector<16xf32>, vector<16xi32> -> vector<16xf32>
        %select_n3A_2654 = arith.select %eq3A_146, %gather3A_2653, %add3A_2586 : vector<16xi1>, vector<16xf32>
        %add3A_2655 = arith.addf %select_n3A_2650, %select_n3A_2654 : vector<16xf32>
        %reshape3A_2656 = vector.shape_cast %xor3A_134 : vector<16xi32> to vector<16x1xi32>
        %gather3A_2657 = vector.shape_cast %reshape3A_2656 : vector<16x1xi32> to vector<16xi32>
        %gather3A_2658 = tpu.dynamic_gather %add3A_2601[%gather3A_2657] in [0] : vector<16xf32>, vector<16xi32> -> vector<16xf32>
        %select_n3A_2659 = arith.select %eq3A_152, %add3A_2592, %gather3A_2658 : vector<16xi1>, vector<16xf32>
        %reshape3A_2660 = vector.shape_cast %xor3A_134 : vector<16xi32> to vector<16x1xi32>
        %gather3A_2661 = vector.shape_cast %reshape3A_2660 : vector<16x1xi32> to vector<16xi32>
        %gather3A_2662 = tpu.dynamic_gather %add3A_2592[%gather3A_2661] in [0] : vector<16xf32>, vector<16xi32> -> vector<16xf32>
        %select_n3A_2663 = arith.select %eq3A_152, %gather3A_2662, %add3A_2601 : vector<16xi1>, vector<16xf32>
        %add3A_2664 = arith.addf %select_n3A_2659, %select_n3A_2663 : vector<16xf32>
        %reshape3A_2665 = vector.shape_cast %xor3A_134 : vector<16xi32> to vector<16x1xi32>
        %gather3A_2666 = vector.shape_cast %reshape3A_2665 : vector<16x1xi32> to vector<16xi32>
        %gather3A_2667 = tpu.dynamic_gather %add3A_2619[%gather3A_2666] in [0] : vector<16xf32>, vector<16xi32> -> vector<16xf32>
        %select_n3A_2668 = arith.select %eq3A_152, %add3A_2610, %gather3A_2667 : vector<16xi1>, vector<16xf32>
        %reshape3A_2669 = vector.shape_cast %xor3A_134 : vector<16xi32> to vector<16x1xi32>
        %gather3A_2670 = vector.shape_cast %reshape3A_2669 : vector<16x1xi32> to vector<16xi32>
        %gather3A_2671 = tpu.dynamic_gather %add3A_2610[%gather3A_2670] in [0] : vector<16xf32>, vector<16xi32> -> vector<16xf32>
        %select_n3A_2672 = arith.select %eq3A_152, %gather3A_2671, %add3A_2619 : vector<16xi1>, vector<16xf32>
        %add3A_2673 = arith.addf %select_n3A_2668, %select_n3A_2672 : vector<16xf32>
        %reshape3A_2674 = vector.shape_cast %xor3A_134 : vector<16xi32> to vector<16x1xi32>
        %gather3A_2675 = vector.shape_cast %reshape3A_2674 : vector<16x1xi32> to vector<16xi32>
        %gather3A_2676 = tpu.dynamic_gather %add3A_2637[%gather3A_2675] in [0] : vector<16xf32>, vector<16xi32> -> vector<16xf32>
        %select_n3A_2677 = arith.select %eq3A_152, %add3A_2628, %gather3A_2676 : vector<16xi1>, vector<16xf32>
        %reshape3A_2678 = vector.shape_cast %xor3A_134 : vector<16xi32> to vector<16x1xi32>
        %gather3A_2679 = vector.shape_cast %reshape3A_2678 : vector<16x1xi32> to vector<16xi32>
        %gather3A_2680 = tpu.dynamic_gather %add3A_2628[%gather3A_2679] in [0] : vector<16xf32>, vector<16xi32> -> vector<16xf32>
        %select_n3A_2681 = arith.select %eq3A_152, %gather3A_2680, %add3A_2637 : vector<16xi1>, vector<16xf32>
        %add3A_2682 = arith.addf %select_n3A_2677, %select_n3A_2681 : vector<16xf32>
        %reshape3A_2683 = vector.shape_cast %xor3A_134 : vector<16xi32> to vector<16x1xi32>
        %gather3A_2684 = vector.shape_cast %reshape3A_2683 : vector<16x1xi32> to vector<16xi32>
        %gather3A_2685 = tpu.dynamic_gather %add3A_2655[%gather3A_2684] in [0] : vector<16xf32>, vector<16xi32> -> vector<16xf32>
        %select_n3A_2686 = arith.select %eq3A_152, %add3A_2646, %gather3A_2685 : vector<16xi1>, vector<16xf32>
        %reshape3A_2687 = vector.shape_cast %xor3A_134 : vector<16xi32> to vector<16x1xi32>
        %gather3A_2688 = vector.shape_cast %reshape3A_2687 : vector<16x1xi32> to vector<16xi32>
        %gather3A_2689 = tpu.dynamic_gather %add3A_2646[%gather3A_2688] in [0] : vector<16xf32>, vector<16xi32> -> vector<16xf32>
        %select_n3A_2690 = arith.select %eq3A_152, %gather3A_2689, %add3A_2655 : vector<16xi1>, vector<16xf32>
        %add3A_2691 = arith.addf %select_n3A_2686, %select_n3A_2690 : vector<16xf32>
        %reshape3A_2692 = vector.shape_cast %xor3A_137 : vector<16xi32> to vector<16x1xi32>
        %gather3A_2693 = vector.shape_cast %reshape3A_2692 : vector<16x1xi32> to vector<16xi32>
        %gather3A_2694 = tpu.dynamic_gather %add3A_2673[%gather3A_2693] in [0] : vector<16xf32>, vector<16xi32> -> vector<16xf32>
        %select_n3A_2695 = arith.select %eq3A_158, %add3A_2664, %gather3A_2694 : vector<16xi1>, vector<16xf32>
        %reshape3A_2696 = vector.shape_cast %xor3A_137 : vector<16xi32> to vector<16x1xi32>
        %gather3A_2697 = vector.shape_cast %reshape3A_2696 : vector<16x1xi32> to vector<16xi32>
        %gather3A_2698 = tpu.dynamic_gather %add3A_2664[%gather3A_2697] in [0] : vector<16xf32>, vector<16xi32> -> vector<16xf32>
        %select_n3A_2699 = arith.select %eq3A_158, %gather3A_2698, %add3A_2673 : vector<16xi1>, vector<16xf32>
        %add3A_2700 = arith.addf %select_n3A_2695, %select_n3A_2699 : vector<16xf32>
        %reshape3A_2701 = vector.shape_cast %xor3A_137 : vector<16xi32> to vector<16x1xi32>
        %gather3A_2702 = vector.shape_cast %reshape3A_2701 : vector<16x1xi32> to vector<16xi32>
        %gather3A_2703 = tpu.dynamic_gather %add3A_2691[%gather3A_2702] in [0] : vector<16xf32>, vector<16xi32> -> vector<16xf32>
        %select_n3A_2704 = arith.select %eq3A_158, %add3A_2682, %gather3A_2703 : vector<16xi1>, vector<16xf32>
        %reshape3A_2705 = vector.shape_cast %xor3A_137 : vector<16xi32> to vector<16x1xi32>
        %gather3A_2706 = vector.shape_cast %reshape3A_2705 : vector<16x1xi32> to vector<16xi32>
        %gather3A_2707 = tpu.dynamic_gather %add3A_2682[%gather3A_2706] in [0] : vector<16xf32>, vector<16xi32> -> vector<16xf32>
        %select_n3A_2708 = arith.select %eq3A_158, %gather3A_2707, %add3A_2691 : vector<16xi1>, vector<16xf32>
        %add3A_2709 = arith.addf %select_n3A_2704, %select_n3A_2708 : vector<16xf32>
        %reshape3A_2710 = vector.shape_cast %xor3A_140 : vector<16xi32> to vector<16x1xi32>
        %gather3A_2711 = vector.shape_cast %reshape3A_2710 : vector<16x1xi32> to vector<16xi32>
        %gather3A_2712 = tpu.dynamic_gather %add3A_2709[%gather3A_2711] in [0] : vector<16xf32>, vector<16xi32> -> vector<16xf32>
        %select_n3A_2713 = arith.select %eq3A_164, %add3A_2700, %gather3A_2712 : vector<16xi1>, vector<16xf32>
        %reshape3A_2714 = vector.shape_cast %xor3A_140 : vector<16xi32> to vector<16x1xi32>
        %gather3A_2715 = vector.shape_cast %reshape3A_2714 : vector<16x1xi32> to vector<16xi32>
        %gather3A_2716 = tpu.dynamic_gather %add3A_2700[%gather3A_2715] in [0] : vector<16xf32>, vector<16xi32> -> vector<16xf32>
        %select_n3A_2717 = arith.select %eq3A_164, %gather3A_2716, %add3A_2709 : vector<16xi1>, vector<16xf32>
        %add3A_2718 = arith.addf %select_n3A_2713, %select_n3A_2717 : vector<16xf32>
        %add3A_2719 = arith.addf %add3A_2718, %get3A_105 : vector<16xf32>
        %neg3A = arith.constant 0.000000e+00 : f32
        %neg3A_2720 = vector.broadcast %neg3A : f32 to vector<16xf32>
        %neg3A_2721 = arith.subf %neg3A_2720, %add3A_2719 : vector<16xf32>
        %exp3A = math.exp %neg3A_2721 : vector<16xf32>
        %add3A_2722 = arith.constant 1.000000e+00 : f32
        %add3A_2723 = vector.broadcast %add3A_2722 : f32 to vector<16xf32>
        %add3A_2724 = arith.addf %add3A_2723, %exp3A : vector<16xf32>
        %div3A = arith.constant 1.000000e+00 : f32
        %div3A_2725 = vector.broadcast %div3A : f32 to vector<16xf32>
        %div3A_2726 = arith.divf %div3A_2725, %add3A_2724 : vector<16xf32>
        %mul3A_2727 = arith.constant 80 : i32
        %mul3A_2728 = arith.muli %scan3A_85, %mul3A_2727 : i32
        %mul3A_2729 = arith.constant 16 : i32
        %mul3A_2730 = arith.muli %scan3A_171, %mul3A_2729 : i32
        %add3A_2731 = arith.addi %mul3A_2728, %mul3A_2730 : i32
        %swap3A = arith.index_cast %add3A_2731 : i32 to index
        %swap3A_2732 = tpu.vector_load %arg13[%swap3A] {strides = array<i32>} : memref<10000xf32, #tpu.memory_space<vmem>>, vector<16xf32>,
        %swap3A_2733 = vector.shape_cast %swap3A_2732 : vector<16xf32> to vector<16xf32>
        %swap3A_2734 = vector.shape_cast %div3A_2726 : vector<16xf32> to vector<16xf32>
        tpu.vector_store %arg13[%swap3A], %swap3A_2734 {strides = array<i32>} : memref<10000xf32, #tpu.memory_space<vmem>>, vector<16xf32>,
      }
      %scan3A_170 = arith.constant 5 : i32
    }
    %scan3A_84 = arith.constant 125 : i32
    "tpu.region"() ({
      %run_scoped3A = tpu.sem_alloc : memref<!tpu.dma_semaphore, #tpu.memory_space<semaphore_mem>>
      %dma_start3A_85 = tpu.memref_slice %arg7[%mul3A_2] : memref<320000xf32, #tpu.memory_space<hbm>> -> memref<10000xf32, #tpu.memory_space<hbm>>
      %dma_start3A_86 = tpu.memref_slice %arg7[%mul3A_2] : memref<320000xf32, #tpu.memory_space<hbm>> -> memref<10000xf32, #tpu.memory_space<hbm>>
      tpu.enqueue_dma source(%arg13 : memref<10000xf32, #tpu.memory_space<vmem>>) target(%dma_start3A_86 : memref<10000xf32, #tpu.memory_space<hbm>>) target_semaphore(%run_scoped3A : memref<!tpu.dma_semaphore, #tpu.memory_space<semaphore_mem>>)
      %dma_wait3A = tpu.memref_slice %arg7[%mul3A_2] : memref<320000xf32, #tpu.memory_space<hbm>> -> memref<10000xf32, #tpu.memory_space<hbm>>
      %dma_wait3A_87 = tpu.memref_slice %arg7[%mul3A_2] : memref<320000xf32, #tpu.memory_space<hbm>> -> memref<10000xf32, #tpu.memory_space<hbm>>
      tpu.wait_dma2 semaphore(%run_scoped3A : memref<!tpu.dma_semaphore, #tpu.memory_space<semaphore_mem>>) src(%arg13 : memref<10000xf32, #tpu.memory_space<vmem>>) dst(%dma_wait3A_87 : memref<10000xf32, #tpu.memory_space<hbm>>)
      tpu.yield
    }) : () -> ()
    return
  }
}

module attributes {stable_mosaic.version = 14 : i64} {
  func.func @_tc_body(%arg0: memref<10000x128xf32, #tpu.memory_space<vmem>>, %arg1: memref<10000x128xf32, #tpu.memory_space<vmem>>, %arg2: memref<256x128xf32, #tpu.memory_space<vmem>>, %arg3: memref<1x128xf32, #tpu.memory_space<vmem>>, %arg4: memref<10000x128xf32, #tpu.memory_space<vmem>>, %arg5: memref<10000x128xf32, #tpu.memory_space<vmem>>) attributes {dimension_semantics = [], scalar_prefetch = 0 : i64, scratch_operands = 0 : i64, tpu.core_type = #tpu.core_type<tc>} {
    %get3A = arith.constant 0 : index
    %get3A_0 = arith.constant 0 : index
    %get3A_1 = vector.load %arg2[%get3A, %get3A_0] : memref<256x128xf32, #tpu.memory_space<vmem>>, vector<128x128xf32>
    %get3A_2 = arith.constant 128 : index
    %get3A_3 = arith.constant 0 : index
    %get3A_4 = vector.load %arg2[%get3A_2, %get3A_3] : memref<256x128xf32, #tpu.memory_space<vmem>>, vector<128x128xf32>
    %get3A_5 = arith.constant 0 : index
    %get3A_6 = arith.constant 0 : index
    %get3A_7 = vector.load %arg0[%get3A_5, %get3A_6] : memref<10000x128xf32, #tpu.memory_space<vmem>>, vector<10000x128xf32>
    %dot_general3A = arith.constant dense<0.000000e+00> : vector<10000x128xf32>
    %dot_general3A_8 = tpu.matmul %get3A_7, %get3A_1, %dot_general3A {dimension_numbers = #tpu.dot_dimension_numbers<[1], [0], [0], [1], [0, 0, 1, 1], [], []>, transpose_lhs_hint = false} : vector<10000x128xf32>, vector<128x128xf32>, vector<10000x128xf32> -> vector<10000x128xf32>
    %get3A_9 = arith.constant 0 : index
    %get3A_10 = arith.constant 0 : index
    %get3A_11 = vector.load %arg3[%get3A_9, %get3A_10] : memref<1x128xf32, #tpu.memory_space<vmem>>, vector<1x128xf32>
    %add3A = vector.broadcast %get3A_11 : vector<1x128xf32> to vector<10000x128xf32>
    %add3A_12 = arith.addf %dot_general3A_8, %add3A : vector<10000x128xf32>
    %swap3A = arith.constant 0 : index
    %swap3A_13 = arith.constant 0 : index
    %swap3A_14 = vector.load %arg4[%swap3A, %swap3A_13] : memref<10000x128xf32, #tpu.memory_space<vmem>>, vector<10000x128xf32>
    tpu.vector_store %arg4[%swap3A, %swap3A_13], %add3A_12 {strides = array<i32>} : memref<10000x128xf32, #tpu.memory_space<vmem>>, vector<10000x128xf32>,
    %get3A_15 = arith.constant 0 : index
    %get3A_16 = arith.constant 0 : index
    %get3A_17 = vector.load %arg1[%get3A_15, %get3A_16] : memref<10000x128xf32, #tpu.memory_space<vmem>>, vector<10000x128xf32>
    %dot_general3A_18 = arith.constant dense<0.000000e+00> : vector<10000x128xf32>
    %dot_general3A_19 = tpu.matmul %get3A_17, %get3A_4, %dot_general3A_18 {dimension_numbers = #tpu.dot_dimension_numbers<[1], [0], [0], [1], [0, 0, 1, 1], [], []>, transpose_lhs_hint = false} : vector<10000x128xf32>, vector<128x128xf32>, vector<10000x128xf32> -> vector<10000x128xf32>
    %swap3A_20 = arith.constant 0 : index
    %swap3A_21 = arith.constant 0 : index
    %swap3A_22 = vector.load %arg5[%swap3A_20, %swap3A_21] : memref<10000x128xf32, #tpu.memory_space<vmem>>, vector<10000x128xf32>
    tpu.vector_store %arg5[%swap3A_20, %swap3A_21], %dot_general3A_19 {strides = array<i32>} : memref<10000x128xf32, #tpu.memory_space<vmem>>, vector<10000x128xf32>,
    return
  }
}

</mosaic_0001>

<sc_bundles>
// kernel: kernel.4.cloned.1.call-start
scs
__scs_entry_jumppad:
0x0: {  	(pc) =	sbr.rel $0x88, $3  }
0x1: {  	(tag) =	ssettag $0x0;
	lr =	simm.s32 $0x1  }
0x2: {  	[smem:$0x3F9A] =	sst lr;
	_ =	strace $0xD0000000  }
0x3: {  	_ = 	snop  }
0x4: {  	_ = 	snop  }
0x5: {  	_ = 	snop  }
0x6: {  	_ = 	snop  }
0x7: {  	_ = 	snop  }
__scs_overlays_trampoline_lowered:
0x8: {  	[smem:$0x3FA9] =	sst s0  }
0x9: {  	[smem:$0x3FAA] =	sst s1  }
0xa: {  	[smem:$0x3FAB] =	sst s2  }
0xb: {  	[smem:$0x3FAC] =	sst s3  }
0xc: {  	[smem:$0x3FAD] =	sst s4  }
0xd: {  	[smem:$0x3FAE] =	sst s5  }
0xe: {  	[smem:$0x3FAF] =	sst s6  }
0xf: {  	[smem:$0x3FB0] =	sst s7  }
0x10: {  	[smem:$0x3FB1] =	sst s8  }
0x11: {  	[smem:$0x3FB2] =	sst s9;
	s0 =	simm.s32 @!p0 $0x0  }
0x12: {  	s1 =	sld [smem:$0x3F98];
	s0 =	simm.s32 @p0 $0x1  }
0x13: {  	[smem:$0x3FB3] =	sst s0;
	s0 =	simm.s32 @!p1 $0x0  }
0x14: {  	s2 =	sld [smem:$0x3F97];
	s0 =	simm.s32 @p1 $0x1  }
0x15: {  	[smem:$0x3FB4] =	sst s0;
	s0 =	simm.s32 @!p2 $0x0  }
0x16: {  	s3 =	sld [smem:$0x3FDB];
	s0 =	simm.s32 @p2 $0x1  }
0x17: {  	s4 =	simm.s32 $0x1BF5;
	[smem:$0x3FB6] =	sst s0  }
0x18: {  	s0 =	sld [smem:$0x3F99];
	_ =	swait.ge [sflag:s4], $0x0  }
0x19: {  	s7 =	sld [smem:$0x3F9A]  }
0x1a: {  	s8 =	sadd.s32 $0xFFFFE003, lr  }
0x1b: {  	s9 =	sadd.s32 $0xFFFFFEF7, lr;
	s5 =	simm.s32 $0xFFFFFFFF;
	p2 =	slt.u32 s8, $0xFFFFF086  }
0x1c: {  	p1 =	slt.u32 s9, $0xF7A;
	s5 =	simm.s32 @!p2 $0x0  }
0x1d: {  	s5 =	simm.s32 @p1 $0x1;
	p0 =	seq.s32 s7, s2  }
0x1e: {  	s7 =	smul.u32 @!p0 $0xF7A, s2;
	p2 =	seq.s32 @!p0 s5, $0x0  }
0x1f: {  	s9 =	smul.u32 $0xF7A, s1;
	s8 =	simm.s32 @!p0 $0x1BF5;
	p2 =	por !p2, p0  }
0x20: {  	[sflag:s8] =	ssyncset.s32 @!p0 $0xFFFFF086;
	s6 =	sadd.s32 @!p0 s3, s7;
	s7 =	simm.s32 @!p0 $0x108  }
0x21: {  	s3 =	sadd.s32 s3, s9;
	s6 =	sadd.s32 @!p0 $0x88, s6;
	s7 =	simm.s32 @p2 $0x1082  }
0x22: {  	[simem:s7], [sflag:s8] =	dma.local @!p0 [hbm:s6], $0xF7A  }
0x23: {  	s9 =	sor.u32 $0xD0000000, s2;
	s6 =	simm.s32 $0x108;
	_ =	swait.ge @!p0 [sflag:s8], $0x0  }
0x24: {  	s3 =	sadd.s32 $0x88, s3;
	s6 =	simm.s32 @!p1 $0x1082;
	[sflag:s4] =	ssyncset.s32 $0xFFFFF086  }
0x25: {  	[simem:s6], [sflag:s4] =	dma.local [hbm:s3], $0xF7A  }
0x26: {  	[smem:$0x3F9A] =	sst s1;
	(tag) =	ssettag s2;
	_ =	strace s9  }
0x27: {  	s1 =	sld [smem:$0x3FAA]  }
0x28: {  	s2 =	sld [smem:$0x3FAB]  }
0x29: {  	s4 =	sld [smem:$0x3FAD]  }
0x2a: {  	p0 =	seq.s32 s5, $0x0;
	s5 =	sld [smem:$0x3FAE]  }
0x2b: {  	s6 =	sld [smem:$0x3FAF]  }
0x2c: {  	s7 =	sld [smem:$0x3FB0]  }
0x2d: {  	s3 =	simm.s32 $0x108;
	s8 =	sld [smem:$0x3FB1]  }
0x2e: {  	s3 =	simm.s32 @!p0 $0x1082;
	s9 =	sld [smem:$0x3FB2]  }
0x2f: {  	lr =	sadd.s32 s0, s3;
	s0 =	sld [smem:$0x3FA9]  }
0x30: {  	s3 =	sld [smem:$0x3FAC]  }
0x31: {  	[smem:$0x3FB5] =	sst s10  }
0x32: {  	s10 =	sld [smem:$0x3FB3];
	_ =	sdelay $0x3  }
0x33: {  	p0 =	seq.s32 s10, $0x1;
	s10 =	sld [smem:$0x3FB5];
	_ =	sdelay $0x3  }
0x34: {  	[smem:$0x3FB5] =	sst s10  }
0x35: {  	s10 =	sld [smem:$0x3FB4];
	_ =	sdelay $0x3  }
0x36: {  	p1 =	seq.s32 s10, $0x1;
	s10 =	sld [smem:$0x3FB5];
	_ =	sdelay $0x3  }
0x37: {  	[smem:$0x3FB5] =	sst s10  }
0x38: {  	s10 =	sld [smem:$0x3FB6]  }
0x39: {  	_ = 	snop;
	(pc) =	sbr.ind lr, $3  }
0x3a: {  	_ = 	snop  }
0x3b: {  	_ = 	snop  }
0x3c: {  	p2 =	seq.s32 s10, $0x1;
	s10 =	sld [smem:$0x3FB5]  }
0x3d: {  	_ =	shalt  }
0x3e: {  	_ =	shalt  }
0x3f: {  	_ =	shalt  }
0x40: {  	_ =	shalt  }
0x41: {  	_ =	shalt  }
0x42: {  	_ =	shalt  }
0x43: {  	_ =	shalt  }
0x44: {  	_ =	shalt  }
0x45: {  	_ =	shalt  }
0x46: {  	_ =	shalt  }
0x47: {  	_ =	shalt  }
0x48: {  	_ =	shalt  }
0x49: {  	_ =	shalt  }
0x4a: {  	_ =	shalt  }
0x4b: {  	_ =	shalt  }
0x4c: {  	_ =	shalt  }
0x4d: {  	_ =	shalt  }
0x4e: {  	_ =	shalt  }
0x4f: {  	_ =	shalt  }
0x50: {  	_ =	shalt  }
0x51: {  	_ =	shalt  }
0x52: {  	_ =	shalt  }
0x53: {  	_ =	shalt  }
0x54: {  	_ =	shalt  }
0x55: {  	_ =	shalt  }
0x56: {  	_ =	shalt  }
0x57: {  	_ =	shalt  }
0x58: {  	_ =	shalt  }
0x59: {  	_ =	shalt  }
0x5a: {  	_ =	shalt  }
0x5b: {  	_ =	shalt  }
0x5c: {  	_ =	shalt  }
0x5d: {  	_ =	shalt  }
0x5e: {  	_ =	shalt  }
0x5f: {  	_ =	shalt  }
0x60: {  	_ =	shalt  }
0x61: {  	_ =	shalt  }
0x62: {  	_ =	shalt  }
0x63: {  	_ =	shalt  }
0x64: {  	_ =	shalt  }
0x65: {  	_ =	shalt  }
0x66: {  	_ =	shalt  }
0x67: {  	_ =	shalt  }
0x68: {  	_ =	shalt  }
0x69: {  	_ =	shalt  }
0x6a: {  	_ =	shalt  }
0x6b: {  	_ =	shalt  }
0x6c: {  	_ =	shalt  }
0x6d: {  	_ =	shalt  }
0x6e: {  	_ =	shalt  }
0x6f: {  	_ =	shalt  }
0x70: {  	_ =	shalt  }
0x71: {  	_ =	shalt  }
0x72: {  	_ =	shalt  }
0x73: {  	_ =	shalt  }
0x74: {  	_ =	shalt  }
0x75: {  	_ =	shalt  }
0x76: {  	_ =	shalt  }
0x77: {  	_ =	shalt  }
0x78: {  	_ =	shalt  }
0x79: {  	_ =	shalt  }
0x7a: {  	_ =	shalt  }
0x7b: {  	_ =	shalt  }
0x7c: {  	_ =	shalt  }
0x7d: {  	_ =	shalt  }
0x7e: {  	_ =	shalt  }
0x7f: {  	_ =	shalt  }
0x80: {  	_ =	shalt  }
0x81: {  	_ =	shalt  }
0x82: {  	_ =	shalt  }
0x83: {  	_ =	shalt  }
0x84: {  	_ =	shalt  }
0x85: {  	_ =	shalt  }
0x86: {  	_ =	shalt  }
0x87: {  	_ =	shalt  }
.Lfunc_end0:
.L_simem_size_0:
called_computation_lowered:
.L_overlay_start_0:
0x88: {  	s2 =	sld [smem:$0x3FD9]  }
0x89: {  	s3 =	sld [smem:$0x3FFE];
	_ =	sdelay $0x1  }
0x8a: {  	s1 =	srdreg.scid  }
0x8b: {  	s0 =	sand.u32 $0x1, s1  }
0x8c: {  	s17 =	sshll.u32 s0, $0xA;
	s2 =	sadd.s32 s3, s2  }
0x8d: {  	s2 =	sadd.s32 s2, s17  }
0x8e: {  	[smem:$0x3FC1] =	sst s2  }
0x8f: {  	_ = 	snop  }
0x90: {  	s2 =	sld [smem:$0x3FD0];
	(tm) =	ssettm $0x1  }
0x91: {  	s18 =	sld [smem:$0x3FFB];
	_ =	sdelay $0x3  }
0x92: {  	_ =	strace s18  }
0x93: {  	s3 =	sld [smem:$0x3FFC];
	_ =	sdelay $0x3  }
0x94: {  	_ =	strace s3  }
0x95: {  	s3 =	sld [smem:$0x3FFD];
	_ =	sdelay $0x3  }
0x96: {  	_ =	strace s3  }
0x97: {  	_ =	strace $0x8FFFFFFF  }
0x98: {  	s19 =	sld [smem:$0x3FDB];
	_ =	sdelay $0x1  }
0x99: {  	s4 =	simm.s32 $_scs_section_size  }
0x9a: {  	s5 =	simm.s32 $_size__tile_overlayer_lowered;
	s6 =	simm.s32 $_tile_overlayer_lowered  }
0x9b: {  	s22 =	simm.s32 $0x1BFF;
	s21 =	sshll.u32 s6, $0x1;
	s3 =	sadd.s32 s4, s19  }
0x9c: {  	s7 =	simm.s32 $0x0;
	s20 =	sshll.u32 s5, $0x1;
	s5 =	sadd.s32 s21, s3  }
0x9d: {  	[timem:s7], [sflag:s22] =	dma.local [hbm:s5], s20  }
0x9e: {  	_ =	swait.ge [sflag:s22], s20  }
0x9f: {  	s4 =	ssub.s32 $0x0, s20;
	[sflag:s22] =	ssyncset.done $0x0  }
0xa0: {  	[sflag:s22] =	ssyncadd.s32 s4;
	_ =	sdelay $0x1  }
0xa1: {  	s23 =	simm.s32 $0x1B8B  }
0xa2: {  	_ =	swait.ge [sflag:s23], $0x1  }
0xa3: {  	[sflag:s23] =	ssyncset.done $0x0  }
0xa4: {  	s25 =	simm.s32 $0x1B8E;
	s24 =	sld [smem:$0x3FFE];
	[sflag:s23] =	ssyncadd.s32 $0xFFFFFFFF  }
0xa5: {  	s26 =	simm.s32 $execute0_lowered;
	[smem:$0x3FD2] =	sst s25  }
0xa6: {  	s5 =	sshll.u32 s26, $0x1;
	_ =	strace $0x80000046;
	[dreg:$0x1] =	wrdreg $0xFFFFFFFF  }
0xa7: {  	s28 =	simm.s32 $_size_execute0_lowered;
	s3 =	sadd.s32 s3, s5;
	[dreg:$0x0] =	wrdreg $0x0  }
0xa8: {  	s5 =	sshll.u32 s28, $0x1;
	[dreg:$0x2] =	wrdreg s3  }
0xa9: {  	[dreg:$0x3] =	wrdreg s5  }
0xaa: {  	[dreg:$0x4] =	wrdreg $0xC0  }
0xab: {  	_ =	task [dreg:s7], $0x5FFFF  }
0xac: {  	[dreg:$0x1] =	wrdreg $0xFFFFFFFF  }
0xad: {  	[dreg:$0x0] =	wrdreg $0x60  }
0xae: {  	[dreg:$0x2] =	wrdreg s24  }
0xaf: {  	[dreg:$0x3] =	wrdreg s2  }
0xb0: {  	[dreg:$0x4] =	wrdreg $0x9  }
0xb1: {  	_ =	task.clear_ibuf [dreg:s7], $0x5FFFF;
	_ =	strace $0x90000046  }
0xb2: {  	s29 =	simm.s32 $0x9;
	_ =	strace $0x80000048  }
0xb3: {  	_ =	swait.ge [sflag:s29], $0x1  }
0xb4: {  	[sflag:s29] =	ssyncadd.s32 $0xFFFFFFFF  }
0xb5: {  	_ =	strace $0x90000048  }
0xb6: {  	_ =	sfence  }
0xb7: {  	s30 =	sld [smem:$0x0];
	_ =	sdelay $0x2  }
0xb8: {  	s31 =	sshll.u32 s1, $0xD;
	s1 =	sshrl.u32 s1, $0x2  }
0xb9: {  	s3 =	sand.u32 $0x4000, s31;
	s1 =	sadd.s32 s1, s30  }
0xba: {  	s0 =	sor.u32 s3, s0;
	s1 =	sshll.u32 s1, $0x11  }
0xbb: {  	s0 =	sor.u32 s1, s0  }
0xbc: {  	s0 =	sadd.s32 $0x8F2B, s0  }
0xbd: {  	[sflag:s0] =	ssyncadd.remote.s32 $0x1  }
0xbe: {  	_ =	sfence.sel $0xFFFF  }
0xbf: {  	[dreg:$0x0] =	wrdreg $0xFFFFFFFF;
	(pc) =	sbr.abs _section_cstart, $3  }
0xc0: {  	[dreg:$0x1] =	wrdreg $0xFFFFFFFF  }
0xc1: {  	_ =	task.clear_ibuf [dreg:s7], $0x2FFFF;
	_ =	strace $0x9FFFFFFF  }
0xc2: {  	(tm) =	ssettm $0x7FFFFFFF  }
0xc3: {  	_ =	shalt  }
tec
execute0_lowered:
.L_overlay_start_1:
0x0: {  	(tag) =	ssettag $0x1  }
0x1: {  	v0 =	vimm.s32 $0xEFCDAB89  }
0x2: {  	vm0 =	vcmask $0xB08;
	vm1 =	vcmask $0x300;
	v1 =	vimm.s32 $0x67452301  }
0x3: {  	v2 =	vimm.s32 $0xDCFE98BA;
	v3 =	vimm.s32 $0x54761032;
	vm2 =	vcmask $0x700  }
0x4: {  	vm3 =	vcmask $0x3B38;
	v60 =	vimm.s32 $0xBA98FEDC;
	v61 =	vimm.s32 $0x32107654  }
0x5: {  	v4 =	vimm.s32 $0xFEDCBA98;
	v5 =	vimm.s32 $0x76543210;
	v0 =	vunpack.c.l.s4.s8 v0  }
0x6: {  	vm0 =	vmor vm1, vm0;
	vm1 =	vcmask $0x1310;
	v1 =	vunpack.c.l.s4.s8 v1  }
0x7: {  	v2 =	vunpack.c.l.s4.s8 v2;
	v3 =	vunpack.c.l.s4.s8 v3;
	v4 =	vunpack.c.l.s4.s8 v4  }
0x8: {  	s5 =	rddreg [dreg:$0x0];
	s1 =	srdreg.scid;
	v5 =	vunpack.c.l.s4.s8 v5;
	vm0 =	vmor vm0, vm1;
	vm1 =	vcmask $0x1B18  }
0x9: {  	s0 =	stileid.u32;
	s8 =	rddreg [dreg:$0x1];
	s2 =	simm.s32 $0x0;
	v0 =	vunpack.c.0.s8.s32 v0;
	vm0 =	vmor vm0, vm1;
	vm1 =	vcmask $0x2320  }
0xa: {  	s11 =	simm.s32 $0x2780;
	s12 =	simm.s32 $0x4F00;
	s13 =	simm.s32 $0x50;
	v1 =	vunpack.c.0.s8.s32 v1;
	v58 =	vunpack.c.0.s8.s32 v2;
	v59 =	vunpack.c.0.s8.s32 v3  }
0xb: {  	s14 =	simm.s32 $0x5000;
	s15 =	simm.s32 $0xF000;
	s16 =	simm.s32 $0x7800;
	v2 =	vunpack.c.l.s4.s8 v60;
	v3 =	vunpack.c.l.s4.s8 v61;
	v4 =	vunpack.c.0.s8.s32 v4  }
0xc: {  	s17 =	simm.s32 $0x27D0;
	s18 =	simm.s32 $0x11800;
	s19 =	simm.s32 $0xA0;
	v62 =	vunpack.c.0.s8.s32 v5;
	vm0 =	vmor vm0, vm1;
	vm1 =	vcmask $0x2B28  }
0xd: {  	s20 =	simm.s32 $0xA000;
	s21 =	simm.s32 $0x2820;
	s22 =	simm.s32 $0x14000;
	vm0 =	vmor vm0, vm1;
	vm1 =	vcmask $0x3330;
	v0 =	vcombine.low v1, v0  }
0xe: {  	s23 =	simm.s32 $0x19000;
	s4 =	sand.u32 $0x1, s1;
	s3 =	sshll.u32 s0, $0x1;
	v1 =	vcombine.low v59, v58;
	v2 =	vunpack.c.0.s8.s32 v2;
	v3 =	vunpack.c.0.s8.s32 v3  }
0xf: {  	s24 =	simm.s32 $0x0;
	s1 =	rddreg [dreg:$0x2];
	s3 =	sor.u32 s4, s3;
	v63 =	vand.u32 $0xF, v4;
	vm0 =	vmor vm0, vm1;
	vm1 =	vcmask $0x1710  }
0x10: {  	[smem:$0x7FF] =	sst s2;
	s6 =	ssub.s32 $0x2, s4;
	s9 =	smul.u32 $0x4E2, s3;
	v4 =	vcombine.low v63, v62;
	vm1 =	vmor vm2, vm1;
	vm2 =	vcmask $0x2720  }
0x11: {  	_ =	strace $0x80000047;
	s4 =	sadd.s32 $0x3BA00, s5;
	s10 =	sshrl.u32 s6, $0x1;
	vm0 =	vmor vm0, vm3;
	v2 =	vcombine.low v3, v2;
	v21 =	vand.u32 $0xF, v1  }
0x12: {  	s3 =	sadd.s32 $0x14800, s5;
	s10 =	ssub.s32 s6, s10;
	s7 =	sadd.s32 s9, s5;
	vm3 =	vcmask $0xF00;
	vm1 =	vmor vm1, vm2;
	vm2 =	vcmask $0x3730;
	[tilespmem:$0x1FFD0] =	vst v21  }
0x13: {  	s5 =	sadd.s32 $0x14600, s5;
	s8 =	sadd.s32 s8, s9;
	s9 =	smax.u32 s10, $0x1;
	[tilespmem:$0x1FFF0] =	vst v4;
	vm1 =	vmor vm1, vm2;
	vm2 =	vcmask $0x2F20;
	v17 =	vand.u32 $0xF, v2  }
0x14: {  	s10 =	simm.s32 $0x5;
	s6 =	sadd.s32 $0xA800, s7;
	s7 =	sadd.s32 $0xA00, s7;
	v45 =	vand.u32 $0xF, v0;
	vm2 =	vmor vm3, vm2;
	vm3 =	vmmov $0xff;
	[tilespmem:$0x1FFE0] =	vst v17  }
.LBB2_1:
0x15: {  	[tilespmem:s2], [sflag:$0x5] =	stream.linear.gather [hbm4b:s6+s2], $0x2710, $0x38;
	[tilespmem:$0x1B780] =	vst v63  }
0x16: {  	_ =	swait.ge [sflag:s10], $0x2710  }
0x17: {  	[sflag:s10] =	ssyncset.done $0x0  }
0x18: {  	[sflag:s10] =	ssyncadd.s32 $0xFFFFD8F0  }
0x19: {  	[tilespmem:s11], [sflag:$0x5] =	stream.linear.gather [hbm4b:s7+s2], $0x2710, $0x38;
	[tilespmem:$0x1B780] =	vst v63  }
0x1a: {  	_ =	swait.ge [sflag:s10], $0x2710  }
0x1b: {  	[sflag:s10] =	ssyncset.done $0x0  }
0x1c: {  	[sflag:s10] =	ssyncadd.s32 $0xFFFFD8F0  }
0x1d: {  	[tilespmem:s12], [sflag:$0x5] =	stream.linear.gather [hbm4b:s5+s2], $0x100, $0x38;
	[tilespmem:$0x1B780] =	vst v63  }
0x1e: {  	_ =	swait.ge [sflag:s10], $0x100  }
0x1f: {  	[sflag:s10] =	ssyncset.done $0x0  }
0x20: {  	[sflag:s10] =	ssyncadd.s32 $0xFFFFFF00  }
0x21: {  	[tilespmem:s14], [sflag:$0x1] =	stream.indirect.gather [hbm4b:s3+s13], $0x80, s2, s13, $0xb8;
	[tilespmem:$0x1B780] =	vst v63  }
0x22: {  	_ = 	snop  }
0x23: {  	[tilespmem:s15], [sflag:$0x1] =	stream.indirect.gather [hbm4b:s4+s13], $0x80, s11, s13, $0xb8;
	[tilespmem:$0x1B780] =	vst v63  }
0x24: {  	_ = 	snop  }
0x25: {  	[tilespmem:s16], [sflag:$0x2] =	stream.indirect.gather [hbm4b:s3+s13], $0x80, s13, s13, $0xb8;
	[tilespmem:$0x1B780] =	vst v63  }
0x26: {  	_ = 	snop  }
0x27: {  	[tilespmem:s18], [sflag:$0x2] =	stream.indirect.gather [hbm4b:s4+s13], $0x80, s17, s13, $0xb8;
	[tilespmem:$0x1B780] =	vst v63  }
0x28: {  	_ = 	snop  }
0x29: {  	[tilespmem:s20], [sflag:$0x3] =	stream.indirect.gather [hbm4b:s3+s13], $0x80, s19, s13, $0xb8;
	[tilespmem:$0x1B780] =	vst v63  }
0x2a: {  	s25 =	simm.s32 $0x0  }
0x2b: {  	[tilespmem:s22], [sflag:$0x3] =	stream.indirect.gather [hbm4b:s4+s13], $0x80, s21, s13, $0xb8;
	[tilespmem:$0x1B780] =	vst v63  }
.LBB2_2:
0x2c: {  	s26 =	sand.u32 $0x3, s25  }
0x2d: {  	p0 =	sgt.s32 s26, $0x1  }
0x2e: {  	p1 =	seq.s32 @p0 s26, $0x2  }
0x2f: {  	p2 =	por !p1, !p0  }
0x30: {  	s28 =	simm.s32 @!p2 $0x3  }
0x31: {  	p3 =	sgt.u32 @!p2 s25, $0x79;
	_ =	swait.ge @!p2 [sflag:s28], $0x2800  }
0x32: {  	p3 =	por @p0 p3, !p1;
	[sflag:s28] =	ssyncset.done @!p2 $0x0  }
0x33: {  	p3 =	por p3, !p0;
	[sflag:s28] =	ssyncadd.s32 @!p2 $0xFFFFD800  }
0x34: {  	s29 =	smul.u32 @!p3 $0x50, s25;
	_ =	swait.ge @!p2 [sflag:s28], $0x2800  }
0x35: {  	s30 =	simm.s32 @!p3 $0x50;
	[sflag:s28] =	ssyncset.done @!p2 $0x0  }
0x36: {  	s31 =	simm.s32 @!p3 $0x7800;
	[sflag:s28] =	ssyncadd.s32 @!p2 $0xFFFFD800;
	s28 =	sadd.s32 @!p3 $0xF0, s29  }
0x37: {  	[tilespmem:s31], [sflag:$0x2] =	stream.indirect.gather @!p3 [hbm4b:s3+s30], $0x80, s28, s30, $0xb8;
	[tilespmem:$0x1B780] =	vst v63  }
0x38: {  	p2 =	por p1, !p0;
	s28 =	sadd.s32 @!p3 $0x2870, s29;
	s29 =	simm.s32 @!p3 $0x11800  }
0x39: {  	[tilespmem:s29], [sflag:$0x2] =	stream.indirect.gather @!p3 [hbm4b:s4+s30], $0x80, s28, s30, $0xb8;
	[tilespmem:$0x1B780] =	vst v63  }
0x3a: {  	s28 =	simm.s32 @!p2 $0x4  }
0x3b: {  	p3 =	sgt.u32 @!p2 s25, $0x79;
	_ =	swait.ge @!p2 [sflag:s28], $0x2800  }
0x3c: {  	p1 =	por @p0 p3, p1;
	[sflag:s28] =	ssyncset.done @!p2 $0x0  }
0x3d: {  	p1 =	por p1, !p0;
	[sflag:s28] =	ssyncadd.s32 @!p2 $0xFFFFD800  }
0x3e: {  	s29 =	smul.u32 @!p1 $0x50, s25;
	_ =	swait.ge @!p2 [sflag:s28], $0x2800  }
0x3f: {  	s30 =	simm.s32 @!p1 $0x50;
	[sflag:s28] =	ssyncset.done @!p2 $0x0  }
0x40: {  	s31 =	simm.s32 @!p1 $0xA000;
	[sflag:s28] =	ssyncadd.s32 @!p2 $0xFFFFD800;
	s28 =	sadd.s32 @!p1 $0xF0, s29  }
0x41: {  	[tilespmem:s31], [sflag:$0x3] =	stream.indirect.gather @!p1 [hbm4b:s3+s30], $0x80, s28, s30, $0xb8;
	[tilespmem:$0x1B780] =	vst v63  }
0x42: {  	s28 =	sadd.s32 @!p1 $0x2870, s29;
	s29 =	simm.s32 @!p1 $0x14000  }
0x43: {  	[tilespmem:s29], [sflag:$0x3] =	stream.indirect.gather @!p1 [hbm4b:s4+s30], $0x80, s28, s30, $0xb8;
	[tilespmem:$0x1B780] =	vst v63  }
0x44: {  	p1 =	seq.s32 @!p0 s26, $0x0  }
0x45: {  	p2 =	por !p1, p0  }
0x46: {  	s28 =	simm.s32 @!p2 $0x1  }
0x47: {  	p3 =	sgt.u32 @!p2 s25, $0x79;
	_ =	swait.ge @!p2 [sflag:s28], $0x2800  }
0x48: {  	p3 =	por @!p0 p3, !p1;
	[sflag:s28] =	ssyncset.done @!p2 $0x0  }
0x49: {  	p3 =	por p3, p0;
	[sflag:s28] =	ssyncadd.s32 @!p2 $0xFFFFD800  }
0x4a: {  	s29 =	smul.u32 @!p3 $0x50, s25;
	_ =	swait.ge @!p2 [sflag:s28], $0x2800  }
0x4b: {  	s30 =	simm.s32 @!p3 $0x50;
	[sflag:s28] =	ssyncset.done @!p2 $0x0  }
0x4c: {  	s31 =	simm.s32 @!p3 $0xC800;
	[sflag:s28] =	ssyncadd.s32 @!p2 $0xFFFFD800;
	s28 =	sadd.s32 @!p3 $0xF0, s29  }
0x4d: {  	[tilespmem:s31], [sflag:$0x4] =	stream.indirect.gather @!p3 [hbm4b:s3+s30], $0x80, s28, s30, $0xb8;
	[tilespmem:$0x1B780] =	vst v63  }
0x4e: {  	p2 =	por p1, p0;
	s28 =	sadd.s32 @!p3 $0x2870, s29;
	s29 =	simm.s32 @!p3 $0x16800  }
0x4f: {  	[tilespmem:s29], [sflag:$0x4] =	stream.indirect.gather @!p3 [hbm4b:s4+s30], $0x80, s28, s30, $0xb8;
	[tilespmem:$0x1B780] =	vst v63  }
0x50: {  	s28 =	simm.s32 @!p2 $0x2  }
0x51: {  	p3 =	sgt.u32 @!p2 s25, $0x79;
	_ =	swait.ge @!p2 [sflag:s28], $0x2800  }
0x52: {  	p1 =	por @!p0 p3, p1;
	[sflag:s28] =	ssyncset.done @!p2 $0x0  }
0x53: {  	p0 =	por p1, p0;
	[sflag:s28] =	ssyncadd.s32 @!p2 $0xFFFFD800  }
0x54: {  	s29 =	smul.u32 @!p0 $0x50, s25;
	_ =	swait.ge @!p2 [sflag:s28], $0x2800  }
0x55: {  	s30 =	simm.s32 @!p0 $0x50;
	[sflag:s28] =	ssyncset.done @!p2 $0x0  }
0x56: {  	s31 =	simm.s32 @!p0 $0x5000;
	[sflag:s28] =	ssyncadd.s32 @!p2 $0xFFFFD800;
	s28 =	sadd.s32 @!p0 $0xF0, s29  }
0x57: {  	[tilespmem:s31], [sflag:$0x1] =	stream.indirect.gather @!p0 [hbm4b:s3+s30], $0x80, s28, s30, $0xb8;
	[tilespmem:$0x1B780] =	vst v63  }
0x58: {  	s28 =	sadd.s32 @!p0 $0x2870, s29;
	s29 =	simm.s32 @!p0 $0xF000  }
0x59: {  	[tilespmem:s29], [sflag:$0x1] =	stream.indirect.gather @!p0 [hbm4b:s4+s30], $0x80, s28, s30, $0xb8;
	[tilespmem:$0x1B780] =	vst v63  }
0x5a: {  	v0 =	vld [tilespmem:$0x4F80]  }
0x5b: {  	v5 =	vld [tilespmem:$0x4F00]  }
0x5c: {  	s31 =	smul.u32 $0x140, s25;
	v6 =	vld [tilespmem:$0x4F10]  }
0x5d: {  	s30 =	smul.u32 $0x2800, s26;
	v7 =	vld [tilespmem:$0x4F20]  }
0x5e: {  	s31 =	sshra.s32 s31, $0x2;
	v8 =	vld [tilespmem:$0x4F30]  }
0x5f: {  	v9 =	vld [tilespmem:$0x4F40];
	s28 =	sadd.s32 $0x19000, s31;
	v13 =	vmov s30  }
0x60: {  	v10 =	vld [tilespmem:$0x4F50];
	v63 =	vmov s28  }
0x61: {  	v11 =	vld [tilespmem:$0x4F60];
	[tilespmem:$0x1FFC0] =	vst v63  }
0x62: {  	s26 =	simm.s32 $0x0;
	v12 =	vld [tilespmem:$0x4F70];
	[tilespmem:$0x1FFB0] =	vst v0  }
.LBB2_3:
0x63: {  	s28 =	sshll.u32 s26, $0xB  }
0x64: {  	v47 =	vld.idx.msk [tilespmem:v13+s28+$0x5000 ss:$0x1], $0xffff  }
0x65: {  	v48 =	vld.idx.msk [tilespmem:v13+s28+$0xF000 ss:$0x1], $0xffff  }
0x66: {  	v49 =	vld.idx.msk [tilespmem:v13+s28+$0x5010 ss:$0x1], $0xffff  }
0x67: {  	v50 =	vld.idx.msk [tilespmem:v13+s28+$0xF010 ss:$0x1], $0xffff  }
0x68: {  	v51 =	vld.idx.msk [tilespmem:v13+s28+$0x5020 ss:$0x1], $0xffff  }
0x69: {  	v52 =	vld.idx.msk [tilespmem:v13+s28+$0xF020 ss:$0x1], $0xffff  }
0x6a: {  	v55 =	vld.idx.msk [tilespmem:v13+s28+$0x5030 ss:$0x1], $0xffff  }
0x6b: {  	v56 =	vld.idx.msk [tilespmem:v13+s28+$0xF030 ss:$0x1], $0xffff  }
0x6c: {  	v57 =	vld.idx.msk [tilespmem:v13+s28+$0x5040 ss:$0x1], $0xffff  }
0x6d: {  	v14 =	vld.idx.msk [tilespmem:v13+s28+$0xF040 ss:$0x1], $0xffff  }
0x6e: {  	v15 =	vld.idx.msk [tilespmem:v13+s28+$0x5050 ss:$0x1], $0xffff  }
0x6f: {  	v4 =	vld.idx.msk [tilespmem:v13+s28+$0xF050 ss:$0x1], $0xffff  }
0x70: {  	v53 =	vld.idx.msk [tilespmem:v13+s28+$0x5060 ss:$0x1], $0xffff  }
0x71: {  	v26 =	vld.idx.msk [tilespmem:v13+s28+$0xF060 ss:$0x1], $0xffff  }
0x72: {  	v0 =	vld.idx.msk [tilespmem:v13+s28+$0x5070 ss:$0x1], $0xffff  }
0x73: {  	v37 =	vld.idx.msk [tilespmem:v13+s28+$0xF070 ss:$0x1], $0xffff  }
0x74: {  	v60 =	vld.idx.msk [tilespmem:v13+s28+$0xF080 ss:$0x1], $0xffff  }
0x75: {  	v44 =	vld.idx.msk [tilespmem:v13+s28+$0x5090 ss:$0x1], $0xffff  }
0x76: {  	v43 =	vld.idx.msk [tilespmem:v13+s28+$0xF090 ss:$0x1], $0xffff  }
0x77: {  	v1 =	vld.idx.msk [tilespmem:v13+s28+$0x50A0 ss:$0x1], $0xffff  }
0x78: {  	v40 =	vld.idx.msk [tilespmem:v13+s28+$0xF0A0 ss:$0x1], $0xffff  }
0x79: {  	v3 =	vld.idx.msk [tilespmem:v13+s28+$0x50B0 ss:$0x1], $0xffff  }
0x7a: {  	v2 =	vld.idx.msk [tilespmem:v13+s28+$0xF0B0 ss:$0x1], $0xffff  }
0x7b: {  	v23 =	vld.idx.msk [tilespmem:v13+s28+$0x50C0 ss:$0x1], $0xffff  }
0x7c: {  	v22 =	vld.idx.msk [tilespmem:v13+s28+$0xF0C0 ss:$0x1], $0xffff  }
0x7d: {  	v36 =	vld.idx.msk [tilespmem:v13+s28+$0x50D0 ss:$0x1], $0xffff  }
0x7e: {  	v39 =	vld.idx.msk [tilespmem:v13+s28+$0xF0D0 ss:$0x1], $0xffff  }
0x7f: {  	v42 =	vld.idx.msk [tilespmem:v13+s28+$0x50E0 ss:$0x1], $0xffff  }
0x80: {  	v35 =	vld.idx.msk [tilespmem:v13+s28+$0xF0E0 ss:$0x1], $0xffff  }
0x81: {  	v61 =	vld.idx.msk [tilespmem:v13+s28+$0x50F0 ss:$0x1], $0xffff  }
0x82: {  	v59 =	vld.idx.msk [tilespmem:v13+s28+$0xF0F0 ss:$0x1], $0xffff  }
0x83: {  	v21 =	vld.idx.msk [tilespmem:v13+s28+$0x5100 ss:$0x1], $0xffff  }
0x84: {  	v18 =	vld.idx.msk [tilespmem:v13+s28+$0xF100 ss:$0x1], $0xffff  }
0x85: {  	v17 =	vld.idx.msk [tilespmem:v13+s28+$0x5110 ss:$0x1], $0xffff  }
0x86: {  	v16 =	vld.idx.msk [tilespmem:v13+s28+$0xF110 ss:$0x1], $0xffff  }
0x87: {  	v20 =	vld.idx.msk [tilespmem:v13+s28+$0x5120 ss:$0x1], $0xffff  }
0x88: {  	v19 =	vld.idx.msk [tilespmem:v13+s28+$0xF120 ss:$0x1], $0xffff  }
0x89: {  	v25 =	vld.idx.msk [tilespmem:v13+s28+$0x5130 ss:$0x1], $0xffff  }
0x8a: {  	v24 =	vld.idx.msk [tilespmem:v13+s28+$0xF130 ss:$0x1], $0xffff  }
0x8b: {  	v28 =	vld.idx.msk [tilespmem:v13+s28+$0x5140 ss:$0x1], $0xffff  }
0x8c: {  	v27 =	vld.idx.msk [tilespmem:v13+s28+$0xF140 ss:$0x1], $0xffff  }
0x8d: {  	v30 =	vld.idx.msk [tilespmem:v13+s28+$0x5150 ss:$0x1], $0xffff  }
0x8e: {  	v29 =	vld.idx.msk [tilespmem:v13+s28+$0xF150 ss:$0x1], $0xffff  }
0x8f: {  	v46 =	vld.idx.msk [tilespmem:v13+s28+$0x5160 ss:$0x1], $0xffff  }
0x90: {  	v41 =	vld.idx.msk [tilespmem:v13+s28+$0xF160 ss:$0x1], $0xffff  }
0x91: {  	v31 =	vld.idx.msk [tilespmem:v13+s28+$0x5170 ss:$0x1], $0xffff  }
0x92: {  	v38 =	vld.idx.msk [tilespmem:v13+s28+$0xF170 ss:$0x1], $0xffff  }
0x93: {  	v54 =	vld.idx.msk [tilespmem:v13+s28+$0x5180 ss:$0x1], $0xffff  }
0x94: {  	v58 =	vld.idx.msk [tilespmem:v13+s28+$0xF180 ss:$0x1], $0xffff  }
0x95: {  	v32 =	vld.idx.msk [tilespmem:v13+s28+$0xF190 ss:$0x1], $0xffff  }
0x96: {  	v33 =	vld.idx.msk [tilespmem:v13+s28+$0xF1A0 ss:$0x1], $0xffff  }
0x97: {  	v34 =	vld.idx.msk [tilespmem:v13+s28+$0x51B0 ss:$0x1], $0xffff  }
0x98: {  	v62 =	vld.idx.msk [tilespmem:v13+s28+$0x51C0 ss:$0x1], $0xffff  }
0x99: {  	v63 =	vld.idx.msk [tilespmem:v13+s28+$0x5220 ss:$0x1], $0xffff  }
0x9a: {  	[tilespmem:$0x1FC30] =	vst v0;
	v0 =	vld.idx.msk [tilespmem:v13+s28+$0x5080 ss:$0x1], $0xffff  }
0x9b: {  	[tilespmem:$0x1FC40] =	vst v37;
	v37 =	vld.idx.msk [tilespmem:v13+s28+$0x5190 ss:$0x1], $0xffff  }
0x9c: {  	[tilespmem:$0x1FC60] =	vst v38;
	v38 =	vld.idx.msk [tilespmem:v13+s28+$0x51A0 ss:$0x1], $0xffff  }
0x9d: {  	[tilespmem:$0x1FC50] =	vst v31;
	v31 =	vld.idx.msk [tilespmem:v13+s28+$0xF1B0 ss:$0x1], $0xffff  }
0x9e: {  	[tilespmem:$0x1FC70] =	vst v62;
	v62 =	vld.idx.msk [tilespmem:v13+s28+$0xF1C0 ss:$0x1], $0xffff  }
0x9f: {  	[tilespmem:$0x1FCE0] =	vst v63;
	v63 =	vld.idx.msk [tilespmem:v13+s28+$0xF220 ss:$0x1], $0xffff  }
0xa0: {  	v47 =	vadd.f32 v48, v47;
	v48 =	vadd.f32 v50, v49;
	v49 =	vld.idx.msk [tilespmem:v13+s28+$0xF2B0 ss:$0x1], $0xffff  }
0xa1: {  	v14 =	vadd.f32 v14, v57;
	v4 =	vadd.f32 v4, v15;
	v15 =	vld.idx.msk [tilespmem:v13+s28+$0xF300 ss:$0x1], $0xffff  }
0xa2: {  	v57 =	vld.idx.msk [tilespmem:v13+s28+$0xF340 ss:$0x1], $0xffff  }
0xa3: {  	v58 =	vadd.f32 v58, v54;
	v54 =	vld.idx.msk [tilespmem:v13+s28+$0x53E0 ss:$0x1], $0xffff;
	v14 =	vmax.f32 v14, $0.0e+00  }
0xa4: {  	v2 =	vadd.f32 v2, v3;
	v3 =	vmul.f32 v14, v9;
	v14 =	vadd.f32 v16, v17;
	v17 =	vld.idx.msk [tilespmem:v13+s28+$0x53B0 ss:$0x1], $0xffff  }
0xa5: {  	[tilespmem:$0x1FC80] =	vst v62;
	v62 =	vld.idx.msk [tilespmem:v13+s28+$0x51D0 ss:$0x1], $0xffff  }
0xa6: {  	[tilespmem:$0x1FCF0] =	vst v63;
	v63 =	vld.idx.msk [tilespmem:v13+s28+$0x5230 ss:$0x1], $0xffff  }
0xa7: {  	[tilespmem:$0x1FE00] =	vst v49;
	v49 =	vadd.f32 v52, v51;
	v52 =	vmax.f32 v47, $0.0e+00;
	v47 =	vld.idx.msk [tilespmem:v13+s28+$0x52C0 ss:$0x1], $0xffff  }
0xa8: {  	v51 =	vld.idx.msk [tilespmem:v13+s28+$0xF2C0 ss:$0x1], $0xffff  }
0xa9: {  	v43 =	vadd.f32 v43, v44;
	v48 =	vmax.f32 v48, $0.0e+00;
	v0 =	vadd.f32 v60, v0;
	v60 =	vld.idx.msk [tilespmem:v13+s28+$0x5300 ss:$0x1], $0xffff  }
0xaa: {  	v48 =	vmul.f32 v48, v6;
	v50 =	vmul.f32 v52, v5;
	v52 =	vadd.f32 v56, v55;
	v55 =	vld.idx.msk [tilespmem:v13+s28+$0x52D0 ss:$0x1], $0xffff  }
0xab: {  	[tilespmem:$0x1FE40] =	vst v15;
	v15 =	vmax.f32 v43, $0.0e+00;
	v56 =	vld.idx.msk [tilespmem:v13+s28+$0x52E0 ss:$0x1], $0xffff  }
0xac: {  	v0 =	vmax.f32 v0, $0.0e+00;
	v48 =	vadd.f32 v48, v50;
	v50 =	vmax.f32 v52, $0.0e+00;
	v52 =	vld.idx.msk [tilespmem:v13+s28+$0xF2E0 ss:$0x1], $0xffff  }
0xad: {  	v15 =	vmul.f32 v15, v6;
	v0 =	vmul.f32 v0, v5;
	[tilespmem:$0x1FC90] =	vst v62;
	v62 =	vld.idx.msk [tilespmem:v13+s28+$0xF1D0 ss:$0x1], $0xffff  }
0xae: {  	v1 =	vadd.f32 v40, v1;
	[tilespmem:$0x1FD20] =	vst v63;
	v63 =	vld.idx.msk [tilespmem:v13+s28+$0xF230 ss:$0x1], $0xffff  }
0xaf: {  	v49 =	vmax.f32 v49, $0.0e+00;
	v0 =	vadd.f32 v15, v0;
	v15 =	vld.idx.msk [tilespmem:v13+s28+$0x5350 ss:$0x1], $0xffff  }
0xb0: {  	v1 =	vmax.f32 v1, $0.0e+00;
	v49 =	vmul.f32 v49, v7;
	[tilespmem:$0x1FE30] =	vst v60;
	v60 =	vadd.f32 v22, v23;
	v22 =	vld.idx.msk [tilespmem:v13+s28+$0x5360 ss:$0x1], $0xffff  }
0xb1: {  	v1 =	vmul.f32 v1, v7;
	[tilespmem:$0x1FE10] =	vst v55;
	v55 =	vld.idx.msk [tilespmem:v13+s28+$0xF2D0 ss:$0x1], $0xffff  }
0xb2: {  	v48 =	vadd.f32 v49, v48;
	[tilespmem:$0x1FE70] =	vst v56;
	v56 =	vmul.f32 v50, v8;
	v50 =	vld.idx.msk [tilespmem:v13+s28+$0x5310 ss:$0x1], $0xffff  }
0xb3: {  	v0 =	vadd.f32 v1, v0;
	v1 =	vmax.f32 v60, $0.0e+00;
	v60 =	vld.idx.msk [tilespmem:v13+s28+$0x53C0 ss:$0x1], $0xffff  }
0xb4: {  	v49 =	vadd.f32 v56, v48;
	v56 =	vld.idx.msk [tilespmem:v13+s28+$0xF2F0 ss:$0x1], $0xffff  }
0xb5: {  	v48 =	vld.idx.msk [tilespmem:v13+s28+$0x5320 ss:$0x1], $0xffff  }
0xb6: {  	[tilespmem:$0x1FE80] =	vst v52;
	v52 =	vld.idx.msk [tilespmem:v13+s28+$0xF330 ss:$0x1], $0xffff  }
0xb7: {  	[tilespmem:$0x1FCA0] =	vst v62;
	v62 =	vld.idx.msk [tilespmem:v13+s28+$0x51E0 ss:$0x1], $0xffff  }
0xb8: {  	[tilespmem:$0x1FD30] =	vst v63;
	v63 =	vld.idx.msk [tilespmem:v13+s28+$0x5240 ss:$0x1], $0xffff  }
0xb9: {  	v4 =	vmax.f32 v4, $0.0e+00;
	v3 =	vadd.f32 v3, v49;
	v49 =	vld.idx.msk [tilespmem:v13+s28+$0x5330 ss:$0x1], $0xffff  }
0xba: {  	v4 =	vmul.f32 v4, v10;
	[tilespmem:$0x1FED0] =	vst v15;
	v15 =	vadd.f32 v19, v20;
	v20 =	vld.idx.msk [tilespmem:v13+s28+$0xF3D0 ss:$0x1], $0xffff  }
0xbb: {  	[tilespmem:$0x1FE20] =	vst v55;
	v55 =	vld.idx.msk [tilespmem:v13+s28+$0x52F0 ss:$0x1], $0xffff  }
0xbc: {  	v44 =	vadd.f32 v4, v3;
	v3 =	vadd.f32 v26, v53;
	v53 =	vld.idx.msk [tilespmem:v13+s28+$0x5340 ss:$0x1], $0xffff  }
0xbd: {  	v4 =	vadd.f32 v18, v21;
	v21 =	vld.idx.msk [tilespmem:v13+s28+$0xF350 ss:$0x1], $0xffff  }
0xbe: {  	v26 =	vadd.f32 v24, v25;
	v25 =	vld.idx.msk [tilespmem:v13+s28+$0xF390 ss:$0x1], $0xffff  }
0xbf: {  	v18 =	vld.idx.msk [tilespmem:v13+s28+$0xF3B0 ss:$0x1], $0xffff  }
0xc0: {  	[tilespmem:$0x1FEC0] =	vst v56;
	v56 =	vld.idx.msk [tilespmem:v13+s28+$0xF310 ss:$0x1], $0xffff  }
0xc1: {  	v3 =	vmax.f32 v3, $0.0e+00;
	[tilespmem:$0x1FD00] =	vst v62;
	v62 =	vld.idx.msk [tilespmem:v13+s28+$0xF1E0 ss:$0x1], $0xffff  }
0xc2: {  	v14 =	vmax.f32 v14, $0.0e+00;
	v4 =	vmax.f32 v4, $0.0e+00;
	[tilespmem:$0x1FD40] =	vst v63;
	v63 =	vld.idx.msk [tilespmem:v13+s28+$0xF240 ss:$0x1], $0xffff;
	v3 =	vmul.f32 v3, v11  }
0xc3: {  	v23 =	vmul.f32 v4, v5;
	v4 =	vmul.f32 v14, v6;
	v14 =	vld.idx.msk [tilespmem:v13+s28+$0xF360 ss:$0x1], $0xffff  }
0xc4: {  	[tilespmem:$0x1FEB0] =	vst v55;
	v55 =	vld.idx.msk [tilespmem:v13+s28+$0xF320 ss:$0x1], $0xffff  }
0xc5: {  	v3 =	vadd.f32 v3, v44;
	v44 =	vld [tilespmem:$0x1FC40]  }
0xc6: {  	[tilespmem:$0x1FEE0] =	vst v21;
	v21 =	vld.idx.msk [tilespmem:v13+s28+$0xF3C0 ss:$0x1], $0xffff  }
0xc7: {  	v17 =	vadd.f32 v18, v17;
	v18 =	vld.idx.msk [tilespmem:v13+s28+$0xF520 ss:$0x1], $0xffff  }
0xc8: {  	v2 =	vmax.f32 v2, $0.0e+00;
	[tilespmem:$0x1FD10] =	vst v62;
	v62 =	vld.idx.msk [tilespmem:v13+s28+$0x51F0 ss:$0x1], $0xffff  }
0xc9: {  	v43 =	vmul.f32 v2, v8;
	[tilespmem:$0x1FD50] =	vst v63;
	v63 =	vld.idx.msk [tilespmem:v13+s28+$0x5250 ss:$0x1], $0xffff  }
0xca: {  	v1 =	vmul.f32 v1, v9;
	[tilespmem:$0x1FF00] =	vst v14;
	v14 =	vmax.f32 v15, $0.0e+00;
	v15 =	vld.idx.msk [tilespmem:v13+s28+$0x5370 ss:$0x1], $0xffff  }
0xcb: {  	v0 =	vadd.f32 v43, v0;
	v2 =	vadd.f32 v4, v23;
	v4 =	vmul.f32 v14, v7;
	v14 =	vld.idx.msk [tilespmem:v13+s28+$0xF370 ss:$0x1], $0xffff  }
0xcc: {  	v21 =	vadd.f32 v21, v60;
	v60 =	vld.idx.msk [tilespmem:v13+s28+$0xF530 ss:$0x1], $0xffff  }
0xcd: {  	v0 =	vadd.f32 v1, v0;
	v1 =	vmax.f32 v26, $0.0e+00;
	[tilespmem:$0x1FDA0] =	vst v62;
	v62 =	vld.idx.msk [tilespmem:v13+s28+$0xF1F0 ss:$0x1], $0xffff  }
0xce: {  	v1 =	vmul.f32 v1, v8;
	[tilespmem:$0x1FDC0] =	vst v63;
	v63 =	vld.idx.msk [tilespmem:v13+s28+$0xF250 ss:$0x1], $0xffff  }
0xcf: {  	v2 =	vadd.f32 v4, v2;
	[tilespmem:$0x1FF10] =	vst v15;
	v15 =	vadd.f32 v39, v36;
	v39 =	vld.idx.msk [tilespmem:v13+s28+$0xF380 ss:$0x1], $0xffff  }
0xd0: {  	v36 =	vld.idx.msk [tilespmem:v13+s28+$0x5390 ss:$0x1], $0xffff  }
0xd1: {  	v1 =	vadd.f32 v1, v2;
	v2 =	vld.idx.msk [tilespmem:v13+s28+$0xF3A0 ss:$0x1], $0xffff;
	v4 =	vmax.f32 v15, $0.0e+00;
	v15 =	vadd.f32 v29, v30  }
0xd2: {  	[tilespmem:$0x1FF20] =	vst v14;
	v14 =	vadd.f32 v35, v42;
	v42 =	vld.idx.msk [tilespmem:v13+s28+$0x5380 ss:$0x1], $0xffff  }
0xd3: {  	v43 =	vmax.f32 v15, $0.0e+00;
	v15 =	vld [tilespmem:$0x1FC30]  }
0xd4: {  	v35 =	vadd.f32 v27, v28;
	[tilespmem:$0x1FDD0] =	vst v63;
	v63 =	vld.idx.msk [tilespmem:v13+s28+$0x5260 ss:$0x1], $0xffff  }
0xd5: {  	v29 =	vadd.f32 v31, v34;
	v34 =	vld [tilespmem:$0x1FC90]  }
0xd6: {  	v4 =	vmul.f32 v4, v10;
	v16 =	vmax.f32 v35, $0.0e+00;
	v35 =	vld.idx.msk [tilespmem:v13+s28+$0x53A0 ss:$0x1], $0xffff  }
0xd7: {  	v40 =	vmax.f32 v14, $0.0e+00;
	v14 =	vmul.f32 v16, v9;
	v16 =	vmax.f32 v58, $0.0e+00;
	v58 =	vld.idx.msk [tilespmem:v13+s28+$0xF3E0 ss:$0x1], $0xffff  }
0xd8: {  	[tilespmem:$0x1FDB0] =	vst v62;
	v62 =	vld.idx.msk [tilespmem:v13+s28+$0x5200 ss:$0x1], $0xffff;
	v15 =	vadd.f32 v44, v15  }
0xd9: {  	v0 =	vadd.f32 v4, v0;
	[tilespmem:$0x1FE50] =	vst v63;
	v63 =	vld.idx.msk [tilespmem:v13+s28+$0xF260 ss:$0x1], $0xffff  }
0xda: {  	v4 =	vmul.f32 v40, v11;
	v25 =	vadd.f32 v25, v36;
	v36 =	vld.idx.msk [tilespmem:v13+s28+$0xF500 ss:$0x1], $0xffff;
	v15 =	vmax.f32 v15, $0.0e+00  }
0xdb: {  	v1 =	vadd.f32 v14, v1;
	v14 =	vmul.f32 v43, v10;
	v43 =	vld.idx.msk [tilespmem:v13+s28+$0x53D0 ss:$0x1], $0xffff;
	v30 =	vmul.f32 v15, v12  }
0xdc: {  	v39 =	vadd.f32 v39, v42;
	v42 =	vld [tilespmem:$0x1FEB0];
	v0 =	vadd.f32 v4, v0  }
0xdd: {  	v4 =	vadd.f32 v59, v61;
	v61 =	vld [tilespmem:$0x1FD20];
	v3 =	vadd.f32 v30, v3  }
0xde: {  	[tilespmem:$0x1FE60] =	vst v63;
	v63 =	vld.idx.msk [tilespmem:v13+s28+$0x5270 ss:$0x1], $0xffff  }
0xdf: {  	[tilespmem:$0x1FF90] =	vst v3;
	v3 =	vld.idx.msk [tilespmem:v13+s28+$0x53F0 ss:$0x1], $0xffff  }
0xe0: {  	v59 =	vadd.f32 v32, v37;
	v32 =	vmax.f32 v29, $0.0e+00;
	v29 =	vld.idx.msk [tilespmem:v13+s28+$0xF460 ss:$0x1], $0xffff  }
0xe1: {  	v1 =	vadd.f32 v14, v1;
	v14 =	vadd.f32 v41, v46;
	v46 =	vld [tilespmem:$0x1FD00]  }
0xe2: {  	v2 =	vadd.f32 v2, v35;
	v35 =	vld.idx.msk [tilespmem:v13+s28+$0xF510 ss:$0x1], $0xffff  }
0xe3: {  	[tilespmem:$0x1FE90] =	vst v63;
	v63 =	vld.idx.msk [tilespmem:v13+s28+$0xF270 ss:$0x1], $0xffff  }
0xe4: {  	v4 =	vmax.f32 v4, $0.0e+00;
	[tilespmem:$0x1FF30] =	vst v3;
	v3 =	vld.idx.msk [tilespmem:v13+s28+$0xF3F0 ss:$0x1], $0xffff  }
0xe5: {  	v44 =	vld.idx.msk [tilespmem:v13+s28+$0x5400 ss:$0x1], $0xffff;
	v4 =	vmul.f32 v4, v12  }
0xe6: {  	[tilespmem:$0x1FCB0] =	vst v62;
	v62 =	vld.idx.msk [tilespmem:v13+s28+$0xF200 ss:$0x1], $0xffff  }
0xe7: {  	v0 =	vadd.f32 v4, v0;
	v4 =	vld [tilespmem:$0x1FC60]  }
0xe8: {  	[tilespmem:$0x1FEA0] =	vst v63;
	v63 =	vld.idx.msk [tilespmem:v13+s28+$0x5280 ss:$0x1], $0xffff  }
0xe9: {  	[tilespmem:$0x1FF40] =	vst v3;
	v3 =	vld [tilespmem:$0x1FC50]  }
0xea: {  	v43 =	vadd.f32 v20, v43;
	v20 =	vld.idx.msk [tilespmem:v13+s28+$0xF540 ss:$0x1], $0xffff  }
0xeb: {  	[tilespmem:$0x1FEF0] =	vst v22;
	v28 =	vadd.f32 v33, v38;
	v16 =	vmul.f32 v16, v5;
	v19 =	vmax.f32 v59, $0.0e+00;
	v15 =	vld [tilespmem:$0x1FCF0]  }
0xec: {  	v19 =	vmul.f32 v19, v6;
	[tilespmem:$0x1FF80] =	vst v0;
	v0 =	vmul.f32 v32, v8;
	v32 =	vld.idx.msk [tilespmem:v13+s28+$0x5410 ss:$0x1], $0xffff  }
0xed: {  	v22 =	vmax.f32 v28, $0.0e+00;
	[tilespmem:$0x1FD60] =	vst v63;
	v63 =	vld.idx.msk [tilespmem:v13+s28+$0xF280 ss:$0x1], $0xffff  }
0xee: {  	v31 =	vmul.f32 v22, v7;
	v16 =	vadd.f32 v19, v16;
	v22 =	vadd.f32 v4, v3;
	v3 =	vld [tilespmem:$0x1FC70]  }
0xef: {  	v4 =	vld [tilespmem:$0x1FC80]  }
0xf0: {  	v33 =	vadd.f32 v31, v16;
	v16 =	vld.idx.msk [tilespmem:v13+s28+$0x5420 ss:$0x1], $0xffff  }
0xf1: {  	v31 =	vld.idx.msk [tilespmem:v13+s28+$0x5430 ss:$0x1], $0xffff  }
0xf2: {  	v14 =	vmax.f32 v14, $0.0e+00;
	[tilespmem:$0x1FCC0] =	vst v62;
	v62 =	vld.idx.msk [tilespmem:v13+s28+$0x5210 ss:$0x1], $0xffff  }
0xf3: {  	v14 =	vmul.f32 v14, v11;
	[tilespmem:$0x1FD70] =	vst v63;
	v63 =	vld.idx.msk [tilespmem:v13+s28+$0x5290 ss:$0x1], $0xffff  }
0xf4: {  	v3 =	vadd.f32 v4, v3;
	v4 =	vld [tilespmem:$0x1FCA0]  }
0xf5: {  	v23 =	vadd.f32 v14, v1;
	v14 =	vld [tilespmem:$0x1FCC0]  }
0xf6: {  	v0 =	vadd.f32 v0, v33;
	v33 =	vld.idx.msk [tilespmem:v13+s28+$0xF430 ss:$0x1], $0xffff  }
0xf7: {  	[tilespmem:$0x1FCD0] =	vst v62;
	v62 =	vld.idx.msk [tilespmem:v13+s28+$0xF210 ss:$0x1], $0xffff;
	v3 =	vmax.f32 v3, $0.0e+00  }
0xf8: {  	v3 =	vmul.f32 v3, v9;
	[tilespmem:$0x1FD80] =	vst v63;
	v63 =	vld.idx.msk [tilespmem:v13+s28+$0xF290 ss:$0x1], $0xffff  }
0xf9: {  	v1 =	vadd.f32 v4, v34;
	v4 =	vld [tilespmem:$0x1FCB0]  }
0xfa: {  	v0 =	vadd.f32 v3, v0;
	v3 =	vld [tilespmem:$0x1FD10]  }
0xfb: {  	v31 =	vadd.f32 v33, v31;
	v33 =	vld.idx.msk [tilespmem:v13+s28+$0xF580 ss:$0x1], $0xffff  }
0xfc: {  	v34 =	vld.idx.msk [tilespmem:v13+s28+$0xF400 ss:$0x1], $0xffff  }
0xfd: {  	[tilespmem:$0x1FD90] =	vst v63;
	v63 =	vld.idx.msk [tilespmem:v13+s28+$0x52A0 ss:$0x1], $0xffff  }
0xfe: {  	v14 =	vadd.f32 v14, v4;
	v4 =	vld [tilespmem:$0x1FCD0]  }
0xff: {  	v59 =	vadd.f32 v3, v46;
	v3 =	vld [tilespmem:$0x1FD30]  }
0x100: {  	v30 =	vld [tilespmem:$0x1FD80]  }
0x101: {  	v46 =	vld [tilespmem:$0x1FD60]  }
0x102: {  	[tilespmem:$0x1FDF0] =	vst v63;
	v63 =	vld.idx.msk [tilespmem:v13+s28+$0xF2A0 ss:$0x1], $0xffff  }
0x103: {  	v37 =	vadd.f32 v62, v4;
	v4 =	vld [tilespmem:$0x1FCE0]  }
0x104: {  	v62 =	vadd.f32 v3, v61;
	v3 =	vld [tilespmem:$0x1FD50]  }
0x105: {  	v40 =	vmax.f32 v1, $0.0e+00;
	v41 =	vmax.f32 v37, $0.0e+00;
	v37 =	vld [tilespmem:$0x1FD40]  }
0x106: {  	v24 =	vmul.f32 v40, v10;
	v40 =	vmax.f32 v59, $0.0e+00;
	v59 =	vld.idx.msk [tilespmem:v13+s28+$0x5440 ss:$0x1], $0xffff  }
0x107: {  	v61 =	vld.idx.msk [tilespmem:v13+s28+$0xF440 ss:$0x1], $0xffff  }
0x108: {  	v14 =	vmax.f32 v14, $0.0e+00;
	[tilespmem:$0x1FDE0] =	vst v63;
	v63 =	vld.idx.msk [tilespmem:v13+s28+$0x52B0 ss:$0x1], $0xffff;
	v38 =	vadd.f32 v15, v4  }
0x109: {  	v14 =	vmul.f32 v14, v5;
	v15 =	vld.idx.msk [tilespmem:v13+s28+$0xF410 ss:$0x1], $0xffff  }
0x10a: {  	v26 =	vmul.f32 v41, v6;
	v19 =	vmax.f32 v38, $0.0e+00;
	v38 =	vadd.f32 v3, v37;
	v3 =	vld [tilespmem:$0x1FD70]  }
0x10b: {  	v4 =	vld.idx.msk [tilespmem:v13+s28+$0xF420 ss:$0x1], $0xffff  }
0x10c: {  	v14 =	vadd.f32 v26, v14;
	v26 =	vmul.f32 v40, v11;
	v40 =	vld [tilespmem:$0x1FDA0];
	v61 =	vadd.f32 v61, v59  }
0x10d: {  	v54 =	vadd.f32 v58, v54;
	v59 =	vld [tilespmem:$0x1FF20]  }
0x10e: {  	v58 =	vmax.f32 v31, $0.0e+00;
	v31 =	vmax.f32 v61, $0.0e+00;
	v61 =	vld [tilespmem:$0x1FF30];
	v19 =	vmul.f32 v19, v7  }
0x10f: {  	v41 =	vmax.f32 v62, $0.0e+00;
	v62 =	vadd.f32 v3, v46;
	v3 =	vld [tilespmem:$0x1FD90]  }
0x110: {  	v27 =	vmul.f32 v41, v8;
	v19 =	vadd.f32 v19, v14;
	v14 =	vld.idx.msk [tilespmem:v13+s28+$0x5450 ss:$0x1], $0xffff  }
0x111: {  	v46 =	vld.idx.msk [tilespmem:v13+s28+$0x5460 ss:$0x1], $0xffff  }
0x112: {  	v0 =	vadd.f32 v24, v0;
	v24 =	vmax.f32 v38, $0.0e+00;
	v38 =	vadd.f32 v27, v19;
	v19 =	vld.idx.msk [tilespmem:v13+s28+$0xF450 ss:$0x1], $0xffff  }
0x113: {  	v4 =	vadd.f32 v4, v16;
	v16 =	vmax.f32 v54, $0.0e+00;
	v54 =	vld.idx.msk [tilespmem:v13+s28+$0x55A0 ss:$0x1], $0xffff  }
0x114: {  	v37 =	vadd.f32 v3, v30;
	v3 =	vld [tilespmem:$0x1FDB0]  }
0x115: {  	v30 =	vld [tilespmem:$0x1FDC0]  }
0x116: {  	[tilespmem:$0x1FF50] =	vst v46;
	v46 =	vld.idx.msk [tilespmem:v13+s28+$0x5470 ss:$0x1], $0xffff  }
0x117: {  	v24 =	vmul.f32 v24, v9;
	v14 =	vadd.f32 v19, v14;
	v19 =	vld.idx.msk [tilespmem:v13+s28+$0x55D0 ss:$0x1], $0xffff  }
0x118: {  	v28 =	vmax.f32 v62, $0.0e+00;
	v41 =	vmax.f32 v37, $0.0e+00;
	v37 =	vld [tilespmem:$0x1FDD0]  }
0x119: {  	v38 =	vadd.f32 v24, v38;
	v24 =	vmul.f32 v28, v5;
	v62 =	vmul.f32 v41, v6;
	v41 =	vld [tilespmem:$0x1FDF0]  }
0x11a: {  	v27 =	vadd.f32 v3, v40;
	v40 =	vld [tilespmem:$0x1FDE0]  }
0x11b: {  	v28 =	vadd.f32 v62, v24;
	v62 =	vld [tilespmem:$0x1FE00]  }
0x11c: {  	v3 =	vld.idx.msk [tilespmem:v13+s28+$0x5520 ss:$0x1], $0xffff  }
0x11d: {  	[tilespmem:$0x1FF60] =	vst v46;
	v46 =	vld.idx.msk [tilespmem:v13+s28+$0xF470 ss:$0x1], $0xffff  }
0x11e: {  	v22 =	vmax.f32 v22, $0.0e+00;
	v24 =	vld.idx.msk [tilespmem:v13+s28+$0xF480 ss:$0x1], $0xffff;
	v30 =	vadd.f32 v37, v30  }
0x11f: {  	v37 =	vadd.f32 v40, v41;
	v41 =	vadd.f32 v51, v47;
	v51 =	vmul.f32 v22, v12;
	v22 =	vld.idx.msk [tilespmem:v13+s28+$0x5480 ss:$0x1], $0xffff  }
0x120: {  	v63 =	vadd.f32 v62, v63;
	v47 =	vld.idx.msk [tilespmem:v13+s28+$0x5490 ss:$0x1], $0xffff  }
0x121: {  	v27 =	vmax.f32 v27, $0.0e+00;
	v3 =	vadd.f32 v18, v3;
	v18 =	vld.idx.msk [tilespmem:v13+s28+$0xF620 ss:$0x1], $0xffff;
	v62 =	vmax.f32 v37, $0.0e+00  }
0x122: {  	v40 =	vmax.f32 v63, $0.0e+00;
	v63 =	vadd.f32 v51, v23;
	v51 =	vmax.f32 v41, $0.0e+00;
	v41 =	vld [tilespmem:$0x1FE40]  }
0x123: {  	v27 =	vmul.f32 v27, v12;
	v30 =	vmax.f32 v30, $0.0e+00;
	v37 =	vmul.f32 v62, v7;
	v62 =	vld.idx.msk [tilespmem:v13+s28+$0x54A0 ss:$0x1], $0xffff  }
0x124: {  	v26 =	vadd.f32 v26, v0;
	[tilespmem:$0x1FF70] =	vst v46;
	v30 =	vmul.f32 v30, v10;
	v46 =	vmul.f32 v40, v8;
	v40 =	vld [tilespmem:$0x1FE30]  }
0x125: {  	[tilespmem:$0x1FFA0] =	vst v63;
	v63 =	vld.idx.msk [tilespmem:v13+s28+$0xF490 ss:$0x1], $0xffff;
	v1 =	vadd.f32 v37, v28  }
0x126: {  	v37 =	vadd.f32 v27, v26;
	v27 =	vadd.f32 v30, v38;
	v30 =	vld [tilespmem:$0x1FE10]  }
0x127: {  	v38 =	vld [tilespmem:$0x1FE20]  }
0x128: {  	v26 =	vld.idx.msk [tilespmem:v13+s28+$0xF4A0 ss:$0x1], $0xffff  }
0x129: {  	v23 =	vadd.f32 v46, v1;
	v46 =	vadd.f32 v56, v50;
	v50 =	vld.idx.msk [tilespmem:v13+s28+$0x54B0 ss:$0x1], $0xffff  }
0x12a: {  	v56 =	vld [tilespmem:$0x1FE60]  }
0x12b: {  	v1 =	vmax.f32 v46, $0.0e+00;
	v46 =	vld [tilespmem:$0x1FE70]  }
0x12c: {  	v28 =	vadd.f32 v38, v30;
	v30 =	vmul.f32 v51, v9;
	v51 =	vld [tilespmem:$0x1FE50]  }
0x12d: {  	v38 =	vadd.f32 v41, v40;
	v40 =	vadd.f32 v55, v48;
	v55 =	vld.idx.msk [tilespmem:v13+s28+$0xF4C0 ss:$0x1], $0xffff  }
0x12e: {  	v48 =	vld [tilespmem:$0x1FE80]  }
0x12f: {  	v49 =	vadd.f32 v52, v49;
	v52 =	vmax.f32 v40, $0.0e+00;
	v40 =	vadd.f32 v57, v53;
	v53 =	vld [tilespmem:$0x1FE90]  }
0x130: {  	v23 =	vadd.f32 v30, v23;
	v28 =	vmax.f32 v28, $0.0e+00;
	v57 =	vld [tilespmem:$0x1FEA0]  }
0x131: {  	v0 =	vmax.f32 v38, $0.0e+00;
	v28 =	vmul.f32 v28, v10;
	v41 =	vadd.f32 v56, v51;
	v56 =	vld.idx.msk [tilespmem:v13+s28+$0xF4B0 ss:$0x1], $0xffff  }
0x132: {  	v38 =	vmul.f32 v1, v6;
	v30 =	vmul.f32 v0, v5;
	v51 =	vld.idx.msk [tilespmem:v13+s28+$0x54C0 ss:$0x1], $0xffff  }
0x133: {  	v23 =	vadd.f32 v28, v23;
	v28 =	vadd.f32 v48, v46;
	v46 =	vld.idx.msk [tilespmem:v13+s28+$0x54D0 ss:$0x1], $0xffff  }
0x134: {  	v0 =	vmul.f32 v52, v7;
	v30 =	vadd.f32 v38, v30;
	v48 =	vld.idx.msk [tilespmem:v13+s28+$0xF4D0 ss:$0x1], $0xffff  }
0x135: {  	v38 =	vld.idx.msk [tilespmem:v13+s28+$0x54E0 ss:$0x1], $0xffff  }
0x136: {  	v49 =	vmax.f32 v49, $0.0e+00;
	v52 =	vadd.f32 v0, v30;
	v30 =	vld.idx.msk [tilespmem:v13+s28+$0x54F0 ss:$0x1], $0xffff  }
0x137: {  	v28 =	vmax.f32 v28, $0.0e+00;
	v53 =	vadd.f32 v57, v53;
	v57 =	vmax.f32 v40, $0.0e+00;
	v40 =	vld.idx.msk [tilespmem:v13+s28+$0xF4F0 ss:$0x1], $0xffff  }
0x138: {  	v49 =	vmul.f32 v49, v8;
	v41 =	vmax.f32 v41, $0.0e+00;
	v0 =	vld [tilespmem:$0x1FED0];
	v28 =	vmul.f32 v28, v11  }
0x139: {  	v1 =	vmul.f32 v41, v11;
	v41 =	vld.idx.msk [tilespmem:v13+s28+$0xF4E0 ss:$0x1], $0xffff  }
0x13a: {  	v28 =	vadd.f32 v28, v23;
	v23 =	vadd.f32 v49, v52;
	v49 =	vld.idx.msk [tilespmem:v13+s28+$0x5500 ss:$0x1], $0xffff  }
0x13b: {  	v52 =	vmul.f32 v57, v9;
	v57 =	vld [tilespmem:$0x1FEC0]  }
0x13c: {  	v27 =	vadd.f32 v1, v27;
	v1 =	vld.idx.msk [tilespmem:v13+s28+$0x5540 ss:$0x1], $0xffff  }
0x13d: {  	v50 =	vadd.f32 v56, v50;
	v56 =	vld.idx.msk [tilespmem:v13+s28+$0xF5D0 ss:$0x1], $0xffff  }
0x13e: {  	v46 =	vadd.f32 v48, v46;
	v48 =	vld.idx.msk [tilespmem:v13+s28+$0xF630 ss:$0x1], $0xffff  }
0x13f: {  	v25 =	vmax.f32 v25, $0.0e+00;
	v52 =	vadd.f32 v52, v23;
	v23 =	vmax.f32 v39, $0.0e+00;
	v39 =	vld [tilespmem:$0x1FEE0]  }
0x140: {  	v25 =	vmul.f32 v25, v6;
	v23 =	vmul.f32 v23, v5;
	v38 =	vadd.f32 v41, v38;
	v41 =	vld.idx.msk [tilespmem:v13+s28+$0x5630 ss:$0x1], $0xffff  }
0x141: {  	v17 =	vmax.f32 v17, $0.0e+00;
	v42 =	vadd.f32 v57, v42;
	v57 =	vld.idx.msk [tilespmem:v13+s28+$0x5510 ss:$0x1], $0xffff  }
0x142: {  	v17 =	vmul.f32 v17, v8;
	v2 =	vmax.f32 v2, $0.0e+00;
	v23 =	vadd.f32 v25, v23;
	v25 =	vld.idx.msk [tilespmem:v13+s28+$0x5530 ss:$0x1], $0xffff  }
0x143: {  	v21 =	vmax.f32 v21, $0.0e+00;
	v2 =	vmul.f32 v2, v7;
	v1 =	vadd.f32 v20, v1;
	v20 =	vld.idx.msk [tilespmem:v13+s28+$0xF640 ss:$0x1], $0xffff  }
0x144: {  	v53 =	vmax.f32 v53, $0.0e+00;
	v36 =	vadd.f32 v36, v49;
	v49 =	vld.idx.msk [tilespmem:v13+s28+$0xF650 ss:$0x1], $0xffff;
	v39 =	vadd.f32 v39, v0  }
0x145: {  	v53 =	vmul.f32 v53, v12;
	v42 =	vmax.f32 v42, $0.0e+00;
	v2 =	vadd.f32 v2, v23;
	v23 =	vld.idx.msk [tilespmem:v13+s28+$0x5550 ss:$0x1], $0xffff  }
0x146: {  	v42 =	vmul.f32 v42, v12;
	v41 =	vadd.f32 v48, v41;
	v48 =	vld.idx.msk [tilespmem:v13+s28+$0x5730 ss:$0x1], $0xffff;
	v39 =	vmax.f32 v39, $0.0e+00  }
0x147: {  	v15 =	vadd.f32 v15, v32;
	v0 =	vmul.f32 v39, v10;
	v39 =	vadd.f32 v53, v27;
	v27 =	vld.idx.msk [tilespmem:v13+s28+$0xF550 ss:$0x1], $0xffff  }
0x148: {  	v2 =	vadd.f32 v17, v2;
	v17 =	vmul.f32 v21, v9;
	v53 =	vadd.f32 v42, v28;
	v42 =	vld.idx.msk [tilespmem:v13+s28+$0x5560 ss:$0x1], $0xffff  }
0x149: {  	v21 =	vmax.f32 v43, $0.0e+00;
	v28 =	vld.idx.msk [tilespmem:v13+s28+$0x5570 ss:$0x1], $0xffff;
	v35 =	vadd.f32 v35, v57;
	v43 =	vadd.f32 v0, v52  }
0x14a: {  	v0 =	vadd.f32 v17, v2;
	v2 =	vmul.f32 v21, v10;
	v21 =	vadd.f32 v34, v44;
	v44 =	vld [tilespmem:$0x1FEF0]  }
0x14b: {  	v52 =	vld [tilespmem:$0x1FF00]  }
0x14c: {  	v15 =	vmax.f32 v15, $0.0e+00;
	v36 =	vmax.f32 v36, $0.0e+00;
	v17 =	vld.idx.msk [tilespmem:v13+s28+$0xF560 ss:$0x1], $0xffff;
	v35 =	vmax.f32 v35, $0.0e+00  }
0x14d: {  	v4 =	vmax.f32 v4, $0.0e+00;
	v36 =	vmul.f32 v36, v5;
	v34 =	vld.idx.msk [tilespmem:v13+s28+$0x5580 ss:$0x1], $0xffff;
	v35 =	vmul.f32 v35, v6  }
0x14e: {  	v15 =	vmul.f32 v15, v6;
	v3 =	vmax.f32 v3, $0.0e+00;
	v2 =	vadd.f32 v2, v0;
	v0 =	vld.idx.msk [tilespmem:v13+s28+$0xF570 ss:$0x1], $0xffff  }
0x14f: {  	v3 =	vmul.f32 v3, v7;
	v21 =	vmax.f32 v21, $0.0e+00;
	v35 =	vadd.f32 v35, v36;
	v36 =	vld.idx.msk [tilespmem:v13+s28+$0x5640 ss:$0x1], $0xffff  }
0x150: {  	v25 =	vadd.f32 v60, v25;
	v21 =	vmul.f32 v21, v5;
	v32 =	vadd.f32 v52, v44;
	v44 =	vld.idx.msk [tilespmem:v13+s28+$0x5590 ss:$0x1], $0xffff  }
0x151: {  	v4 =	vmul.f32 v4, v7;
	v52 =	vld.idx.msk [tilespmem:v13+s28+$0xF590 ss:$0x1], $0xffff  }
0x152: {  	v25 =	vmax.f32 v25, $0.0e+00;
	v15 =	vadd.f32 v15, v21;
	v3 =	vadd.f32 v3, v35;
	v35 =	vld.idx.msk [tilespmem:v13+s28+$0x5650 ss:$0x1], $0xffff  }
0x153: {  	v25 =	vmul.f32 v25, v8;
	v17 =	vadd.f32 v17, v42;
	v42 =	vld.idx.msk [tilespmem:v13+s28+$0x56D0 ss:$0x1], $0xffff  }
0x154: {  	v4 =	vadd.f32 v4, v15;
	v15 =	vmul.f32 v58, v8;
	v58 =	vld [tilespmem:$0x1FF10]  }
0x155: {  	v16 =	vmul.f32 v16, v11;
	v1 =	vmax.f32 v1, $0.0e+00;
	v3 =	vadd.f32 v25, v3;
	v25 =	vld.idx.msk [tilespmem:v13+s28+$0x5660 ss:$0x1], $0xffff  }
0x156: {  	v1 =	vmul.f32 v1, v9;
	v0 =	vadd.f32 v0, v28;
	v28 =	vld.idx.msk [tilespmem:v13+s28+$0x5710 ss:$0x1], $0xffff  }
0x157: {  	v16 =	vadd.f32 v16, v2;
	v2 =	vadd.f32 v15, v4;
	v4 =	vmul.f32 v31, v9;
	v31 =	vld.idx.msk [tilespmem:v13+s28+$0x55B0 ss:$0x1], $0xffff  }
0x158: {  	v23 =	vadd.f32 v27, v23;
	v32 =	vmax.f32 v32, $0.0e+00;
	v15 =	vadd.f32 v24, v22;
	v24 =	vld.idx.msk [tilespmem:v13+s28+$0xF5B0 ss:$0x1], $0xffff  }
0x159: {  	v32 =	vmul.f32 v32, v11;
	v22 =	vadd.f32 v63, v47;
	v63 =	vld [tilespmem:$0x1FF40]  }
0x15a: {  	v23 =	vmax.f32 v23, $0.0e+00;
	v20 =	vadd.f32 v20, v36;
	v1 =	vadd.f32 v1, v3;
	v3 =	vld.idx.msk [tilespmem:v13+s28+$0x5670 ss:$0x1], $0xffff  }
0x15b: {  	v60 =	vmul.f32 v23, v10;
	v21 =	vadd.f32 v32, v43;
	v43 =	vld.idx.msk [tilespmem:v13+s28+$0xF5A0 ss:$0x1], $0xffff  }
0x15c: {  	v19 =	vadd.f32 v56, v19;
	v56 =	vmax.f32 v20, $0.0e+00;
	v20 =	vld.idx.msk [tilespmem:v13+s28+$0x5770 ss:$0x1], $0xffff  }
0x15d: {  	v44 =	vadd.f32 v52, v44;
	v1 =	vadd.f32 v60, v1;
	v60 =	vld.idx.msk [tilespmem:v13+s28+$0x5720 ss:$0x1], $0xffff  }
0x15e: {  	v14 =	vmax.f32 v14, $0.0e+00;
	v32 =	vadd.f32 v59, v58;
	v58 =	vld.idx.msk [tilespmem:v13+s28+$0x55C0 ss:$0x1], $0xffff  }
0x15f: {  	v33 =	vadd.f32 v33, v34;
	v59 =	vmax.f32 v15, $0.0e+00;
	v34 =	vmax.f32 v44, $0.0e+00;
	v44 =	vld.idx.msk [tilespmem:v13+s28+$0xF690 ss:$0x1], $0xffff  }
0x160: {  	v30 =	vadd.f32 v40, v30;
	v4 =	vadd.f32 v4, v2;
	v2 =	vmul.f32 v59, v5;
	v59 =	vld.idx.msk [tilespmem:v13+s28+$0x55E0 ss:$0x1], $0xffff  }
0x161: {  	v14 =	vmul.f32 v14, v10;
	v47 =	vadd.f32 v63, v61;
	v61 =	vadd.f32 v26, v62;
	v26 =	vld.idx.msk [tilespmem:v13+s28+$0xF5C0 ss:$0x1], $0xffff  }
0x162: {  	v30 =	vmax.f32 v30, $0.0e+00;
	v38 =	vmax.f32 v38, $0.0e+00;
	v63 =	vadd.f32 v55, v51;
	v51 =	vld.idx.msk [tilespmem:v13+s28+$0xF5E0 ss:$0x1], $0xffff  }
0x163: {  	v33 =	vmax.f32 v33, $0.0e+00;
	v15 =	vmax.f32 v22, $0.0e+00;
	v55 =	vmax.f32 v46, $0.0e+00;
	v46 =	vld.idx.msk [tilespmem:v13+s28+$0x5610 ss:$0x1], $0xffff  }
0x164: {  	v15 =	vmul.f32 v15, v6;
	v32 =	vmax.f32 v32, $0.0e+00;
	v24 =	vadd.f32 v24, v31;
	v31 =	vld.idx.msk [tilespmem:v13+s28+$0xF680 ss:$0x1], $0xffff  }
0x165: {  	v32 =	vmul.f32 v32, v12;
	v52 =	vadd.f32 v43, v54;
	v43 =	vld.idx.msk [tilespmem:v13+s28+$0xF670 ss:$0x1], $0xffff;
	v54 =	vmul.f32 v33, v5  }
0x166: {  	v33 =	vld.idx.msk [tilespmem:v13+s28+$0x56A0 ss:$0x1], $0xffff;
	v62 =	vmax.f32 v47, $0.0e+00;
	v47 =	vmax.f32 v50, $0.0e+00;
	v50 =	vmax.f32 v63, $0.0e+00  }
0x167: {  	v30 =	vmul.f32 v30, v12;
	v22 =	vmax.f32 v61, $0.0e+00;
	v63 =	vmul.f32 v50, v9;
	v50 =	vld.idx.msk [tilespmem:v13+s28+$0x5600 ss:$0x1], $0xffff  }
0x168: {  	v2 =	vadd.f32 v15, v2;
	v15 =	vmul.f32 v22, v7;
	v22 =	vadd.f32 v32, v21;
	v32 =	vld.idx.msk [tilespmem:v13+s28+$0xF600 ss:$0x1], $0xffff  }
0x169: {  	v38 =	vmul.f32 v38, v11;
	v17 =	vmax.f32 v17, $0.0e+00;
	v40 =	vmax.f32 v52, $0.0e+00;
	v52 =	vld.idx.msk [tilespmem:v13+s28+$0xF6A0 ss:$0x1], $0xffff  }
0x16a: {  	v41 =	vmax.f32 v41, $0.0e+00;
	v17 =	vmul.f32 v17, v11;
	v57 =	vmul.f32 v40, v7;
	v40 =	vld.idx.msk [tilespmem:v13+s28+$0x5690 ss:$0x1], $0xffff  }
0x16b: {  	v0 =	vmax.f32 v0, $0.0e+00;
	v61 =	vmul.f32 v62, v12;
	v62 =	vadd.f32 v15, v2;
	v15 =	vld.idx.msk [tilespmem:v13+s28+$0x55F0 ss:$0x1], $0xffff  }
0x16c: {  	v0 =	vmul.f32 v0, v12;
	v4 =	vadd.f32 v14, v4;
	v1 =	vadd.f32 v17, v1;
	v2 =	vld.idx.msk [tilespmem:v13+s28+$0xF5F0 ss:$0x1], $0xffff  }
0x16d: {  	v24 =	vmax.f32 v24, $0.0e+00;
	v47 =	vmul.f32 v47, v8;
	v21 =	vadd.f32 v61, v16;
	v61 =	vld [tilespmem:$0x1FF50]  }
0x16e: {  	v16 =	vmul.f32 v55, v10;
	v55 =	vmul.f32 v34, v6;
	v34 =	vld.idx.msk [tilespmem:v13+s28+$0x5680 ss:$0x1], $0xffff;
	v26 =	vadd.f32 v26, v58  }
0x16f: {  	v17 =	vmul.f32 v56, v9;
	v24 =	vmul.f32 v24, v8;
	v58 =	vld.idx.msk [tilespmem:v13+s28+$0xF710 ss:$0x1], $0xffff;
	v47 =	vadd.f32 v47, v62  }
0x170: {  	v3 =	vadd.f32 v43, v3;
	v43 =	vld.idx.msk [tilespmem:v13+s28+$0xF7B0 ss:$0x1], $0xffff;
	v27 =	vadd.f32 v55, v54;
	v26 =	vmax.f32 v26, $0.0e+00  }
0x171: {  	v62 =	vld [tilespmem:$0x1FF60];
	v54 =	vmul.f32 v41, v8;
	v33 =	vadd.f32 v52, v33;
	v14 =	vadd.f32 v63, v47  }
0x172: {  	v41 =	vld.idx.msk [tilespmem:v13+s28+$0x5700 ss:$0x1], $0xffff;
	v26 =	vmul.f32 v26, v9;
	v27 =	vadd.f32 v57, v27;
	v29 =	vadd.f32 v29, v61  }
0x173: {  	v3 =	vmax.f32 v3, $0.0e+00;
	v63 =	vld [tilespmem:$0x1FF70];
	v61 =	vadd.f32 v32, v50;
	v50 =	vadd.f32 v51, v59  }
0x174: {  	v47 =	vld.idx.msk [tilespmem:v13+s28+$0xF610 ss:$0x1], $0xffff;
	v3 =	vmul.f32 v3, v12;
	v2 =	vadd.f32 v2, v15;
	v15 =	vadd.f32 v49, v35  }
0x175: {  	v57 =	vld.idx.msk [tilespmem:v13+s28+$0xF700 ss:$0x1], $0xffff;
	v59 =	vadd.f32 v31, v34;
	v14 =	vadd.f32 v16, v14;
	v29 =	vmax.f32 v29, $0.0e+00  }
0x176: {  	v33 =	vmax.f32 v33, $0.0e+00;
	v28 =	vadd.f32 v58, v28;
	v16 =	vld.idx.msk [tilespmem:v13+s28+$0x5620 ss:$0x1], $0xffff;
	v29 =	vmul.f32 v29, v11  }
0x177: {  	v49 =	vld.idx.msk [tilespmem:v13+s28+$0xF730 ss:$0x1], $0xffff;
	v32 =	vperm.xlane v37, v45;
	v27 =	vadd.f32 v24, v27;
	v14 =	vadd.f32 v38, v14  }
0x178: {  	v33 =	vmul.f32 v33, v7;
	v38 =	vld.idx.msk [tilespmem:v13+s28+$0xF660 ss:$0x1], $0xffff;
	v4 =	vadd.f32 v29, v4;
	v29 =	vadd.f32 v63, v62  }
0x179: {  	v2 =	vmax.f32 v2, $0.0e+00;
	v23 =	vadd.f32 v30, v14;
	v14 =	vadd.f32 v26, v27;
	v26 =	vld.idx.msk [tilespmem:v13+s28+$0x56C0 ss:$0x1], $0xffff  }
0x17a: {  	v15 =	vmax.f32 v15, $0.0e+00;
	v28 =	vmax.f32 v28, $0.0e+00;
	v57 =	vadd.f32 v57, v41;
	v30 =	vld.idx.msk [tilespmem:v13+s28+$0xF6C0 ss:$0x1], $0xffff  }
0x17b: {  	v62 =	vadd.f32 v47, v46;
	v16 =	vadd.f32 v18, v16;
	v18 =	vld.idx.msk [tilespmem:v13+s28+$0xF6D0 ss:$0x1], $0xffff;
	v29 =	vmax.f32 v29, $0.0e+00  }
0x17c: {  	v55 =	vld.idx.msk [tilespmem:v13+s28+$0x56B0 ss:$0x1], $0xffff;
	v27 =	vmax.f32 v50, $0.0e+00;
	v47 =	vmul.f32 v15, v10;
	v29 =	vmul.f32 v29, v12  }
0x17d: {  	v52 =	vld.idx.msk [tilespmem:v13+s28+$0x5740 ss:$0x1], $0xffff;
	v27 =	vmul.f32 v27, v11;
	v16 =	vmax.f32 v16, $0.0e+00;
	v15 =	vadd.f32 v38, v25  }
0x17e: {  	v46 =	vld.idx.msk [tilespmem:v13+s28+$0xF6E0 ss:$0x1], $0xffff;
	v25 =	vadd.f32 v49, v48;
	v24 =	vadd.f32 v29, v4;
	v4 =	vmax.f32 v19, $0.0e+00  }
0x17f: {  	v16 =	vmul.f32 v16, v7;
	v19 =	vld.idx.msk [tilespmem:v13+s28+$0xF6B0 ss:$0x1], $0xffff;
	v15 =	vmax.f32 v15, $0.0e+00;
	v4 =	vmul.f32 v4, v10  }
0x180: {  	v38 =	vld.idx.msk [tilespmem:v13+s28+$0xF7A0 ss:$0x1], $0xffff;
	v26 =	vadd.f32 v30, v26;
	v15 =	vmul.f32 v15, v11;
	v18 =	vadd.f32 v18, v42  }
0x181: {  	v29 =	vld.idx.msk [tilespmem:v13+s28+$0x56E0 ss:$0x1], $0xffff;
	v63 =	vadd.f32 v4, v14;
	v4 =	vmax.f32 v61, $0.0e+00;
	v14 =	vmax.f32 v62, $0.0e+00  }
0x182: {  	v26 =	vmax.f32 v26, $0.0e+00;
	v62 =	vld.idx.msk [tilespmem:v13+s28+$0xF720 ss:$0x1], $0xffff;
	v4 =	vmul.f32 v4, v5;
	v14 =	vmul.f32 v14, v6  }
0x183: {  	v61 =	vadd.f32 v44, v40;
	v44 =	vld.idx.msk [tilespmem:v13+s28+$0x5750 ss:$0x1], $0xffff;
	v26 =	vmul.f32 v26, v9;
	v18 =	vmax.f32 v18, $0.0e+00  }
0x184: {  	v40 =	vperm.xlane v21, v45;
	v19 =	vadd.f32 v19, v55;
	v51 =	vadd.f32 v14, v4;
	v4 =	vld.idx.msk [tilespmem:v13+s28+$0x56F0 ss:$0x1], $0xffff  }
0x185: {  	v18 =	vmul.f32 v18, v10;
	v27 =	vadd.f32 v27, v63;
	v63 =	vmul.f32 v2, v12;
	v14 =	vld.idx.msk [tilespmem:v13+s28+$0xF6F0 ss:$0x1], $0xffff  }
0x186: {  	v2 =	vadd.f32 v0, v1;
	v29 =	vadd.f32 v46, v29;
	v55 =	vmax.f32 v19, $0.0e+00;
	v19 =	vld.idx.msk [tilespmem:v13+s28+$0xF750 ss:$0x1], $0xffff  }
0x187: {  	v34 =	vmax.f32 v61, $0.0e+00;
	v1 =	vadd.f32 v63, v27;
	v63 =	vld.idx.msk [tilespmem:v13+s28+$0x57A0 ss:$0x1], $0xffff;
	v16 =	vadd.f32 v16, v51  }
0x188: {  	v61 =	vmul.f32 v28, v6;
	v46 =	vperm.xlane v24, v45;
	v31 =	vadd.f32 v62, v60;
	v60 =	vld.idx.msk [tilespmem:v13+s28+$0x5790 ss:$0x1], $0xffff  }
0x189: {  	v29 =	vmax.f32 v29, $0.0e+00;
	v51 =	vmul.f32 v34, v6;
	v62 =	vld.idx.msk [tilespmem:v13+s28+$0xF790 ss:$0x1], $0xffff;
	v16 =	vadd.f32 v54, v16  }
0x18a: {  	v58 =	vld.idx.msk [tilespmem:v13+s28+$0x5780 ss:$0x1], $0xffff;
	v0 =	vmul.f32 v55, v8;
	v29 =	vmul.f32 v29, v11;
	v31 =	vmax.f32 v31, $0.0e+00  }
0x18b: {  	v54 =	vld.idx.msk [tilespmem:v13+s28+$0xF740 ss:$0x1], $0xffff;
	v36 =	vmul.f32 v31, v7;
	v4 =	vadd.f32 v14, v4;
	v16 =	vadd.f32 v17, v16  }
0x18c: {  	v48 =	vld.idx.msk [tilespmem:v13+s28+$0x57C0 ss:$0x1], $0xffff;
	v17 =	vmax.f32 v59, $0.0e+00;
	v31 =	vadd.f32 v38, v63;
	v38 =	vperm.xlane v39, v45  }
0x18d: {  	v42 =	vld.idx.msk [tilespmem:v13+s28+$0x57B0 ss:$0x1], $0xffff;
	v19 =	vadd.f32 v19, v44;
	v44 =	vperm.xlane v23, v45;
	v50 =	vmul.f32 v17, v5  }
0x18e: {  	v59 =	vld.idx.msk [tilespmem:v13+s28+$0xF780 ss:$0x1], $0xffff;
	v28 =	vadd.f32 v62, v60;
	v4 =	vmax.f32 v4, $0.0e+00;
	v16 =	vadd.f32 v47, v16  }
0x18f: {  	v55 =	vld.idx.msk [tilespmem:v13+s28+$0xF7D0 ss:$0x1], $0xffff;
	v31 =	vmax.f32 v31, $0.0e+00;
	v19 =	vmax.f32 v19, $0.0e+00;
	v4 =	vmul.f32 v4, v12  }
0x190: {  	v17 =	vadd.f32 v51, v50;
	v41 =	vadd.f32 v54, v52;
	v50 =	vld.idx.msk [tilespmem:v13+s28+$0xF7C0 ss:$0x1], $0xffff;
	v28 =	vmax.f32 v28, $0.0e+00  }
0x191: {  	v51 =	vld.idx.msk [tilespmem:v13+s28+$0x57D0 ss:$0x1], $0xffff;
	v19 =	vmul.f32 v19, v10;
	v15 =	vadd.f32 v15, v16;
	v16 =	vmax.f32 v57, $0.0e+00  }
0x192: {  	v27 =	vld.idx.msk [tilespmem:v13+s28+$0xF760 ss:$0x1], $0xffff;
	v54 =	vmul.f32 v28, v6;
	v57 =	vmul.f32 v31, v7;
	v56 =	vadd.f32 v33, v17  }
0x193: {  	v17 =	vld.idx.msk [tilespmem:v13+s28+$0x5760 ss:$0x1], $0xffff;
	v16 =	vmul.f32 v16, v5;
	v47 =	vadd.f32 v59, v58;
	v3 =	vadd.f32 v3, v15  }
0x194: {  	v33 =	vld [tilespmem:$0x1FFA0];
	v15 =	vmax.f32 v25, $0.0e+00;
	v25 =	vmax.f32 v41, $0.0e+00;
	v0 =	vadd.f32 v0, v56  }
0x195: {  	v60 =	vld.idx.msk [tilespmem:v13+s28+$0x57F0 ss:$0x1], $0xffff;
	v16 =	vadd.f32 v61, v16;
	v15 =	vmul.f32 v15, v8;
	v49 =	vmul.f32 v25, v9  }
0x196: {  	v58 =	vld.idx.msk [tilespmem:v13+s28+$0x57E0 ss:$0x1], $0xffff;
	v25 =	vadd.f32 v50, v48;
	v28 =	vadd.f32 v55, v51;
	v48 =	vperm.xlane v2, v45  }
0x197: {  	v59 =	vld.idx.msk [tilespmem:v13+s28+$0xF7E0 ss:$0x1], $0xffff;
	v50 =	vperm.xlane v3, v45;
	v0 =	vadd.f32 v26, v0;
	v26 =	vmax.f32 v47, $0.0e+00  }
0x198: {  	v56 =	vld.idx.msk [tilespmem:v13+s28+$0xF770 ss:$0x1], $0xffff;
	v16 =	vadd.f32 v36, v16;
	v47 =	vperm.xlane v1, v45;
	v52 =	vmul.f32 v26, v5  }
0x199: {  	v61 =	vld.idx.msk [tilespmem:v13+s28+$0xF7F0 ss:$0x1], $0xffff;
	v25 =	vmax.f32 v25, $0.0e+00;
	v17 =	vadd.f32 v27, v17;
	v34 =	vperm.xlane v33, v45  }
0x19a: {  	v36 =	vsel vm0, v33, v32;
	v1 =	vsel vm0, v48, v1;
	v0 =	vadd.f32 v18, v0  }
0x19b: {  	v15 =	vadd.f32 v15, v16;
	v18 =	vadd.f32 v43, v42;
	v62 =	vmul.f32 v25, v9  }
0x19c: {  	v25 =	vadd.f32 v59, v58;
	v42 =	vsel vm0, v38, v53;
	v43 =	vperm.xlane v22, v45  }
0x19d: {  	v2 =	vsel vm0, v2, v47;
	v16 =	vadd.f32 v54, v52;
	v63 =	vadd.f32 v56, v20  }
0x19e: {  	v31 =	vld [tilespmem:$0x1FF90];
	v27 =	vadd.f32 v61, v60;
	v17 =	vmax.f32 v17, $0.0e+00;
	v1 =	vadd.f32 v1, v2  }
0x19f: {  	v15 =	vadd.f32 v49, v15;
	v18 =	vmax.f32 v18, $0.0e+00;
	v0 =	vadd.f32 v29, v0  }
0x1a0: {  	v17 =	vmul.f32 v17, v11;
	v20 =	vsel vm0, v43, v21;
	v21 =	vsel vm0, v46, v23  }
0x1a1: {  	v52 =	vld [tilespmem:$0x1FFD0];
	v16 =	vadd.f32 v57, v16;
	v18 =	vmul.f32 v18, v8;
	v14 =	vadd.f32 v19, v15  }
0x1a2: {  	v29 =	vld [tilespmem:$0x1FF80];
	v15 =	vmax.f32 v28, $0.0e+00;
	v19 =	vmax.f32 v25, $0.0e+00;
	v0 =	vadd.f32 v4, v0  }
0x1a3: {  	v4 =	vperm.xlane v31, v45;
	v16 =	vadd.f32 v18, v16;
	v15 =	vmul.f32 v15, v10  }
0x1a4: {  	v18 =	vmax.f32 v63, $0.0e+00;
	v19 =	vmul.f32 v19, v11;
	v14 =	vadd.f32 v17, v14  }
0x1a5: {  	v28 =	vmul.f32 v18, v12;
	v17 =	vsel vm0, v22, v40;
	v16 =	vadd.f32 v62, v16  }
0x1a6: {  	v49 =	vperm.xlane v0, v45;
	v0 =	vsel vm0, v50, v0;
	v55 =	vperm.xlane v1, v52  }
0x1a7: {  	v30 =	vperm.xlane v29, v45;
	v4 =	vsel vm0, v4, v29;
	v15 =	vadd.f32 v15, v16  }
0x1a8: {  	v17 =	vadd.f32 v20, v17;
	v14 =	vadd.f32 v28, v14;
	v16 =	vmax.f32 v27, $0.0e+00  }
0x1a9: {  	v3 =	vsel vm0, v3, v49;
	v16 =	vmul.f32 v16, v12;
	v15 =	vadd.f32 v19, v15  }
0x1aa: {  	v35 =	vsel vm0, v31, v30;
	v0 =	vadd.f32 v0, v3;
	v3 =	vperm.xlane v17, v52  }
0x1ab: {  	v15 =	vadd.f32 v16, v15;
	v16 =	vsel vm0, v34, v37;
	v37 =	vperm.xlane v53, v45  }
0x1ac: {  	v4 =	vadd.f32 v4, v35;
	v53 =	vperm.xlane v14, v45;
	v16 =	vadd.f32 v16, v36  }
0x1ad: {  	v19 =	vsel vm0, v24, v44;
	v41 =	vsel vm0, v39, v37;
	v51 =	vperm.xlane v15, v45  }
0x1ae: {  	v2 =	vsel vm0, v53, v15;
	v18 =	vadd.f32 v42, v41;
	v15 =	vperm.xlane v16, v52  }
0x1af: {  	v19 =	vadd.f32 v21, v19;
	v54 =	vperm.xlane v4, v52;
	v14 =	vsel vm0, v14, v51  }
0x1b0: {  	v59 =	vld [tilespmem:$0x1FFE0];
	v2 =	vadd.f32 v2, v14;
	v4 =	vsel vm1, v4, v15;
	v15 =	vperm.xlane v18, v52  }
0x1b1: {  	v58 =	vperm.xlane v0, v52;
	v56 =	vperm.xlane v19, v52;
	v14 =	vsel vm1, v54, v16  }
0x1b2: {  	v3 =	vsel vm1, v18, v3;
	v15 =	vsel vm1, v15, v17;
	v57 =	vperm.xlane v2, v52  }
0x1b3: {  	v1 =	vsel vm1, v56, v1;
	v4 =	vadd.f32 v14, v4;
	v3 =	vadd.f32 v15, v3  }
0x1b4: {  	v14 =	vsel vm1, v19, v55;
	v2 =	vsel vm1, v58, v2;
	v0 =	vsel vm1, v0, v57  }
0x1b5: {  	v1 =	vadd.f32 v1, v14;
	v0 =	vadd.f32 v2, v0;
	v60 =	vperm.xlane v3, v59  }
0x1b6: {  	v14 =	vperm.xlane v4, v59  }
0x1b7: {  	v61 =	vperm.xlane v1, v59;
	v15 =	vperm.xlane v0, v59;
	v2 =	vsel vm2, v4, v60;
	v4 =	vld [tilespmem:$0x1FFF0];
	_ =	sdelay $0x1  }
0x1b8: {  	v3 =	vsel vm2, v14, v3;
	v0 =	vsel vm2, v61, v0;
	v1 =	vsel vm2, v1, v15  }
0x1b9: {  	v2 =	vadd.f32 v3, v2;
	v0 =	vadd.f32 v0, v1;
	_ =	sdelay $0x1  }
0x1ba: {  	v62 =	vld [tilespmem:$0x1FFB0];
	v1 =	vperm.xlane v0, v4;
	v3 =	vperm.xlane v2, v4;
	_ =	sdelay $0x1  }
0x1bb: {  	v1 =	vsel vm3, v2, v1;
	v0 =	vsel vm3, v3, v0  }
0x1bc: {  	v0 =	vadd.f32 v0, v1;
	_ =	sdelay $0x1  }
0x1bd: {  	v0 =	vadd.f32 v0, v62;
	_ =	sdelay $0x1  }
0x1be: {  	v0 =	vsub.f32 $0.0e+00, v0;
	_ =	sdelay $0x1  }
0x1bf: {  	v0 =	vmul.f32 $1.442695020e+00, v0;
	_ =	sdelay $0x1  }
0x1c0: {  	(erf) = vpow2.f32 v0;
	_ =	sdelay $0x8  }
0x1c1: {  	v0 =	vpop (erf)  }
0x1c2: {  	v0 =	vadd.f32 $1.000000000e+00, v0;
	_ =	sdelay $0x1  }
0x1c3: {  	(erf) = vrcp.f32 v0;
	_ =	sdelay $0x1  }
0x1c4: {  	v63 =	vld [tilespmem:$0x1FFC0];
	_ =	sdelay $0x2  }
0x1c5: {  	p0 =	sne.s32 s26, $0x4  }
.Ltmp0:
0x1c6: {  	_ = 	snop;
	(pc) =	sbr.rel @p0 .LBB2_3-.Ltmp0, $4  }
0x1c7: {  	_ = 	snop  }
0x1c8: {  	s31 =	sshll.u32 s26, $0x4  }
0x1c9: {  	s28 =	sand.u32 $0x3FFFFFF0, s31;
	v0 =	vpop (erf)  }
0x1ca: {  	s26 =	sadd.s32 $0x1, s26;
	[tilespmem:v63+s28+$0x0 ss:$0x1] =	vst.idx.msk $0xffff, v0  }
0x1cb: {  	s25 =	sadd.s32 $0x1, s25  }
0x1cc: {  	p0 =	sne.s32 s25, $0x7D  }
.Ltmp1:
0x1cd: {  	_ = 	snop;
	(pc) =	sbr.rel @p0 .LBB2_2-.Ltmp1, $1  }
0x1ce: {  	_ =	sdelay $0x3  }
0x1cf: {  	s24 =	sadd.s32 $0x1, s24  }
0x1d0: {  	p0 =	sne.s32 s24, s9  }
.Ltmp2:
0x1d1: {  	_ = 	snop;
	(pc) =	sbr.rel @p0 .LBB2_1-.Ltmp2, $4  }
0x1d2: {  	[hbm4b:s8+s2] =	stream.linear.scatter [tilespmem:s23], [sflag:$0x5], $0x2710, $0x38;
	[tilespmem:$0x1B780] =	vst v63  }
0x1d3: {  	_ =	swait.ge [sflag:s10], $0x2710  }
0x1d4: {  	[sflag:s10] =	ssyncset.done $0x0  }
0x1d5: {  	[sflag:s10] =	ssyncadd.s32 $0xFFFFD8F0  }
0x1d6: {  	_ =	sfence.sel $0x180000  }
0x1d7: {  	[bflag:$0x0] =	sbarrier.arrive $0xFFFF  }
0x1d8: {  	p0 =	sne.s32 s0, $0x0;
	_ =	strace $0x90000047  }
0x1d9: {  	s0 =	sadd.s32 @!p0 $0x100000, s1;
	[bflag:$0x2] =	sbarrier.arrive $0xFFFF  }
0x1da: {  	[sflag:s0] =	ssyncadd.tile.s32 @!p0 $0x1;
	_ =	shalt  }
.Lfunc_end2:
_tile_overlayer_lowered:
.L_overlay_start_2:
0x1db: {  	(tag) =	ssettag $0x2  }
0x1dc: {  	s0 =	rddreg [dreg:$0x0];
	s2 =	stileid.u32  }
0x1dd: {  	s1 =	rddreg [dreg:$0x1];
	p0 =	sne.s32 s2, $0x0  }
0x1de: {  	s3 =	rddreg [dreg:$0x2];
	[bflag:$0x3] =	sbarrier.arrive $0xFFFF;
	s2 =	simm.s32 @!p0 $0x1C05  }
0x1df: {  	[timem:s3], [sflag:s2] =	dma.local @!p0 [hbm:s0], s1  }
0x1e0: {  	s0 =	simm.s32 @!p0 $0x5  }
0x1e1: {  	_ =	swait.ge @!p0 [sflag:s0], s1  }
0x1e2: {  	s1 =	ssub.s32 @!p0 $0x0, s1;
	[sflag:s0] =	ssyncset.done @!p0 $0x0  }
0x1e3: {  	[sflag:s0] =	ssyncadd.s32 @!p0 s1  }
0x1e4: {  	[bflag:$0x3] =	sbarrier.arrive $0xFFFF  }
0x1e5: {  	_ =	shalt  }

</sc_bundles>
